<compile_context>
chip_gen: v7x
topology: tpu7x:2x2x1
jax: 0.10.2.dev20260603
libtpu: 0.0.44.dev20260713+nightly
codegen_flags: <defaults>
</compile_context>

<pallas_src>
import functools

import jax
import jax.numpy as jnp
from jax import lax
from jax.experimental import pallas as pl
from jax.experimental.pallas import tpu as pltpu
from jax.experimental.pallas import tpu_sc as plsc

N = 100000
VAL_DIM = 128
FE = 9
NF = 32

CHUNK = 128
NCHUNK = N // CHUNK
TAIL = N - NCHUNK * CHUNK
CF = CHUNK * FE
VREGS = CF // 16
TROWS = TAIL * FE
NCT = NCHUNK + 1


def _slot_off(k):
    return (k // 4) * 4 * N + (k % 4) if k < 8 else 8 * N


def _proj_body(x_ref, w_ref, o_ref):
    x = x_ref[...]
    for t in range(3):
        o_ref[t] = jnp.dot(x, w_ref[t], preferred_element_type=jnp.float32)


def _project(lattice_values, w3):
    blk = 4000
    return pl.pallas_call(
        _proj_body,
        grid=(N // blk,),
        in_specs=[
            pl.BlockSpec((blk, VAL_DIM), lambda i: (i, 0)),
            pl.BlockSpec((3, VAL_DIM, VAL_DIM), lambda i: (0, 0, 0)),
        ],
        out_specs=pl.BlockSpec((3, blk, VAL_DIM), lambda i: (0, i, 0)),
        out_shape=jax.ShapeDtypeStruct((3, N, VAL_DIM), jnp.float32),
    )(lattice_values, w3)


@functools.partial(
    pl.kernel,
    mesh=plsc.VectorSubcoreMesh(core_axis_name="c", subcore_axis_name="s"),
    compiler_params=pltpu.CompilerParams(use_tc_tiling_on_sc=False,
                                         needs_layout_passes=False),
    out_type=jax.ShapeDtypeStruct((4 * NCT * 8, VAL_DIM), jnp.float32),
    scratch_types=[
        pltpu.VMEM((2, FE, CHUNK), jnp.int32),
        pltpu.VMEM((2, CF), jnp.int32),
        pltpu.VMEM((2, CF, NF), jnp.float32),
        pltpu.VMEM((2, NF, CHUNK + 1), jnp.float32),
        pltpu.VMEM((NF,), jnp.float32),
        pltpu.SemaphoreType.DMA((2,)),
        pltpu.SemaphoreType.DMA((2,)),
    ],
)
def _sc_gather(table, nbr_t, bias, out, idx_v, flat_v, rows_v, acc_v,
               bias_v, sem_g, sem_o):
    cid = lax.axis_index("c")
    sid = lax.axis_index("s")
    wid = sid * 2 + cid
    cbase = 24 * wid + jnp.minimum(wid, 13)
    ncch = jnp.where(wid < 13, 25, 24)

    four_c = jnp.full((16,), 4, dtype=jnp.int32)
    iota16 = lax.iota(jnp.int32, 16)
    fhi = iota16 + jnp.int32(16)
    pltpu.sync_copy(bias, bias_v)
    blo = bias_v[pl.ds(0, 16)]
    bhi = bias_v[pl.ds(16, 16)]

    def wb_copies(b, g, width):
        return [
            pltpu.make_async_copy(
                acc_v.at[b, pl.ds(s * 8, 8), pl.ds(0, width)],
                out.at[pl.ds((s * NCT + g) * 8, 8), pl.ds(0, width)],
                sem_o.at[b])
            for s in range(4)
        ]

    def issue(t):
        b = lax.rem(t, 2)
        g = cbase + t
        pltpu.sync_copy(nbr_t.at[:, pl.ds(g * CHUNK, CHUNK)], idx_v.at[b])
        for v in range(VREGS):
            k = v // 8
            j0 = (v % 8) * 16
            flat_v[b, pl.ds(v * 16, 16)] = (
                idx_v[b, k, pl.ds(j0, 16)] * four_c
                + jnp.full((16,), _slot_off(k), dtype=jnp.int32))
        pltpu.async_copy(table.at[flat_v.at[b]], rows_v.at[b], sem_g.at[b])

    issue(0)

    def chunk_body(t, carry):
        b = lax.rem(t, 2)
        g = cbase + t

        @pl.when(t + 1 < ncch)
        def _():
            issue(t + 1)

        pltpu.make_async_copy(table.at[flat_v.at[b]], rows_v.at[b],
                              sem_g.at[b]).wait()

        @pl.when(t >= 2)
        def _():
            for c in wb_copies(b, g - 2, CHUNK):
                c.wait()

        def vert_body(j, c):
            lo = blo
            hi = bhi
            for k in range(FE):
                lo = lo + rows_v[b, k * CHUNK + j, pl.ds(0, 16)]
                hi = hi + rows_v[b, k * CHUNK + j, pl.ds(16, 16)]
            jc = jnp.full((16,), j, dtype=jnp.int32)
            plsc.store_scatter(acc_v.at[b], [iota16, jc], lo)
            plsc.store_scatter(acc_v.at[b], [fhi, jc], hi)
            return c

        lax.fori_loop(0, CHUNK, vert_body, 0)
        for c in wb_copies(b, g, CHUNK):
            c.start()
        return carry

    lax.fori_loop(0, ncch, chunk_body, 0)

    for dt in (2, 1):
        t = ncch - dt
        b = lax.rem(t, 2)
        for c in wb_copies(b, cbase + t, CHUNK):
            c.wait()

    @pl.when(wid == 31)
    def _():
        pltpu.sync_copy(nbr_t.at[:, pl.ds(NCHUNK * CHUNK, TAIL)],
                        idx_v.at[0, :, pl.ds(0, TAIL)])
        for v in range(TROWS // 16):
            k = v // 2
            j0 = (v % 2) * 16
            flat_v[0, pl.ds(v * 16, 16)] = (
                idx_v[0, k, pl.ds(j0, 16)] * four_c
                + jnp.full((16,), _slot_off(k), dtype=jnp.int32))
        pltpu.async_copy(table.at[flat_v.at[0, pl.ds(0, TROWS)]],
                         rows_v.at[0, pl.ds(0, TROWS)], sem_g.at[0]).wait()

        def tail_body(j, c):
            lo = blo
            hi = bhi
            for k in range(FE):
                lo = lo + rows_v[0, k * TAIL + j, pl.ds(0, 16)]
                hi = hi + rows_v[0, k * TAIL + j, pl.ds(16, 16)]
            jc = jnp.full((16,), j, dtype=jnp.int32)
            plsc.store_scatter(acc_v.at[0], [iota16, jc], lo)
            plsc.store_scatter(acc_v.at[0], [fhi, jc], hi)
            return c

        lax.fori_loop(0, TAIL, tail_body, 0)
        for c in wb_copies(0, NCHUNK, TAIL):
            c.start()
            c.wait()


def kernel(lattice_values, neighbor_indices, weight, bias):
    w_r = weight.reshape(FE, VAL_DIM, NF).transpose(1, 0, 2).reshape(
        VAL_DIM, FE * NF)
    w3 = jnp.pad(w_r, ((0, 0), (0, 3 * VAL_DIM - FE * NF))).reshape(
        VAL_DIM, 3, VAL_DIM).transpose(1, 0, 2)
    proj = _project(lattice_values, w3)
    table = proj.reshape(3 * N * VAL_DIM // NF, NF)
    nbr_t = neighbor_indices.astype(jnp.int32).T
    o4 = _sc_gather(table, nbr_t, bias).reshape(4, NCT, 8, VAL_DIM)
    return o4.transpose(1, 3, 0, 2).reshape(NCT * VAL_DIM, NF)[:N]

# --- scband reference (transcript-rebuilt; emitter-appended) ---
"""Pipeline reference for scband-conv-lattice-module-25400436588640 (READ-ONLY COPY).

The authoritative reference and input builder live on the scoring server;
editing this copy changes nothing except your own understanding.
"""

import jax, jax.numpy as jnp
import numpy as np
import math

N = 100000          # lattice vertices
VAL_DIM = 128       # value dim per vertex
FILTER_EXTENT = 9   # 2*(pos_dim+1)+1 for pos_dim=3, neighbourhood_size=1
NR_FILTERS = 32


def setup_inputs(seed: int = 0) -> dict:
    key = jax.random.key(seed)
    k1, k2, k3, k4 = jax.random.split(key, 4)
    lattice_values = jax.random.normal(k1, (N, VAL_DIM), dtype=jnp.float32)
    # neighbor table: column 0 is the center vertex itself, remaining are lattice neighbours
    neighbor_indices = jax.random.randint(k2, (N, FILTER_EXTENT), 0, N, dtype=jnp.int64)
    neighbor_indices = neighbor_indices.at[:, 0].set(jnp.arange(N, dtype=jnp.int64))
    # weight init matching reset_parameters: kaiming-uniform, fan_out mode, relu gain
    rows = FILTER_EXTENT * VAL_DIM
    fan = rows  # torch fan_out of a [rows, cols] tensor = size(0)
    gain = math.sqrt(2.0)
    std = gain / math.sqrt(fan)
    bound = math.sqrt(3.0) * std
    weight = jax.random.uniform(k3, (rows, NR_FILTERS), dtype=jnp.float32, minval=-bound, maxval=bound)
    b_bound = 1.0 / math.sqrt(fan)
    bias = jax.random.uniform(k4, (NR_FILTERS,), dtype=jnp.float32, minval=-b_bound, maxval=b_bound)
    return {
        "lattice_values": lattice_values,
        "neighbor_indices": neighbor_indices,
        "weight": weight,
        "bias": bias,
    }


def reference(lattice_values, neighbor_indices, weight, bias):
    # ConvIm2RowLattice: gather each vertex's filter-extent neighbourhood (im2row),
    # flatten to rows of size filter_extent*val_dim, then multiply by the filter bank.
    gathered = jnp.take(lattice_values, neighbor_indices, axis=0)  # [N, FE, VAL_DIM]
    rows = gathered.reshape(gathered.shape[0], -1)                 # [N, FE*VAL_DIM]
    lv = rows @ weight                                             # [N, NR_FILTERS]
    lv = lv + bias
    return lv

if __name__ == "__main__":
    import jax
    _d = setup_inputs()
    print(jax.jit(kernel)(*tuple(_d.values())))

</pallas_src>

<mosaic_0001>
#map = affine_map<(d0, d1) -> (0, 0)>
#map1 = affine_map<(d0, d1) -> (0)>
module attributes {stable_mosaic.version = 14 : i64} {
  func.func @_sc_gather(%arg0: i32, %arg1: i32, %arg2: memref<1200000x32xf32, #tpu.memory_space<hbm>>, %arg3: memref<9x100000xi32, #tpu.memory_space<hbm>>, %arg4: memref<32xf32, #tpu.memory_space<hbm>>, %arg5: memref<25024x128xf32, #tpu.memory_space<hbm>>, %arg6: memref<2x9x128xi32, #tpu.memory_space<vmem>>, %arg7: memref<2x1152xi32, #tpu.memory_space<vmem>>, %arg8: memref<2x1152x32xf32, #tpu.memory_space<vmem>>, %arg9: memref<2x32x129xf32, #tpu.memory_space<vmem>>, %arg10: memref<32xf32, #tpu.memory_space<vmem>>, %arg11: memref<2x!tpu.dma_semaphore, #tpu.memory_space<semaphore_mem>>, %arg12: memref<2x!tpu.dma_semaphore, #tpu.memory_space<semaphore_mem>>) attributes {dimension_semantics = [#tpu.dimension_semantics<core_parallel>, #tpu.dimension_semantics<subcore_parallel>], iteration_bounds = array<i64: 2, 16>, scalar_prefetch = 0 : i64, scratch_operands = 7 : i64, tpu.core_type = #tpu.core_type<sc_vector_subcore>, window_params = [{transform_indices = #map}, {transform_indices = #map}, {transform_indices = #map1}, {transform_indices = #map}]} {
    %mul3A = arith.constant 2 : i32
    %mul3A_0 = arith.muli %arg1, %mul3A : i32
    %add3A = arith.addi %mul3A_0, %arg0 : i32
    %mul3A_1 = arith.constant 24 : i32
    %mul3A_2 = arith.muli %mul3A_1, %add3A : i32
    %min3A = arith.constant 13 : i32
    %min3A_3 = arith.minsi %add3A, %min3A : i32
    %add3A_4 = arith.addi %mul3A_2, %min3A_3 : i32
    %lt3A = arith.constant 13 : i32
    %lt3A_5 = arith.cmpi slt, %add3A, %lt3A : i32
    %jit3A = arith.constant 25 : i32
    %jit3A_6 = arith.constant 24 : i32
    %select_n3A = arith.select %lt3A_5, %jit3A, %jit3A_6 : i32
    %broadcast_in_dim3A = arith.constant 4 : i32
    %broadcast_in_dim3A_7 = vector.broadcast %broadcast_in_dim3A : i32 to vector<16xi32>
    %iota3A = tpu.iota {dimensions = array<i32: 0>} : vector<16xi32>
    %add3A_8 = arith.constant 16 : i32
    %add3A_9 = vector.broadcast %add3A_8 : i32 to vector<16xi32>
    %add3A_10 = arith.addi %iota3A, %add3A_9 : vector<16xi32>
    "tpu.region"() ({
      %run_scoped3A = tpu.sem_alloc : memref<!tpu.dma_semaphore, #tpu.memory_space<semaphore_mem>>
      tpu.enqueue_dma source(%arg4 : memref<32xf32, #tpu.memory_space<hbm>>) target(%arg10 : memref<32xf32, #tpu.memory_space<vmem>>) target_semaphore(%run_scoped3A : memref<!tpu.dma_semaphore, #tpu.memory_space<semaphore_mem>>)
      tpu.wait_dma2 semaphore(%run_scoped3A : memref<!tpu.dma_semaphore, #tpu.memory_space<semaphore_mem>>) src(%arg4 : memref<32xf32, #tpu.memory_space<hbm>>) dst(%arg10 : memref<32xf32, #tpu.memory_space<vmem>>)
      tpu.yield
    }) : () -> ()
    %get3A = arith.constant 0 : index
    %get3A_11 = tpu.vector_load %arg10[%get3A] {strides = array<i32>} : memref<32xf32, #tpu.memory_space<vmem>>, vector<16xf32>,
    %get3A_12 = arith.constant 16 : index
    %get3A_13 = tpu.vector_load %arg10[%get3A_12] {strides = array<i32>} : memref<32xf32, #tpu.memory_space<vmem>>, vector<16xf32>,
    %rem3A = arith.constant 0 : i32
    %rem3A_14 = arith.constant 2 : i32
    %rem3A_15 = arith.remsi %rem3A, %rem3A_14 : i32
    %add3A_16 = arith.constant 0 : i32
    %add3A_17 = arith.addi %add3A_4, %add3A_16 : i32
    %mul3A_18 = arith.constant 128 : i32
    %mul3A_19 = arith.muli %add3A_17, %mul3A_18 : i32
    "tpu.region"() ({
      %run_scoped3A = tpu.sem_alloc : memref<!tpu.dma_semaphore, #tpu.memory_space<semaphore_mem>>
      %dma_start3A_1057 = arith.constant 0 : i32
      %dma_start3A_1058 = arith.constant 0 : i32
      %dma_start3A_1059 = tpu.memref_slice %arg6[%rem3A_15, %dma_start3A_1057, %dma_start3A_1058] : memref<2x9x128xi32, #tpu.memory_space<vmem>> -> memref<1x9x128xi32, #tpu.memory_space<vmem>>
      %dma_start3A_1060 = tpu.memref_squeeze %dma_start3A_1059 : memref<1x9x128xi32, #tpu.memory_space<vmem>> -> memref<9x128xi32, #tpu.memory_space<vmem>>
      %dma_start3A_1061 = arith.constant 0 : i32
      %dma_start3A_1062 = tpu.memref_slice %arg3[%dma_start3A_1061, %mul3A_19] : memref<9x100000xi32, #tpu.memory_space<hbm>> -> memref<9x128xi32, #tpu.memory_space<hbm>>
      %dma_start3A_1063 = arith.constant 0 : i32
      %dma_start3A_1064 = arith.constant 0 : i32
      %dma_start3A_1065 = tpu.memref_slice %arg6[%rem3A_15, %dma_start3A_1063, %dma_start3A_1064] : memref<2x9x128xi32, #tpu.memory_space<vmem>> -> memref<1x9x128xi32, #tpu.memory_space<vmem>>
      %dma_start3A_1066 = tpu.memref_squeeze %dma_start3A_1065 : memref<1x9x128xi32, #tpu.memory_space<vmem>> -> memref<9x128xi32, #tpu.memory_space<vmem>>
      %dma_start3A_1067 = arith.constant 0 : i32
      %dma_start3A_1068 = tpu.memref_slice %arg3[%dma_start3A_1067, %mul3A_19] : memref<9x100000xi32, #tpu.memory_space<hbm>> -> memref<9x128xi32, #tpu.memory_space<hbm>>
      tpu.enqueue_dma source(%dma_start3A_1068 : memref<9x128xi32, #tpu.memory_space<hbm>>) target(%dma_start3A_1066 : memref<9x128xi32, #tpu.memory_space<vmem>>) target_semaphore(%run_scoped3A : memref<!tpu.dma_semaphore, #tpu.memory_space<semaphore_mem>>)
      %dma_wait3A_1069 = arith.constant 0 : i32
      %dma_wait3A_1070 = arith.constant 0 : i32
      %dma_wait3A_1071 = tpu.memref_slice %arg6[%rem3A_15, %dma_wait3A_1069, %dma_wait3A_1070] : memref<2x9x128xi32, #tpu.memory_space<vmem>> -> memref<1x9x128xi32, #tpu.memory_space<vmem>>
      %dma_wait3A_1072 = tpu.memref_squeeze %dma_wait3A_1071 : memref<1x9x128xi32, #tpu.memory_space<vmem>> -> memref<9x128xi32, #tpu.memory_space<vmem>>
      %dma_wait3A_1073 = arith.constant 0 : i32
      %dma_wait3A_1074 = tpu.memref_slice %arg3[%dma_wait3A_1073, %mul3A_19] : memref<9x100000xi32, #tpu.memory_space<hbm>> -> memref<9x128xi32, #tpu.memory_space<hbm>>
      %dma_wait3A_1075 = arith.constant 0 : i32
      %dma_wait3A_1076 = arith.constant 0 : i32
      %dma_wait3A_1077 = tpu.memref_slice %arg6[%rem3A_15, %dma_wait3A_1075, %dma_wait3A_1076] : memref<2x9x128xi32, #tpu.memory_space<vmem>> -> memref<1x9x128xi32, #tpu.memory_space<vmem>>
      %dma_wait3A_1078 = tpu.memref_squeeze %dma_wait3A_1077 : memref<1x9x128xi32, #tpu.memory_space<vmem>> -> memref<9x128xi32, #tpu.memory_space<vmem>>
      %dma_wait3A_1079 = arith.constant 0 : i32
      %dma_wait3A_1080 = tpu.memref_slice %arg3[%dma_wait3A_1079, %mul3A_19] : memref<9x100000xi32, #tpu.memory_space<hbm>> -> memref<9x128xi32, #tpu.memory_space<hbm>>
      tpu.wait_dma2 semaphore(%run_scoped3A : memref<!tpu.dma_semaphore, #tpu.memory_space<semaphore_mem>>) src(%dma_wait3A_1080 : memref<9x128xi32, #tpu.memory_space<hbm>>) dst(%dma_wait3A_1078 : memref<9x128xi32, #tpu.memory_space<vmem>>)
      tpu.yield
    }) : () -> ()
    %get3A_20 = arith.constant 0 : i32
    %get3A_21 = arith.index_cast %rem3A_15 : i32 to index
    %get3A_22 = arith.index_cast %get3A_20 : i32 to index
    %get3A_23 = arith.constant 0 : index
    %get3A_24 = tpu.vector_load %arg6[%get3A_21, %get3A_22, %get3A_23] {strides = array<i32>} : memref<2x9x128xi32, #tpu.memory_space<vmem>>, vector<16xi32>,
    %mul3A_25 = arith.muli %get3A_24, %broadcast_in_dim3A_7 : vector<16xi32>
    %broadcast_in_dim3A_26 = arith.constant 0 : i32
    %broadcast_in_dim3A_27 = vector.broadcast %broadcast_in_dim3A_26 : i32 to vector<16xi32>
    %add3A_28 = arith.addi %mul3A_25, %broadcast_in_dim3A_27 : vector<16xi32>
    %swap3A = arith.index_cast %rem3A_15 : i32 to index
    %swap3A_29 = arith.constant 0 : index
    %swap3A_30 = tpu.vector_load %arg7[%swap3A, %swap3A_29] {strides = array<i32>} : memref<2x1152xi32, #tpu.memory_space<vmem>>, vector<16xi32>,
    tpu.vector_store %arg7[%swap3A, %swap3A_29], %add3A_28 {strides = array<i32>} : memref<2x1152xi32, #tpu.memory_space<vmem>>, vector<16xi32>,
    %get3A_31 = arith.constant 0 : i32
    %get3A_32 = arith.index_cast %rem3A_15 : i32 to index
    %get3A_33 = arith.index_cast %get3A_31 : i32 to index
    %get3A_34 = arith.constant 16 : index
    %get3A_35 = tpu.vector_load %arg6[%get3A_32, %get3A_33, %get3A_34] {strides = array<i32>} : memref<2x9x128xi32, #tpu.memory_space<vmem>>, vector<16xi32>,
    %mul3A_36 = arith.muli %get3A_35, %broadcast_in_dim3A_7 : vector<16xi32>
    %broadcast_in_dim3A_37 = arith.constant 0 : i32
    %broadcast_in_dim3A_38 = vector.broadcast %broadcast_in_dim3A_37 : i32 to vector<16xi32>
    %add3A_39 = arith.addi %mul3A_36, %broadcast_in_dim3A_38 : vector<16xi32>
    %swap3A_40 = arith.index_cast %rem3A_15 : i32 to index
    %swap3A_41 = arith.constant 16 : index
    %swap3A_42 = tpu.vector_load %arg7[%swap3A_40, %swap3A_41] {strides = array<i32>} : memref<2x1152xi32, #tpu.memory_space<vmem>>, vector<16xi32>,
    tpu.vector_store %arg7[%swap3A_40, %swap3A_41], %add3A_39 {strides = array<i32>} : memref<2x1152xi32, #tpu.memory_space<vmem>>, vector<16xi32>,
    %get3A_43 = arith.constant 0 : i32
    %get3A_44 = arith.index_cast %rem3A_15 : i32 to index
    %get3A_45 = arith.index_cast %get3A_43 : i32 to index
    %get3A_46 = arith.constant 32 : index
    %get3A_47 = tpu.vector_load %arg6[%get3A_44, %get3A_45, %get3A_46] {strides = array<i32>} : memref<2x9x128xi32, #tpu.memory_space<vmem>>, vector<16xi32>,
    %mul3A_48 = arith.muli %get3A_47, %broadcast_in_dim3A_7 : vector<16xi32>
    %broadcast_in_dim3A_49 = arith.constant 0 : i32
    %broadcast_in_dim3A_50 = vector.broadcast %broadcast_in_dim3A_49 : i32 to vector<16xi32>
    %add3A_51 = arith.addi %mul3A_48, %broadcast_in_dim3A_50 : vector<16xi32>
    %swap3A_52 = arith.index_cast %rem3A_15 : i32 to index
    %swap3A_53 = arith.constant 32 : index
    %swap3A_54 = tpu.vector_load %arg7[%swap3A_52, %swap3A_53] {strides = array<i32>} : memref<2x1152xi32, #tpu.memory_space<vmem>>, vector<16xi32>,
    tpu.vector_store %arg7[%swap3A_52, %swap3A_53], %add3A_51 {strides = array<i32>} : memref<2x1152xi32, #tpu.memory_space<vmem>>, vector<16xi32>,
    %get3A_55 = arith.constant 0 : i32
    %get3A_56 = arith.index_cast %rem3A_15 : i32 to index
    %get3A_57 = arith.index_cast %get3A_55 : i32 to index
    %get3A_58 = arith.constant 48 : index
    %get3A_59 = tpu.vector_load %arg6[%get3A_56, %get3A_57, %get3A_58] {strides = array<i32>} : memref<2x9x128xi32, #tpu.memory_space<vmem>>, vector<16xi32>,
    %mul3A_60 = arith.muli %get3A_59, %broadcast_in_dim3A_7 : vector<16xi32>
    %broadcast_in_dim3A_61 = arith.constant 0 : i32
    %broadcast_in_dim3A_62 = vector.broadcast %broadcast_in_dim3A_61 : i32 to vector<16xi32>
    %add3A_63 = arith.addi %mul3A_60, %broadcast_in_dim3A_62 : vector<16xi32>
    %swap3A_64 = arith.index_cast %rem3A_15 : i32 to index
    %swap3A_65 = arith.constant 48 : index
    %swap3A_66 = tpu.vector_load %arg7[%swap3A_64, %swap3A_65] {strides = array<i32>} : memref<2x1152xi32, #tpu.memory_space<vmem>>, vector<16xi32>,
    tpu.vector_store %arg7[%swap3A_64, %swap3A_65], %add3A_63 {strides = array<i32>} : memref<2x1152xi32, #tpu.memory_space<vmem>>, vector<16xi32>,
    %get3A_67 = arith.constant 0 : i32
    %get3A_68 = arith.index_cast %rem3A_15 : i32 to index
    %get3A_69 = arith.index_cast %get3A_67 : i32 to index
    %get3A_70 = arith.constant 64 : index
    %get3A_71 = tpu.vector_load %arg6[%get3A_68, %get3A_69, %get3A_70] {strides = array<i32>} : memref<2x9x128xi32, #tpu.memory_space<vmem>>, vector<16xi32>,
    %mul3A_72 = arith.muli %get3A_71, %broadcast_in_dim3A_7 : vector<16xi32>
    %broadcast_in_dim3A_73 = arith.constant 0 : i32
    %broadcast_in_dim3A_74 = vector.broadcast %broadcast_in_dim3A_73 : i32 to vector<16xi32>
    %add3A_75 = arith.addi %mul3A_72, %broadcast_in_dim3A_74 : vector<16xi32>
    %swap3A_76 = arith.index_cast %rem3A_15 : i32 to index
    %swap3A_77 = arith.constant 64 : index
    %swap3A_78 = tpu.vector_load %arg7[%swap3A_76, %swap3A_77] {strides = array<i32>} : memref<2x1152xi32, #tpu.memory_space<vmem>>, vector<16xi32>,
    tpu.vector_store %arg7[%swap3A_76, %swap3A_77], %add3A_75 {strides = array<i32>} : memref<2x1152xi32, #tpu.memory_space<vmem>>, vector<16xi32>,
    %get3A_79 = arith.constant 0 : i32
    %get3A_80 = arith.index_cast %rem3A_15 : i32 to index
    %get3A_81 = arith.index_cast %get3A_79 : i32 to index
    %get3A_82 = arith.constant 80 : index
    %get3A_83 = tpu.vector_load %arg6[%get3A_80, %get3A_81, %get3A_82] {strides = array<i32>} : memref<2x9x128xi32, #tpu.memory_space<vmem>>, vector<16xi32>,
    %mul3A_84 = arith.muli %get3A_83, %broadcast_in_dim3A_7 : vector<16xi32>
    %broadcast_in_dim3A_85 = arith.constant 0 : i32
    %broadcast_in_dim3A_86 = vector.broadcast %broadcast_in_dim3A_85 : i32 to vector<16xi32>
    %add3A_87 = arith.addi %mul3A_84, %broadcast_in_dim3A_86 : vector<16xi32>
    %swap3A_88 = arith.index_cast %rem3A_15 : i32 to index
    %swap3A_89 = arith.constant 80 : index
    %swap3A_90 = tpu.vector_load %arg7[%swap3A_88, %swap3A_89] {strides = array<i32>} : memref<2x1152xi32, #tpu.memory_space<vmem>>, vector<16xi32>,
    tpu.vector_store %arg7[%swap3A_88, %swap3A_89], %add3A_87 {strides = array<i32>} : memref<2x1152xi32, #tpu.memory_space<vmem>>, vector<16xi32>,
    %get3A_91 = arith.constant 0 : i32
    %get3A_92 = arith.index_cast %rem3A_15 : i32 to index
    %get3A_93 = arith.index_cast %get3A_91 : i32 to index
    %get3A_94 = arith.constant 96 : index
    %get3A_95 = tpu.vector_load %arg6[%get3A_92, %get3A_93, %get3A_94] {strides = array<i32>} : memref<2x9x128xi32, #tpu.memory_space<vmem>>, vector<16xi32>,
    %mul3A_96 = arith.muli %get3A_95, %broadcast_in_dim3A_7 : vector<16xi32>
    %broadcast_in_dim3A_97 = arith.constant 0 : i32
    %broadcast_in_dim3A_98 = vector.broadcast %broadcast_in_dim3A_97 : i32 to vector<16xi32>
    %add3A_99 = arith.addi %mul3A_96, %broadcast_in_dim3A_98 : vector<16xi32>
    %swap3A_100 = arith.index_cast %rem3A_15 : i32 to index
    %swap3A_101 = arith.constant 96 : index
    %swap3A_102 = tpu.vector_load %arg7[%swap3A_100, %swap3A_101] {strides = array<i32>} : memref<2x1152xi32, #tpu.memory_space<vmem>>, vector<16xi32>,
    tpu.vector_store %arg7[%swap3A_100, %swap3A_101], %add3A_99 {strides = array<i32>} : memref<2x1152xi32, #tpu.memory_space<vmem>>, vector<16xi32>,
    %get3A_103 = arith.constant 0 : i32
    %get3A_104 = arith.index_cast %rem3A_15 : i32 to index
    %get3A_105 = arith.index_cast %get3A_103 : i32 to index
    %get3A_106 = arith.constant 112 : index
    %get3A_107 = tpu.vector_load %arg6[%get3A_104, %get3A_105, %get3A_106] {strides = array<i32>} : memref<2x9x128xi32, #tpu.memory_space<vmem>>, vector<16xi32>,
    %mul3A_108 = arith.muli %get3A_107, %broadcast_in_dim3A_7 : vector<16xi32>
    %broadcast_in_dim3A_109 = arith.constant 0 : i32
    %broadcast_in_dim3A_110 = vector.broadcast %broadcast_in_dim3A_109 : i32 to vector<16xi32>
    %add3A_111 = arith.addi %mul3A_108, %broadcast_in_dim3A_110 : vector<16xi32>
    %swap3A_112 = arith.index_cast %rem3A_15 : i32 to index
    %swap3A_113 = arith.constant 112 : index
    %swap3A_114 = tpu.vector_load %arg7[%swap3A_112, %swap3A_113] {strides = array<i32>} : memref<2x1152xi32, #tpu.memory_space<vmem>>, vector<16xi32>,
    tpu.vector_store %arg7[%swap3A_112, %swap3A_113], %add3A_111 {strides = array<i32>} : memref<2x1152xi32, #tpu.memory_space<vmem>>, vector<16xi32>,
    %get3A_115 = arith.constant 1 : i32
    %get3A_116 = arith.index_cast %rem3A_15 : i32 to index
    %get3A_117 = arith.index_cast %get3A_115 : i32 to index
    %get3A_118 = arith.constant 0 : index
    %get3A_119 = tpu.vector_load %arg6[%get3A_116, %get3A_117, %get3A_118] {strides = array<i32>} : memref<2x9x128xi32, #tpu.memory_space<vmem>>, vector<16xi32>,
    %mul3A_120 = arith.muli %get3A_119, %broadcast_in_dim3A_7 : vector<16xi32>
    %broadcast_in_dim3A_121 = arith.constant 1 : i32
    %broadcast_in_dim3A_122 = vector.broadcast %broadcast_in_dim3A_121 : i32 to vector<16xi32>
    %add3A_123 = arith.addi %mul3A_120, %broadcast_in_dim3A_122 : vector<16xi32>
    %swap3A_124 = arith.index_cast %rem3A_15 : i32 to index
    %swap3A_125 = arith.constant 128 : index
    %swap3A_126 = tpu.vector_load %arg7[%swap3A_124, %swap3A_125] {strides = array<i32>} : memref<2x1152xi32, #tpu.memory_space<vmem>>, vector<16xi32>,
    tpu.vector_store %arg7[%swap3A_124, %swap3A_125], %add3A_123 {strides = array<i32>} : memref<2x1152xi32, #tpu.memory_space<vmem>>, vector<16xi32>,
    %get3A_127 = arith.constant 1 : i32
    %get3A_128 = arith.index_cast %rem3A_15 : i32 to index
    %get3A_129 = arith.index_cast %get3A_127 : i32 to index
    %get3A_130 = arith.constant 16 : index
    %get3A_131 = tpu.vector_load %arg6[%get3A_128, %get3A_129, %get3A_130] {strides = array<i32>} : memref<2x9x128xi32, #tpu.memory_space<vmem>>, vector<16xi32>,
    %mul3A_132 = arith.muli %get3A_131, %broadcast_in_dim3A_7 : vector<16xi32>
    %broadcast_in_dim3A_133 = arith.constant 1 : i32
    %broadcast_in_dim3A_134 = vector.broadcast %broadcast_in_dim3A_133 : i32 to vector<16xi32>
    %add3A_135 = arith.addi %mul3A_132, %broadcast_in_dim3A_134 : vector<16xi32>
    %swap3A_136 = arith.index_cast %rem3A_15 : i32 to index
    %swap3A_137 = arith.constant 144 : index
    %swap3A_138 = tpu.vector_load %arg7[%swap3A_136, %swap3A_137] {strides = array<i32>} : memref<2x1152xi32, #tpu.memory_space<vmem>>, vector<16xi32>,
    tpu.vector_store %arg7[%swap3A_136, %swap3A_137], %add3A_135 {strides = array<i32>} : memref<2x1152xi32, #tpu.memory_space<vmem>>, vector<16xi32>,
    %get3A_139 = arith.constant 1 : i32
    %get3A_140 = arith.index_cast %rem3A_15 : i32 to index
    %get3A_141 = arith.index_cast %get3A_139 : i32 to index
    %get3A_142 = arith.constant 32 : index
    %get3A_143 = tpu.vector_load %arg6[%get3A_140, %get3A_141, %get3A_142] {strides = array<i32>} : memref<2x9x128xi32, #tpu.memory_space<vmem>>, vector<16xi32>,
    %mul3A_144 = arith.muli %get3A_143, %broadcast_in_dim3A_7 : vector<16xi32>
    %broadcast_in_dim3A_145 = arith.constant 1 : i32
    %broadcast_in_dim3A_146 = vector.broadcast %broadcast_in_dim3A_145 : i32 to vector<16xi32>
    %add3A_147 = arith.addi %mul3A_144, %broadcast_in_dim3A_146 : vector<16xi32>
    %swap3A_148 = arith.index_cast %rem3A_15 : i32 to index
    %swap3A_149 = arith.constant 160 : index
    %swap3A_150 = tpu.vector_load %arg7[%swap3A_148, %swap3A_149] {strides = array<i32>} : memref<2x1152xi32, #tpu.memory_space<vmem>>, vector<16xi32>,
    tpu.vector_store %arg7[%swap3A_148, %swap3A_149], %add3A_147 {strides = array<i32>} : memref<2x1152xi32, #tpu.memory_space<vmem>>, vector<16xi32>,
    %get3A_151 = arith.constant 1 : i32
    %get3A_152 = arith.index_cast %rem3A_15 : i32 to index
    %get3A_153 = arith.index_cast %get3A_151 : i32 to index
    %get3A_154 = arith.constant 48 : index
    %get3A_155 = tpu.vector_load %arg6[%get3A_152, %get3A_153, %get3A_154] {strides = array<i32>} : memref<2x9x128xi32, #tpu.memory_space<vmem>>, vector<16xi32>,
    %mul3A_156 = arith.muli %get3A_155, %broadcast_in_dim3A_7 : vector<16xi32>
    %broadcast_in_dim3A_157 = arith.constant 1 : i32
    %broadcast_in_dim3A_158 = vector.broadcast %broadcast_in_dim3A_157 : i32 to vector<16xi32>
    %add3A_159 = arith.addi %mul3A_156, %broadcast_in_dim3A_158 : vector<16xi32>
    %swap3A_160 = arith.index_cast %rem3A_15 : i32 to index
    %swap3A_161 = arith.constant 176 : index
    %swap3A_162 = tpu.vector_load %arg7[%swap3A_160, %swap3A_161] {strides = array<i32>} : memref<2x1152xi32, #tpu.memory_space<vmem>>, vector<16xi32>,
    tpu.vector_store %arg7[%swap3A_160, %swap3A_161], %add3A_159 {strides = array<i32>} : memref<2x1152xi32, #tpu.memory_space<vmem>>, vector<16xi32>,
    %get3A_163 = arith.constant 1 : i32
    %get3A_164 = arith.index_cast %rem3A_15 : i32 to index
    %get3A_165 = arith.index_cast %get3A_163 : i32 to index
    %get3A_166 = arith.constant 64 : index
    %get3A_167 = tpu.vector_load %arg6[%get3A_164, %get3A_165, %get3A_166] {strides = array<i32>} : memref<2x9x128xi32, #tpu.memory_space<vmem>>, vector<16xi32>,
    %mul3A_168 = arith.muli %get3A_167, %broadcast_in_dim3A_7 : vector<16xi32>
    %broadcast_in_dim3A_169 = arith.constant 1 : i32
    %broadcast_in_dim3A_170 = vector.broadcast %broadcast_in_dim3A_169 : i32 to vector<16xi32>
    %add3A_171 = arith.addi %mul3A_168, %broadcast_in_dim3A_170 : vector<16xi32>
    %swap3A_172 = arith.index_cast %rem3A_15 : i32 to index
    %swap3A_173 = arith.constant 192 : index
    %swap3A_174 = tpu.vector_load %arg7[%swap3A_172, %swap3A_173] {strides = array<i32>} : memref<2x1152xi32, #tpu.memory_space<vmem>>, vector<16xi32>,
    tpu.vector_store %arg7[%swap3A_172, %swap3A_173], %add3A_171 {strides = array<i32>} : memref<2x1152xi32, #tpu.memory_space<vmem>>, vector<16xi32>,
    %get3A_175 = arith.constant 1 : i32
    %get3A_176 = arith.index_cast %rem3A_15 : i32 to index
    %get3A_177 = arith.index_cast %get3A_175 : i32 to index
    %get3A_178 = arith.constant 80 : index
    %get3A_179 = tpu.vector_load %arg6[%get3A_176, %get3A_177, %get3A_178] {strides = array<i32>} : memref<2x9x128xi32, #tpu.memory_space<vmem>>, vector<16xi32>,
    %mul3A_180 = arith.muli %get3A_179, %broadcast_in_dim3A_7 : vector<16xi32>
    %broadcast_in_dim3A_181 = arith.constant 1 : i32
    %broadcast_in_dim3A_182 = vector.broadcast %broadcast_in_dim3A_181 : i32 to vector<16xi32>
    %add3A_183 = arith.addi %mul3A_180, %broadcast_in_dim3A_182 : vector<16xi32>
    %swap3A_184 = arith.index_cast %rem3A_15 : i32 to index
    %swap3A_185 = arith.constant 208 : index
    %swap3A_186 = tpu.vector_load %arg7[%swap3A_184, %swap3A_185] {strides = array<i32>} : memref<2x1152xi32, #tpu.memory_space<vmem>>, vector<16xi32>,
    tpu.vector_store %arg7[%swap3A_184, %swap3A_185], %add3A_183 {strides = array<i32>} : memref<2x1152xi32, #tpu.memory_space<vmem>>, vector<16xi32>,
    %get3A_187 = arith.constant 1 : i32
    %get3A_188 = arith.index_cast %rem3A_15 : i32 to index
    %get3A_189 = arith.index_cast %get3A_187 : i32 to index
    %get3A_190 = arith.constant 96 : index
    %get3A_191 = tpu.vector_load %arg6[%get3A_188, %get3A_189, %get3A_190] {strides = array<i32>} : memref<2x9x128xi32, #tpu.memory_space<vmem>>, vector<16xi32>,
    %mul3A_192 = arith.muli %get3A_191, %broadcast_in_dim3A_7 : vector<16xi32>
    %broadcast_in_dim3A_193 = arith.constant 1 : i32
    %broadcast_in_dim3A_194 = vector.broadcast %broadcast_in_dim3A_193 : i32 to vector<16xi32>
    %add3A_195 = arith.addi %mul3A_192, %broadcast_in_dim3A_194 : vector<16xi32>
    %swap3A_196 = arith.index_cast %rem3A_15 : i32 to index
    %swap3A_197 = arith.constant 224 : index
    %swap3A_198 = tpu.vector_load %arg7[%swap3A_196, %swap3A_197] {strides = array<i32>} : memref<2x1152xi32, #tpu.memory_space<vmem>>, vector<16xi32>,
    tpu.vector_store %arg7[%swap3A_196, %swap3A_197], %add3A_195 {strides = array<i32>} : memref<2x1152xi32, #tpu.memory_space<vmem>>, vector<16xi32>,
    %get3A_199 = arith.constant 1 : i32
    %get3A_200 = arith.index_cast %rem3A_15 : i32 to index
    %get3A_201 = arith.index_cast %get3A_199 : i32 to index
    %get3A_202 = arith.constant 112 : index
    %get3A_203 = tpu.vector_load %arg6[%get3A_200, %get3A_201, %get3A_202] {strides = array<i32>} : memref<2x9x128xi32, #tpu.memory_space<vmem>>, vector<16xi32>,
    %mul3A_204 = arith.muli %get3A_203, %broadcast_in_dim3A_7 : vector<16xi32>
    %broadcast_in_dim3A_205 = arith.constant 1 : i32
    %broadcast_in_dim3A_206 = vector.broadcast %broadcast_in_dim3A_205 : i32 to vector<16xi32>
    %add3A_207 = arith.addi %mul3A_204, %broadcast_in_dim3A_206 : vector<16xi32>
    %swap3A_208 = arith.index_cast %rem3A_15 : i32 to index
    %swap3A_209 = arith.constant 240 : index
    %swap3A_210 = tpu.vector_load %arg7[%swap3A_208, %swap3A_209] {strides = array<i32>} : memref<2x1152xi32, #tpu.memory_space<vmem>>, vector<16xi32>,
    tpu.vector_store %arg7[%swap3A_208, %swap3A_209], %add3A_207 {strides = array<i32>} : memref<2x1152xi32, #tpu.memory_space<vmem>>, vector<16xi32>,
    %get3A_211 = arith.constant 2 : i32
    %get3A_212 = arith.index_cast %rem3A_15 : i32 to index
    %get3A_213 = arith.index_cast %get3A_211 : i32 to index
    %get3A_214 = arith.constant 0 : index
    %get3A_215 = tpu.vector_load %arg6[%get3A_212, %get3A_213, %get3A_214] {strides = array<i32>} : memref<2x9x128xi32, #tpu.memory_space<vmem>>, vector<16xi32>,
    %mul3A_216 = arith.muli %get3A_215, %broadcast_in_dim3A_7 : vector<16xi32>
    %broadcast_in_dim3A_217 = arith.constant 2 : i32
    %broadcast_in_dim3A_218 = vector.broadcast %broadcast_in_dim3A_217 : i32 to vector<16xi32>
    %add3A_219 = arith.addi %mul3A_216, %broadcast_in_dim3A_218 : vector<16xi32>
    %swap3A_220 = arith.index_cast %rem3A_15 : i32 to index
    %swap3A_221 = arith.constant 256 : index
    %swap3A_222 = tpu.vector_load %arg7[%swap3A_220, %swap3A_221] {strides = array<i32>} : memref<2x1152xi32, #tpu.memory_space<vmem>>, vector<16xi32>,
    tpu.vector_store %arg7[%swap3A_220, %swap3A_221], %add3A_219 {strides = array<i32>} : memref<2x1152xi32, #tpu.memory_space<vmem>>, vector<16xi32>,
    %get3A_223 = arith.constant 2 : i32
    %get3A_224 = arith.index_cast %rem3A_15 : i32 to index
    %get3A_225 = arith.index_cast %get3A_223 : i32 to index
    %get3A_226 = arith.constant 16 : index
    %get3A_227 = tpu.vector_load %arg6[%get3A_224, %get3A_225, %get3A_226] {strides = array<i32>} : memref<2x9x128xi32, #tpu.memory_space<vmem>>, vector<16xi32>,
    %mul3A_228 = arith.muli %get3A_227, %broadcast_in_dim3A_7 : vector<16xi32>
    %broadcast_in_dim3A_229 = arith.constant 2 : i32
    %broadcast_in_dim3A_230 = vector.broadcast %broadcast_in_dim3A_229 : i32 to vector<16xi32>
    %add3A_231 = arith.addi %mul3A_228, %broadcast_in_dim3A_230 : vector<16xi32>
    %swap3A_232 = arith.index_cast %rem3A_15 : i32 to index
    %swap3A_233 = arith.constant 272 : index
    %swap3A_234 = tpu.vector_load %arg7[%swap3A_232, %swap3A_233] {strides = array<i32>} : memref<2x1152xi32, #tpu.memory_space<vmem>>, vector<16xi32>,
    tpu.vector_store %arg7[%swap3A_232, %swap3A_233], %add3A_231 {strides = array<i32>} : memref<2x1152xi32, #tpu.memory_space<vmem>>, vector<16xi32>,
    %get3A_235 = arith.constant 2 : i32
    %get3A_236 = arith.index_cast %rem3A_15 : i32 to index
    %get3A_237 = arith.index_cast %get3A_235 : i32 to index
    %get3A_238 = arith.constant 32 : index
    %get3A_239 = tpu.vector_load %arg6[%get3A_236, %get3A_237, %get3A_238] {strides = array<i32>} : memref<2x9x128xi32, #tpu.memory_space<vmem>>, vector<16xi32>,
    %mul3A_240 = arith.muli %get3A_239, %broadcast_in_dim3A_7 : vector<16xi32>
    %broadcast_in_dim3A_241 = arith.constant 2 : i32
    %broadcast_in_dim3A_242 = vector.broadcast %broadcast_in_dim3A_241 : i32 to vector<16xi32>
    %add3A_243 = arith.addi %mul3A_240, %broadcast_in_dim3A_242 : vector<16xi32>
    %swap3A_244 = arith.index_cast %rem3A_15 : i32 to index
    %swap3A_245 = arith.constant 288 : index
    %swap3A_246 = tpu.vector_load %arg7[%swap3A_244, %swap3A_245] {strides = array<i32>} : memref<2x1152xi32, #tpu.memory_space<vmem>>, vector<16xi32>,
    tpu.vector_store %arg7[%swap3A_244, %swap3A_245], %add3A_243 {strides = array<i32>} : memref<2x1152xi32, #tpu.memory_space<vmem>>, vector<16xi32>,
    %get3A_247 = arith.constant 2 : i32
    %get3A_248 = arith.index_cast %rem3A_15 : i32 to index
    %get3A_249 = arith.index_cast %get3A_247 : i32 to index
    %get3A_250 = arith.constant 48 : index
    %get3A_251 = tpu.vector_load %arg6[%get3A_248, %get3A_249, %get3A_250] {strides = array<i32>} : memref<2x9x128xi32, #tpu.memory_space<vmem>>, vector<16xi32>,
    %mul3A_252 = arith.muli %get3A_251, %broadcast_in_dim3A_7 : vector<16xi32>
    %broadcast_in_dim3A_253 = arith.constant 2 : i32
    %broadcast_in_dim3A_254 = vector.broadcast %broadcast_in_dim3A_253 : i32 to vector<16xi32>
    %add3A_255 = arith.addi %mul3A_252, %broadcast_in_dim3A_254 : vector<16xi32>
    %swap3A_256 = arith.index_cast %rem3A_15 : i32 to index
    %swap3A_257 = arith.constant 304 : index
    %swap3A_258 = tpu.vector_load %arg7[%swap3A_256, %swap3A_257] {strides = array<i32>} : memref<2x1152xi32, #tpu.memory_space<vmem>>, vector<16xi32>,
    tpu.vector_store %arg7[%swap3A_256, %swap3A_257], %add3A_255 {strides = array<i32>} : memref<2x1152xi32, #tpu.memory_space<vmem>>, vector<16xi32>,
    %get3A_259 = arith.constant 2 : i32
    %get3A_260 = arith.index_cast %rem3A_15 : i32 to index
    %get3A_261 = arith.index_cast %get3A_259 : i32 to index
    %get3A_262 = arith.constant 64 : index
    %get3A_263 = tpu.vector_load %arg6[%get3A_260, %get3A_261, %get3A_262] {strides = array<i32>} : memref<2x9x128xi32, #tpu.memory_space<vmem>>, vector<16xi32>,
    %mul3A_264 = arith.muli %get3A_263, %broadcast_in_dim3A_7 : vector<16xi32>
    %broadcast_in_dim3A_265 = arith.constant 2 : i32
    %broadcast_in_dim3A_266 = vector.broadcast %broadcast_in_dim3A_265 : i32 to vector<16xi32>
    %add3A_267 = arith.addi %mul3A_264, %broadcast_in_dim3A_266 : vector<16xi32>
    %swap3A_268 = arith.index_cast %rem3A_15 : i32 to index
    %swap3A_269 = arith.constant 320 : index
    %swap3A_270 = tpu.vector_load %arg7[%swap3A_268, %swap3A_269] {strides = array<i32>} : memref<2x1152xi32, #tpu.memory_space<vmem>>, vector<16xi32>,
    tpu.vector_store %arg7[%swap3A_268, %swap3A_269], %add3A_267 {strides = array<i32>} : memref<2x1152xi32, #tpu.memory_space<vmem>>, vector<16xi32>,
    %get3A_271 = arith.constant 2 : i32
    %get3A_272 = arith.index_cast %rem3A_15 : i32 to index
    %get3A_273 = arith.index_cast %get3A_271 : i32 to index
    %get3A_274 = arith.constant 80 : index
    %get3A_275 = tpu.vector_load %arg6[%get3A_272, %get3A_273, %get3A_274] {strides = array<i32>} : memref<2x9x128xi32, #tpu.memory_space<vmem>>, vector<16xi32>,
    %mul3A_276 = arith.muli %get3A_275, %broadcast_in_dim3A_7 : vector<16xi32>
    %broadcast_in_dim3A_277 = arith.constant 2 : i32
    %broadcast_in_dim3A_278 = vector.broadcast %broadcast_in_dim3A_277 : i32 to vector<16xi32>
    %add3A_279 = arith.addi %mul3A_276, %broadcast_in_dim3A_278 : vector<16xi32>
    %swap3A_280 = arith.index_cast %rem3A_15 : i32 to index
    %swap3A_281 = arith.constant 336 : index
    %swap3A_282 = tpu.vector_load %arg7[%swap3A_280, %swap3A_281] {strides = array<i32>} : memref<2x1152xi32, #tpu.memory_space<vmem>>, vector<16xi32>,
    tpu.vector_store %arg7[%swap3A_280, %swap3A_281], %add3A_279 {strides = array<i32>} : memref<2x1152xi32, #tpu.memory_space<vmem>>, vector<16xi32>,
    %get3A_283 = arith.constant 2 : i32
    %get3A_284 = arith.index_cast %rem3A_15 : i32 to index
    %get3A_285 = arith.index_cast %get3A_283 : i32 to index
    %get3A_286 = arith.constant 96 : index
    %get3A_287 = tpu.vector_load %arg6[%get3A_284, %get3A_285, %get3A_286] {strides = array<i32>} : memref<2x9x128xi32, #tpu.memory_space<vmem>>, vector<16xi32>,
    %mul3A_288 = arith.muli %get3A_287, %broadcast_in_dim3A_7 : vector<16xi32>
    %broadcast_in_dim3A_289 = arith.constant 2 : i32
    %broadcast_in_dim3A_290 = vector.broadcast %broadcast_in_dim3A_289 : i32 to vector<16xi32>
    %add3A_291 = arith.addi %mul3A_288, %broadcast_in_dim3A_290 : vector<16xi32>
    %swap3A_292 = arith.index_cast %rem3A_15 : i32 to index
    %swap3A_293 = arith.constant 352 : index
    %swap3A_294 = tpu.vector_load %arg7[%swap3A_292, %swap3A_293] {strides = array<i32>} : memref<2x1152xi32, #tpu.memory_space<vmem>>, vector<16xi32>,
    tpu.vector_store %arg7[%swap3A_292, %swap3A_293], %add3A_291 {strides = array<i32>} : memref<2x1152xi32, #tpu.memory_space<vmem>>, vector<16xi32>,
    %get3A_295 = arith.constant 2 : i32
    %get3A_296 = arith.index_cast %rem3A_15 : i32 to index
    %get3A_297 = arith.index_cast %get3A_295 : i32 to index
    %get3A_298 = arith.constant 112 : index
    %get3A_299 = tpu.vector_load %arg6[%get3A_296, %get3A_297, %get3A_298] {strides = array<i32>} : memref<2x9x128xi32, #tpu.memory_space<vmem>>, vector<16xi32>,
    %mul3A_300 = arith.muli %get3A_299, %broadcast_in_dim3A_7 : vector<16xi32>
    %broadcast_in_dim3A_301 = arith.constant 2 : i32
    %broadcast_in_dim3A_302 = vector.broadcast %broadcast_in_dim3A_301 : i32 to vector<16xi32>
    %add3A_303 = arith.addi %mul3A_300, %broadcast_in_dim3A_302 : vector<16xi32>
    %swap3A_304 = arith.index_cast %rem3A_15 : i32 to index
    %swap3A_305 = arith.constant 368 : index
    %swap3A_306 = tpu.vector_load %arg7[%swap3A_304, %swap3A_305] {strides = array<i32>} : memref<2x1152xi32, #tpu.memory_space<vmem>>, vector<16xi32>,
    tpu.vector_store %arg7[%swap3A_304, %swap3A_305], %add3A_303 {strides = array<i32>} : memref<2x1152xi32, #tpu.memory_space<vmem>>, vector<16xi32>,
    %get3A_307 = arith.constant 3 : i32
    %get3A_308 = arith.index_cast %rem3A_15 : i32 to index
    %get3A_309 = arith.index_cast %get3A_307 : i32 to index
    %get3A_310 = arith.constant 0 : index
    %get3A_311 = tpu.vector_load %arg6[%get3A_308, %get3A_309, %get3A_310] {strides = array<i32>} : memref<2x9x128xi32, #tpu.memory_space<vmem>>, vector<16xi32>,
    %mul3A_312 = arith.muli %get3A_311, %broadcast_in_dim3A_7 : vector<16xi32>
    %broadcast_in_dim3A_313 = arith.constant 3 : i32
    %broadcast_in_dim3A_314 = vector.broadcast %broadcast_in_dim3A_313 : i32 to vector<16xi32>
    %add3A_315 = arith.addi %mul3A_312, %broadcast_in_dim3A_314 : vector<16xi32>
    %swap3A_316 = arith.index_cast %rem3A_15 : i32 to index
    %swap3A_317 = arith.constant 384 : index
    %swap3A_318 = tpu.vector_load %arg7[%swap3A_316, %swap3A_317] {strides = array<i32>} : memref<2x1152xi32, #tpu.memory_space<vmem>>, vector<16xi32>,
    tpu.vector_store %arg7[%swap3A_316, %swap3A_317], %add3A_315 {strides = array<i32>} : memref<2x1152xi32, #tpu.memory_space<vmem>>, vector<16xi32>,
    %get3A_319 = arith.constant 3 : i32
    %get3A_320 = arith.index_cast %rem3A_15 : i32 to index
    %get3A_321 = arith.index_cast %get3A_319 : i32 to index
    %get3A_322 = arith.constant 16 : index
    %get3A_323 = tpu.vector_load %arg6[%get3A_320, %get3A_321, %get3A_322] {strides = array<i32>} : memref<2x9x128xi32, #tpu.memory_space<vmem>>, vector<16xi32>,
    %mul3A_324 = arith.muli %get3A_323, %broadcast_in_dim3A_7 : vector<16xi32>
    %broadcast_in_dim3A_325 = arith.constant 3 : i32
    %broadcast_in_dim3A_326 = vector.broadcast %broadcast_in_dim3A_325 : i32 to vector<16xi32>
    %add3A_327 = arith.addi %mul3A_324, %broadcast_in_dim3A_326 : vector<16xi32>
    %swap3A_328 = arith.index_cast %rem3A_15 : i32 to index
    %swap3A_329 = arith.constant 400 : index
    %swap3A_330 = tpu.vector_load %arg7[%swap3A_328, %swap3A_329] {strides = array<i32>} : memref<2x1152xi32, #tpu.memory_space<vmem>>, vector<16xi32>,
    tpu.vector_store %arg7[%swap3A_328, %swap3A_329], %add3A_327 {strides = array<i32>} : memref<2x1152xi32, #tpu.memory_space<vmem>>, vector<16xi32>,
    %get3A_331 = arith.constant 3 : i32
    %get3A_332 = arith.index_cast %rem3A_15 : i32 to index
    %get3A_333 = arith.index_cast %get3A_331 : i32 to index
    %get3A_334 = arith.constant 32 : index
    %get3A_335 = tpu.vector_load %arg6[%get3A_332, %get3A_333, %get3A_334] {strides = array<i32>} : memref<2x9x128xi32, #tpu.memory_space<vmem>>, vector<16xi32>,
    %mul3A_336 = arith.muli %get3A_335, %broadcast_in_dim3A_7 : vector<16xi32>
    %broadcast_in_dim3A_337 = arith.constant 3 : i32
    %broadcast_in_dim3A_338 = vector.broadcast %broadcast_in_dim3A_337 : i32 to vector<16xi32>
    %add3A_339 = arith.addi %mul3A_336, %broadcast_in_dim3A_338 : vector<16xi32>
    %swap3A_340 = arith.index_cast %rem3A_15 : i32 to index
    %swap3A_341 = arith.constant 416 : index
    %swap3A_342 = tpu.vector_load %arg7[%swap3A_340, %swap3A_341] {strides = array<i32>} : memref<2x1152xi32, #tpu.memory_space<vmem>>, vector<16xi32>,
    tpu.vector_store %arg7[%swap3A_340, %swap3A_341], %add3A_339 {strides = array<i32>} : memref<2x1152xi32, #tpu.memory_space<vmem>>, vector<16xi32>,
    %get3A_343 = arith.constant 3 : i32
    %get3A_344 = arith.index_cast %rem3A_15 : i32 to index
    %get3A_345 = arith.index_cast %get3A_343 : i32 to index
    %get3A_346 = arith.constant 48 : index
    %get3A_347 = tpu.vector_load %arg6[%get3A_344, %get3A_345, %get3A_346] {strides = array<i32>} : memref<2x9x128xi32, #tpu.memory_space<vmem>>, vector<16xi32>,
    %mul3A_348 = arith.muli %get3A_347, %broadcast_in_dim3A_7 : vector<16xi32>
    %broadcast_in_dim3A_349 = arith.constant 3 : i32
    %broadcast_in_dim3A_350 = vector.broadcast %broadcast_in_dim3A_349 : i32 to vector<16xi32>
    %add3A_351 = arith.addi %mul3A_348, %broadcast_in_dim3A_350 : vector<16xi32>
    %swap3A_352 = arith.index_cast %rem3A_15 : i32 to index
    %swap3A_353 = arith.constant 432 : index
    %swap3A_354 = tpu.vector_load %arg7[%swap3A_352, %swap3A_353] {strides = array<i32>} : memref<2x1152xi32, #tpu.memory_space<vmem>>, vector<16xi32>,
    tpu.vector_store %arg7[%swap3A_352, %swap3A_353], %add3A_351 {strides = array<i32>} : memref<2x1152xi32, #tpu.memory_space<vmem>>, vector<16xi32>,
    %get3A_355 = arith.constant 3 : i32
    %get3A_356 = arith.index_cast %rem3A_15 : i32 to index
    %get3A_357 = arith.index_cast %get3A_355 : i32 to index
    %get3A_358 = arith.constant 64 : index
    %get3A_359 = tpu.vector_load %arg6[%get3A_356, %get3A_357, %get3A_358] {strides = array<i32>} : memref<2x9x128xi32, #tpu.memory_space<vmem>>, vector<16xi32>,
    %mul3A_360 = arith.muli %get3A_359, %broadcast_in_dim3A_7 : vector<16xi32>
    %broadcast_in_dim3A_361 = arith.constant 3 : i32
    %broadcast_in_dim3A_362 = vector.broadcast %broadcast_in_dim3A_361 : i32 to vector<16xi32>
    %add3A_363 = arith.addi %mul3A_360, %broadcast_in_dim3A_362 : vector<16xi32>
    %swap3A_364 = arith.index_cast %rem3A_15 : i32 to index
    %swap3A_365 = arith.constant 448 : index
    %swap3A_366 = tpu.vector_load %arg7[%swap3A_364, %swap3A_365] {strides = array<i32>} : memref<2x1152xi32, #tpu.memory_space<vmem>>, vector<16xi32>,
    tpu.vector_store %arg7[%swap3A_364, %swap3A_365], %add3A_363 {strides = array<i32>} : memref<2x1152xi32, #tpu.memory_space<vmem>>, vector<16xi32>,
    %get3A_367 = arith.constant 3 : i32
    %get3A_368 = arith.index_cast %rem3A_15 : i32 to index
    %get3A_369 = arith.index_cast %get3A_367 : i32 to index
    %get3A_370 = arith.constant 80 : index
    %get3A_371 = tpu.vector_load %arg6[%get3A_368, %get3A_369, %get3A_370] {strides = array<i32>} : memref<2x9x128xi32, #tpu.memory_space<vmem>>, vector<16xi32>,
    %mul3A_372 = arith.muli %get3A_371, %broadcast_in_dim3A_7 : vector<16xi32>
    %broadcast_in_dim3A_373 = arith.constant 3 : i32
    %broadcast_in_dim3A_374 = vector.broadcast %broadcast_in_dim3A_373 : i32 to vector<16xi32>
    %add3A_375 = arith.addi %mul3A_372, %broadcast_in_dim3A_374 : vector<16xi32>
    %swap3A_376 = arith.index_cast %rem3A_15 : i32 to index
    %swap3A_377 = arith.constant 464 : index
    %swap3A_378 = tpu.vector_load %arg7[%swap3A_376, %swap3A_377] {strides = array<i32>} : memref<2x1152xi32, #tpu.memory_space<vmem>>, vector<16xi32>,
    tpu.vector_store %arg7[%swap3A_376, %swap3A_377], %add3A_375 {strides = array<i32>} : memref<2x1152xi32, #tpu.memory_space<vmem>>, vector<16xi32>,
    %get3A_379 = arith.constant 3 : i32
    %get3A_380 = arith.index_cast %rem3A_15 : i32 to index
    %get3A_381 = arith.index_cast %get3A_379 : i32 to index
    %get3A_382 = arith.constant 96 : index
    %get3A_383 = tpu.vector_load %arg6[%get3A_380, %get3A_381, %get3A_382] {strides = array<i32>} : memref<2x9x128xi32, #tpu.memory_space<vmem>>, vector<16xi32>,
    %mul3A_384 = arith.muli %get3A_383, %broadcast_in_dim3A_7 : vector<16xi32>
    %broadcast_in_dim3A_385 = arith.constant 3 : i32
    %broadcast_in_dim3A_386 = vector.broadcast %broadcast_in_dim3A_385 : i32 to vector<16xi32>
    %add3A_387 = arith.addi %mul3A_384, %broadcast_in_dim3A_386 : vector<16xi32>
    %swap3A_388 = arith.index_cast %rem3A_15 : i32 to index
    %swap3A_389 = arith.constant 480 : index
    %swap3A_390 = tpu.vector_load %arg7[%swap3A_388, %swap3A_389] {strides = array<i32>} : memref<2x1152xi32, #tpu.memory_space<vmem>>, vector<16xi32>,
    tpu.vector_store %arg7[%swap3A_388, %swap3A_389], %add3A_387 {strides = array<i32>} : memref<2x1152xi32, #tpu.memory_space<vmem>>, vector<16xi32>,
    %get3A_391 = arith.constant 3 : i32
    %get3A_392 = arith.index_cast %rem3A_15 : i32 to index
    %get3A_393 = arith.index_cast %get3A_391 : i32 to index
    %get3A_394 = arith.constant 112 : index
    %get3A_395 = tpu.vector_load %arg6[%get3A_392, %get3A_393, %get3A_394] {strides = array<i32>} : memref<2x9x128xi32, #tpu.memory_space<vmem>>, vector<16xi32>,
    %mul3A_396 = arith.muli %get3A_395, %broadcast_in_dim3A_7 : vector<16xi32>
    %broadcast_in_dim3A_397 = arith.constant 3 : i32
    %broadcast_in_dim3A_398 = vector.broadcast %broadcast_in_dim3A_397 : i32 to vector<16xi32>
    %add3A_399 = arith.addi %mul3A_396, %broadcast_in_dim3A_398 : vector<16xi32>
    %swap3A_400 = arith.index_cast %rem3A_15 : i32 to index
    %swap3A_401 = arith.constant 496 : index
    %swap3A_402 = tpu.vector_load %arg7[%swap3A_400, %swap3A_401] {strides = array<i32>} : memref<2x1152xi32, #tpu.memory_space<vmem>>, vector<16xi32>,
    tpu.vector_store %arg7[%swap3A_400, %swap3A_401], %add3A_399 {strides = array<i32>} : memref<2x1152xi32, #tpu.memory_space<vmem>>, vector<16xi32>,
    %get3A_403 = arith.constant 4 : i32
    %get3A_404 = arith.index_cast %rem3A_15 : i32 to index
    %get3A_405 = arith.index_cast %get3A_403 : i32 to index
    %get3A_406 = arith.constant 0 : index
    %get3A_407 = tpu.vector_load %arg6[%get3A_404, %get3A_405, %get3A_406] {strides = array<i32>} : memref<2x9x128xi32, #tpu.memory_space<vmem>>, vector<16xi32>,
    %mul3A_408 = arith.muli %get3A_407, %broadcast_in_dim3A_7 : vector<16xi32>
    %broadcast_in_dim3A_409 = arith.constant 400000 : i32
    %broadcast_in_dim3A_410 = vector.broadcast %broadcast_in_dim3A_409 : i32 to vector<16xi32>
    %add3A_411 = arith.addi %mul3A_408, %broadcast_in_dim3A_410 : vector<16xi32>
    %swap3A_412 = arith.index_cast %rem3A_15 : i32 to index
    %swap3A_413 = arith.constant 512 : index
    %swap3A_414 = tpu.vector_load %arg7[%swap3A_412, %swap3A_413] {strides = array<i32>} : memref<2x1152xi32, #tpu.memory_space<vmem>>, vector<16xi32>,
    tpu.vector_store %arg7[%swap3A_412, %swap3A_413], %add3A_411 {strides = array<i32>} : memref<2x1152xi32, #tpu.memory_space<vmem>>, vector<16xi32>,
    %get3A_415 = arith.constant 4 : i32
    %get3A_416 = arith.index_cast %rem3A_15 : i32 to index
    %get3A_417 = arith.index_cast %get3A_415 : i32 to index
    %get3A_418 = arith.constant 16 : index
    %get3A_419 = tpu.vector_load %arg6[%get3A_416, %get3A_417, %get3A_418] {strides = array<i32>} : memref<2x9x128xi32, #tpu.memory_space<vmem>>, vector<16xi32>,
    %mul3A_420 = arith.muli %get3A_419, %broadcast_in_dim3A_7 : vector<16xi32>
    %broadcast_in_dim3A_421 = arith.constant 400000 : i32
    %broadcast_in_dim3A_422 = vector.broadcast %broadcast_in_dim3A_421 : i32 to vector<16xi32>
    %add3A_423 = arith.addi %mul3A_420, %broadcast_in_dim3A_422 : vector<16xi32>
    %swap3A_424 = arith.index_cast %rem3A_15 : i32 to index
    %swap3A_425 = arith.constant 528 : index
    %swap3A_426 = tpu.vector_load %arg7[%swap3A_424, %swap3A_425] {strides = array<i32>} : memref<2x1152xi32, #tpu.memory_space<vmem>>, vector<16xi32>,
    tpu.vector_store %arg7[%swap3A_424, %swap3A_425], %add3A_423 {strides = array<i32>} : memref<2x1152xi32, #tpu.memory_space<vmem>>, vector<16xi32>,
    %get3A_427 = arith.constant 4 : i32
    %get3A_428 = arith.index_cast %rem3A_15 : i32 to index
    %get3A_429 = arith.index_cast %get3A_427 : i32 to index
    %get3A_430 = arith.constant 32 : index
    %get3A_431 = tpu.vector_load %arg6[%get3A_428, %get3A_429, %get3A_430] {strides = array<i32>} : memref<2x9x128xi32, #tpu.memory_space<vmem>>, vector<16xi32>,
    %mul3A_432 = arith.muli %get3A_431, %broadcast_in_dim3A_7 : vector<16xi32>
    %broadcast_in_dim3A_433 = arith.constant 400000 : i32
    %broadcast_in_dim3A_434 = vector.broadcast %broadcast_in_dim3A_433 : i32 to vector<16xi32>
    %add3A_435 = arith.addi %mul3A_432, %broadcast_in_dim3A_434 : vector<16xi32>
    %swap3A_436 = arith.index_cast %rem3A_15 : i32 to index
    %swap3A_437 = arith.constant 544 : index
    %swap3A_438 = tpu.vector_load %arg7[%swap3A_436, %swap3A_437] {strides = array<i32>} : memref<2x1152xi32, #tpu.memory_space<vmem>>, vector<16xi32>,
    tpu.vector_store %arg7[%swap3A_436, %swap3A_437], %add3A_435 {strides = array<i32>} : memref<2x1152xi32, #tpu.memory_space<vmem>>, vector<16xi32>,
    %get3A_439 = arith.constant 4 : i32
    %get3A_440 = arith.index_cast %rem3A_15 : i32 to index
    %get3A_441 = arith.index_cast %get3A_439 : i32 to index
    %get3A_442 = arith.constant 48 : index
    %get3A_443 = tpu.vector_load %arg6[%get3A_440, %get3A_441, %get3A_442] {strides = array<i32>} : memref<2x9x128xi32, #tpu.memory_space<vmem>>, vector<16xi32>,
    %mul3A_444 = arith.muli %get3A_443, %broadcast_in_dim3A_7 : vector<16xi32>
    %broadcast_in_dim3A_445 = arith.constant 400000 : i32
    %broadcast_in_dim3A_446 = vector.broadcast %broadcast_in_dim3A_445 : i32 to vector<16xi32>
    %add3A_447 = arith.addi %mul3A_444, %broadcast_in_dim3A_446 : vector<16xi32>
    %swap3A_448 = arith.index_cast %rem3A_15 : i32 to index
    %swap3A_449 = arith.constant 560 : index
    %swap3A_450 = tpu.vector_load %arg7[%swap3A_448, %swap3A_449] {strides = array<i32>} : memref<2x1152xi32, #tpu.memory_space<vmem>>, vector<16xi32>,
    tpu.vector_store %arg7[%swap3A_448, %swap3A_449], %add3A_447 {strides = array<i32>} : memref<2x1152xi32, #tpu.memory_space<vmem>>, vector<16xi32>,
    %get3A_451 = arith.constant 4 : i32
    %get3A_452 = arith.index_cast %rem3A_15 : i32 to index
    %get3A_453 = arith.index_cast %get3A_451 : i32 to index
    %get3A_454 = arith.constant 64 : index
    %get3A_455 = tpu.vector_load %arg6[%get3A_452, %get3A_453, %get3A_454] {strides = array<i32>} : memref<2x9x128xi32, #tpu.memory_space<vmem>>, vector<16xi32>,
    %mul3A_456 = arith.muli %get3A_455, %broadcast_in_dim3A_7 : vector<16xi32>
    %broadcast_in_dim3A_457 = arith.constant 400000 : i32
    %broadcast_in_dim3A_458 = vector.broadcast %broadcast_in_dim3A_457 : i32 to vector<16xi32>
    %add3A_459 = arith.addi %mul3A_456, %broadcast_in_dim3A_458 : vector<16xi32>
    %swap3A_460 = arith.index_cast %rem3A_15 : i32 to index
    %swap3A_461 = arith.constant 576 : index
    %swap3A_462 = tpu.vector_load %arg7[%swap3A_460, %swap3A_461] {strides = array<i32>} : memref<2x1152xi32, #tpu.memory_space<vmem>>, vector<16xi32>,
    tpu.vector_store %arg7[%swap3A_460, %swap3A_461], %add3A_459 {strides = array<i32>} : memref<2x1152xi32, #tpu.memory_space<vmem>>, vector<16xi32>,
    %get3A_463 = arith.constant 4 : i32
    %get3A_464 = arith.index_cast %rem3A_15 : i32 to index
    %get3A_465 = arith.index_cast %get3A_463 : i32 to index
    %get3A_466 = arith.constant 80 : index
    %get3A_467 = tpu.vector_load %arg6[%get3A_464, %get3A_465, %get3A_466] {strides = array<i32>} : memref<2x9x128xi32, #tpu.memory_space<vmem>>, vector<16xi32>,
    %mul3A_468 = arith.muli %get3A_467, %broadcast_in_dim3A_7 : vector<16xi32>
    %broadcast_in_dim3A_469 = arith.constant 400000 : i32
    %broadcast_in_dim3A_470 = vector.broadcast %broadcast_in_dim3A_469 : i32 to vector<16xi32>
    %add3A_471 = arith.addi %mul3A_468, %broadcast_in_dim3A_470 : vector<16xi32>
    %swap3A_472 = arith.index_cast %rem3A_15 : i32 to index
    %swap3A_473 = arith.constant 592 : index
    %swap3A_474 = tpu.vector_load %arg7[%swap3A_472, %swap3A_473] {strides = array<i32>} : memref<2x1152xi32, #tpu.memory_space<vmem>>, vector<16xi32>,
    tpu.vector_store %arg7[%swap3A_472, %swap3A_473], %add3A_471 {strides = array<i32>} : memref<2x1152xi32, #tpu.memory_space<vmem>>, vector<16xi32>,
    %get3A_475 = arith.constant 4 : i32
    %get3A_476 = arith.index_cast %rem3A_15 : i32 to index
    %get3A_477 = arith.index_cast %get3A_475 : i32 to index
    %get3A_478 = arith.constant 96 : index
    %get3A_479 = tpu.vector_load %arg6[%get3A_476, %get3A_477, %get3A_478] {strides = array<i32>} : memref<2x9x128xi32, #tpu.memory_space<vmem>>, vector<16xi32>,
    %mul3A_480 = arith.muli %get3A_479, %broadcast_in_dim3A_7 : vector<16xi32>
    %broadcast_in_dim3A_481 = arith.constant 400000 : i32
    %broadcast_in_dim3A_482 = vector.broadcast %broadcast_in_dim3A_481 : i32 to vector<16xi32>
    %add3A_483 = arith.addi %mul3A_480, %broadcast_in_dim3A_482 : vector<16xi32>
    %swap3A_484 = arith.index_cast %rem3A_15 : i32 to index
    %swap3A_485 = arith.constant 608 : index
    %swap3A_486 = tpu.vector_load %arg7[%swap3A_484, %swap3A_485] {strides = array<i32>} : memref<2x1152xi32, #tpu.memory_space<vmem>>, vector<16xi32>,
    tpu.vector_store %arg7[%swap3A_484, %swap3A_485], %add3A_483 {strides = array<i32>} : memref<2x1152xi32, #tpu.memory_space<vmem>>, vector<16xi32>,
    %get3A_487 = arith.constant 4 : i32
    %get3A_488 = arith.index_cast %rem3A_15 : i32 to index
    %get3A_489 = arith.index_cast %get3A_487 : i32 to index
    %get3A_490 = arith.constant 112 : index
    %get3A_491 = tpu.vector_load %arg6[%get3A_488, %get3A_489, %get3A_490] {strides = array<i32>} : memref<2x9x128xi32, #tpu.memory_space<vmem>>, vector<16xi32>,
    %mul3A_492 = arith.muli %get3A_491, %broadcast_in_dim3A_7 : vector<16xi32>
    %broadcast_in_dim3A_493 = arith.constant 400000 : i32
    %broadcast_in_dim3A_494 = vector.broadcast %broadcast_in_dim3A_493 : i32 to vector<16xi32>
    %add3A_495 = arith.addi %mul3A_492, %broadcast_in_dim3A_494 : vector<16xi32>
    %swap3A_496 = arith.index_cast %rem3A_15 : i32 to index
    %swap3A_497 = arith.constant 624 : index
    %swap3A_498 = tpu.vector_load %arg7[%swap3A_496, %swap3A_497] {strides = array<i32>} : memref<2x1152xi32, #tpu.memory_space<vmem>>, vector<16xi32>,
    tpu.vector_store %arg7[%swap3A_496, %swap3A_497], %add3A_495 {strides = array<i32>} : memref<2x1152xi32, #tpu.memory_space<vmem>>, vector<16xi32>,
    %get3A_499 = arith.constant 5 : i32
    %get3A_500 = arith.index_cast %rem3A_15 : i32 to index
    %get3A_501 = arith.index_cast %get3A_499 : i32 to index
    %get3A_502 = arith.constant 0 : index
    %get3A_503 = tpu.vector_load %arg6[%get3A_500, %get3A_501, %get3A_502] {strides = array<i32>} : memref<2x9x128xi32, #tpu.memory_space<vmem>>, vector<16xi32>,
    %mul3A_504 = arith.muli %get3A_503, %broadcast_in_dim3A_7 : vector<16xi32>
    %broadcast_in_dim3A_505 = arith.constant 400001 : i32
    %broadcast_in_dim3A_506 = vector.broadcast %broadcast_in_dim3A_505 : i32 to vector<16xi32>
    %add3A_507 = arith.addi %mul3A_504, %broadcast_in_dim3A_506 : vector<16xi32>
    %swap3A_508 = arith.index_cast %rem3A_15 : i32 to index
    %swap3A_509 = arith.constant 640 : index
    %swap3A_510 = tpu.vector_load %arg7[%swap3A_508, %swap3A_509] {strides = array<i32>} : memref<2x1152xi32, #tpu.memory_space<vmem>>, vector<16xi32>,
    tpu.vector_store %arg7[%swap3A_508, %swap3A_509], %add3A_507 {strides = array<i32>} : memref<2x1152xi32, #tpu.memory_space<vmem>>, vector<16xi32>,
    %get3A_511 = arith.constant 5 : i32
    %get3A_512 = arith.index_cast %rem3A_15 : i32 to index
    %get3A_513 = arith.index_cast %get3A_511 : i32 to index
    %get3A_514 = arith.constant 16 : index
    %get3A_515 = tpu.vector_load %arg6[%get3A_512, %get3A_513, %get3A_514] {strides = array<i32>} : memref<2x9x128xi32, #tpu.memory_space<vmem>>, vector<16xi32>,
    %mul3A_516 = arith.muli %get3A_515, %broadcast_in_dim3A_7 : vector<16xi32>
    %broadcast_in_dim3A_517 = arith.constant 400001 : i32
    %broadcast_in_dim3A_518 = vector.broadcast %broadcast_in_dim3A_517 : i32 to vector<16xi32>
    %add3A_519 = arith.addi %mul3A_516, %broadcast_in_dim3A_518 : vector<16xi32>
    %swap3A_520 = arith.index_cast %rem3A_15 : i32 to index
    %swap3A_521 = arith.constant 656 : index
    %swap3A_522 = tpu.vector_load %arg7[%swap3A_520, %swap3A_521] {strides = array<i32>} : memref<2x1152xi32, #tpu.memory_space<vmem>>, vector<16xi32>,
    tpu.vector_store %arg7[%swap3A_520, %swap3A_521], %add3A_519 {strides = array<i32>} : memref<2x1152xi32, #tpu.memory_space<vmem>>, vector<16xi32>,
    %get3A_523 = arith.constant 5 : i32
    %get3A_524 = arith.index_cast %rem3A_15 : i32 to index
    %get3A_525 = arith.index_cast %get3A_523 : i32 to index
    %get3A_526 = arith.constant 32 : index
    %get3A_527 = tpu.vector_load %arg6[%get3A_524, %get3A_525, %get3A_526] {strides = array<i32>} : memref<2x9x128xi32, #tpu.memory_space<vmem>>, vector<16xi32>,
    %mul3A_528 = arith.muli %get3A_527, %broadcast_in_dim3A_7 : vector<16xi32>
    %broadcast_in_dim3A_529 = arith.constant 400001 : i32
    %broadcast_in_dim3A_530 = vector.broadcast %broadcast_in_dim3A_529 : i32 to vector<16xi32>
    %add3A_531 = arith.addi %mul3A_528, %broadcast_in_dim3A_530 : vector<16xi32>
    %swap3A_532 = arith.index_cast %rem3A_15 : i32 to index
    %swap3A_533 = arith.constant 672 : index
    %swap3A_534 = tpu.vector_load %arg7[%swap3A_532, %swap3A_533] {strides = array<i32>} : memref<2x1152xi32, #tpu.memory_space<vmem>>, vector<16xi32>,
    tpu.vector_store %arg7[%swap3A_532, %swap3A_533], %add3A_531 {strides = array<i32>} : memref<2x1152xi32, #tpu.memory_space<vmem>>, vector<16xi32>,
    %get3A_535 = arith.constant 5 : i32
    %get3A_536 = arith.index_cast %rem3A_15 : i32 to index
    %get3A_537 = arith.index_cast %get3A_535 : i32 to index
    %get3A_538 = arith.constant 48 : index
    %get3A_539 = tpu.vector_load %arg6[%get3A_536, %get3A_537, %get3A_538] {strides = array<i32>} : memref<2x9x128xi32, #tpu.memory_space<vmem>>, vector<16xi32>,
    %mul3A_540 = arith.muli %get3A_539, %broadcast_in_dim3A_7 : vector<16xi32>
    %broadcast_in_dim3A_541 = arith.constant 400001 : i32
    %broadcast_in_dim3A_542 = vector.broadcast %broadcast_in_dim3A_541 : i32 to vector<16xi32>
    %add3A_543 = arith.addi %mul3A_540, %broadcast_in_dim3A_542 : vector<16xi32>
    %swap3A_544 = arith.index_cast %rem3A_15 : i32 to index
    %swap3A_545 = arith.constant 688 : index
    %swap3A_546 = tpu.vector_load %arg7[%swap3A_544, %swap3A_545] {strides = array<i32>} : memref<2x1152xi32, #tpu.memory_space<vmem>>, vector<16xi32>,
    tpu.vector_store %arg7[%swap3A_544, %swap3A_545], %add3A_543 {strides = array<i32>} : memref<2x1152xi32, #tpu.memory_space<vmem>>, vector<16xi32>,
    %get3A_547 = arith.constant 5 : i32
    %get3A_548 = arith.index_cast %rem3A_15 : i32 to index
    %get3A_549 = arith.index_cast %get3A_547 : i32 to index
    %get3A_550 = arith.constant 64 : index
    %get3A_551 = tpu.vector_load %arg6[%get3A_548, %get3A_549, %get3A_550] {strides = array<i32>} : memref<2x9x128xi32, #tpu.memory_space<vmem>>, vector<16xi32>,
    %mul3A_552 = arith.muli %get3A_551, %broadcast_in_dim3A_7 : vector<16xi32>
    %broadcast_in_dim3A_553 = arith.constant 400001 : i32
    %broadcast_in_dim3A_554 = vector.broadcast %broadcast_in_dim3A_553 : i32 to vector<16xi32>
    %add3A_555 = arith.addi %mul3A_552, %broadcast_in_dim3A_554 : vector<16xi32>
    %swap3A_556 = arith.index_cast %rem3A_15 : i32 to index
    %swap3A_557 = arith.constant 704 : index
    %swap3A_558 = tpu.vector_load %arg7[%swap3A_556, %swap3A_557] {strides = array<i32>} : memref<2x1152xi32, #tpu.memory_space<vmem>>, vector<16xi32>,
    tpu.vector_store %arg7[%swap3A_556, %swap3A_557], %add3A_555 {strides = array<i32>} : memref<2x1152xi32, #tpu.memory_space<vmem>>, vector<16xi32>,
    %get3A_559 = arith.constant 5 : i32
    %get3A_560 = arith.index_cast %rem3A_15 : i32 to index
    %get3A_561 = arith.index_cast %get3A_559 : i32 to index
    %get3A_562 = arith.constant 80 : index
    %get3A_563 = tpu.vector_load %arg6[%get3A_560, %get3A_561, %get3A_562] {strides = array<i32>} : memref<2x9x128xi32, #tpu.memory_space<vmem>>, vector<16xi32>,
    %mul3A_564 = arith.muli %get3A_563, %broadcast_in_dim3A_7 : vector<16xi32>
    %broadcast_in_dim3A_565 = arith.constant 400001 : i32
    %broadcast_in_dim3A_566 = vector.broadcast %broadcast_in_dim3A_565 : i32 to vector<16xi32>
    %add3A_567 = arith.addi %mul3A_564, %broadcast_in_dim3A_566 : vector<16xi32>
    %swap3A_568 = arith.index_cast %rem3A_15 : i32 to index
    %swap3A_569 = arith.constant 720 : index
    %swap3A_570 = tpu.vector_load %arg7[%swap3A_568, %swap3A_569] {strides = array<i32>} : memref<2x1152xi32, #tpu.memory_space<vmem>>, vector<16xi32>,
    tpu.vector_store %arg7[%swap3A_568, %swap3A_569], %add3A_567 {strides = array<i32>} : memref<2x1152xi32, #tpu.memory_space<vmem>>, vector<16xi32>,
    %get3A_571 = arith.constant 5 : i32
    %get3A_572 = arith.index_cast %rem3A_15 : i32 to index
    %get3A_573 = arith.index_cast %get3A_571 : i32 to index
    %get3A_574 = arith.constant 96 : index
    %get3A_575 = tpu.vector_load %arg6[%get3A_572, %get3A_573, %get3A_574] {strides = array<i32>} : memref<2x9x128xi32, #tpu.memory_space<vmem>>, vector<16xi32>,
    %mul3A_576 = arith.muli %get3A_575, %broadcast_in_dim3A_7 : vector<16xi32>
    %broadcast_in_dim3A_577 = arith.constant 400001 : i32
    %broadcast_in_dim3A_578 = vector.broadcast %broadcast_in_dim3A_577 : i32 to vector<16xi32>
    %add3A_579 = arith.addi %mul3A_576, %broadcast_in_dim3A_578 : vector<16xi32>
    %swap3A_580 = arith.index_cast %rem3A_15 : i32 to index
    %swap3A_581 = arith.constant 736 : index
    %swap3A_582 = tpu.vector_load %arg7[%swap3A_580, %swap3A_581] {strides = array<i32>} : memref<2x1152xi32, #tpu.memory_space<vmem>>, vector<16xi32>,
    tpu.vector_store %arg7[%swap3A_580, %swap3A_581], %add3A_579 {strides = array<i32>} : memref<2x1152xi32, #tpu.memory_space<vmem>>, vector<16xi32>,
    %get3A_583 = arith.constant 5 : i32
    %get3A_584 = arith.index_cast %rem3A_15 : i32 to index
    %get3A_585 = arith.index_cast %get3A_583 : i32 to index
    %get3A_586 = arith.constant 112 : index
    %get3A_587 = tpu.vector_load %arg6[%get3A_584, %get3A_585, %get3A_586] {strides = array<i32>} : memref<2x9x128xi32, #tpu.memory_space<vmem>>, vector<16xi32>,
    %mul3A_588 = arith.muli %get3A_587, %broadcast_in_dim3A_7 : vector<16xi32>
    %broadcast_in_dim3A_589 = arith.constant 400001 : i32
    %broadcast_in_dim3A_590 = vector.broadcast %broadcast_in_dim3A_589 : i32 to vector<16xi32>
    %add3A_591 = arith.addi %mul3A_588, %broadcast_in_dim3A_590 : vector<16xi32>
    %swap3A_592 = arith.index_cast %rem3A_15 : i32 to index
    %swap3A_593 = arith.constant 752 : index
    %swap3A_594 = tpu.vector_load %arg7[%swap3A_592, %swap3A_593] {strides = array<i32>} : memref<2x1152xi32, #tpu.memory_space<vmem>>, vector<16xi32>,
    tpu.vector_store %arg7[%swap3A_592, %swap3A_593], %add3A_591 {strides = array<i32>} : memref<2x1152xi32, #tpu.memory_space<vmem>>, vector<16xi32>,
    %get3A_595 = arith.constant 6 : i32
    %get3A_596 = arith.index_cast %rem3A_15 : i32 to index
    %get3A_597 = arith.index_cast %get3A_595 : i32 to index
    %get3A_598 = arith.constant 0 : index
    %get3A_599 = tpu.vector_load %arg6[%get3A_596, %get3A_597, %get3A_598] {strides = array<i32>} : memref<2x9x128xi32, #tpu.memory_space<vmem>>, vector<16xi32>,
    %mul3A_600 = arith.muli %get3A_599, %broadcast_in_dim3A_7 : vector<16xi32>
    %broadcast_in_dim3A_601 = arith.constant 400002 : i32
    %broadcast_in_dim3A_602 = vector.broadcast %broadcast_in_dim3A_601 : i32 to vector<16xi32>
    %add3A_603 = arith.addi %mul3A_600, %broadcast_in_dim3A_602 : vector<16xi32>
    %swap3A_604 = arith.index_cast %rem3A_15 : i32 to index
    %swap3A_605 = arith.constant 768 : index
    %swap3A_606 = tpu.vector_load %arg7[%swap3A_604, %swap3A_605] {strides = array<i32>} : memref<2x1152xi32, #tpu.memory_space<vmem>>, vector<16xi32>,
    tpu.vector_store %arg7[%swap3A_604, %swap3A_605], %add3A_603 {strides = array<i32>} : memref<2x1152xi32, #tpu.memory_space<vmem>>, vector<16xi32>,
    %get3A_607 = arith.constant 6 : i32
    %get3A_608 = arith.index_cast %rem3A_15 : i32 to index
    %get3A_609 = arith.index_cast %get3A_607 : i32 to index
    %get3A_610 = arith.constant 16 : index
    %get3A_611 = tpu.vector_load %arg6[%get3A_608, %get3A_609, %get3A_610] {strides = array<i32>} : memref<2x9x128xi32, #tpu.memory_space<vmem>>, vector<16xi32>,
    %mul3A_612 = arith.muli %get3A_611, %broadcast_in_dim3A_7 : vector<16xi32>
    %broadcast_in_dim3A_613 = arith.constant 400002 : i32
    %broadcast_in_dim3A_614 = vector.broadcast %broadcast_in_dim3A_613 : i32 to vector<16xi32>
    %add3A_615 = arith.addi %mul3A_612, %broadcast_in_dim3A_614 : vector<16xi32>
    %swap3A_616 = arith.index_cast %rem3A_15 : i32 to index
    %swap3A_617 = arith.constant 784 : index
    %swap3A_618 = tpu.vector_load %arg7[%swap3A_616, %swap3A_617] {strides = array<i32>} : memref<2x1152xi32, #tpu.memory_space<vmem>>, vector<16xi32>,
    tpu.vector_store %arg7[%swap3A_616, %swap3A_617], %add3A_615 {strides = array<i32>} : memref<2x1152xi32, #tpu.memory_space<vmem>>, vector<16xi32>,
    %get3A_619 = arith.constant 6 : i32
    %get3A_620 = arith.index_cast %rem3A_15 : i32 to index
    %get3A_621 = arith.index_cast %get3A_619 : i32 to index
    %get3A_622 = arith.constant 32 : index
    %get3A_623 = tpu.vector_load %arg6[%get3A_620, %get3A_621, %get3A_622] {strides = array<i32>} : memref<2x9x128xi32, #tpu.memory_space<vmem>>, vector<16xi32>,
    %mul3A_624 = arith.muli %get3A_623, %broadcast_in_dim3A_7 : vector<16xi32>
    %broadcast_in_dim3A_625 = arith.constant 400002 : i32
    %broadcast_in_dim3A_626 = vector.broadcast %broadcast_in_dim3A_625 : i32 to vector<16xi32>
    %add3A_627 = arith.addi %mul3A_624, %broadcast_in_dim3A_626 : vector<16xi32>
    %swap3A_628 = arith.index_cast %rem3A_15 : i32 to index
    %swap3A_629 = arith.constant 800 : index
    %swap3A_630 = tpu.vector_load %arg7[%swap3A_628, %swap3A_629] {strides = array<i32>} : memref<2x1152xi32, #tpu.memory_space<vmem>>, vector<16xi32>,
    tpu.vector_store %arg7[%swap3A_628, %swap3A_629], %add3A_627 {strides = array<i32>} : memref<2x1152xi32, #tpu.memory_space<vmem>>, vector<16xi32>,
    %get3A_631 = arith.constant 6 : i32
    %get3A_632 = arith.index_cast %rem3A_15 : i32 to index
    %get3A_633 = arith.index_cast %get3A_631 : i32 to index
    %get3A_634 = arith.constant 48 : index
    %get3A_635 = tpu.vector_load %arg6[%get3A_632, %get3A_633, %get3A_634] {strides = array<i32>} : memref<2x9x128xi32, #tpu.memory_space<vmem>>, vector<16xi32>,
    %mul3A_636 = arith.muli %get3A_635, %broadcast_in_dim3A_7 : vector<16xi32>
    %broadcast_in_dim3A_637 = arith.constant 400002 : i32
    %broadcast_in_dim3A_638 = vector.broadcast %broadcast_in_dim3A_637 : i32 to vector<16xi32>
    %add3A_639 = arith.addi %mul3A_636, %broadcast_in_dim3A_638 : vector<16xi32>
    %swap3A_640 = arith.index_cast %rem3A_15 : i32 to index
    %swap3A_641 = arith.constant 816 : index
    %swap3A_642 = tpu.vector_load %arg7[%swap3A_640, %swap3A_641] {strides = array<i32>} : memref<2x1152xi32, #tpu.memory_space<vmem>>, vector<16xi32>,
    tpu.vector_store %arg7[%swap3A_640, %swap3A_641], %add3A_639 {strides = array<i32>} : memref<2x1152xi32, #tpu.memory_space<vmem>>, vector<16xi32>,
    %get3A_643 = arith.constant 6 : i32
    %get3A_644 = arith.index_cast %rem3A_15 : i32 to index
    %get3A_645 = arith.index_cast %get3A_643 : i32 to index
    %get3A_646 = arith.constant 64 : index
    %get3A_647 = tpu.vector_load %arg6[%get3A_644, %get3A_645, %get3A_646] {strides = array<i32>} : memref<2x9x128xi32, #tpu.memory_space<vmem>>, vector<16xi32>,
    %mul3A_648 = arith.muli %get3A_647, %broadcast_in_dim3A_7 : vector<16xi32>
    %broadcast_in_dim3A_649 = arith.constant 400002 : i32
    %broadcast_in_dim3A_650 = vector.broadcast %broadcast_in_dim3A_649 : i32 to vector<16xi32>
    %add3A_651 = arith.addi %mul3A_648, %broadcast_in_dim3A_650 : vector<16xi32>
    %swap3A_652 = arith.index_cast %rem3A_15 : i32 to index
    %swap3A_653 = arith.constant 832 : index
    %swap3A_654 = tpu.vector_load %arg7[%swap3A_652, %swap3A_653] {strides = array<i32>} : memref<2x1152xi32, #tpu.memory_space<vmem>>, vector<16xi32>,
    tpu.vector_store %arg7[%swap3A_652, %swap3A_653], %add3A_651 {strides = array<i32>} : memref<2x1152xi32, #tpu.memory_space<vmem>>, vector<16xi32>,
    %get3A_655 = arith.constant 6 : i32
    %get3A_656 = arith.index_cast %rem3A_15 : i32 to index
    %get3A_657 = arith.index_cast %get3A_655 : i32 to index
    %get3A_658 = arith.constant 80 : index
    %get3A_659 = tpu.vector_load %arg6[%get3A_656, %get3A_657, %get3A_658] {strides = array<i32>} : memref<2x9x128xi32, #tpu.memory_space<vmem>>, vector<16xi32>,
    %mul3A_660 = arith.muli %get3A_659, %broadcast_in_dim3A_7 : vector<16xi32>
    %broadcast_in_dim3A_661 = arith.constant 400002 : i32
    %broadcast_in_dim3A_662 = vector.broadcast %broadcast_in_dim3A_661 : i32 to vector<16xi32>
    %add3A_663 = arith.addi %mul3A_660, %broadcast_in_dim3A_662 : vector<16xi32>
    %swap3A_664 = arith.index_cast %rem3A_15 : i32 to index
    %swap3A_665 = arith.constant 848 : index
    %swap3A_666 = tpu.vector_load %arg7[%swap3A_664, %swap3A_665] {strides = array<i32>} : memref<2x1152xi32, #tpu.memory_space<vmem>>, vector<16xi32>,
    tpu.vector_store %arg7[%swap3A_664, %swap3A_665], %add3A_663 {strides = array<i32>} : memref<2x1152xi32, #tpu.memory_space<vmem>>, vector<16xi32>,
    %get3A_667 = arith.constant 6 : i32
    %get3A_668 = arith.index_cast %rem3A_15 : i32 to index
    %get3A_669 = arith.index_cast %get3A_667 : i32 to index
    %get3A_670 = arith.constant 96 : index
    %get3A_671 = tpu.vector_load %arg6[%get3A_668, %get3A_669, %get3A_670] {strides = array<i32>} : memref<2x9x128xi32, #tpu.memory_space<vmem>>, vector<16xi32>,
    %mul3A_672 = arith.muli %get3A_671, %broadcast_in_dim3A_7 : vector<16xi32>
    %broadcast_in_dim3A_673 = arith.constant 400002 : i32
    %broadcast_in_dim3A_674 = vector.broadcast %broadcast_in_dim3A_673 : i32 to vector<16xi32>
    %add3A_675 = arith.addi %mul3A_672, %broadcast_in_dim3A_674 : vector<16xi32>
    %swap3A_676 = arith.index_cast %rem3A_15 : i32 to index
    %swap3A_677 = arith.constant 864 : index
    %swap3A_678 = tpu.vector_load %arg7[%swap3A_676, %swap3A_677] {strides = array<i32>} : memref<2x1152xi32, #tpu.memory_space<vmem>>, vector<16xi32>,
    tpu.vector_store %arg7[%swap3A_676, %swap3A_677], %add3A_675 {strides = array<i32>} : memref<2x1152xi32, #tpu.memory_space<vmem>>, vector<16xi32>,
    %get3A_679 = arith.constant 6 : i32
    %get3A_680 = arith.index_cast %rem3A_15 : i32 to index
    %get3A_681 = arith.index_cast %get3A_679 : i32 to index
    %get3A_682 = arith.constant 112 : index
    %get3A_683 = tpu.vector_load %arg6[%get3A_680, %get3A_681, %get3A_682] {strides = array<i32>} : memref<2x9x128xi32, #tpu.memory_space<vmem>>, vector<16xi32>,
    %mul3A_684 = arith.muli %get3A_683, %broadcast_in_dim3A_7 : vector<16xi32>
    %broadcast_in_dim3A_685 = arith.constant 400002 : i32
    %broadcast_in_dim3A_686 = vector.broadcast %broadcast_in_dim3A_685 : i32 to vector<16xi32>
    %add3A_687 = arith.addi %mul3A_684, %broadcast_in_dim3A_686 : vector<16xi32>
    %swap3A_688 = arith.index_cast %rem3A_15 : i32 to index
    %swap3A_689 = arith.constant 880 : index
    %swap3A_690 = tpu.vector_load %arg7[%swap3A_688, %swap3A_689] {strides = array<i32>} : memref<2x1152xi32, #tpu.memory_space<vmem>>, vector<16xi32>,
    tpu.vector_store %arg7[%swap3A_688, %swap3A_689], %add3A_687 {strides = array<i32>} : memref<2x1152xi32, #tpu.memory_space<vmem>>, vector<16xi32>,
    %get3A_691 = arith.constant 7 : i32
    %get3A_692 = arith.index_cast %rem3A_15 : i32 to index
    %get3A_693 = arith.index_cast %get3A_691 : i32 to index
    %get3A_694 = arith.constant 0 : index
    %get3A_695 = tpu.vector_load %arg6[%get3A_692, %get3A_693, %get3A_694] {strides = array<i32>} : memref<2x9x128xi32, #tpu.memory_space<vmem>>, vector<16xi32>,
    %mul3A_696 = arith.muli %get3A_695, %broadcast_in_dim3A_7 : vector<16xi32>
    %broadcast_in_dim3A_697 = arith.constant 400003 : i32
    %broadcast_in_dim3A_698 = vector.broadcast %broadcast_in_dim3A_697 : i32 to vector<16xi32>
    %add3A_699 = arith.addi %mul3A_696, %broadcast_in_dim3A_698 : vector<16xi32>
    %swap3A_700 = arith.index_cast %rem3A_15 : i32 to index
    %swap3A_701 = arith.constant 896 : index
    %swap3A_702 = tpu.vector_load %arg7[%swap3A_700, %swap3A_701] {strides = array<i32>} : memref<2x1152xi32, #tpu.memory_space<vmem>>, vector<16xi32>,
    tpu.vector_store %arg7[%swap3A_700, %swap3A_701], %add3A_699 {strides = array<i32>} : memref<2x1152xi32, #tpu.memory_space<vmem>>, vector<16xi32>,
    %get3A_703 = arith.constant 7 : i32
    %get3A_704 = arith.index_cast %rem3A_15 : i32 to index
    %get3A_705 = arith.index_cast %get3A_703 : i32 to index
    %get3A_706 = arith.constant 16 : index
    %get3A_707 = tpu.vector_load %arg6[%get3A_704, %get3A_705, %get3A_706] {strides = array<i32>} : memref<2x9x128xi32, #tpu.memory_space<vmem>>, vector<16xi32>,
    %mul3A_708 = arith.muli %get3A_707, %broadcast_in_dim3A_7 : vector<16xi32>
    %broadcast_in_dim3A_709 = arith.constant 400003 : i32
    %broadcast_in_dim3A_710 = vector.broadcast %broadcast_in_dim3A_709 : i32 to vector<16xi32>
    %add3A_711 = arith.addi %mul3A_708, %broadcast_in_dim3A_710 : vector<16xi32>
    %swap3A_712 = arith.index_cast %rem3A_15 : i32 to index
    %swap3A_713 = arith.constant 912 : index
    %swap3A_714 = tpu.vector_load %arg7[%swap3A_712, %swap3A_713] {strides = array<i32>} : memref<2x1152xi32, #tpu.memory_space<vmem>>, vector<16xi32>,
    tpu.vector_store %arg7[%swap3A_712, %swap3A_713], %add3A_711 {strides = array<i32>} : memref<2x1152xi32, #tpu.memory_space<vmem>>, vector<16xi32>,
    %get3A_715 = arith.constant 7 : i32
    %get3A_716 = arith.index_cast %rem3A_15 : i32 to index
    %get3A_717 = arith.index_cast %get3A_715 : i32 to index
    %get3A_718 = arith.constant 32 : index
    %get3A_719 = tpu.vector_load %arg6[%get3A_716, %get3A_717, %get3A_718] {strides = array<i32>} : memref<2x9x128xi32, #tpu.memory_space<vmem>>, vector<16xi32>,
    %mul3A_720 = arith.muli %get3A_719, %broadcast_in_dim3A_7 : vector<16xi32>
    %broadcast_in_dim3A_721 = arith.constant 400003 : i32
    %broadcast_in_dim3A_722 = vector.broadcast %broadcast_in_dim3A_721 : i32 to vector<16xi32>
    %add3A_723 = arith.addi %mul3A_720, %broadcast_in_dim3A_722 : vector<16xi32>
    %swap3A_724 = arith.index_cast %rem3A_15 : i32 to index
    %swap3A_725 = arith.constant 928 : index
    %swap3A_726 = tpu.vector_load %arg7[%swap3A_724, %swap3A_725] {strides = array<i32>} : memref<2x1152xi32, #tpu.memory_space<vmem>>, vector<16xi32>,
    tpu.vector_store %arg7[%swap3A_724, %swap3A_725], %add3A_723 {strides = array<i32>} : memref<2x1152xi32, #tpu.memory_space<vmem>>, vector<16xi32>,
    %get3A_727 = arith.constant 7 : i32
    %get3A_728 = arith.index_cast %rem3A_15 : i32 to index
    %get3A_729 = arith.index_cast %get3A_727 : i32 to index
    %get3A_730 = arith.constant 48 : index
    %get3A_731 = tpu.vector_load %arg6[%get3A_728, %get3A_729, %get3A_730] {strides = array<i32>} : memref<2x9x128xi32, #tpu.memory_space<vmem>>, vector<16xi32>,
    %mul3A_732 = arith.muli %get3A_731, %broadcast_in_dim3A_7 : vector<16xi32>
    %broadcast_in_dim3A_733 = arith.constant 400003 : i32
    %broadcast_in_dim3A_734 = vector.broadcast %broadcast_in_dim3A_733 : i32 to vector<16xi32>
    %add3A_735 = arith.addi %mul3A_732, %broadcast_in_dim3A_734 : vector<16xi32>
    %swap3A_736 = arith.index_cast %rem3A_15 : i32 to index
    %swap3A_737 = arith.constant 944 : index
    %swap3A_738 = tpu.vector_load %arg7[%swap3A_736, %swap3A_737] {strides = array<i32>} : memref<2x1152xi32, #tpu.memory_space<vmem>>, vector<16xi32>,
    tpu.vector_store %arg7[%swap3A_736, %swap3A_737], %add3A_735 {strides = array<i32>} : memref<2x1152xi32, #tpu.memory_space<vmem>>, vector<16xi32>,
    %get3A_739 = arith.constant 7 : i32
    %get3A_740 = arith.index_cast %rem3A_15 : i32 to index
    %get3A_741 = arith.index_cast %get3A_739 : i32 to index
    %get3A_742 = arith.constant 64 : index
    %get3A_743 = tpu.vector_load %arg6[%get3A_740, %get3A_741, %get3A_742] {strides = array<i32>} : memref<2x9x128xi32, #tpu.memory_space<vmem>>, vector<16xi32>,
    %mul3A_744 = arith.muli %get3A_743, %broadcast_in_dim3A_7 : vector<16xi32>
    %broadcast_in_dim3A_745 = arith.constant 400003 : i32
    %broadcast_in_dim3A_746 = vector.broadcast %broadcast_in_dim3A_745 : i32 to vector<16xi32>
    %add3A_747 = arith.addi %mul3A_744, %broadcast_in_dim3A_746 : vector<16xi32>
    %swap3A_748 = arith.index_cast %rem3A_15 : i32 to index
    %swap3A_749 = arith.constant 960 : index
    %swap3A_750 = tpu.vector_load %arg7[%swap3A_748, %swap3A_749] {strides = array<i32>} : memref<2x1152xi32, #tpu.memory_space<vmem>>, vector<16xi32>,
    tpu.vector_store %arg7[%swap3A_748, %swap3A_749], %add3A_747 {strides = array<i32>} : memref<2x1152xi32, #tpu.memory_space<vmem>>, vector<16xi32>,
    %get3A_751 = arith.constant 7 : i32
    %get3A_752 = arith.index_cast %rem3A_15 : i32 to index
    %get3A_753 = arith.index_cast %get3A_751 : i32 to index
    %get3A_754 = arith.constant 80 : index
    %get3A_755 = tpu.vector_load %arg6[%get3A_752, %get3A_753, %get3A_754] {strides = array<i32>} : memref<2x9x128xi32, #tpu.memory_space<vmem>>, vector<16xi32>,
    %mul3A_756 = arith.muli %get3A_755, %broadcast_in_dim3A_7 : vector<16xi32>
    %broadcast_in_dim3A_757 = arith.constant 400003 : i32
    %broadcast_in_dim3A_758 = vector.broadcast %broadcast_in_dim3A_757 : i32 to vector<16xi32>
    %add3A_759 = arith.addi %mul3A_756, %broadcast_in_dim3A_758 : vector<16xi32>
    %swap3A_760 = arith.index_cast %rem3A_15 : i32 to index
    %swap3A_761 = arith.constant 976 : index
    %swap3A_762 = tpu.vector_load %arg7[%swap3A_760, %swap3A_761] {strides = array<i32>} : memref<2x1152xi32, #tpu.memory_space<vmem>>, vector<16xi32>,
    tpu.vector_store %arg7[%swap3A_760, %swap3A_761], %add3A_759 {strides = array<i32>} : memref<2x1152xi32, #tpu.memory_space<vmem>>, vector<16xi32>,
    %get3A_763 = arith.constant 7 : i32
    %get3A_764 = arith.index_cast %rem3A_15 : i32 to index
    %get3A_765 = arith.index_cast %get3A_763 : i32 to index
    %get3A_766 = arith.constant 96 : index
    %get3A_767 = tpu.vector_load %arg6[%get3A_764, %get3A_765, %get3A_766] {strides = array<i32>} : memref<2x9x128xi32, #tpu.memory_space<vmem>>, vector<16xi32>,
    %mul3A_768 = arith.muli %get3A_767, %broadcast_in_dim3A_7 : vector<16xi32>
    %broadcast_in_dim3A_769 = arith.constant 400003 : i32
    %broadcast_in_dim3A_770 = vector.broadcast %broadcast_in_dim3A_769 : i32 to vector<16xi32>
    %add3A_771 = arith.addi %mul3A_768, %broadcast_in_dim3A_770 : vector<16xi32>
    %swap3A_772 = arith.index_cast %rem3A_15 : i32 to index
    %swap3A_773 = arith.constant 992 : index
    %swap3A_774 = tpu.vector_load %arg7[%swap3A_772, %swap3A_773] {strides = array<i32>} : memref<2x1152xi32, #tpu.memory_space<vmem>>, vector<16xi32>,
    tpu.vector_store %arg7[%swap3A_772, %swap3A_773], %add3A_771 {strides = array<i32>} : memref<2x1152xi32, #tpu.memory_space<vmem>>, vector<16xi32>,
    %get3A_775 = arith.constant 7 : i32
    %get3A_776 = arith.index_cast %rem3A_15 : i32 to index
    %get3A_777 = arith.index_cast %get3A_775 : i32 to index
    %get3A_778 = arith.constant 112 : index
    %get3A_779 = tpu.vector_load %arg6[%get3A_776, %get3A_777, %get3A_778] {strides = array<i32>} : memref<2x9x128xi32, #tpu.memory_space<vmem>>, vector<16xi32>,
    %mul3A_780 = arith.muli %get3A_779, %broadcast_in_dim3A_7 : vector<16xi32>
    %broadcast_in_dim3A_781 = arith.constant 400003 : i32
    %broadcast_in_dim3A_782 = vector.broadcast %broadcast_in_dim3A_781 : i32 to vector<16xi32>
    %add3A_783 = arith.addi %mul3A_780, %broadcast_in_dim3A_782 : vector<16xi32>
    %swap3A_784 = arith.index_cast %rem3A_15 : i32 to index
    %swap3A_785 = arith.constant 1008 : index
    %swap3A_786 = tpu.vector_load %arg7[%swap3A_784, %swap3A_785] {strides = array<i32>} : memref<2x1152xi32, #tpu.memory_space<vmem>>, vector<16xi32>,
    tpu.vector_store %arg7[%swap3A_784, %swap3A_785], %add3A_783 {strides = array<i32>} : memref<2x1152xi32, #tpu.memory_space<vmem>>, vector<16xi32>,
    %get3A_787 = arith.constant 8 : i32
    %get3A_788 = arith.index_cast %rem3A_15 : i32 to index
    %get3A_789 = arith.index_cast %get3A_787 : i32 to index
    %get3A_790 = arith.constant 0 : index
    %get3A_791 = tpu.vector_load %arg6[%get3A_788, %get3A_789, %get3A_790] {strides = array<i32>} : memref<2x9x128xi32, #tpu.memory_space<vmem>>, vector<16xi32>,
    %mul3A_792 = arith.muli %get3A_791, %broadcast_in_dim3A_7 : vector<16xi32>
    %broadcast_in_dim3A_793 = arith.constant 800000 : i32
    %broadcast_in_dim3A_794 = vector.broadcast %broadcast_in_dim3A_793 : i32 to vector<16xi32>
    %add3A_795 = arith.addi %mul3A_792, %broadcast_in_dim3A_794 : vector<16xi32>
    %swap3A_796 = arith.index_cast %rem3A_15 : i32 to index
    %swap3A_797 = arith.constant 1024 : index
    %swap3A_798 = tpu.vector_load %arg7[%swap3A_796, %swap3A_797] {strides = array<i32>} : memref<2x1152xi32, #tpu.memory_space<vmem>>, vector<16xi32>,
    tpu.vector_store %arg7[%swap3A_796, %swap3A_797], %add3A_795 {strides = array<i32>} : memref<2x1152xi32, #tpu.memory_space<vmem>>, vector<16xi32>,
    %get3A_799 = arith.constant 8 : i32
    %get3A_800 = arith.index_cast %rem3A_15 : i32 to index
    %get3A_801 = arith.index_cast %get3A_799 : i32 to index
    %get3A_802 = arith.constant 16 : index
    %get3A_803 = tpu.vector_load %arg6[%get3A_800, %get3A_801, %get3A_802] {strides = array<i32>} : memref<2x9x128xi32, #tpu.memory_space<vmem>>, vector<16xi32>,
    %mul3A_804 = arith.muli %get3A_803, %broadcast_in_dim3A_7 : vector<16xi32>
    %broadcast_in_dim3A_805 = arith.constant 800000 : i32
    %broadcast_in_dim3A_806 = vector.broadcast %broadcast_in_dim3A_805 : i32 to vector<16xi32>
    %add3A_807 = arith.addi %mul3A_804, %broadcast_in_dim3A_806 : vector<16xi32>
    %swap3A_808 = arith.index_cast %rem3A_15 : i32 to index
    %swap3A_809 = arith.constant 1040 : index
    %swap3A_810 = tpu.vector_load %arg7[%swap3A_808, %swap3A_809] {strides = array<i32>} : memref<2x1152xi32, #tpu.memory_space<vmem>>, vector<16xi32>,
    tpu.vector_store %arg7[%swap3A_808, %swap3A_809], %add3A_807 {strides = array<i32>} : memref<2x1152xi32, #tpu.memory_space<vmem>>, vector<16xi32>,
    %get3A_811 = arith.constant 8 : i32
    %get3A_812 = arith.index_cast %rem3A_15 : i32 to index
    %get3A_813 = arith.index_cast %get3A_811 : i32 to index
    %get3A_814 = arith.constant 32 : index
    %get3A_815 = tpu.vector_load %arg6[%get3A_812, %get3A_813, %get3A_814] {strides = array<i32>} : memref<2x9x128xi32, #tpu.memory_space<vmem>>, vector<16xi32>,
    %mul3A_816 = arith.muli %get3A_815, %broadcast_in_dim3A_7 : vector<16xi32>
    %broadcast_in_dim3A_817 = arith.constant 800000 : i32
    %broadcast_in_dim3A_818 = vector.broadcast %broadcast_in_dim3A_817 : i32 to vector<16xi32>
    %add3A_819 = arith.addi %mul3A_816, %broadcast_in_dim3A_818 : vector<16xi32>
    %swap3A_820 = arith.index_cast %rem3A_15 : i32 to index
    %swap3A_821 = arith.constant 1056 : index
    %swap3A_822 = tpu.vector_load %arg7[%swap3A_820, %swap3A_821] {strides = array<i32>} : memref<2x1152xi32, #tpu.memory_space<vmem>>, vector<16xi32>,
    tpu.vector_store %arg7[%swap3A_820, %swap3A_821], %add3A_819 {strides = array<i32>} : memref<2x1152xi32, #tpu.memory_space<vmem>>, vector<16xi32>,
    %get3A_823 = arith.constant 8 : i32
    %get3A_824 = arith.index_cast %rem3A_15 : i32 to index
    %get3A_825 = arith.index_cast %get3A_823 : i32 to index
    %get3A_826 = arith.constant 48 : index
    %get3A_827 = tpu.vector_load %arg6[%get3A_824, %get3A_825, %get3A_826] {strides = array<i32>} : memref<2x9x128xi32, #tpu.memory_space<vmem>>, vector<16xi32>,
    %mul3A_828 = arith.muli %get3A_827, %broadcast_in_dim3A_7 : vector<16xi32>
    %broadcast_in_dim3A_829 = arith.constant 800000 : i32
    %broadcast_in_dim3A_830 = vector.broadcast %broadcast_in_dim3A_829 : i32 to vector<16xi32>
    %add3A_831 = arith.addi %mul3A_828, %broadcast_in_dim3A_830 : vector<16xi32>
    %swap3A_832 = arith.index_cast %rem3A_15 : i32 to index
    %swap3A_833 = arith.constant 1072 : index
    %swap3A_834 = tpu.vector_load %arg7[%swap3A_832, %swap3A_833] {strides = array<i32>} : memref<2x1152xi32, #tpu.memory_space<vmem>>, vector<16xi32>,
    tpu.vector_store %arg7[%swap3A_832, %swap3A_833], %add3A_831 {strides = array<i32>} : memref<2x1152xi32, #tpu.memory_space<vmem>>, vector<16xi32>,
    %get3A_835 = arith.constant 8 : i32
    %get3A_836 = arith.index_cast %rem3A_15 : i32 to index
    %get3A_837 = arith.index_cast %get3A_835 : i32 to index
    %get3A_838 = arith.constant 64 : index
    %get3A_839 = tpu.vector_load %arg6[%get3A_836, %get3A_837, %get3A_838] {strides = array<i32>} : memref<2x9x128xi32, #tpu.memory_space<vmem>>, vector<16xi32>,
    %mul3A_840 = arith.muli %get3A_839, %broadcast_in_dim3A_7 : vector<16xi32>
    %broadcast_in_dim3A_841 = arith.constant 800000 : i32
    %broadcast_in_dim3A_842 = vector.broadcast %broadcast_in_dim3A_841 : i32 to vector<16xi32>
    %add3A_843 = arith.addi %mul3A_840, %broadcast_in_dim3A_842 : vector<16xi32>
    %swap3A_844 = arith.index_cast %rem3A_15 : i32 to index
    %swap3A_845 = arith.constant 1088 : index
    %swap3A_846 = tpu.vector_load %arg7[%swap3A_844, %swap3A_845] {strides = array<i32>} : memref<2x1152xi32, #tpu.memory_space<vmem>>, vector<16xi32>,
    tpu.vector_store %arg7[%swap3A_844, %swap3A_845], %add3A_843 {strides = array<i32>} : memref<2x1152xi32, #tpu.memory_space<vmem>>, vector<16xi32>,
    %get3A_847 = arith.constant 8 : i32
    %get3A_848 = arith.index_cast %rem3A_15 : i32 to index
    %get3A_849 = arith.index_cast %get3A_847 : i32 to index
    %get3A_850 = arith.constant 80 : index
    %get3A_851 = tpu.vector_load %arg6[%get3A_848, %get3A_849, %get3A_850] {strides = array<i32>} : memref<2x9x128xi32, #tpu.memory_space<vmem>>, vector<16xi32>,
    %mul3A_852 = arith.muli %get3A_851, %broadcast_in_dim3A_7 : vector<16xi32>
    %broadcast_in_dim3A_853 = arith.constant 800000 : i32
    %broadcast_in_dim3A_854 = vector.broadcast %broadcast_in_dim3A_853 : i32 to vector<16xi32>
    %add3A_855 = arith.addi %mul3A_852, %broadcast_in_dim3A_854 : vector<16xi32>
    %swap3A_856 = arith.index_cast %rem3A_15 : i32 to index
    %swap3A_857 = arith.constant 1104 : index
    %swap3A_858 = tpu.vector_load %arg7[%swap3A_856, %swap3A_857] {strides = array<i32>} : memref<2x1152xi32, #tpu.memory_space<vmem>>, vector<16xi32>,
    tpu.vector_store %arg7[%swap3A_856, %swap3A_857], %add3A_855 {strides = array<i32>} : memref<2x1152xi32, #tpu.memory_space<vmem>>, vector<16xi32>,
    %get3A_859 = arith.constant 8 : i32
    %get3A_860 = arith.index_cast %rem3A_15 : i32 to index
    %get3A_861 = arith.index_cast %get3A_859 : i32 to index
    %get3A_862 = arith.constant 96 : index
    %get3A_863 = tpu.vector_load %arg6[%get3A_860, %get3A_861, %get3A_862] {strides = array<i32>} : memref<2x9x128xi32, #tpu.memory_space<vmem>>, vector<16xi32>,
    %mul3A_864 = arith.muli %get3A_863, %broadcast_in_dim3A_7 : vector<16xi32>
    %broadcast_in_dim3A_865 = arith.constant 800000 : i32
    %broadcast_in_dim3A_866 = vector.broadcast %broadcast_in_dim3A_865 : i32 to vector<16xi32>
    %add3A_867 = arith.addi %mul3A_864, %broadcast_in_dim3A_866 : vector<16xi32>
    %swap3A_868 = arith.index_cast %rem3A_15 : i32 to index
    %swap3A_869 = arith.constant 1120 : index
    %swap3A_870 = tpu.vector_load %arg7[%swap3A_868, %swap3A_869] {strides = array<i32>} : memref<2x1152xi32, #tpu.memory_space<vmem>>, vector<16xi32>,
    tpu.vector_store %arg7[%swap3A_868, %swap3A_869], %add3A_867 {strides = array<i32>} : memref<2x1152xi32, #tpu.memory_space<vmem>>, vector<16xi32>,
    %get3A_871 = arith.constant 8 : i32
    %get3A_872 = arith.index_cast %rem3A_15 : i32 to index
    %get3A_873 = arith.index_cast %get3A_871 : i32 to index
    %get3A_874 = arith.constant 112 : index
    %get3A_875 = tpu.vector_load %arg6[%get3A_872, %get3A_873, %get3A_874] {strides = array<i32>} : memref<2x9x128xi32, #tpu.memory_space<vmem>>, vector<16xi32>,
    %mul3A_876 = arith.muli %get3A_875, %broadcast_in_dim3A_7 : vector<16xi32>
    %broadcast_in_dim3A_877 = arith.constant 800000 : i32
    %broadcast_in_dim3A_878 = vector.broadcast %broadcast_in_dim3A_877 : i32 to vector<16xi32>
    %add3A_879 = arith.addi %mul3A_876, %broadcast_in_dim3A_878 : vector<16xi32>
    %swap3A_880 = arith.index_cast %rem3A_15 : i32 to index
    %swap3A_881 = arith.constant 1136 : index
    %swap3A_882 = tpu.vector_load %arg7[%swap3A_880, %swap3A_881] {strides = array<i32>} : memref<2x1152xi32, #tpu.memory_space<vmem>>, vector<16xi32>,
    tpu.vector_store %arg7[%swap3A_880, %swap3A_881], %add3A_879 {strides = array<i32>} : memref<2x1152xi32, #tpu.memory_space<vmem>>, vector<16xi32>,
    %dma_start3A = arith.constant 0 : i32
    %dma_start3A_883 = arith.constant 0 : i32
    %dma_start3A_884 = tpu.memref_slice %arg8[%rem3A_15, %dma_start3A, %dma_start3A_883] : memref<2x1152x32xf32, #tpu.memory_space<vmem>> -> memref<1x1152x32xf32, #tpu.memory_space<vmem>>
    %dma_start3A_885 = tpu.memref_squeeze %dma_start3A_884 : memref<1x1152x32xf32, #tpu.memory_space<vmem>> -> memref<1152x32xf32, #tpu.memory_space<vmem>>
    %dma_start3A_886 = arith.constant 0 : i32
    %dma_start3A_887 = tpu.memref_slice %arg7[%rem3A_15, %dma_start3A_886] : memref<2x1152xi32, #tpu.memory_space<vmem>> -> memref<1x1152xi32, #tpu.memory_space<vmem>>
    %dma_start3A_888 = tpu.memref_squeeze %dma_start3A_887 : memref<1x1152xi32, #tpu.memory_space<vmem>> -> memref<1152xi32, #tpu.memory_space<vmem>>
    %dma_start3A_889 = arith.constant 0 : i32
    %dma_start3A_890 = arith.constant 0 : i32
    %dma_start3A_891 = tpu.memref_slice %arg2[%dma_start3A_889, %dma_start3A_890] : memref<1200000x32xf32, #tpu.memory_space<hbm>> -> memref<1200000x32xf32, #tpu.memory_space<hbm>>
    %dma_start3A_892 = tpu.memref_slice %arg11[%rem3A_15] : memref<2x!tpu.dma_semaphore, #tpu.memory_space<semaphore_mem>> -> memref<1x!tpu.dma_semaphore, #tpu.memory_space<semaphore_mem>>
    %dma_start3A_893 = tpu.memref_squeeze %dma_start3A_892 : memref<1x!tpu.dma_semaphore, #tpu.memory_space<semaphore_mem>> -> memref<!tpu.dma_semaphore, #tpu.memory_space<semaphore_mem>>
    tpu.enqueue_indirect_dma source(%dma_start3A_891 : memref<1200000x32xf32, #tpu.memory_space<hbm>>) target(%dma_start3A_885 : memref<1152x32xf32, #tpu.memory_space<vmem>>) offsets(%dma_start3A_888 : memref<1152xi32, #tpu.memory_space<vmem>>) semaphore(%dma_start3A_893 : memref<!tpu.dma_semaphore, #tpu.memory_space<semaphore_mem>>)
    %while3A = arith.constant 0 : i32
    %while3A_894 = arith.constant 0 : i32
    %while3A_895 = arith.subi %select_n3A, %while3A_894 : i32
    %while3A_896 = arith.addi %while3A_894, %while3A_895 : i32
    %while3A_897 = arith.constant 1 : i32
    %while3A_898 = arith.divsi %while3A_895, %while3A_897 : i32
    %while3A_899 = arith.muli %while3A_898, %while3A_897 : i32
    %while3A_900 = arith.addi %while3A_894, %while3A_899 : i32
    %while3A_901 = arith.constant 1 : i32
    scf.for %while3A_1057 = %while3A_894 to %while3A_900 step %while3A_901  : i32 {
      %rem3A_1058 = arith.constant 2 : i32
      %rem3A_1059 = arith.remsi %while3A_1057, %rem3A_1058 : i32
      %add3A_1060 = arith.addi %add3A_4, %while3A_1057 : i32
      %add3A_1061 = arith.constant 1 : i32
      %add3A_1062 = arith.addi %while3A_1057, %add3A_1061 : i32
      %lt3A_1063 = arith.cmpi slt, %add3A_1062, %select_n3A : i32
      %convert_element_type3A_1064 = arith.extui %lt3A_1063 : i1 to i32
      %cond3A_1065 = arith.constant 0 : i32
      %cond3A_1066 = arith.cmpi ne, %convert_element_type3A_1064, %cond3A_1065 : i32
      scf.if %cond3A_1066 {
        %add3A_1160 = arith.constant 1 : i32
        %add3A_1161 = arith.addi %while3A_1057, %add3A_1160 : i32
        %rem3A_1162 = arith.constant 2 : i32
        %rem3A_1163 = arith.remsi %add3A_1161, %rem3A_1162 : i32
        %add3A_1164 = arith.addi %add3A_4, %add3A_1161 : i32
        %mul3A_1165 = arith.constant 128 : i32
        %mul3A_1166 = arith.muli %add3A_1164, %mul3A_1165 : i32
        "tpu.region"() ({
          %run_scoped3A = tpu.sem_alloc : memref<!tpu.dma_semaphore, #tpu.memory_space<semaphore_mem>>
          %dma_start3A_2043 = arith.constant 0 : i32
          %dma_start3A_2044 = arith.constant 0 : i32
          %dma_start3A_2045 = tpu.memref_slice %arg6[%rem3A_1163, %dma_start3A_2043, %dma_start3A_2044] : memref<2x9x128xi32, #tpu.memory_space<vmem>> -> memref<1x9x128xi32, #tpu.memory_space<vmem>>
          %dma_start3A_2046 = tpu.memref_squeeze %dma_start3A_2045 : memref<1x9x128xi32, #tpu.memory_space<vmem>> -> memref<9x128xi32, #tpu.memory_space<vmem>>
          %dma_start3A_2047 = arith.constant 0 : i32
          %dma_start3A_2048 = tpu.memref_slice %arg3[%dma_start3A_2047, %mul3A_1166] : memref<9x100000xi32, #tpu.memory_space<hbm>> -> memref<9x128xi32, #tpu.memory_space<hbm>>
          %dma_start3A_2049 = arith.constant 0 : i32
          %dma_start3A_2050 = arith.constant 0 : i32
          %dma_start3A_2051 = tpu.memref_slice %arg6[%rem3A_1163, %dma_start3A_2049, %dma_start3A_2050] : memref<2x9x128xi32, #tpu.memory_space<vmem>> -> memref<1x9x128xi32, #tpu.memory_space<vmem>>
          %dma_start3A_2052 = tpu.memref_squeeze %dma_start3A_2051 : memref<1x9x128xi32, #tpu.memory_space<vmem>> -> memref<9x128xi32, #tpu.memory_space<vmem>>
          %dma_start3A_2053 = arith.constant 0 : i32
          %dma_start3A_2054 = tpu.memref_slice %arg3[%dma_start3A_2053, %mul3A_1166] : memref<9x100000xi32, #tpu.memory_space<hbm>> -> memref<9x128xi32, #tpu.memory_space<hbm>>
          tpu.enqueue_dma source(%dma_start3A_2054 : memref<9x128xi32, #tpu.memory_space<hbm>>) target(%dma_start3A_2052 : memref<9x128xi32, #tpu.memory_space<vmem>>) target_semaphore(%run_scoped3A : memref<!tpu.dma_semaphore, #tpu.memory_space<semaphore_mem>>)
          %dma_wait3A_2055 = arith.constant 0 : i32
          %dma_wait3A_2056 = arith.constant 0 : i32
          %dma_wait3A_2057 = tpu.memref_slice %arg6[%rem3A_1163, %dma_wait3A_2055, %dma_wait3A_2056] : memref<2x9x128xi32, #tpu.memory_space<vmem>> -> memref<1x9x128xi32, #tpu.memory_space<vmem>>
          %dma_wait3A_2058 = tpu.memref_squeeze %dma_wait3A_2057 : memref<1x9x128xi32, #tpu.memory_space<vmem>> -> memref<9x128xi32, #tpu.memory_space<vmem>>
          %dma_wait3A_2059 = arith.constant 0 : i32
          %dma_wait3A_2060 = tpu.memref_slice %arg3[%dma_wait3A_2059, %mul3A_1166] : memref<9x100000xi32, #tpu.memory_space<hbm>> -> memref<9x128xi32, #tpu.memory_space<hbm>>
          %dma_wait3A_2061 = arith.constant 0 : i32
          %dma_wait3A_2062 = arith.constant 0 : i32
          %dma_wait3A_2063 = tpu.memref_slice %arg6[%rem3A_1163, %dma_wait3A_2061, %dma_wait3A_2062] : memref<2x9x128xi32, #tpu.memory_space<vmem>> -> memref<1x9x128xi32, #tpu.memory_space<vmem>>
          %dma_wait3A_2064 = tpu.memref_squeeze %dma_wait3A_2063 : memref<1x9x128xi32, #tpu.memory_space<vmem>> -> memref<9x128xi32, #tpu.memory_space<vmem>>
          %dma_wait3A_2065 = arith.constant 0 : i32
          %dma_wait3A_2066 = tpu.memref_slice %arg3[%dma_wait3A_2065, %mul3A_1166] : memref<9x100000xi32, #tpu.memory_space<hbm>> -> memref<9x128xi32, #tpu.memory_space<hbm>>
          tpu.wait_dma2 semaphore(%run_scoped3A : memref<!tpu.dma_semaphore, #tpu.memory_space<semaphore_mem>>) src(%dma_wait3A_2066 : memref<9x128xi32, #tpu.memory_space<hbm>>) dst(%dma_wait3A_2064 : memref<9x128xi32, #tpu.memory_space<vmem>>)
          tpu.yield
        }) : () -> ()
        %get3A_1167 = arith.constant 0 : i32
        %get3A_1168 = arith.index_cast %rem3A_1163 : i32 to index
        %get3A_1169 = arith.index_cast %get3A_1167 : i32 to index
        %get3A_1170 = arith.constant 0 : index
        %get3A_1171 = tpu.vector_load %arg6[%get3A_1168, %get3A_1169, %get3A_1170] {strides = array<i32>} : memref<2x9x128xi32, #tpu.memory_space<vmem>>, vector<16xi32>,
        %mul3A_1172 = arith.muli %get3A_1171, %broadcast_in_dim3A_7 : vector<16xi32>
        %broadcast_in_dim3A_1173 = arith.constant 0 : i32
        %broadcast_in_dim3A_1174 = vector.broadcast %broadcast_in_dim3A_1173 : i32 to vector<16xi32>
        %add3A_1175 = arith.addi %mul3A_1172, %broadcast_in_dim3A_1174 : vector<16xi32>
        %swap3A_1176 = arith.index_cast %rem3A_1163 : i32 to index
        %swap3A_1177 = arith.constant 0 : index
        %swap3A_1178 = tpu.vector_load %arg7[%swap3A_1176, %swap3A_1177] {strides = array<i32>} : memref<2x1152xi32, #tpu.memory_space<vmem>>, vector<16xi32>,
        tpu.vector_store %arg7[%swap3A_1176, %swap3A_1177], %add3A_1175 {strides = array<i32>} : memref<2x1152xi32, #tpu.memory_space<vmem>>, vector<16xi32>,
        %get3A_1179 = arith.constant 0 : i32
        %get3A_1180 = arith.index_cast %rem3A_1163 : i32 to index
        %get3A_1181 = arith.index_cast %get3A_1179 : i32 to index
        %get3A_1182 = arith.constant 16 : index
        %get3A_1183 = tpu.vector_load %arg6[%get3A_1180, %get3A_1181, %get3A_1182] {strides = array<i32>} : memref<2x9x128xi32, #tpu.memory_space<vmem>>, vector<16xi32>,
        %mul3A_1184 = arith.muli %get3A_1183, %broadcast_in_dim3A_7 : vector<16xi32>
        %broadcast_in_dim3A_1185 = arith.constant 0 : i32
        %broadcast_in_dim3A_1186 = vector.broadcast %broadcast_in_dim3A_1185 : i32 to vector<16xi32>
        %add3A_1187 = arith.addi %mul3A_1184, %broadcast_in_dim3A_1186 : vector<16xi32>
        %swap3A_1188 = arith.index_cast %rem3A_1163 : i32 to index
        %swap3A_1189 = arith.constant 16 : index
        %swap3A_1190 = tpu.vector_load %arg7[%swap3A_1188, %swap3A_1189] {strides = array<i32>} : memref<2x1152xi32, #tpu.memory_space<vmem>>, vector<16xi32>,
        tpu.vector_store %arg7[%swap3A_1188, %swap3A_1189], %add3A_1187 {strides = array<i32>} : memref<2x1152xi32, #tpu.memory_space<vmem>>, vector<16xi32>,
        %get3A_1191 = arith.constant 0 : i32
        %get3A_1192 = arith.index_cast %rem3A_1163 : i32 to index
        %get3A_1193 = arith.index_cast %get3A_1191 : i32 to index
        %get3A_1194 = arith.constant 32 : index
        %get3A_1195 = tpu.vector_load %arg6[%get3A_1192, %get3A_1193, %get3A_1194] {strides = array<i32>} : memref<2x9x128xi32, #tpu.memory_space<vmem>>, vector<16xi32>,
        %mul3A_1196 = arith.muli %get3A_1195, %broadcast_in_dim3A_7 : vector<16xi32>
        %broadcast_in_dim3A_1197 = arith.constant 0 : i32
        %broadcast_in_dim3A_1198 = vector.broadcast %broadcast_in_dim3A_1197 : i32 to vector<16xi32>
        %add3A_1199 = arith.addi %mul3A_1196, %broadcast_in_dim3A_1198 : vector<16xi32>
        %swap3A_1200 = arith.index_cast %rem3A_1163 : i32 to index
        %swap3A_1201 = arith.constant 32 : index
        %swap3A_1202 = tpu.vector_load %arg7[%swap3A_1200, %swap3A_1201] {strides = array<i32>} : memref<2x1152xi32, #tpu.memory_space<vmem>>, vector<16xi32>,
        tpu.vector_store %arg7[%swap3A_1200, %swap3A_1201], %add3A_1199 {strides = array<i32>} : memref<2x1152xi32, #tpu.memory_space<vmem>>, vector<16xi32>,
        %get3A_1203 = arith.constant 0 : i32
        %get3A_1204 = arith.index_cast %rem3A_1163 : i32 to index
        %get3A_1205 = arith.index_cast %get3A_1203 : i32 to index
        %get3A_1206 = arith.constant 48 : index
        %get3A_1207 = tpu.vector_load %arg6[%get3A_1204, %get3A_1205, %get3A_1206] {strides = array<i32>} : memref<2x9x128xi32, #tpu.memory_space<vmem>>, vector<16xi32>,
        %mul3A_1208 = arith.muli %get3A_1207, %broadcast_in_dim3A_7 : vector<16xi32>
        %broadcast_in_dim3A_1209 = arith.constant 0 : i32
        %broadcast_in_dim3A_1210 = vector.broadcast %broadcast_in_dim3A_1209 : i32 to vector<16xi32>
        %add3A_1211 = arith.addi %mul3A_1208, %broadcast_in_dim3A_1210 : vector<16xi32>
        %swap3A_1212 = arith.index_cast %rem3A_1163 : i32 to index
        %swap3A_1213 = arith.constant 48 : index
        %swap3A_1214 = tpu.vector_load %arg7[%swap3A_1212, %swap3A_1213] {strides = array<i32>} : memref<2x1152xi32, #tpu.memory_space<vmem>>, vector<16xi32>,
        tpu.vector_store %arg7[%swap3A_1212, %swap3A_1213], %add3A_1211 {strides = array<i32>} : memref<2x1152xi32, #tpu.memory_space<vmem>>, vector<16xi32>,
        %get3A_1215 = arith.constant 0 : i32
        %get3A_1216 = arith.index_cast %rem3A_1163 : i32 to index
        %get3A_1217 = arith.index_cast %get3A_1215 : i32 to index
        %get3A_1218 = arith.constant 64 : index
        %get3A_1219 = tpu.vector_load %arg6[%get3A_1216, %get3A_1217, %get3A_1218] {strides = array<i32>} : memref<2x9x128xi32, #tpu.memory_space<vmem>>, vector<16xi32>,
        %mul3A_1220 = arith.muli %get3A_1219, %broadcast_in_dim3A_7 : vector<16xi32>
        %broadcast_in_dim3A_1221 = arith.constant 0 : i32
        %broadcast_in_dim3A_1222 = vector.broadcast %broadcast_in_dim3A_1221 : i32 to vector<16xi32>
        %add3A_1223 = arith.addi %mul3A_1220, %broadcast_in_dim3A_1222 : vector<16xi32>
        %swap3A_1224 = arith.index_cast %rem3A_1163 : i32 to index
        %swap3A_1225 = arith.constant 64 : index
        %swap3A_1226 = tpu.vector_load %arg7[%swap3A_1224, %swap3A_1225] {strides = array<i32>} : memref<2x1152xi32, #tpu.memory_space<vmem>>, vector<16xi32>,
        tpu.vector_store %arg7[%swap3A_1224, %swap3A_1225], %add3A_1223 {strides = array<i32>} : memref<2x1152xi32, #tpu.memory_space<vmem>>, vector<16xi32>,
        %get3A_1227 = arith.constant 0 : i32
        %get3A_1228 = arith.index_cast %rem3A_1163 : i32 to index
        %get3A_1229 = arith.index_cast %get3A_1227 : i32 to index
        %get3A_1230 = arith.constant 80 : index
        %get3A_1231 = tpu.vector_load %arg6[%get3A_1228, %get3A_1229, %get3A_1230] {strides = array<i32>} : memref<2x9x128xi32, #tpu.memory_space<vmem>>, vector<16xi32>,
        %mul3A_1232 = arith.muli %get3A_1231, %broadcast_in_dim3A_7 : vector<16xi32>
        %broadcast_in_dim3A_1233 = arith.constant 0 : i32
        %broadcast_in_dim3A_1234 = vector.broadcast %broadcast_in_dim3A_1233 : i32 to vector<16xi32>
        %add3A_1235 = arith.addi %mul3A_1232, %broadcast_in_dim3A_1234 : vector<16xi32>
        %swap3A_1236 = arith.index_cast %rem3A_1163 : i32 to index
        %swap3A_1237 = arith.constant 80 : index
        %swap3A_1238 = tpu.vector_load %arg7[%swap3A_1236, %swap3A_1237] {strides = array<i32>} : memref<2x1152xi32, #tpu.memory_space<vmem>>, vector<16xi32>,
        tpu.vector_store %arg7[%swap3A_1236, %swap3A_1237], %add3A_1235 {strides = array<i32>} : memref<2x1152xi32, #tpu.memory_space<vmem>>, vector<16xi32>,
        %get3A_1239 = arith.constant 0 : i32
        %get3A_1240 = arith.index_cast %rem3A_1163 : i32 to index
        %get3A_1241 = arith.index_cast %get3A_1239 : i32 to index
        %get3A_1242 = arith.constant 96 : index
        %get3A_1243 = tpu.vector_load %arg6[%get3A_1240, %get3A_1241, %get3A_1242] {strides = array<i32>} : memref<2x9x128xi32, #tpu.memory_space<vmem>>, vector<16xi32>,
        %mul3A_1244 = arith.muli %get3A_1243, %broadcast_in_dim3A_7 : vector<16xi32>
        %broadcast_in_dim3A_1245 = arith.constant 0 : i32
        %broadcast_in_dim3A_1246 = vector.broadcast %broadcast_in_dim3A_1245 : i32 to vector<16xi32>
        %add3A_1247 = arith.addi %mul3A_1244, %broadcast_in_dim3A_1246 : vector<16xi32>
        %swap3A_1248 = arith.index_cast %rem3A_1163 : i32 to index
        %swap3A_1249 = arith.constant 96 : index
        %swap3A_1250 = tpu.vector_load %arg7[%swap3A_1248, %swap3A_1249] {strides = array<i32>} : memref<2x1152xi32, #tpu.memory_space<vmem>>, vector<16xi32>,
        tpu.vector_store %arg7[%swap3A_1248, %swap3A_1249], %add3A_1247 {strides = array<i32>} : memref<2x1152xi32, #tpu.memory_space<vmem>>, vector<16xi32>,
        %get3A_1251 = arith.constant 0 : i32
        %get3A_1252 = arith.index_cast %rem3A_1163 : i32 to index
        %get3A_1253 = arith.index_cast %get3A_1251 : i32 to index
        %get3A_1254 = arith.constant 112 : index
        %get3A_1255 = tpu.vector_load %arg6[%get3A_1252, %get3A_1253, %get3A_1254] {strides = array<i32>} : memref<2x9x128xi32, #tpu.memory_space<vmem>>, vector<16xi32>,
        %mul3A_1256 = arith.muli %get3A_1255, %broadcast_in_dim3A_7 : vector<16xi32>
        %broadcast_in_dim3A_1257 = arith.constant 0 : i32
        %broadcast_in_dim3A_1258 = vector.broadcast %broadcast_in_dim3A_1257 : i32 to vector<16xi32>
        %add3A_1259 = arith.addi %mul3A_1256, %broadcast_in_dim3A_1258 : vector<16xi32>
        %swap3A_1260 = arith.index_cast %rem3A_1163 : i32 to index
        %swap3A_1261 = arith.constant 112 : index
        %swap3A_1262 = tpu.vector_load %arg7[%swap3A_1260, %swap3A_1261] {strides = array<i32>} : memref<2x1152xi32, #tpu.memory_space<vmem>>, vector<16xi32>,
        tpu.vector_store %arg7[%swap3A_1260, %swap3A_1261], %add3A_1259 {strides = array<i32>} : memref<2x1152xi32, #tpu.memory_space<vmem>>, vector<16xi32>,
        %get3A_1263 = arith.constant 1 : i32
        %get3A_1264 = arith.index_cast %rem3A_1163 : i32 to index
        %get3A_1265 = arith.index_cast %get3A_1263 : i32 to index
        %get3A_1266 = arith.constant 0 : index
        %get3A_1267 = tpu.vector_load %arg6[%get3A_1264, %get3A_1265, %get3A_1266] {strides = array<i32>} : memref<2x9x128xi32, #tpu.memory_space<vmem>>, vector<16xi32>,
        %mul3A_1268 = arith.muli %get3A_1267, %broadcast_in_dim3A_7 : vector<16xi32>
        %broadcast_in_dim3A_1269 = arith.constant 1 : i32
        %broadcast_in_dim3A_1270 = vector.broadcast %broadcast_in_dim3A_1269 : i32 to vector<16xi32>
        %add3A_1271 = arith.addi %mul3A_1268, %broadcast_in_dim3A_1270 : vector<16xi32>
        %swap3A_1272 = arith.index_cast %rem3A_1163 : i32 to index
        %swap3A_1273 = arith.constant 128 : index
        %swap3A_1274 = tpu.vector_load %arg7[%swap3A_1272, %swap3A_1273] {strides = array<i32>} : memref<2x1152xi32, #tpu.memory_space<vmem>>, vector<16xi32>,
        tpu.vector_store %arg7[%swap3A_1272, %swap3A_1273], %add3A_1271 {strides = array<i32>} : memref<2x1152xi32, #tpu.memory_space<vmem>>, vector<16xi32>,
        %get3A_1275 = arith.constant 1 : i32
        %get3A_1276 = arith.index_cast %rem3A_1163 : i32 to index
        %get3A_1277 = arith.index_cast %get3A_1275 : i32 to index
        %get3A_1278 = arith.constant 16 : index
        %get3A_1279 = tpu.vector_load %arg6[%get3A_1276, %get3A_1277, %get3A_1278] {strides = array<i32>} : memref<2x9x128xi32, #tpu.memory_space<vmem>>, vector<16xi32>,
        %mul3A_1280 = arith.muli %get3A_1279, %broadcast_in_dim3A_7 : vector<16xi32>
        %broadcast_in_dim3A_1281 = arith.constant 1 : i32
        %broadcast_in_dim3A_1282 = vector.broadcast %broadcast_in_dim3A_1281 : i32 to vector<16xi32>
        %add3A_1283 = arith.addi %mul3A_1280, %broadcast_in_dim3A_1282 : vector<16xi32>
        %swap3A_1284 = arith.index_cast %rem3A_1163 : i32 to index
        %swap3A_1285 = arith.constant 144 : index
        %swap3A_1286 = tpu.vector_load %arg7[%swap3A_1284, %swap3A_1285] {strides = array<i32>} : memref<2x1152xi32, #tpu.memory_space<vmem>>, vector<16xi32>,
        tpu.vector_store %arg7[%swap3A_1284, %swap3A_1285], %add3A_1283 {strides = array<i32>} : memref<2x1152xi32, #tpu.memory_space<vmem>>, vector<16xi32>,
        %get3A_1287 = arith.constant 1 : i32
        %get3A_1288 = arith.index_cast %rem3A_1163 : i32 to index
        %get3A_1289 = arith.index_cast %get3A_1287 : i32 to index
        %get3A_1290 = arith.constant 32 : index
        %get3A_1291 = tpu.vector_load %arg6[%get3A_1288, %get3A_1289, %get3A_1290] {strides = array<i32>} : memref<2x9x128xi32, #tpu.memory_space<vmem>>, vector<16xi32>,
        %mul3A_1292 = arith.muli %get3A_1291, %broadcast_in_dim3A_7 : vector<16xi32>
        %broadcast_in_dim3A_1293 = arith.constant 1 : i32
        %broadcast_in_dim3A_1294 = vector.broadcast %broadcast_in_dim3A_1293 : i32 to vector<16xi32>
        %add3A_1295 = arith.addi %mul3A_1292, %broadcast_in_dim3A_1294 : vector<16xi32>
        %swap3A_1296 = arith.index_cast %rem3A_1163 : i32 to index
        %swap3A_1297 = arith.constant 160 : index
        %swap3A_1298 = tpu.vector_load %arg7[%swap3A_1296, %swap3A_1297] {strides = array<i32>} : memref<2x1152xi32, #tpu.memory_space<vmem>>, vector<16xi32>,
        tpu.vector_store %arg7[%swap3A_1296, %swap3A_1297], %add3A_1295 {strides = array<i32>} : memref<2x1152xi32, #tpu.memory_space<vmem>>, vector<16xi32>,
        %get3A_1299 = arith.constant 1 : i32
        %get3A_1300 = arith.index_cast %rem3A_1163 : i32 to index
        %get3A_1301 = arith.index_cast %get3A_1299 : i32 to index
        %get3A_1302 = arith.constant 48 : index
        %get3A_1303 = tpu.vector_load %arg6[%get3A_1300, %get3A_1301, %get3A_1302] {strides = array<i32>} : memref<2x9x128xi32, #tpu.memory_space<vmem>>, vector<16xi32>,
        %mul3A_1304 = arith.muli %get3A_1303, %broadcast_in_dim3A_7 : vector<16xi32>
        %broadcast_in_dim3A_1305 = arith.constant 1 : i32
        %broadcast_in_dim3A_1306 = vector.broadcast %broadcast_in_dim3A_1305 : i32 to vector<16xi32>
        %add3A_1307 = arith.addi %mul3A_1304, %broadcast_in_dim3A_1306 : vector<16xi32>
        %swap3A_1308 = arith.index_cast %rem3A_1163 : i32 to index
        %swap3A_1309 = arith.constant 176 : index
        %swap3A_1310 = tpu.vector_load %arg7[%swap3A_1308, %swap3A_1309] {strides = array<i32>} : memref<2x1152xi32, #tpu.memory_space<vmem>>, vector<16xi32>,
        tpu.vector_store %arg7[%swap3A_1308, %swap3A_1309], %add3A_1307 {strides = array<i32>} : memref<2x1152xi32, #tpu.memory_space<vmem>>, vector<16xi32>,
        %get3A_1311 = arith.constant 1 : i32
        %get3A_1312 = arith.index_cast %rem3A_1163 : i32 to index
        %get3A_1313 = arith.index_cast %get3A_1311 : i32 to index
        %get3A_1314 = arith.constant 64 : index
        %get3A_1315 = tpu.vector_load %arg6[%get3A_1312, %get3A_1313, %get3A_1314] {strides = array<i32>} : memref<2x9x128xi32, #tpu.memory_space<vmem>>, vector<16xi32>,
        %mul3A_1316 = arith.muli %get3A_1315, %broadcast_in_dim3A_7 : vector<16xi32>
        %broadcast_in_dim3A_1317 = arith.constant 1 : i32
        %broadcast_in_dim3A_1318 = vector.broadcast %broadcast_in_dim3A_1317 : i32 to vector<16xi32>
        %add3A_1319 = arith.addi %mul3A_1316, %broadcast_in_dim3A_1318 : vector<16xi32>
        %swap3A_1320 = arith.index_cast %rem3A_1163 : i32 to index
        %swap3A_1321 = arith.constant 192 : index
        %swap3A_1322 = tpu.vector_load %arg7[%swap3A_1320, %swap3A_1321] {strides = array<i32>} : memref<2x1152xi32, #tpu.memory_space<vmem>>, vector<16xi32>,
        tpu.vector_store %arg7[%swap3A_1320, %swap3A_1321], %add3A_1319 {strides = array<i32>} : memref<2x1152xi32, #tpu.memory_space<vmem>>, vector<16xi32>,
        %get3A_1323 = arith.constant 1 : i32
        %get3A_1324 = arith.index_cast %rem3A_1163 : i32 to index
        %get3A_1325 = arith.index_cast %get3A_1323 : i32 to index
        %get3A_1326 = arith.constant 80 : index
        %get3A_1327 = tpu.vector_load %arg6[%get3A_1324, %get3A_1325, %get3A_1326] {strides = array<i32>} : memref<2x9x128xi32, #tpu.memory_space<vmem>>, vector<16xi32>,
        %mul3A_1328 = arith.muli %get3A_1327, %broadcast_in_dim3A_7 : vector<16xi32>
        %broadcast_in_dim3A_1329 = arith.constant 1 : i32
        %broadcast_in_dim3A_1330 = vector.broadcast %broadcast_in_dim3A_1329 : i32 to vector<16xi32>
        %add3A_1331 = arith.addi %mul3A_1328, %broadcast_in_dim3A_1330 : vector<16xi32>
        %swap3A_1332 = arith.index_cast %rem3A_1163 : i32 to index
        %swap3A_1333 = arith.constant 208 : index
        %swap3A_1334 = tpu.vector_load %arg7[%swap3A_1332, %swap3A_1333] {strides = array<i32>} : memref<2x1152xi32, #tpu.memory_space<vmem>>, vector<16xi32>,
        tpu.vector_store %arg7[%swap3A_1332, %swap3A_1333], %add3A_1331 {strides = array<i32>} : memref<2x1152xi32, #tpu.memory_space<vmem>>, vector<16xi32>,
        %get3A_1335 = arith.constant 1 : i32
        %get3A_1336 = arith.index_cast %rem3A_1163 : i32 to index
        %get3A_1337 = arith.index_cast %get3A_1335 : i32 to index
        %get3A_1338 = arith.constant 96 : index
        %get3A_1339 = tpu.vector_load %arg6[%get3A_1336, %get3A_1337, %get3A_1338] {strides = array<i32>} : memref<2x9x128xi32, #tpu.memory_space<vmem>>, vector<16xi32>,
        %mul3A_1340 = arith.muli %get3A_1339, %broadcast_in_dim3A_7 : vector<16xi32>
        %broadcast_in_dim3A_1341 = arith.constant 1 : i32
        %broadcast_in_dim3A_1342 = vector.broadcast %broadcast_in_dim3A_1341 : i32 to vector<16xi32>
        %add3A_1343 = arith.addi %mul3A_1340, %broadcast_in_dim3A_1342 : vector<16xi32>
        %swap3A_1344 = arith.index_cast %rem3A_1163 : i32 to index
        %swap3A_1345 = arith.constant 224 : index
        %swap3A_1346 = tpu.vector_load %arg7[%swap3A_1344, %swap3A_1345] {strides = array<i32>} : memref<2x1152xi32, #tpu.memory_space<vmem>>, vector<16xi32>,
        tpu.vector_store %arg7[%swap3A_1344, %swap3A_1345], %add3A_1343 {strides = array<i32>} : memref<2x1152xi32, #tpu.memory_space<vmem>>, vector<16xi32>,
        %get3A_1347 = arith.constant 1 : i32
        %get3A_1348 = arith.index_cast %rem3A_1163 : i32 to index
        %get3A_1349 = arith.index_cast %get3A_1347 : i32 to index
        %get3A_1350 = arith.constant 112 : index
        %get3A_1351 = tpu.vector_load %arg6[%get3A_1348, %get3A_1349, %get3A_1350] {strides = array<i32>} : memref<2x9x128xi32, #tpu.memory_space<vmem>>, vector<16xi32>,
        %mul3A_1352 = arith.muli %get3A_1351, %broadcast_in_dim3A_7 : vector<16xi32>
        %broadcast_in_dim3A_1353 = arith.constant 1 : i32
        %broadcast_in_dim3A_1354 = vector.broadcast %broadcast_in_dim3A_1353 : i32 to vector<16xi32>
        %add3A_1355 = arith.addi %mul3A_1352, %broadcast_in_dim3A_1354 : vector<16xi32>
        %swap3A_1356 = arith.index_cast %rem3A_1163 : i32 to index
        %swap3A_1357 = arith.constant 240 : index
        %swap3A_1358 = tpu.vector_load %arg7[%swap3A_1356, %swap3A_1357] {strides = array<i32>} : memref<2x1152xi32, #tpu.memory_space<vmem>>, vector<16xi32>,
        tpu.vector_store %arg7[%swap3A_1356, %swap3A_1357], %add3A_1355 {strides = array<i32>} : memref<2x1152xi32, #tpu.memory_space<vmem>>, vector<16xi32>,
        %get3A_1359 = arith.constant 2 : i32
        %get3A_1360 = arith.index_cast %rem3A_1163 : i32 to index
        %get3A_1361 = arith.index_cast %get3A_1359 : i32 to index
        %get3A_1362 = arith.constant 0 : index
        %get3A_1363 = tpu.vector_load %arg6[%get3A_1360, %get3A_1361, %get3A_1362] {strides = array<i32>} : memref<2x9x128xi32, #tpu.memory_space<vmem>>, vector<16xi32>,
        %mul3A_1364 = arith.muli %get3A_1363, %broadcast_in_dim3A_7 : vector<16xi32>
        %broadcast_in_dim3A_1365 = arith.constant 2 : i32
        %broadcast_in_dim3A_1366 = vector.broadcast %broadcast_in_dim3A_1365 : i32 to vector<16xi32>
        %add3A_1367 = arith.addi %mul3A_1364, %broadcast_in_dim3A_1366 : vector<16xi32>
        %swap3A_1368 = arith.index_cast %rem3A_1163 : i32 to index
        %swap3A_1369 = arith.constant 256 : index
        %swap3A_1370 = tpu.vector_load %arg7[%swap3A_1368, %swap3A_1369] {strides = array<i32>} : memref<2x1152xi32, #tpu.memory_space<vmem>>, vector<16xi32>,
        tpu.vector_store %arg7[%swap3A_1368, %swap3A_1369], %add3A_1367 {strides = array<i32>} : memref<2x1152xi32, #tpu.memory_space<vmem>>, vector<16xi32>,
        %get3A_1371 = arith.constant 2 : i32
        %get3A_1372 = arith.index_cast %rem3A_1163 : i32 to index
        %get3A_1373 = arith.index_cast %get3A_1371 : i32 to index
        %get3A_1374 = arith.constant 16 : index
        %get3A_1375 = tpu.vector_load %arg6[%get3A_1372, %get3A_1373, %get3A_1374] {strides = array<i32>} : memref<2x9x128xi32, #tpu.memory_space<vmem>>, vector<16xi32>,
        %mul3A_1376 = arith.muli %get3A_1375, %broadcast_in_dim3A_7 : vector<16xi32>
        %broadcast_in_dim3A_1377 = arith.constant 2 : i32
        %broadcast_in_dim3A_1378 = vector.broadcast %broadcast_in_dim3A_1377 : i32 to vector<16xi32>
        %add3A_1379 = arith.addi %mul3A_1376, %broadcast_in_dim3A_1378 : vector<16xi32>
        %swap3A_1380 = arith.index_cast %rem3A_1163 : i32 to index
        %swap3A_1381 = arith.constant 272 : index
        %swap3A_1382 = tpu.vector_load %arg7[%swap3A_1380, %swap3A_1381] {strides = array<i32>} : memref<2x1152xi32, #tpu.memory_space<vmem>>, vector<16xi32>,
        tpu.vector_store %arg7[%swap3A_1380, %swap3A_1381], %add3A_1379 {strides = array<i32>} : memref<2x1152xi32, #tpu.memory_space<vmem>>, vector<16xi32>,
        %get3A_1383 = arith.constant 2 : i32
        %get3A_1384 = arith.index_cast %rem3A_1163 : i32 to index
        %get3A_1385 = arith.index_cast %get3A_1383 : i32 to index
        %get3A_1386 = arith.constant 32 : index
        %get3A_1387 = tpu.vector_load %arg6[%get3A_1384, %get3A_1385, %get3A_1386] {strides = array<i32>} : memref<2x9x128xi32, #tpu.memory_space<vmem>>, vector<16xi32>,
        %mul3A_1388 = arith.muli %get3A_1387, %broadcast_in_dim3A_7 : vector<16xi32>
        %broadcast_in_dim3A_1389 = arith.constant 2 : i32
        %broadcast_in_dim3A_1390 = vector.broadcast %broadcast_in_dim3A_1389 : i32 to vector<16xi32>
        %add3A_1391 = arith.addi %mul3A_1388, %broadcast_in_dim3A_1390 : vector<16xi32>
        %swap3A_1392 = arith.index_cast %rem3A_1163 : i32 to index
        %swap3A_1393 = arith.constant 288 : index
        %swap3A_1394 = tpu.vector_load %arg7[%swap3A_1392, %swap3A_1393] {strides = array<i32>} : memref<2x1152xi32, #tpu.memory_space<vmem>>, vector<16xi32>,
        tpu.vector_store %arg7[%swap3A_1392, %swap3A_1393], %add3A_1391 {strides = array<i32>} : memref<2x1152xi32, #tpu.memory_space<vmem>>, vector<16xi32>,
        %get3A_1395 = arith.constant 2 : i32
        %get3A_1396 = arith.index_cast %rem3A_1163 : i32 to index
        %get3A_1397 = arith.index_cast %get3A_1395 : i32 to index
        %get3A_1398 = arith.constant 48 : index
        %get3A_1399 = tpu.vector_load %arg6[%get3A_1396, %get3A_1397, %get3A_1398] {strides = array<i32>} : memref<2x9x128xi32, #tpu.memory_space<vmem>>, vector<16xi32>,
        %mul3A_1400 = arith.muli %get3A_1399, %broadcast_in_dim3A_7 : vector<16xi32>
        %broadcast_in_dim3A_1401 = arith.constant 2 : i32
        %broadcast_in_dim3A_1402 = vector.broadcast %broadcast_in_dim3A_1401 : i32 to vector<16xi32>
        %add3A_1403 = arith.addi %mul3A_1400, %broadcast_in_dim3A_1402 : vector<16xi32>
        %swap3A_1404 = arith.index_cast %rem3A_1163 : i32 to index
        %swap3A_1405 = arith.constant 304 : index
        %swap3A_1406 = tpu.vector_load %arg7[%swap3A_1404, %swap3A_1405] {strides = array<i32>} : memref<2x1152xi32, #tpu.memory_space<vmem>>, vector<16xi32>,
        tpu.vector_store %arg7[%swap3A_1404, %swap3A_1405], %add3A_1403 {strides = array<i32>} : memref<2x1152xi32, #tpu.memory_space<vmem>>, vector<16xi32>,
        %get3A_1407 = arith.constant 2 : i32
        %get3A_1408 = arith.index_cast %rem3A_1163 : i32 to index
        %get3A_1409 = arith.index_cast %get3A_1407 : i32 to index
        %get3A_1410 = arith.constant 64 : index
        %get3A_1411 = tpu.vector_load %arg6[%get3A_1408, %get3A_1409, %get3A_1410] {strides = array<i32>} : memref<2x9x128xi32, #tpu.memory_space<vmem>>, vector<16xi32>,
        %mul3A_1412 = arith.muli %get3A_1411, %broadcast_in_dim3A_7 : vector<16xi32>
        %broadcast_in_dim3A_1413 = arith.constant 2 : i32
        %broadcast_in_dim3A_1414 = vector.broadcast %broadcast_in_dim3A_1413 : i32 to vector<16xi32>
        %add3A_1415 = arith.addi %mul3A_1412, %broadcast_in_dim3A_1414 : vector<16xi32>
        %swap3A_1416 = arith.index_cast %rem3A_1163 : i32 to index
        %swap3A_1417 = arith.constant 320 : index
        %swap3A_1418 = tpu.vector_load %arg7[%swap3A_1416, %swap3A_1417] {strides = array<i32>} : memref<2x1152xi32, #tpu.memory_space<vmem>>, vector<16xi32>,
        tpu.vector_store %arg7[%swap3A_1416, %swap3A_1417], %add3A_1415 {strides = array<i32>} : memref<2x1152xi32, #tpu.memory_space<vmem>>, vector<16xi32>,
        %get3A_1419 = arith.constant 2 : i32
        %get3A_1420 = arith.index_cast %rem3A_1163 : i32 to index
        %get3A_1421 = arith.index_cast %get3A_1419 : i32 to index
        %get3A_1422 = arith.constant 80 : index
        %get3A_1423 = tpu.vector_load %arg6[%get3A_1420, %get3A_1421, %get3A_1422] {strides = array<i32>} : memref<2x9x128xi32, #tpu.memory_space<vmem>>, vector<16xi32>,
        %mul3A_1424 = arith.muli %get3A_1423, %broadcast_in_dim3A_7 : vector<16xi32>
        %broadcast_in_dim3A_1425 = arith.constant 2 : i32
        %broadcast_in_dim3A_1426 = vector.broadcast %broadcast_in_dim3A_1425 : i32 to vector<16xi32>
        %add3A_1427 = arith.addi %mul3A_1424, %broadcast_in_dim3A_1426 : vector<16xi32>
        %swap3A_1428 = arith.index_cast %rem3A_1163 : i32 to index
        %swap3A_1429 = arith.constant 336 : index
        %swap3A_1430 = tpu.vector_load %arg7[%swap3A_1428, %swap3A_1429] {strides = array<i32>} : memref<2x1152xi32, #tpu.memory_space<vmem>>, vector<16xi32>,
        tpu.vector_store %arg7[%swap3A_1428, %swap3A_1429], %add3A_1427 {strides = array<i32>} : memref<2x1152xi32, #tpu.memory_space<vmem>>, vector<16xi32>,
        %get3A_1431 = arith.constant 2 : i32
        %get3A_1432 = arith.index_cast %rem3A_1163 : i32 to index
        %get3A_1433 = arith.index_cast %get3A_1431 : i32 to index
        %get3A_1434 = arith.constant 96 : index
        %get3A_1435 = tpu.vector_load %arg6[%get3A_1432, %get3A_1433, %get3A_1434] {strides = array<i32>} : memref<2x9x128xi32, #tpu.memory_space<vmem>>, vector<16xi32>,
        %mul3A_1436 = arith.muli %get3A_1435, %broadcast_in_dim3A_7 : vector<16xi32>
        %broadcast_in_dim3A_1437 = arith.constant 2 : i32
        %broadcast_in_dim3A_1438 = vector.broadcast %broadcast_in_dim3A_1437 : i32 to vector<16xi32>
        %add3A_1439 = arith.addi %mul3A_1436, %broadcast_in_dim3A_1438 : vector<16xi32>
        %swap3A_1440 = arith.index_cast %rem3A_1163 : i32 to index
        %swap3A_1441 = arith.constant 352 : index
        %swap3A_1442 = tpu.vector_load %arg7[%swap3A_1440, %swap3A_1441] {strides = array<i32>} : memref<2x1152xi32, #tpu.memory_space<vmem>>, vector<16xi32>,
        tpu.vector_store %arg7[%swap3A_1440, %swap3A_1441], %add3A_1439 {strides = array<i32>} : memref<2x1152xi32, #tpu.memory_space<vmem>>, vector<16xi32>,
        %get3A_1443 = arith.constant 2 : i32
        %get3A_1444 = arith.index_cast %rem3A_1163 : i32 to index
        %get3A_1445 = arith.index_cast %get3A_1443 : i32 to index
        %get3A_1446 = arith.constant 112 : index
        %get3A_1447 = tpu.vector_load %arg6[%get3A_1444, %get3A_1445, %get3A_1446] {strides = array<i32>} : memref<2x9x128xi32, #tpu.memory_space<vmem>>, vector<16xi32>,
        %mul3A_1448 = arith.muli %get3A_1447, %broadcast_in_dim3A_7 : vector<16xi32>
        %broadcast_in_dim3A_1449 = arith.constant 2 : i32
        %broadcast_in_dim3A_1450 = vector.broadcast %broadcast_in_dim3A_1449 : i32 to vector<16xi32>
        %add3A_1451 = arith.addi %mul3A_1448, %broadcast_in_dim3A_1450 : vector<16xi32>
        %swap3A_1452 = arith.index_cast %rem3A_1163 : i32 to index
        %swap3A_1453 = arith.constant 368 : index
        %swap3A_1454 = tpu.vector_load %arg7[%swap3A_1452, %swap3A_1453] {strides = array<i32>} : memref<2x1152xi32, #tpu.memory_space<vmem>>, vector<16xi32>,
        tpu.vector_store %arg7[%swap3A_1452, %swap3A_1453], %add3A_1451 {strides = array<i32>} : memref<2x1152xi32, #tpu.memory_space<vmem>>, vector<16xi32>,
        %get3A_1455 = arith.constant 3 : i32
        %get3A_1456 = arith.index_cast %rem3A_1163 : i32 to index
        %get3A_1457 = arith.index_cast %get3A_1455 : i32 to index
        %get3A_1458 = arith.constant 0 : index
        %get3A_1459 = tpu.vector_load %arg6[%get3A_1456, %get3A_1457, %get3A_1458] {strides = array<i32>} : memref<2x9x128xi32, #tpu.memory_space<vmem>>, vector<16xi32>,
        %mul3A_1460 = arith.muli %get3A_1459, %broadcast_in_dim3A_7 : vector<16xi32>
        %broadcast_in_dim3A_1461 = arith.constant 3 : i32
        %broadcast_in_dim3A_1462 = vector.broadcast %broadcast_in_dim3A_1461 : i32 to vector<16xi32>
        %add3A_1463 = arith.addi %mul3A_1460, %broadcast_in_dim3A_1462 : vector<16xi32>
        %swap3A_1464 = arith.index_cast %rem3A_1163 : i32 to index
        %swap3A_1465 = arith.constant 384 : index
        %swap3A_1466 = tpu.vector_load %arg7[%swap3A_1464, %swap3A_1465] {strides = array<i32>} : memref<2x1152xi32, #tpu.memory_space<vmem>>, vector<16xi32>,
        tpu.vector_store %arg7[%swap3A_1464, %swap3A_1465], %add3A_1463 {strides = array<i32>} : memref<2x1152xi32, #tpu.memory_space<vmem>>, vector<16xi32>,
        %get3A_1467 = arith.constant 3 : i32
        %get3A_1468 = arith.index_cast %rem3A_1163 : i32 to index
        %get3A_1469 = arith.index_cast %get3A_1467 : i32 to index
        %get3A_1470 = arith.constant 16 : index
        %get3A_1471 = tpu.vector_load %arg6[%get3A_1468, %get3A_1469, %get3A_1470] {strides = array<i32>} : memref<2x9x128xi32, #tpu.memory_space<vmem>>, vector<16xi32>,
        %mul3A_1472 = arith.muli %get3A_1471, %broadcast_in_dim3A_7 : vector<16xi32>
        %broadcast_in_dim3A_1473 = arith.constant 3 : i32
        %broadcast_in_dim3A_1474 = vector.broadcast %broadcast_in_dim3A_1473 : i32 to vector<16xi32>
        %add3A_1475 = arith.addi %mul3A_1472, %broadcast_in_dim3A_1474 : vector<16xi32>
        %swap3A_1476 = arith.index_cast %rem3A_1163 : i32 to index
        %swap3A_1477 = arith.constant 400 : index
        %swap3A_1478 = tpu.vector_load %arg7[%swap3A_1476, %swap3A_1477] {strides = array<i32>} : memref<2x1152xi32, #tpu.memory_space<vmem>>, vector<16xi32>,
        tpu.vector_store %arg7[%swap3A_1476, %swap3A_1477], %add3A_1475 {strides = array<i32>} : memref<2x1152xi32, #tpu.memory_space<vmem>>, vector<16xi32>,
        %get3A_1479 = arith.constant 3 : i32
        %get3A_1480 = arith.index_cast %rem3A_1163 : i32 to index
        %get3A_1481 = arith.index_cast %get3A_1479 : i32 to index
        %get3A_1482 = arith.constant 32 : index
        %get3A_1483 = tpu.vector_load %arg6[%get3A_1480, %get3A_1481, %get3A_1482] {strides = array<i32>} : memref<2x9x128xi32, #tpu.memory_space<vmem>>, vector<16xi32>,
        %mul3A_1484 = arith.muli %get3A_1483, %broadcast_in_dim3A_7 : vector<16xi32>
        %broadcast_in_dim3A_1485 = arith.constant 3 : i32
        %broadcast_in_dim3A_1486 = vector.broadcast %broadcast_in_dim3A_1485 : i32 to vector<16xi32>
        %add3A_1487 = arith.addi %mul3A_1484, %broadcast_in_dim3A_1486 : vector<16xi32>
        %swap3A_1488 = arith.index_cast %rem3A_1163 : i32 to index
        %swap3A_1489 = arith.constant 416 : index
        %swap3A_1490 = tpu.vector_load %arg7[%swap3A_1488, %swap3A_1489] {strides = array<i32>} : memref<2x1152xi32, #tpu.memory_space<vmem>>, vector<16xi32>,
        tpu.vector_store %arg7[%swap3A_1488, %swap3A_1489], %add3A_1487 {strides = array<i32>} : memref<2x1152xi32, #tpu.memory_space<vmem>>, vector<16xi32>,
        %get3A_1491 = arith.constant 3 : i32
        %get3A_1492 = arith.index_cast %rem3A_1163 : i32 to index
        %get3A_1493 = arith.index_cast %get3A_1491 : i32 to index
        %get3A_1494 = arith.constant 48 : index
        %get3A_1495 = tpu.vector_load %arg6[%get3A_1492, %get3A_1493, %get3A_1494] {strides = array<i32>} : memref<2x9x128xi32, #tpu.memory_space<vmem>>, vector<16xi32>,
        %mul3A_1496 = arith.muli %get3A_1495, %broadcast_in_dim3A_7 : vector<16xi32>
        %broadcast_in_dim3A_1497 = arith.constant 3 : i32
        %broadcast_in_dim3A_1498 = vector.broadcast %broadcast_in_dim3A_1497 : i32 to vector<16xi32>
        %add3A_1499 = arith.addi %mul3A_1496, %broadcast_in_dim3A_1498 : vector<16xi32>
        %swap3A_1500 = arith.index_cast %rem3A_1163 : i32 to index
        %swap3A_1501 = arith.constant 432 : index
        %swap3A_1502 = tpu.vector_load %arg7[%swap3A_1500, %swap3A_1501] {strides = array<i32>} : memref<2x1152xi32, #tpu.memory_space<vmem>>, vector<16xi32>,
        tpu.vector_store %arg7[%swap3A_1500, %swap3A_1501], %add3A_1499 {strides = array<i32>} : memref<2x1152xi32, #tpu.memory_space<vmem>>, vector<16xi32>,
        %get3A_1503 = arith.constant 3 : i32
        %get3A_1504 = arith.index_cast %rem3A_1163 : i32 to index
        %get3A_1505 = arith.index_cast %get3A_1503 : i32 to index
        %get3A_1506 = arith.constant 64 : index
        %get3A_1507 = tpu.vector_load %arg6[%get3A_1504, %get3A_1505, %get3A_1506] {strides = array<i32>} : memref<2x9x128xi32, #tpu.memory_space<vmem>>, vector<16xi32>,
        %mul3A_1508 = arith.muli %get3A_1507, %broadcast_in_dim3A_7 : vector<16xi32>
        %broadcast_in_dim3A_1509 = arith.constant 3 : i32
        %broadcast_in_dim3A_1510 = vector.broadcast %broadcast_in_dim3A_1509 : i32 to vector<16xi32>
        %add3A_1511 = arith.addi %mul3A_1508, %broadcast_in_dim3A_1510 : vector<16xi32>
        %swap3A_1512 = arith.index_cast %rem3A_1163 : i32 to index
        %swap3A_1513 = arith.constant 448 : index
        %swap3A_1514 = tpu.vector_load %arg7[%swap3A_1512, %swap3A_1513] {strides = array<i32>} : memref<2x1152xi32, #tpu.memory_space<vmem>>, vector<16xi32>,
        tpu.vector_store %arg7[%swap3A_1512, %swap3A_1513], %add3A_1511 {strides = array<i32>} : memref<2x1152xi32, #tpu.memory_space<vmem>>, vector<16xi32>,
        %get3A_1515 = arith.constant 3 : i32
        %get3A_1516 = arith.index_cast %rem3A_1163 : i32 to index
        %get3A_1517 = arith.index_cast %get3A_1515 : i32 to index
        %get3A_1518 = arith.constant 80 : index
        %get3A_1519 = tpu.vector_load %arg6[%get3A_1516, %get3A_1517, %get3A_1518] {strides = array<i32>} : memref<2x9x128xi32, #tpu.memory_space<vmem>>, vector<16xi32>,
        %mul3A_1520 = arith.muli %get3A_1519, %broadcast_in_dim3A_7 : vector<16xi32>
        %broadcast_in_dim3A_1521 = arith.constant 3 : i32
        %broadcast_in_dim3A_1522 = vector.broadcast %broadcast_in_dim3A_1521 : i32 to vector<16xi32>
        %add3A_1523 = arith.addi %mul3A_1520, %broadcast_in_dim3A_1522 : vector<16xi32>
        %swap3A_1524 = arith.index_cast %rem3A_1163 : i32 to index
        %swap3A_1525 = arith.constant 464 : index
        %swap3A_1526 = tpu.vector_load %arg7[%swap3A_1524, %swap3A_1525] {strides = array<i32>} : memref<2x1152xi32, #tpu.memory_space<vmem>>, vector<16xi32>,
        tpu.vector_store %arg7[%swap3A_1524, %swap3A_1525], %add3A_1523 {strides = array<i32>} : memref<2x1152xi32, #tpu.memory_space<vmem>>, vector<16xi32>,
        %get3A_1527 = arith.constant 3 : i32
        %get3A_1528 = arith.index_cast %rem3A_1163 : i32 to index
        %get3A_1529 = arith.index_cast %get3A_1527 : i32 to index
        %get3A_1530 = arith.constant 96 : index
        %get3A_1531 = tpu.vector_load %arg6[%get3A_1528, %get3A_1529, %get3A_1530] {strides = array<i32>} : memref<2x9x128xi32, #tpu.memory_space<vmem>>, vector<16xi32>,
        %mul3A_1532 = arith.muli %get3A_1531, %broadcast_in_dim3A_7 : vector<16xi32>
        %broadcast_in_dim3A_1533 = arith.constant 3 : i32
        %broadcast_in_dim3A_1534 = vector.broadcast %broadcast_in_dim3A_1533 : i32 to vector<16xi32>
        %add3A_1535 = arith.addi %mul3A_1532, %broadcast_in_dim3A_1534 : vector<16xi32>
        %swap3A_1536 = arith.index_cast %rem3A_1163 : i32 to index
        %swap3A_1537 = arith.constant 480 : index
        %swap3A_1538 = tpu.vector_load %arg7[%swap3A_1536, %swap3A_1537] {strides = array<i32>} : memref<2x1152xi32, #tpu.memory_space<vmem>>, vector<16xi32>,
        tpu.vector_store %arg7[%swap3A_1536, %swap3A_1537], %add3A_1535 {strides = array<i32>} : memref<2x1152xi32, #tpu.memory_space<vmem>>, vector<16xi32>,
        %get3A_1539 = arith.constant 3 : i32
        %get3A_1540 = arith.index_cast %rem3A_1163 : i32 to index
        %get3A_1541 = arith.index_cast %get3A_1539 : i32 to index
        %get3A_1542 = arith.constant 112 : index
        %get3A_1543 = tpu.vector_load %arg6[%get3A_1540, %get3A_1541, %get3A_1542] {strides = array<i32>} : memref<2x9x128xi32, #tpu.memory_space<vmem>>, vector<16xi32>,
        %mul3A_1544 = arith.muli %get3A_1543, %broadcast_in_dim3A_7 : vector<16xi32>
        %broadcast_in_dim3A_1545 = arith.constant 3 : i32
        %broadcast_in_dim3A_1546 = vector.broadcast %broadcast_in_dim3A_1545 : i32 to vector<16xi32>
        %add3A_1547 = arith.addi %mul3A_1544, %broadcast_in_dim3A_1546 : vector<16xi32>
        %swap3A_1548 = arith.index_cast %rem3A_1163 : i32 to index
        %swap3A_1549 = arith.constant 496 : index
        %swap3A_1550 = tpu.vector_load %arg7[%swap3A_1548, %swap3A_1549] {strides = array<i32>} : memref<2x1152xi32, #tpu.memory_space<vmem>>, vector<16xi32>,
        tpu.vector_store %arg7[%swap3A_1548, %swap3A_1549], %add3A_1547 {strides = array<i32>} : memref<2x1152xi32, #tpu.memory_space<vmem>>, vector<16xi32>,
        %get3A_1551 = arith.constant 4 : i32
        %get3A_1552 = arith.index_cast %rem3A_1163 : i32 to index
        %get3A_1553 = arith.index_cast %get3A_1551 : i32 to index
        %get3A_1554 = arith.constant 0 : index
        %get3A_1555 = tpu.vector_load %arg6[%get3A_1552, %get3A_1553, %get3A_1554] {strides = array<i32>} : memref<2x9x128xi32, #tpu.memory_space<vmem>>, vector<16xi32>,
        %mul3A_1556 = arith.muli %get3A_1555, %broadcast_in_dim3A_7 : vector<16xi32>
        %broadcast_in_dim3A_1557 = arith.constant 400000 : i32
        %broadcast_in_dim3A_1558 = vector.broadcast %broadcast_in_dim3A_1557 : i32 to vector<16xi32>
        %add3A_1559 = arith.addi %mul3A_1556, %broadcast_in_dim3A_1558 : vector<16xi32>
        %swap3A_1560 = arith.index_cast %rem3A_1163 : i32 to index
        %swap3A_1561 = arith.constant 512 : index
        %swap3A_1562 = tpu.vector_load %arg7[%swap3A_1560, %swap3A_1561] {strides = array<i32>} : memref<2x1152xi32, #tpu.memory_space<vmem>>, vector<16xi32>,
        tpu.vector_store %arg7[%swap3A_1560, %swap3A_1561], %add3A_1559 {strides = array<i32>} : memref<2x1152xi32, #tpu.memory_space<vmem>>, vector<16xi32>,
        %get3A_1563 = arith.constant 4 : i32
        %get3A_1564 = arith.index_cast %rem3A_1163 : i32 to index
        %get3A_1565 = arith.index_cast %get3A_1563 : i32 to index
        %get3A_1566 = arith.constant 16 : index
        %get3A_1567 = tpu.vector_load %arg6[%get3A_1564, %get3A_1565, %get3A_1566] {strides = array<i32>} : memref<2x9x128xi32, #tpu.memory_space<vmem>>, vector<16xi32>,
        %mul3A_1568 = arith.muli %get3A_1567, %broadcast_in_dim3A_7 : vector<16xi32>
        %broadcast_in_dim3A_1569 = arith.constant 400000 : i32
        %broadcast_in_dim3A_1570 = vector.broadcast %broadcast_in_dim3A_1569 : i32 to vector<16xi32>
        %add3A_1571 = arith.addi %mul3A_1568, %broadcast_in_dim3A_1570 : vector<16xi32>
        %swap3A_1572 = arith.index_cast %rem3A_1163 : i32 to index
        %swap3A_1573 = arith.constant 528 : index
        %swap3A_1574 = tpu.vector_load %arg7[%swap3A_1572, %swap3A_1573] {strides = array<i32>} : memref<2x1152xi32, #tpu.memory_space<vmem>>, vector<16xi32>,
        tpu.vector_store %arg7[%swap3A_1572, %swap3A_1573], %add3A_1571 {strides = array<i32>} : memref<2x1152xi32, #tpu.memory_space<vmem>>, vector<16xi32>,
        %get3A_1575 = arith.constant 4 : i32
        %get3A_1576 = arith.index_cast %rem3A_1163 : i32 to index
        %get3A_1577 = arith.index_cast %get3A_1575 : i32 to index
        %get3A_1578 = arith.constant 32 : index
        %get3A_1579 = tpu.vector_load %arg6[%get3A_1576, %get3A_1577, %get3A_1578] {strides = array<i32>} : memref<2x9x128xi32, #tpu.memory_space<vmem>>, vector<16xi32>,
        %mul3A_1580 = arith.muli %get3A_1579, %broadcast_in_dim3A_7 : vector<16xi32>
        %broadcast_in_dim3A_1581 = arith.constant 400000 : i32
        %broadcast_in_dim3A_1582 = vector.broadcast %broadcast_in_dim3A_1581 : i32 to vector<16xi32>
        %add3A_1583 = arith.addi %mul3A_1580, %broadcast_in_dim3A_1582 : vector<16xi32>
        %swap3A_1584 = arith.index_cast %rem3A_1163 : i32 to index
        %swap3A_1585 = arith.constant 544 : index
        %swap3A_1586 = tpu.vector_load %arg7[%swap3A_1584, %swap3A_1585] {strides = array<i32>} : memref<2x1152xi32, #tpu.memory_space<vmem>>, vector<16xi32>,
        tpu.vector_store %arg7[%swap3A_1584, %swap3A_1585], %add3A_1583 {strides = array<i32>} : memref<2x1152xi32, #tpu.memory_space<vmem>>, vector<16xi32>,
        %get3A_1587 = arith.constant 4 : i32
        %get3A_1588 = arith.index_cast %rem3A_1163 : i32 to index
        %get3A_1589 = arith.index_cast %get3A_1587 : i32 to index
        %get3A_1590 = arith.constant 48 : index
        %get3A_1591 = tpu.vector_load %arg6[%get3A_1588, %get3A_1589, %get3A_1590] {strides = array<i32>} : memref<2x9x128xi32, #tpu.memory_space<vmem>>, vector<16xi32>,
        %mul3A_1592 = arith.muli %get3A_1591, %broadcast_in_dim3A_7 : vector<16xi32>
        %broadcast_in_dim3A_1593 = arith.constant 400000 : i32
        %broadcast_in_dim3A_1594 = vector.broadcast %broadcast_in_dim3A_1593 : i32 to vector<16xi32>
        %add3A_1595 = arith.addi %mul3A_1592, %broadcast_in_dim3A_1594 : vector<16xi32>
        %swap3A_1596 = arith.index_cast %rem3A_1163 : i32 to index
        %swap3A_1597 = arith.constant 560 : index
        %swap3A_1598 = tpu.vector_load %arg7[%swap3A_1596, %swap3A_1597] {strides = array<i32>} : memref<2x1152xi32, #tpu.memory_space<vmem>>, vector<16xi32>,
        tpu.vector_store %arg7[%swap3A_1596, %swap3A_1597], %add3A_1595 {strides = array<i32>} : memref<2x1152xi32, #tpu.memory_space<vmem>>, vector<16xi32>,
        %get3A_1599 = arith.constant 4 : i32
        %get3A_1600 = arith.index_cast %rem3A_1163 : i32 to index
        %get3A_1601 = arith.index_cast %get3A_1599 : i32 to index
        %get3A_1602 = arith.constant 64 : index
        %get3A_1603 = tpu.vector_load %arg6[%get3A_1600, %get3A_1601, %get3A_1602] {strides = array<i32>} : memref<2x9x128xi32, #tpu.memory_space<vmem>>, vector<16xi32>,
        %mul3A_1604 = arith.muli %get3A_1603, %broadcast_in_dim3A_7 : vector<16xi32>
        %broadcast_in_dim3A_1605 = arith.constant 400000 : i32
        %broadcast_in_dim3A_1606 = vector.broadcast %broadcast_in_dim3A_1605 : i32 to vector<16xi32>
        %add3A_1607 = arith.addi %mul3A_1604, %broadcast_in_dim3A_1606 : vector<16xi32>
        %swap3A_1608 = arith.index_cast %rem3A_1163 : i32 to index
        %swap3A_1609 = arith.constant 576 : index
        %swap3A_1610 = tpu.vector_load %arg7[%swap3A_1608, %swap3A_1609] {strides = array<i32>} : memref<2x1152xi32, #tpu.memory_space<vmem>>, vector<16xi32>,
        tpu.vector_store %arg7[%swap3A_1608, %swap3A_1609], %add3A_1607 {strides = array<i32>} : memref<2x1152xi32, #tpu.memory_space<vmem>>, vector<16xi32>,
        %get3A_1611 = arith.constant 4 : i32
        %get3A_1612 = arith.index_cast %rem3A_1163 : i32 to index
        %get3A_1613 = arith.index_cast %get3A_1611 : i32 to index
        %get3A_1614 = arith.constant 80 : index
        %get3A_1615 = tpu.vector_load %arg6[%get3A_1612, %get3A_1613, %get3A_1614] {strides = array<i32>} : memref<2x9x128xi32, #tpu.memory_space<vmem>>, vector<16xi32>,
        %mul3A_1616 = arith.muli %get3A_1615, %broadcast_in_dim3A_7 : vector<16xi32>
        %broadcast_in_dim3A_1617 = arith.constant 400000 : i32
        %broadcast_in_dim3A_1618 = vector.broadcast %broadcast_in_dim3A_1617 : i32 to vector<16xi32>
        %add3A_1619 = arith.addi %mul3A_1616, %broadcast_in_dim3A_1618 : vector<16xi32>
        %swap3A_1620 = arith.index_cast %rem3A_1163 : i32 to index
        %swap3A_1621 = arith.constant 592 : index
        %swap3A_1622 = tpu.vector_load %arg7[%swap3A_1620, %swap3A_1621] {strides = array<i32>} : memref<2x1152xi32, #tpu.memory_space<vmem>>, vector<16xi32>,
        tpu.vector_store %arg7[%swap3A_1620, %swap3A_1621], %add3A_1619 {strides = array<i32>} : memref<2x1152xi32, #tpu.memory_space<vmem>>, vector<16xi32>,
        %get3A_1623 = arith.constant 4 : i32
        %get3A_1624 = arith.index_cast %rem3A_1163 : i32 to index
        %get3A_1625 = arith.index_cast %get3A_1623 : i32 to index
        %get3A_1626 = arith.constant 96 : index
        %get3A_1627 = tpu.vector_load %arg6[%get3A_1624, %get3A_1625, %get3A_1626] {strides = array<i32>} : memref<2x9x128xi32, #tpu.memory_space<vmem>>, vector<16xi32>,
        %mul3A_1628 = arith.muli %get3A_1627, %broadcast_in_dim3A_7 : vector<16xi32>
        %broadcast_in_dim3A_1629 = arith.constant 400000 : i32
        %broadcast_in_dim3A_1630 = vector.broadcast %broadcast_in_dim3A_1629 : i32 to vector<16xi32>
        %add3A_1631 = arith.addi %mul3A_1628, %broadcast_in_dim3A_1630 : vector<16xi32>
        %swap3A_1632 = arith.index_cast %rem3A_1163 : i32 to index
        %swap3A_1633 = arith.constant 608 : index
        %swap3A_1634 = tpu.vector_load %arg7[%swap3A_1632, %swap3A_1633] {strides = array<i32>} : memref<2x1152xi32, #tpu.memory_space<vmem>>, vector<16xi32>,
        tpu.vector_store %arg7[%swap3A_1632, %swap3A_1633], %add3A_1631 {strides = array<i32>} : memref<2x1152xi32, #tpu.memory_space<vmem>>, vector<16xi32>,
        %get3A_1635 = arith.constant 4 : i32
        %get3A_1636 = arith.index_cast %rem3A_1163 : i32 to index
        %get3A_1637 = arith.index_cast %get3A_1635 : i32 to index
        %get3A_1638 = arith.constant 112 : index
        %get3A_1639 = tpu.vector_load %arg6[%get3A_1636, %get3A_1637, %get3A_1638] {strides = array<i32>} : memref<2x9x128xi32, #tpu.memory_space<vmem>>, vector<16xi32>,
        %mul3A_1640 = arith.muli %get3A_1639, %broadcast_in_dim3A_7 : vector<16xi32>
        %broadcast_in_dim3A_1641 = arith.constant 400000 : i32
        %broadcast_in_dim3A_1642 = vector.broadcast %broadcast_in_dim3A_1641 : i32 to vector<16xi32>
        %add3A_1643 = arith.addi %mul3A_1640, %broadcast_in_dim3A_1642 : vector<16xi32>
        %swap3A_1644 = arith.index_cast %rem3A_1163 : i32 to index
        %swap3A_1645 = arith.constant 624 : index
        %swap3A_1646 = tpu.vector_load %arg7[%swap3A_1644, %swap3A_1645] {strides = array<i32>} : memref<2x1152xi32, #tpu.memory_space<vmem>>, vector<16xi32>,
        tpu.vector_store %arg7[%swap3A_1644, %swap3A_1645], %add3A_1643 {strides = array<i32>} : memref<2x1152xi32, #tpu.memory_space<vmem>>, vector<16xi32>,
        %get3A_1647 = arith.constant 5 : i32
        %get3A_1648 = arith.index_cast %rem3A_1163 : i32 to index
        %get3A_1649 = arith.index_cast %get3A_1647 : i32 to index
        %get3A_1650 = arith.constant 0 : index
        %get3A_1651 = tpu.vector_load %arg6[%get3A_1648, %get3A_1649, %get3A_1650] {strides = array<i32>} : memref<2x9x128xi32, #tpu.memory_space<vmem>>, vector<16xi32>,
        %mul3A_1652 = arith.muli %get3A_1651, %broadcast_in_dim3A_7 : vector<16xi32>
        %broadcast_in_dim3A_1653 = arith.constant 400001 : i32
        %broadcast_in_dim3A_1654 = vector.broadcast %broadcast_in_dim3A_1653 : i32 to vector<16xi32>
        %add3A_1655 = arith.addi %mul3A_1652, %broadcast_in_dim3A_1654 : vector<16xi32>
        %swap3A_1656 = arith.index_cast %rem3A_1163 : i32 to index
        %swap3A_1657 = arith.constant 640 : index
        %swap3A_1658 = tpu.vector_load %arg7[%swap3A_1656, %swap3A_1657] {strides = array<i32>} : memref<2x1152xi32, #tpu.memory_space<vmem>>, vector<16xi32>,
        tpu.vector_store %arg7[%swap3A_1656, %swap3A_1657], %add3A_1655 {strides = array<i32>} : memref<2x1152xi32, #tpu.memory_space<vmem>>, vector<16xi32>,
        %get3A_1659 = arith.constant 5 : i32
        %get3A_1660 = arith.index_cast %rem3A_1163 : i32 to index
        %get3A_1661 = arith.index_cast %get3A_1659 : i32 to index
        %get3A_1662 = arith.constant 16 : index
        %get3A_1663 = tpu.vector_load %arg6[%get3A_1660, %get3A_1661, %get3A_1662] {strides = array<i32>} : memref<2x9x128xi32, #tpu.memory_space<vmem>>, vector<16xi32>,
        %mul3A_1664 = arith.muli %get3A_1663, %broadcast_in_dim3A_7 : vector<16xi32>
        %broadcast_in_dim3A_1665 = arith.constant 400001 : i32
        %broadcast_in_dim3A_1666 = vector.broadcast %broadcast_in_dim3A_1665 : i32 to vector<16xi32>
        %add3A_1667 = arith.addi %mul3A_1664, %broadcast_in_dim3A_1666 : vector<16xi32>
        %swap3A_1668 = arith.index_cast %rem3A_1163 : i32 to index
        %swap3A_1669 = arith.constant 656 : index
        %swap3A_1670 = tpu.vector_load %arg7[%swap3A_1668, %swap3A_1669] {strides = array<i32>} : memref<2x1152xi32, #tpu.memory_space<vmem>>, vector<16xi32>,
        tpu.vector_store %arg7[%swap3A_1668, %swap3A_1669], %add3A_1667 {strides = array<i32>} : memref<2x1152xi32, #tpu.memory_space<vmem>>, vector<16xi32>,
        %get3A_1671 = arith.constant 5 : i32
        %get3A_1672 = arith.index_cast %rem3A_1163 : i32 to index
        %get3A_1673 = arith.index_cast %get3A_1671 : i32 to index
        %get3A_1674 = arith.constant 32 : index
        %get3A_1675 = tpu.vector_load %arg6[%get3A_1672, %get3A_1673, %get3A_1674] {strides = array<i32>} : memref<2x9x128xi32, #tpu.memory_space<vmem>>, vector<16xi32>,
        %mul3A_1676 = arith.muli %get3A_1675, %broadcast_in_dim3A_7 : vector<16xi32>
        %broadcast_in_dim3A_1677 = arith.constant 400001 : i32
        %broadcast_in_dim3A_1678 = vector.broadcast %broadcast_in_dim3A_1677 : i32 to vector<16xi32>
        %add3A_1679 = arith.addi %mul3A_1676, %broadcast_in_dim3A_1678 : vector<16xi32>
        %swap3A_1680 = arith.index_cast %rem3A_1163 : i32 to index
        %swap3A_1681 = arith.constant 672 : index
        %swap3A_1682 = tpu.vector_load %arg7[%swap3A_1680, %swap3A_1681] {strides = array<i32>} : memref<2x1152xi32, #tpu.memory_space<vmem>>, vector<16xi32>,
        tpu.vector_store %arg7[%swap3A_1680, %swap3A_1681], %add3A_1679 {strides = array<i32>} : memref<2x1152xi32, #tpu.memory_space<vmem>>, vector<16xi32>,
        %get3A_1683 = arith.constant 5 : i32
        %get3A_1684 = arith.index_cast %rem3A_1163 : i32 to index
        %get3A_1685 = arith.index_cast %get3A_1683 : i32 to index
        %get3A_1686 = arith.constant 48 : index
        %get3A_1687 = tpu.vector_load %arg6[%get3A_1684, %get3A_1685, %get3A_1686] {strides = array<i32>} : memref<2x9x128xi32, #tpu.memory_space<vmem>>, vector<16xi32>,
        %mul3A_1688 = arith.muli %get3A_1687, %broadcast_in_dim3A_7 : vector<16xi32>
        %broadcast_in_dim3A_1689 = arith.constant 400001 : i32
        %broadcast_in_dim3A_1690 = vector.broadcast %broadcast_in_dim3A_1689 : i32 to vector<16xi32>
        %add3A_1691 = arith.addi %mul3A_1688, %broadcast_in_dim3A_1690 : vector<16xi32>
        %swap3A_1692 = arith.index_cast %rem3A_1163 : i32 to index
        %swap3A_1693 = arith.constant 688 : index
        %swap3A_1694 = tpu.vector_load %arg7[%swap3A_1692, %swap3A_1693] {strides = array<i32>} : memref<2x1152xi32, #tpu.memory_space<vmem>>, vector<16xi32>,
        tpu.vector_store %arg7[%swap3A_1692, %swap3A_1693], %add3A_1691 {strides = array<i32>} : memref<2x1152xi32, #tpu.memory_space<vmem>>, vector<16xi32>,
        %get3A_1695 = arith.constant 5 : i32
        %get3A_1696 = arith.index_cast %rem3A_1163 : i32 to index
        %get3A_1697 = arith.index_cast %get3A_1695 : i32 to index
        %get3A_1698 = arith.constant 64 : index
        %get3A_1699 = tpu.vector_load %arg6[%get3A_1696, %get3A_1697, %get3A_1698] {strides = array<i32>} : memref<2x9x128xi32, #tpu.memory_space<vmem>>, vector<16xi32>,
        %mul3A_1700 = arith.muli %get3A_1699, %broadcast_in_dim3A_7 : vector<16xi32>
        %broadcast_in_dim3A_1701 = arith.constant 400001 : i32
        %broadcast_in_dim3A_1702 = vector.broadcast %broadcast_in_dim3A_1701 : i32 to vector<16xi32>
        %add3A_1703 = arith.addi %mul3A_1700, %broadcast_in_dim3A_1702 : vector<16xi32>
        %swap3A_1704 = arith.index_cast %rem3A_1163 : i32 to index
        %swap3A_1705 = arith.constant 704 : index
        %swap3A_1706 = tpu.vector_load %arg7[%swap3A_1704, %swap3A_1705] {strides = array<i32>} : memref<2x1152xi32, #tpu.memory_space<vmem>>, vector<16xi32>,
        tpu.vector_store %arg7[%swap3A_1704, %swap3A_1705], %add3A_1703 {strides = array<i32>} : memref<2x1152xi32, #tpu.memory_space<vmem>>, vector<16xi32>,
        %get3A_1707 = arith.constant 5 : i32
        %get3A_1708 = arith.index_cast %rem3A_1163 : i32 to index
        %get3A_1709 = arith.index_cast %get3A_1707 : i32 to index
        %get3A_1710 = arith.constant 80 : index
        %get3A_1711 = tpu.vector_load %arg6[%get3A_1708, %get3A_1709, %get3A_1710] {strides = array<i32>} : memref<2x9x128xi32, #tpu.memory_space<vmem>>, vector<16xi32>,
        %mul3A_1712 = arith.muli %get3A_1711, %broadcast_in_dim3A_7 : vector<16xi32>
        %broadcast_in_dim3A_1713 = arith.constant 400001 : i32
        %broadcast_in_dim3A_1714 = vector.broadcast %broadcast_in_dim3A_1713 : i32 to vector<16xi32>
        %add3A_1715 = arith.addi %mul3A_1712, %broadcast_in_dim3A_1714 : vector<16xi32>
        %swap3A_1716 = arith.index_cast %rem3A_1163 : i32 to index
        %swap3A_1717 = arith.constant 720 : index
        %swap3A_1718 = tpu.vector_load %arg7[%swap3A_1716, %swap3A_1717] {strides = array<i32>} : memref<2x1152xi32, #tpu.memory_space<vmem>>, vector<16xi32>,
        tpu.vector_store %arg7[%swap3A_1716, %swap3A_1717], %add3A_1715 {strides = array<i32>} : memref<2x1152xi32, #tpu.memory_space<vmem>>, vector<16xi32>,
        %get3A_1719 = arith.constant 5 : i32
        %get3A_1720 = arith.index_cast %rem3A_1163 : i32 to index
        %get3A_1721 = arith.index_cast %get3A_1719 : i32 to index
        %get3A_1722 = arith.constant 96 : index
        %get3A_1723 = tpu.vector_load %arg6[%get3A_1720, %get3A_1721, %get3A_1722] {strides = array<i32>} : memref<2x9x128xi32, #tpu.memory_space<vmem>>, vector<16xi32>,
        %mul3A_1724 = arith.muli %get3A_1723, %broadcast_in_dim3A_7 : vector<16xi32>
        %broadcast_in_dim3A_1725 = arith.constant 400001 : i32
        %broadcast_in_dim3A_1726 = vector.broadcast %broadcast_in_dim3A_1725 : i32 to vector<16xi32>
        %add3A_1727 = arith.addi %mul3A_1724, %broadcast_in_dim3A_1726 : vector<16xi32>
        %swap3A_1728 = arith.index_cast %rem3A_1163 : i32 to index
        %swap3A_1729 = arith.constant 736 : index
        %swap3A_1730 = tpu.vector_load %arg7[%swap3A_1728, %swap3A_1729] {strides = array<i32>} : memref<2x1152xi32, #tpu.memory_space<vmem>>, vector<16xi32>,
        tpu.vector_store %arg7[%swap3A_1728, %swap3A_1729], %add3A_1727 {strides = array<i32>} : memref<2x1152xi32, #tpu.memory_space<vmem>>, vector<16xi32>,
        %get3A_1731 = arith.constant 5 : i32
        %get3A_1732 = arith.index_cast %rem3A_1163 : i32 to index
        %get3A_1733 = arith.index_cast %get3A_1731 : i32 to index
        %get3A_1734 = arith.constant 112 : index
        %get3A_1735 = tpu.vector_load %arg6[%get3A_1732, %get3A_1733, %get3A_1734] {strides = array<i32>} : memref<2x9x128xi32, #tpu.memory_space<vmem>>, vector<16xi32>,
        %mul3A_1736 = arith.muli %get3A_1735, %broadcast_in_dim3A_7 : vector<16xi32>
        %broadcast_in_dim3A_1737 = arith.constant 400001 : i32
        %broadcast_in_dim3A_1738 = vector.broadcast %broadcast_in_dim3A_1737 : i32 to vector<16xi32>
        %add3A_1739 = arith.addi %mul3A_1736, %broadcast_in_dim3A_1738 : vector<16xi32>
        %swap3A_1740 = arith.index_cast %rem3A_1163 : i32 to index
        %swap3A_1741 = arith.constant 752 : index
        %swap3A_1742 = tpu.vector_load %arg7[%swap3A_1740, %swap3A_1741] {strides = array<i32>} : memref<2x1152xi32, #tpu.memory_space<vmem>>, vector<16xi32>,
        tpu.vector_store %arg7[%swap3A_1740, %swap3A_1741], %add3A_1739 {strides = array<i32>} : memref<2x1152xi32, #tpu.memory_space<vmem>>, vector<16xi32>,
        %get3A_1743 = arith.constant 6 : i32
        %get3A_1744 = arith.index_cast %rem3A_1163 : i32 to index
        %get3A_1745 = arith.index_cast %get3A_1743 : i32 to index
        %get3A_1746 = arith.constant 0 : index
        %get3A_1747 = tpu.vector_load %arg6[%get3A_1744, %get3A_1745, %get3A_1746] {strides = array<i32>} : memref<2x9x128xi32, #tpu.memory_space<vmem>>, vector<16xi32>,
        %mul3A_1748 = arith.muli %get3A_1747, %broadcast_in_dim3A_7 : vector<16xi32>
        %broadcast_in_dim3A_1749 = arith.constant 400002 : i32
        %broadcast_in_dim3A_1750 = vector.broadcast %broadcast_in_dim3A_1749 : i32 to vector<16xi32>
        %add3A_1751 = arith.addi %mul3A_1748, %broadcast_in_dim3A_1750 : vector<16xi32>
        %swap3A_1752 = arith.index_cast %rem3A_1163 : i32 to index
        %swap3A_1753 = arith.constant 768 : index
        %swap3A_1754 = tpu.vector_load %arg7[%swap3A_1752, %swap3A_1753] {strides = array<i32>} : memref<2x1152xi32, #tpu.memory_space<vmem>>, vector<16xi32>,
        tpu.vector_store %arg7[%swap3A_1752, %swap3A_1753], %add3A_1751 {strides = array<i32>} : memref<2x1152xi32, #tpu.memory_space<vmem>>, vector<16xi32>,
        %get3A_1755 = arith.constant 6 : i32
        %get3A_1756 = arith.index_cast %rem3A_1163 : i32 to index
        %get3A_1757 = arith.index_cast %get3A_1755 : i32 to index
        %get3A_1758 = arith.constant 16 : index
        %get3A_1759 = tpu.vector_load %arg6[%get3A_1756, %get3A_1757, %get3A_1758] {strides = array<i32>} : memref<2x9x128xi32, #tpu.memory_space<vmem>>, vector<16xi32>,
        %mul3A_1760 = arith.muli %get3A_1759, %broadcast_in_dim3A_7 : vector<16xi32>
        %broadcast_in_dim3A_1761 = arith.constant 400002 : i32
        %broadcast_in_dim3A_1762 = vector.broadcast %broadcast_in_dim3A_1761 : i32 to vector<16xi32>
        %add3A_1763 = arith.addi %mul3A_1760, %broadcast_in_dim3A_1762 : vector<16xi32>
        %swap3A_1764 = arith.index_cast %rem3A_1163 : i32 to index
        %swap3A_1765 = arith.constant 784 : index
        %swap3A_1766 = tpu.vector_load %arg7[%swap3A_1764, %swap3A_1765] {strides = array<i32>} : memref<2x1152xi32, #tpu.memory_space<vmem>>, vector<16xi32>,
        tpu.vector_store %arg7[%swap3A_1764, %swap3A_1765], %add3A_1763 {strides = array<i32>} : memref<2x1152xi32, #tpu.memory_space<vmem>>, vector<16xi32>,
        %get3A_1767 = arith.constant 6 : i32
        %get3A_1768 = arith.index_cast %rem3A_1163 : i32 to index
        %get3A_1769 = arith.index_cast %get3A_1767 : i32 to index
        %get3A_1770 = arith.constant 32 : index
        %get3A_1771 = tpu.vector_load %arg6[%get3A_1768, %get3A_1769, %get3A_1770] {strides = array<i32>} : memref<2x9x128xi32, #tpu.memory_space<vmem>>, vector<16xi32>,
        %mul3A_1772 = arith.muli %get3A_1771, %broadcast_in_dim3A_7 : vector<16xi32>
        %broadcast_in_dim3A_1773 = arith.constant 400002 : i32
        %broadcast_in_dim3A_1774 = vector.broadcast %broadcast_in_dim3A_1773 : i32 to vector<16xi32>
        %add3A_1775 = arith.addi %mul3A_1772, %broadcast_in_dim3A_1774 : vector<16xi32>
        %swap3A_1776 = arith.index_cast %rem3A_1163 : i32 to index
        %swap3A_1777 = arith.constant 800 : index
        %swap3A_1778 = tpu.vector_load %arg7[%swap3A_1776, %swap3A_1777] {strides = array<i32>} : memref<2x1152xi32, #tpu.memory_space<vmem>>, vector<16xi32>,
        tpu.vector_store %arg7[%swap3A_1776, %swap3A_1777], %add3A_1775 {strides = array<i32>} : memref<2x1152xi32, #tpu.memory_space<vmem>>, vector<16xi32>,
        %get3A_1779 = arith.constant 6 : i32
        %get3A_1780 = arith.index_cast %rem3A_1163 : i32 to index
        %get3A_1781 = arith.index_cast %get3A_1779 : i32 to index
        %get3A_1782 = arith.constant 48 : index
        %get3A_1783 = tpu.vector_load %arg6[%get3A_1780, %get3A_1781, %get3A_1782] {strides = array<i32>} : memref<2x9x128xi32, #tpu.memory_space<vmem>>, vector<16xi32>,
        %mul3A_1784 = arith.muli %get3A_1783, %broadcast_in_dim3A_7 : vector<16xi32>
        %broadcast_in_dim3A_1785 = arith.constant 400002 : i32
        %broadcast_in_dim3A_1786 = vector.broadcast %broadcast_in_dim3A_1785 : i32 to vector<16xi32>
        %add3A_1787 = arith.addi %mul3A_1784, %broadcast_in_dim3A_1786 : vector<16xi32>
        %swap3A_1788 = arith.index_cast %rem3A_1163 : i32 to index
        %swap3A_1789 = arith.constant 816 : index
        %swap3A_1790 = tpu.vector_load %arg7[%swap3A_1788, %swap3A_1789] {strides = array<i32>} : memref<2x1152xi32, #tpu.memory_space<vmem>>, vector<16xi32>,
        tpu.vector_store %arg7[%swap3A_1788, %swap3A_1789], %add3A_1787 {strides = array<i32>} : memref<2x1152xi32, #tpu.memory_space<vmem>>, vector<16xi32>,
        %get3A_1791 = arith.constant 6 : i32
        %get3A_1792 = arith.index_cast %rem3A_1163 : i32 to index
        %get3A_1793 = arith.index_cast %get3A_1791 : i32 to index
        %get3A_1794 = arith.constant 64 : index
        %get3A_1795 = tpu.vector_load %arg6[%get3A_1792, %get3A_1793, %get3A_1794] {strides = array<i32>} : memref<2x9x128xi32, #tpu.memory_space<vmem>>, vector<16xi32>,
        %mul3A_1796 = arith.muli %get3A_1795, %broadcast_in_dim3A_7 : vector<16xi32>
        %broadcast_in_dim3A_1797 = arith.constant 400002 : i32
        %broadcast_in_dim3A_1798 = vector.broadcast %broadcast_in_dim3A_1797 : i32 to vector<16xi32>
        %add3A_1799 = arith.addi %mul3A_1796, %broadcast_in_dim3A_1798 : vector<16xi32>
        %swap3A_1800 = arith.index_cast %rem3A_1163 : i32 to index
        %swap3A_1801 = arith.constant 832 : index
        %swap3A_1802 = tpu.vector_load %arg7[%swap3A_1800, %swap3A_1801] {strides = array<i32>} : memref<2x1152xi32, #tpu.memory_space<vmem>>, vector<16xi32>,
        tpu.vector_store %arg7[%swap3A_1800, %swap3A_1801], %add3A_1799 {strides = array<i32>} : memref<2x1152xi32, #tpu.memory_space<vmem>>, vector<16xi32>,
        %get3A_1803 = arith.constant 6 : i32
        %get3A_1804 = arith.index_cast %rem3A_1163 : i32 to index
        %get3A_1805 = arith.index_cast %get3A_1803 : i32 to index
        %get3A_1806 = arith.constant 80 : index
        %get3A_1807 = tpu.vector_load %arg6[%get3A_1804, %get3A_1805, %get3A_1806] {strides = array<i32>} : memref<2x9x128xi32, #tpu.memory_space<vmem>>, vector<16xi32>,
        %mul3A_1808 = arith.muli %get3A_1807, %broadcast_in_dim3A_7 : vector<16xi32>
        %broadcast_in_dim3A_1809 = arith.constant 400002 : i32
        %broadcast_in_dim3A_1810 = vector.broadcast %broadcast_in_dim3A_1809 : i32 to vector<16xi32>
        %add3A_1811 = arith.addi %mul3A_1808, %broadcast_in_dim3A_1810 : vector<16xi32>
        %swap3A_1812 = arith.index_cast %rem3A_1163 : i32 to index
        %swap3A_1813 = arith.constant 848 : index
        %swap3A_1814 = tpu.vector_load %arg7[%swap3A_1812, %swap3A_1813] {strides = array<i32>} : memref<2x1152xi32, #tpu.memory_space<vmem>>, vector<16xi32>,
        tpu.vector_store %arg7[%swap3A_1812, %swap3A_1813], %add3A_1811 {strides = array<i32>} : memref<2x1152xi32, #tpu.memory_space<vmem>>, vector<16xi32>,
        %get3A_1815 = arith.constant 6 : i32
        %get3A_1816 = arith.index_cast %rem3A_1163 : i32 to index
        %get3A_1817 = arith.index_cast %get3A_1815 : i32 to index
        %get3A_1818 = arith.constant 96 : index
        %get3A_1819 = tpu.vector_load %arg6[%get3A_1816, %get3A_1817, %get3A_1818] {strides = array<i32>} : memref<2x9x128xi32, #tpu.memory_space<vmem>>, vector<16xi32>,
        %mul3A_1820 = arith.muli %get3A_1819, %broadcast_in_dim3A_7 : vector<16xi32>
        %broadcast_in_dim3A_1821 = arith.constant 400002 : i32
        %broadcast_in_dim3A_1822 = vector.broadcast %broadcast_in_dim3A_1821 : i32 to vector<16xi32>
        %add3A_1823 = arith.addi %mul3A_1820, %broadcast_in_dim3A_1822 : vector<16xi32>
        %swap3A_1824 = arith.index_cast %rem3A_1163 : i32 to index
        %swap3A_1825 = arith.constant 864 : index
        %swap3A_1826 = tpu.vector_load %arg7[%swap3A_1824, %swap3A_1825] {strides = array<i32>} : memref<2x1152xi32, #tpu.memory_space<vmem>>, vector<16xi32>,
        tpu.vector_store %arg7[%swap3A_1824, %swap3A_1825], %add3A_1823 {strides = array<i32>} : memref<2x1152xi32, #tpu.memory_space<vmem>>, vector<16xi32>,
        %get3A_1827 = arith.constant 6 : i32
        %get3A_1828 = arith.index_cast %rem3A_1163 : i32 to index
        %get3A_1829 = arith.index_cast %get3A_1827 : i32 to index
        %get3A_1830 = arith.constant 112 : index
        %get3A_1831 = tpu.vector_load %arg6[%get3A_1828, %get3A_1829, %get3A_1830] {strides = array<i32>} : memref<2x9x128xi32, #tpu.memory_space<vmem>>, vector<16xi32>,
        %mul3A_1832 = arith.muli %get3A_1831, %broadcast_in_dim3A_7 : vector<16xi32>
        %broadcast_in_dim3A_1833 = arith.constant 400002 : i32
        %broadcast_in_dim3A_1834 = vector.broadcast %broadcast_in_dim3A_1833 : i32 to vector<16xi32>
        %add3A_1835 = arith.addi %mul3A_1832, %broadcast_in_dim3A_1834 : vector<16xi32>
        %swap3A_1836 = arith.index_cast %rem3A_1163 : i32 to index
        %swap3A_1837 = arith.constant 880 : index
        %swap3A_1838 = tpu.vector_load %arg7[%swap3A_1836, %swap3A_1837] {strides = array<i32>} : memref<2x1152xi32, #tpu.memory_space<vmem>>, vector<16xi32>,
        tpu.vector_store %arg7[%swap3A_1836, %swap3A_1837], %add3A_1835 {strides = array<i32>} : memref<2x1152xi32, #tpu.memory_space<vmem>>, vector<16xi32>,
        %get3A_1839 = arith.constant 7 : i32
        %get3A_1840 = arith.index_cast %rem3A_1163 : i32 to index
        %get3A_1841 = arith.index_cast %get3A_1839 : i32 to index
        %get3A_1842 = arith.constant 0 : index
        %get3A_1843 = tpu.vector_load %arg6[%get3A_1840, %get3A_1841, %get3A_1842] {strides = array<i32>} : memref<2x9x128xi32, #tpu.memory_space<vmem>>, vector<16xi32>,
        %mul3A_1844 = arith.muli %get3A_1843, %broadcast_in_dim3A_7 : vector<16xi32>
        %broadcast_in_dim3A_1845 = arith.constant 400003 : i32
        %broadcast_in_dim3A_1846 = vector.broadcast %broadcast_in_dim3A_1845 : i32 to vector<16xi32>
        %add3A_1847 = arith.addi %mul3A_1844, %broadcast_in_dim3A_1846 : vector<16xi32>
        %swap3A_1848 = arith.index_cast %rem3A_1163 : i32 to index
        %swap3A_1849 = arith.constant 896 : index
        %swap3A_1850 = tpu.vector_load %arg7[%swap3A_1848, %swap3A_1849] {strides = array<i32>} : memref<2x1152xi32, #tpu.memory_space<vmem>>, vector<16xi32>,
        tpu.vector_store %arg7[%swap3A_1848, %swap3A_1849], %add3A_1847 {strides = array<i32>} : memref<2x1152xi32, #tpu.memory_space<vmem>>, vector<16xi32>,
        %get3A_1851 = arith.constant 7 : i32
        %get3A_1852 = arith.index_cast %rem3A_1163 : i32 to index
        %get3A_1853 = arith.index_cast %get3A_1851 : i32 to index
        %get3A_1854 = arith.constant 16 : index
        %get3A_1855 = tpu.vector_load %arg6[%get3A_1852, %get3A_1853, %get3A_1854] {strides = array<i32>} : memref<2x9x128xi32, #tpu.memory_space<vmem>>, vector<16xi32>,
        %mul3A_1856 = arith.muli %get3A_1855, %broadcast_in_dim3A_7 : vector<16xi32>
        %broadcast_in_dim3A_1857 = arith.constant 400003 : i32
        %broadcast_in_dim3A_1858 = vector.broadcast %broadcast_in_dim3A_1857 : i32 to vector<16xi32>
        %add3A_1859 = arith.addi %mul3A_1856, %broadcast_in_dim3A_1858 : vector<16xi32>
        %swap3A_1860 = arith.index_cast %rem3A_1163 : i32 to index
        %swap3A_1861 = arith.constant 912 : index
        %swap3A_1862 = tpu.vector_load %arg7[%swap3A_1860, %swap3A_1861] {strides = array<i32>} : memref<2x1152xi32, #tpu.memory_space<vmem>>, vector<16xi32>,
        tpu.vector_store %arg7[%swap3A_1860, %swap3A_1861], %add3A_1859 {strides = array<i32>} : memref<2x1152xi32, #tpu.memory_space<vmem>>, vector<16xi32>,
        %get3A_1863 = arith.constant 7 : i32
        %get3A_1864 = arith.index_cast %rem3A_1163 : i32 to index
        %get3A_1865 = arith.index_cast %get3A_1863 : i32 to index
        %get3A_1866 = arith.constant 32 : index
        %get3A_1867 = tpu.vector_load %arg6[%get3A_1864, %get3A_1865, %get3A_1866] {strides = array<i32>} : memref<2x9x128xi32, #tpu.memory_space<vmem>>, vector<16xi32>,
        %mul3A_1868 = arith.muli %get3A_1867, %broadcast_in_dim3A_7 : vector<16xi32>
        %broadcast_in_dim3A_1869 = arith.constant 400003 : i32
        %broadcast_in_dim3A_1870 = vector.broadcast %broadcast_in_dim3A_1869 : i32 to vector<16xi32>
        %add3A_1871 = arith.addi %mul3A_1868, %broadcast_in_dim3A_1870 : vector<16xi32>
        %swap3A_1872 = arith.index_cast %rem3A_1163 : i32 to index
        %swap3A_1873 = arith.constant 928 : index
        %swap3A_1874 = tpu.vector_load %arg7[%swap3A_1872, %swap3A_1873] {strides = array<i32>} : memref<2x1152xi32, #tpu.memory_space<vmem>>, vector<16xi32>,
        tpu.vector_store %arg7[%swap3A_1872, %swap3A_1873], %add3A_1871 {strides = array<i32>} : memref<2x1152xi32, #tpu.memory_space<vmem>>, vector<16xi32>,
        %get3A_1875 = arith.constant 7 : i32
        %get3A_1876 = arith.index_cast %rem3A_1163 : i32 to index
        %get3A_1877 = arith.index_cast %get3A_1875 : i32 to index
        %get3A_1878 = arith.constant 48 : index
        %get3A_1879 = tpu.vector_load %arg6[%get3A_1876, %get3A_1877, %get3A_1878] {strides = array<i32>} : memref<2x9x128xi32, #tpu.memory_space<vmem>>, vector<16xi32>,
        %mul3A_1880 = arith.muli %get3A_1879, %broadcast_in_dim3A_7 : vector<16xi32>
        %broadcast_in_dim3A_1881 = arith.constant 400003 : i32
        %broadcast_in_dim3A_1882 = vector.broadcast %broadcast_in_dim3A_1881 : i32 to vector<16xi32>
        %add3A_1883 = arith.addi %mul3A_1880, %broadcast_in_dim3A_1882 : vector<16xi32>
        %swap3A_1884 = arith.index_cast %rem3A_1163 : i32 to index
        %swap3A_1885 = arith.constant 944 : index
        %swap3A_1886 = tpu.vector_load %arg7[%swap3A_1884, %swap3A_1885] {strides = array<i32>} : memref<2x1152xi32, #tpu.memory_space<vmem>>, vector<16xi32>,
        tpu.vector_store %arg7[%swap3A_1884, %swap3A_1885], %add3A_1883 {strides = array<i32>} : memref<2x1152xi32, #tpu.memory_space<vmem>>, vector<16xi32>,
        %get3A_1887 = arith.constant 7 : i32
        %get3A_1888 = arith.index_cast %rem3A_1163 : i32 to index
        %get3A_1889 = arith.index_cast %get3A_1887 : i32 to index
        %get3A_1890 = arith.constant 64 : index
        %get3A_1891 = tpu.vector_load %arg6[%get3A_1888, %get3A_1889, %get3A_1890] {strides = array<i32>} : memref<2x9x128xi32, #tpu.memory_space<vmem>>, vector<16xi32>,
        %mul3A_1892 = arith.muli %get3A_1891, %broadcast_in_dim3A_7 : vector<16xi32>
        %broadcast_in_dim3A_1893 = arith.constant 400003 : i32
        %broadcast_in_dim3A_1894 = vector.broadcast %broadcast_in_dim3A_1893 : i32 to vector<16xi32>
        %add3A_1895 = arith.addi %mul3A_1892, %broadcast_in_dim3A_1894 : vector<16xi32>
        %swap3A_1896 = arith.index_cast %rem3A_1163 : i32 to index
        %swap3A_1897 = arith.constant 960 : index
        %swap3A_1898 = tpu.vector_load %arg7[%swap3A_1896, %swap3A_1897] {strides = array<i32>} : memref<2x1152xi32, #tpu.memory_space<vmem>>, vector<16xi32>,
        tpu.vector_store %arg7[%swap3A_1896, %swap3A_1897], %add3A_1895 {strides = array<i32>} : memref<2x1152xi32, #tpu.memory_space<vmem>>, vector<16xi32>,
        %get3A_1899 = arith.constant 7 : i32
        %get3A_1900 = arith.index_cast %rem3A_1163 : i32 to index
        %get3A_1901 = arith.index_cast %get3A_1899 : i32 to index
        %get3A_1902 = arith.constant 80 : index
        %get3A_1903 = tpu.vector_load %arg6[%get3A_1900, %get3A_1901, %get3A_1902] {strides = array<i32>} : memref<2x9x128xi32, #tpu.memory_space<vmem>>, vector<16xi32>,
        %mul3A_1904 = arith.muli %get3A_1903, %broadcast_in_dim3A_7 : vector<16xi32>
        %broadcast_in_dim3A_1905 = arith.constant 400003 : i32
        %broadcast_in_dim3A_1906 = vector.broadcast %broadcast_in_dim3A_1905 : i32 to vector<16xi32>
        %add3A_1907 = arith.addi %mul3A_1904, %broadcast_in_dim3A_1906 : vector<16xi32>
        %swap3A_1908 = arith.index_cast %rem3A_1163 : i32 to index
        %swap3A_1909 = arith.constant 976 : index
        %swap3A_1910 = tpu.vector_load %arg7[%swap3A_1908, %swap3A_1909] {strides = array<i32>} : memref<2x1152xi32, #tpu.memory_space<vmem>>, vector<16xi32>,
        tpu.vector_store %arg7[%swap3A_1908, %swap3A_1909], %add3A_1907 {strides = array<i32>} : memref<2x1152xi32, #tpu.memory_space<vmem>>, vector<16xi32>,
        %get3A_1911 = arith.constant 7 : i32
        %get3A_1912 = arith.index_cast %rem3A_1163 : i32 to index
        %get3A_1913 = arith.index_cast %get3A_1911 : i32 to index
        %get3A_1914 = arith.constant 96 : index
        %get3A_1915 = tpu.vector_load %arg6[%get3A_1912, %get3A_1913, %get3A_1914] {strides = array<i32>} : memref<2x9x128xi32, #tpu.memory_space<vmem>>, vector<16xi32>,
        %mul3A_1916 = arith.muli %get3A_1915, %broadcast_in_dim3A_7 : vector<16xi32>
        %broadcast_in_dim3A_1917 = arith.constant 400003 : i32
        %broadcast_in_dim3A_1918 = vector.broadcast %broadcast_in_dim3A_1917 : i32 to vector<16xi32>
        %add3A_1919 = arith.addi %mul3A_1916, %broadcast_in_dim3A_1918 : vector<16xi32>
        %swap3A_1920 = arith.index_cast %rem3A_1163 : i32 to index
        %swap3A_1921 = arith.constant 992 : index
        %swap3A_1922 = tpu.vector_load %arg7[%swap3A_1920, %swap3A_1921] {strides = array<i32>} : memref<2x1152xi32, #tpu.memory_space<vmem>>, vector<16xi32>,
        tpu.vector_store %arg7[%swap3A_1920, %swap3A_1921], %add3A_1919 {strides = array<i32>} : memref<2x1152xi32, #tpu.memory_space<vmem>>, vector<16xi32>,
        %get3A_1923 = arith.constant 7 : i32
        %get3A_1924 = arith.index_cast %rem3A_1163 : i32 to index
        %get3A_1925 = arith.index_cast %get3A_1923 : i32 to index
        %get3A_1926 = arith.constant 112 : index
        %get3A_1927 = tpu.vector_load %arg6[%get3A_1924, %get3A_1925, %get3A_1926] {strides = array<i32>} : memref<2x9x128xi32, #tpu.memory_space<vmem>>, vector<16xi32>,
        %mul3A_1928 = arith.muli %get3A_1927, %broadcast_in_dim3A_7 : vector<16xi32>
        %broadcast_in_dim3A_1929 = arith.constant 400003 : i32
        %broadcast_in_dim3A_1930 = vector.broadcast %broadcast_in_dim3A_1929 : i32 to vector<16xi32>
        %add3A_1931 = arith.addi %mul3A_1928, %broadcast_in_dim3A_1930 : vector<16xi32>
        %swap3A_1932 = arith.index_cast %rem3A_1163 : i32 to index
        %swap3A_1933 = arith.constant 1008 : index
        %swap3A_1934 = tpu.vector_load %arg7[%swap3A_1932, %swap3A_1933] {strides = array<i32>} : memref<2x1152xi32, #tpu.memory_space<vmem>>, vector<16xi32>,
        tpu.vector_store %arg7[%swap3A_1932, %swap3A_1933], %add3A_1931 {strides = array<i32>} : memref<2x1152xi32, #tpu.memory_space<vmem>>, vector<16xi32>,
        %get3A_1935 = arith.constant 8 : i32
        %get3A_1936 = arith.index_cast %rem3A_1163 : i32 to index
        %get3A_1937 = arith.index_cast %get3A_1935 : i32 to index
        %get3A_1938 = arith.constant 0 : index
        %get3A_1939 = tpu.vector_load %arg6[%get3A_1936, %get3A_1937, %get3A_1938] {strides = array<i32>} : memref<2x9x128xi32, #tpu.memory_space<vmem>>, vector<16xi32>,
        %mul3A_1940 = arith.muli %get3A_1939, %broadcast_in_dim3A_7 : vector<16xi32>
        %broadcast_in_dim3A_1941 = arith.constant 800000 : i32
        %broadcast_in_dim3A_1942 = vector.broadcast %broadcast_in_dim3A_1941 : i32 to vector<16xi32>
        %add3A_1943 = arith.addi %mul3A_1940, %broadcast_in_dim3A_1942 : vector<16xi32>
        %swap3A_1944 = arith.index_cast %rem3A_1163 : i32 to index
        %swap3A_1945 = arith.constant 1024 : index
        %swap3A_1946 = tpu.vector_load %arg7[%swap3A_1944, %swap3A_1945] {strides = array<i32>} : memref<2x1152xi32, #tpu.memory_space<vmem>>, vector<16xi32>,
        tpu.vector_store %arg7[%swap3A_1944, %swap3A_1945], %add3A_1943 {strides = array<i32>} : memref<2x1152xi32, #tpu.memory_space<vmem>>, vector<16xi32>,
        %get3A_1947 = arith.constant 8 : i32
        %get3A_1948 = arith.index_cast %rem3A_1163 : i32 to index
        %get3A_1949 = arith.index_cast %get3A_1947 : i32 to index
        %get3A_1950 = arith.constant 16 : index
        %get3A_1951 = tpu.vector_load %arg6[%get3A_1948, %get3A_1949, %get3A_1950] {strides = array<i32>} : memref<2x9x128xi32, #tpu.memory_space<vmem>>, vector<16xi32>,
        %mul3A_1952 = arith.muli %get3A_1951, %broadcast_in_dim3A_7 : vector<16xi32>
        %broadcast_in_dim3A_1953 = arith.constant 800000 : i32
        %broadcast_in_dim3A_1954 = vector.broadcast %broadcast_in_dim3A_1953 : i32 to vector<16xi32>
        %add3A_1955 = arith.addi %mul3A_1952, %broadcast_in_dim3A_1954 : vector<16xi32>
        %swap3A_1956 = arith.index_cast %rem3A_1163 : i32 to index
        %swap3A_1957 = arith.constant 1040 : index
        %swap3A_1958 = tpu.vector_load %arg7[%swap3A_1956, %swap3A_1957] {strides = array<i32>} : memref<2x1152xi32, #tpu.memory_space<vmem>>, vector<16xi32>,
        tpu.vector_store %arg7[%swap3A_1956, %swap3A_1957], %add3A_1955 {strides = array<i32>} : memref<2x1152xi32, #tpu.memory_space<vmem>>, vector<16xi32>,
        %get3A_1959 = arith.constant 8 : i32
        %get3A_1960 = arith.index_cast %rem3A_1163 : i32 to index
        %get3A_1961 = arith.index_cast %get3A_1959 : i32 to index
        %get3A_1962 = arith.constant 32 : index
        %get3A_1963 = tpu.vector_load %arg6[%get3A_1960, %get3A_1961, %get3A_1962] {strides = array<i32>} : memref<2x9x128xi32, #tpu.memory_space<vmem>>, vector<16xi32>,
        %mul3A_1964 = arith.muli %get3A_1963, %broadcast_in_dim3A_7 : vector<16xi32>
        %broadcast_in_dim3A_1965 = arith.constant 800000 : i32
        %broadcast_in_dim3A_1966 = vector.broadcast %broadcast_in_dim3A_1965 : i32 to vector<16xi32>
        %add3A_1967 = arith.addi %mul3A_1964, %broadcast_in_dim3A_1966 : vector<16xi32>
        %swap3A_1968 = arith.index_cast %rem3A_1163 : i32 to index
        %swap3A_1969 = arith.constant 1056 : index
        %swap3A_1970 = tpu.vector_load %arg7[%swap3A_1968, %swap3A_1969] {strides = array<i32>} : memref<2x1152xi32, #tpu.memory_space<vmem>>, vector<16xi32>,
        tpu.vector_store %arg7[%swap3A_1968, %swap3A_1969], %add3A_1967 {strides = array<i32>} : memref<2x1152xi32, #tpu.memory_space<vmem>>, vector<16xi32>,
        %get3A_1971 = arith.constant 8 : i32
        %get3A_1972 = arith.index_cast %rem3A_1163 : i32 to index
        %get3A_1973 = arith.index_cast %get3A_1971 : i32 to index
        %get3A_1974 = arith.constant 48 : index
        %get3A_1975 = tpu.vector_load %arg6[%get3A_1972, %get3A_1973, %get3A_1974] {strides = array<i32>} : memref<2x9x128xi32, #tpu.memory_space<vmem>>, vector<16xi32>,
        %mul3A_1976 = arith.muli %get3A_1975, %broadcast_in_dim3A_7 : vector<16xi32>
        %broadcast_in_dim3A_1977 = arith.constant 800000 : i32
        %broadcast_in_dim3A_1978 = vector.broadcast %broadcast_in_dim3A_1977 : i32 to vector<16xi32>
        %add3A_1979 = arith.addi %mul3A_1976, %broadcast_in_dim3A_1978 : vector<16xi32>
        %swap3A_1980 = arith.index_cast %rem3A_1163 : i32 to index
        %swap3A_1981 = arith.constant 1072 : index
        %swap3A_1982 = tpu.vector_load %arg7[%swap3A_1980, %swap3A_1981] {strides = array<i32>} : memref<2x1152xi32, #tpu.memory_space<vmem>>, vector<16xi32>,
        tpu.vector_store %arg7[%swap3A_1980, %swap3A_1981], %add3A_1979 {strides = array<i32>} : memref<2x1152xi32, #tpu.memory_space<vmem>>, vector<16xi32>,
        %get3A_1983 = arith.constant 8 : i32
        %get3A_1984 = arith.index_cast %rem3A_1163 : i32 to index
        %get3A_1985 = arith.index_cast %get3A_1983 : i32 to index
        %get3A_1986 = arith.constant 64 : index
        %get3A_1987 = tpu.vector_load %arg6[%get3A_1984, %get3A_1985, %get3A_1986] {strides = array<i32>} : memref<2x9x128xi32, #tpu.memory_space<vmem>>, vector<16xi32>,
        %mul3A_1988 = arith.muli %get3A_1987, %broadcast_in_dim3A_7 : vector<16xi32>
        %broadcast_in_dim3A_1989 = arith.constant 800000 : i32
        %broadcast_in_dim3A_1990 = vector.broadcast %broadcast_in_dim3A_1989 : i32 to vector<16xi32>
        %add3A_1991 = arith.addi %mul3A_1988, %broadcast_in_dim3A_1990 : vector<16xi32>
        %swap3A_1992 = arith.index_cast %rem3A_1163 : i32 to index
        %swap3A_1993 = arith.constant 1088 : index
        %swap3A_1994 = tpu.vector_load %arg7[%swap3A_1992, %swap3A_1993] {strides = array<i32>} : memref<2x1152xi32, #tpu.memory_space<vmem>>, vector<16xi32>,
        tpu.vector_store %arg7[%swap3A_1992, %swap3A_1993], %add3A_1991 {strides = array<i32>} : memref<2x1152xi32, #tpu.memory_space<vmem>>, vector<16xi32>,
        %get3A_1995 = arith.constant 8 : i32
        %get3A_1996 = arith.index_cast %rem3A_1163 : i32 to index
        %get3A_1997 = arith.index_cast %get3A_1995 : i32 to index
        %get3A_1998 = arith.constant 80 : index
        %get3A_1999 = tpu.vector_load %arg6[%get3A_1996, %get3A_1997, %get3A_1998] {strides = array<i32>} : memref<2x9x128xi32, #tpu.memory_space<vmem>>, vector<16xi32>,
        %mul3A_2000 = arith.muli %get3A_1999, %broadcast_in_dim3A_7 : vector<16xi32>
        %broadcast_in_dim3A_2001 = arith.constant 800000 : i32
        %broadcast_in_dim3A_2002 = vector.broadcast %broadcast_in_dim3A_2001 : i32 to vector<16xi32>
        %add3A_2003 = arith.addi %mul3A_2000, %broadcast_in_dim3A_2002 : vector<16xi32>
        %swap3A_2004 = arith.index_cast %rem3A_1163 : i32 to index
        %swap3A_2005 = arith.constant 1104 : index
        %swap3A_2006 = tpu.vector_load %arg7[%swap3A_2004, %swap3A_2005] {strides = array<i32>} : memref<2x1152xi32, #tpu.memory_space<vmem>>, vector<16xi32>,
        tpu.vector_store %arg7[%swap3A_2004, %swap3A_2005], %add3A_2003 {strides = array<i32>} : memref<2x1152xi32, #tpu.memory_space<vmem>>, vector<16xi32>,
        %get3A_2007 = arith.constant 8 : i32
        %get3A_2008 = arith.index_cast %rem3A_1163 : i32 to index
        %get3A_2009 = arith.index_cast %get3A_2007 : i32 to index
        %get3A_2010 = arith.constant 96 : index
        %get3A_2011 = tpu.vector_load %arg6[%get3A_2008, %get3A_2009, %get3A_2010] {strides = array<i32>} : memref<2x9x128xi32, #tpu.memory_space<vmem>>, vector<16xi32>,
        %mul3A_2012 = arith.muli %get3A_2011, %broadcast_in_dim3A_7 : vector<16xi32>
        %broadcast_in_dim3A_2013 = arith.constant 800000 : i32
        %broadcast_in_dim3A_2014 = vector.broadcast %broadcast_in_dim3A_2013 : i32 to vector<16xi32>
        %add3A_2015 = arith.addi %mul3A_2012, %broadcast_in_dim3A_2014 : vector<16xi32>
        %swap3A_2016 = arith.index_cast %rem3A_1163 : i32 to index
        %swap3A_2017 = arith.constant 1120 : index
        %swap3A_2018 = tpu.vector_load %arg7[%swap3A_2016, %swap3A_2017] {strides = array<i32>} : memref<2x1152xi32, #tpu.memory_space<vmem>>, vector<16xi32>,
        tpu.vector_store %arg7[%swap3A_2016, %swap3A_2017], %add3A_2015 {strides = array<i32>} : memref<2x1152xi32, #tpu.memory_space<vmem>>, vector<16xi32>,
        %get3A_2019 = arith.constant 8 : i32
        %get3A_2020 = arith.index_cast %rem3A_1163 : i32 to index
        %get3A_2021 = arith.index_cast %get3A_2019 : i32 to index
        %get3A_2022 = arith.constant 112 : index
        %get3A_2023 = tpu.vector_load %arg6[%get3A_2020, %get3A_2021, %get3A_2022] {strides = array<i32>} : memref<2x9x128xi32, #tpu.memory_space<vmem>>, vector<16xi32>,
        %mul3A_2024 = arith.muli %get3A_2023, %broadcast_in_dim3A_7 : vector<16xi32>
        %broadcast_in_dim3A_2025 = arith.constant 800000 : i32
        %broadcast_in_dim3A_2026 = vector.broadcast %broadcast_in_dim3A_2025 : i32 to vector<16xi32>
        %add3A_2027 = arith.addi %mul3A_2024, %broadcast_in_dim3A_2026 : vector<16xi32>
        %swap3A_2028 = arith.index_cast %rem3A_1163 : i32 to index
        %swap3A_2029 = arith.constant 1136 : index
        %swap3A_2030 = tpu.vector_load %arg7[%swap3A_2028, %swap3A_2029] {strides = array<i32>} : memref<2x1152xi32, #tpu.memory_space<vmem>>, vector<16xi32>,
        tpu.vector_store %arg7[%swap3A_2028, %swap3A_2029], %add3A_2027 {strides = array<i32>} : memref<2x1152xi32, #tpu.memory_space<vmem>>, vector<16xi32>,
        %dma_start3A_2031 = arith.constant 0 : i32
        %dma_start3A_2032 = arith.constant 0 : i32
        %dma_start3A_2033 = tpu.memref_slice %arg8[%rem3A_1163, %dma_start3A_2031, %dma_start3A_2032] : memref<2x1152x32xf32, #tpu.memory_space<vmem>> -> memref<1x1152x32xf32, #tpu.memory_space<vmem>>
        %dma_start3A_2034 = tpu.memref_squeeze %dma_start3A_2033 : memref<1x1152x32xf32, #tpu.memory_space<vmem>> -> memref<1152x32xf32, #tpu.memory_space<vmem>>
        %dma_start3A_2035 = arith.constant 0 : i32
        %dma_start3A_2036 = tpu.memref_slice %arg7[%rem3A_1163, %dma_start3A_2035] : memref<2x1152xi32, #tpu.memory_space<vmem>> -> memref<1x1152xi32, #tpu.memory_space<vmem>>
        %dma_start3A_2037 = tpu.memref_squeeze %dma_start3A_2036 : memref<1x1152xi32, #tpu.memory_space<vmem>> -> memref<1152xi32, #tpu.memory_space<vmem>>
        %dma_start3A_2038 = arith.constant 0 : i32
        %dma_start3A_2039 = arith.constant 0 : i32
        %dma_start3A_2040 = tpu.memref_slice %arg2[%dma_start3A_2038, %dma_start3A_2039] : memref<1200000x32xf32, #tpu.memory_space<hbm>> -> memref<1200000x32xf32, #tpu.memory_space<hbm>>
        %dma_start3A_2041 = tpu.memref_slice %arg11[%rem3A_1163] : memref<2x!tpu.dma_semaphore, #tpu.memory_space<semaphore_mem>> -> memref<1x!tpu.dma_semaphore, #tpu.memory_space<semaphore_mem>>
        %dma_start3A_2042 = tpu.memref_squeeze %dma_start3A_2041 : memref<1x!tpu.dma_semaphore, #tpu.memory_space<semaphore_mem>> -> memref<!tpu.dma_semaphore, #tpu.memory_space<semaphore_mem>>
        tpu.enqueue_indirect_dma source(%dma_start3A_2040 : memref<1200000x32xf32, #tpu.memory_space<hbm>>) target(%dma_start3A_2034 : memref<1152x32xf32, #tpu.memory_space<vmem>>) offsets(%dma_start3A_2037 : memref<1152xi32, #tpu.memory_space<vmem>>) semaphore(%dma_start3A_2042 : memref<!tpu.dma_semaphore, #tpu.memory_space<semaphore_mem>>)
      } else {
      }
      %dma_wait3A_1067 = arith.constant 0 : i32
      %dma_wait3A_1068 = arith.constant 0 : i32
      %dma_wait3A_1069 = tpu.memref_slice %arg8[%rem3A_1059, %dma_wait3A_1067, %dma_wait3A_1068] : memref<2x1152x32xf32, #tpu.memory_space<vmem>> -> memref<1x1152x32xf32, #tpu.memory_space<vmem>>
      %dma_wait3A_1070 = tpu.memref_squeeze %dma_wait3A_1069 : memref<1x1152x32xf32, #tpu.memory_space<vmem>> -> memref<1152x32xf32, #tpu.memory_space<vmem>>
      %dma_wait3A_1071 = arith.constant 0 : i32
      %dma_wait3A_1072 = tpu.memref_slice %arg7[%rem3A_1059, %dma_wait3A_1071] : memref<2x1152xi32, #tpu.memory_space<vmem>> -> memref<1x1152xi32, #tpu.memory_space<vmem>>
      %dma_wait3A_1073 = tpu.memref_squeeze %dma_wait3A_1072 : memref<1x1152xi32, #tpu.memory_space<vmem>> -> memref<1152xi32, #tpu.memory_space<vmem>>
      %dma_wait3A_1074 = arith.constant 0 : i32
      %dma_wait3A_1075 = arith.constant 0 : i32
      %dma_wait3A_1076 = tpu.memref_slice %arg2[%dma_wait3A_1074, %dma_wait3A_1075] : memref<1200000x32xf32, #tpu.memory_space<hbm>> -> memref<1200000x32xf32, #tpu.memory_space<hbm>>
      %dma_wait3A_1077 = tpu.memref_slice %arg11[%rem3A_1059] : memref<2x!tpu.dma_semaphore, #tpu.memory_space<semaphore_mem>> -> memref<1x!tpu.dma_semaphore, #tpu.memory_space<semaphore_mem>>
      %dma_wait3A_1078 = tpu.memref_squeeze %dma_wait3A_1077 : memref<1x!tpu.dma_semaphore, #tpu.memory_space<semaphore_mem>> -> memref<!tpu.dma_semaphore, #tpu.memory_space<semaphore_mem>>
      tpu.wait_indirect_dma semaphore(%dma_wait3A_1078 : memref<!tpu.dma_semaphore, #tpu.memory_space<semaphore_mem>>) src(%dma_wait3A_1076 : memref<1200000x32xf32, #tpu.memory_space<hbm>>) dst(%dma_wait3A_1070 : memref<1152x32xf32, #tpu.memory_space<vmem>>)
      %ge3A = arith.constant 2 : i32
      %ge3A_1079 = arith.cmpi sge, %while3A_1057, %ge3A : i32
      %convert_element_type3A_1080 = arith.extui %ge3A_1079 : i1 to i32
      %cond3A_1081 = arith.constant 0 : i32
      %cond3A_1082 = arith.cmpi ne, %convert_element_type3A_1080, %cond3A_1081 : i32
      scf.if %cond3A_1082 {
        %sub3A_1160 = arith.constant 2 : i32
        %sub3A_1161 = arith.subi %add3A_1060, %sub3A_1160 : i32
        %add3A_1162 = arith.constant 0 : i32
        %add3A_1163 = arith.addi %add3A_1162, %sub3A_1161 : i32
        %mul3A_1164 = arith.constant 8 : i32
        %mul3A_1165 = arith.muli %add3A_1163, %mul3A_1164 : i32
        %add3A_1166 = arith.constant 782 : i32
        %add3A_1167 = arith.addi %add3A_1166, %sub3A_1161 : i32
        %mul3A_1168 = arith.constant 8 : i32
        %mul3A_1169 = arith.muli %add3A_1167, %mul3A_1168 : i32
        %add3A_1170 = arith.constant 1564 : i32
        %add3A_1171 = arith.addi %add3A_1170, %sub3A_1161 : i32
        %mul3A_1172 = arith.constant 8 : i32
        %mul3A_1173 = arith.muli %add3A_1171, %mul3A_1172 : i32
        %add3A_1174 = arith.constant 2346 : i32
        %add3A_1175 = arith.addi %add3A_1174, %sub3A_1161 : i32
        %mul3A_1176 = arith.constant 8 : i32
        %mul3A_1177 = arith.muli %add3A_1175, %mul3A_1176 : i32
        %dma_wait3A_1178 = arith.constant 0 : i32
        %dma_wait3A_1179 = arith.constant 0 : i32
        %dma_wait3A_1180 = tpu.memref_slice %arg9[%rem3A_1059, %dma_wait3A_1178, %dma_wait3A_1179] : memref<2x32x129xf32, #tpu.memory_space<vmem>> -> memref<1x8x128xf32, #tpu.memory_space<vmem>>
        %dma_wait3A_1181 = tpu.memref_squeeze %dma_wait3A_1180 : memref<1x8x128xf32, #tpu.memory_space<vmem>> -> memref<8x128xf32, #tpu.memory_space<vmem>>
        %dma_wait3A_1182 = arith.constant 0 : i32
        %dma_wait3A_1183 = tpu.memref_slice %arg5[%mul3A_1165, %dma_wait3A_1182] : memref<25024x128xf32, #tpu.memory_space<hbm>> -> memref<8x128xf32, #tpu.memory_space<hbm>>
        %dma_wait3A_1184 = tpu.memref_slice %arg12[%rem3A_1059] : memref<2x!tpu.dma_semaphore, #tpu.memory_space<semaphore_mem>> -> memref<1x!tpu.dma_semaphore, #tpu.memory_space<semaphore_mem>>
        %dma_wait3A_1185 = tpu.memref_squeeze %dma_wait3A_1184 : memref<1x!tpu.dma_semaphore, #tpu.memory_space<semaphore_mem>> -> memref<!tpu.dma_semaphore, #tpu.memory_space<semaphore_mem>>
        %dma_wait3A_1186 = arith.constant 0 : i32
        %dma_wait3A_1187 = tpu.memref_slice %arg5[%mul3A_1165, %dma_wait3A_1186] : memref<25024x128xf32, #tpu.memory_space<hbm>> -> memref<8x128xf32, #tpu.memory_space<hbm>>
        %dma_wait3A_1188 = arith.constant 0 : i32
        %dma_wait3A_1189 = arith.constant 0 : i32
        %dma_wait3A_1190 = tpu.memref_slice %arg9[%rem3A_1059, %dma_wait3A_1188, %dma_wait3A_1189] : memref<2x32x129xf32, #tpu.memory_space<vmem>> -> memref<1x8x128xf32, #tpu.memory_space<vmem>>
        %dma_wait3A_1191 = tpu.memref_squeeze %dma_wait3A_1190 : memref<1x8x128xf32, #tpu.memory_space<vmem>> -> memref<8x128xf32, #tpu.memory_space<vmem>>
        tpu.wait_dma2 semaphore(%dma_wait3A_1185 : memref<!tpu.dma_semaphore, #tpu.memory_space<semaphore_mem>>) src(%dma_wait3A_1191 : memref<8x128xf32, #tpu.memory_space<vmem>>) dst(%dma_wait3A_1187 : memref<8x128xf32, #tpu.memory_space<hbm>>)
        %dma_wait3A_1192 = arith.constant 8 : i32
        %dma_wait3A_1193 = arith.constant 0 : i32
        %dma_wait3A_1194 = tpu.memref_slice %arg9[%rem3A_1059, %dma_wait3A_1192, %dma_wait3A_1193] : memref<2x32x129xf32, #tpu.memory_space<vmem>> -> memref<1x8x128xf32, #tpu.memory_space<vmem>>
        %dma_wait3A_1195 = tpu.memref_squeeze %dma_wait3A_1194 : memref<1x8x128xf32, #tpu.memory_space<vmem>> -> memref<8x128xf32, #tpu.memory_space<vmem>>
        %dma_wait3A_1196 = arith.constant 0 : i32
        %dma_wait3A_1197 = tpu.memref_slice %arg5[%mul3A_1169, %dma_wait3A_1196] : memref<25024x128xf32, #tpu.memory_space<hbm>> -> memref<8x128xf32, #tpu.memory_space<hbm>>
        %dma_wait3A_1198 = tpu.memref_slice %arg12[%rem3A_1059] : memref<2x!tpu.dma_semaphore, #tpu.memory_space<semaphore_mem>> -> memref<1x!tpu.dma_semaphore, #tpu.memory_space<semaphore_mem>>
        %dma_wait3A_1199 = tpu.memref_squeeze %dma_wait3A_1198 : memref<1x!tpu.dma_semaphore, #tpu.memory_space<semaphore_mem>> -> memref<!tpu.dma_semaphore, #tpu.memory_space<semaphore_mem>>
        %dma_wait3A_1200 = arith.constant 0 : i32
        %dma_wait3A_1201 = tpu.memref_slice %arg5[%mul3A_1169, %dma_wait3A_1200] : memref<25024x128xf32, #tpu.memory_space<hbm>> -> memref<8x128xf32, #tpu.memory_space<hbm>>
        %dma_wait3A_1202 = arith.constant 8 : i32
        %dma_wait3A_1203 = arith.constant 0 : i32
        %dma_wait3A_1204 = tpu.memref_slice %arg9[%rem3A_1059, %dma_wait3A_1202, %dma_wait3A_1203] : memref<2x32x129xf32, #tpu.memory_space<vmem>> -> memref<1x8x128xf32, #tpu.memory_space<vmem>>
        %dma_wait3A_1205 = tpu.memref_squeeze %dma_wait3A_1204 : memref<1x8x128xf32, #tpu.memory_space<vmem>> -> memref<8x128xf32, #tpu.memory_space<vmem>>
        tpu.wait_dma2 semaphore(%dma_wait3A_1199 : memref<!tpu.dma_semaphore, #tpu.memory_space<semaphore_mem>>) src(%dma_wait3A_1205 : memref<8x128xf32, #tpu.memory_space<vmem>>) dst(%dma_wait3A_1201 : memref<8x128xf32, #tpu.memory_space<hbm>>)
        %dma_wait3A_1206 = arith.constant 16 : i32
        %dma_wait3A_1207 = arith.constant 0 : i32
        %dma_wait3A_1208 = tpu.memref_slice %arg9[%rem3A_1059, %dma_wait3A_1206, %dma_wait3A_1207] : memref<2x32x129xf32, #tpu.memory_space<vmem>> -> memref<1x8x128xf32, #tpu.memory_space<vmem>>
        %dma_wait3A_1209 = tpu.memref_squeeze %dma_wait3A_1208 : memref<1x8x128xf32, #tpu.memory_space<vmem>> -> memref<8x128xf32, #tpu.memory_space<vmem>>
        %dma_wait3A_1210 = arith.constant 0 : i32
        %dma_wait3A_1211 = tpu.memref_slice %arg5[%mul3A_1173, %dma_wait3A_1210] : memref<25024x128xf32, #tpu.memory_space<hbm>> -> memref<8x128xf32, #tpu.memory_space<hbm>>
        %dma_wait3A_1212 = tpu.memref_slice %arg12[%rem3A_1059] : memref<2x!tpu.dma_semaphore, #tpu.memory_space<semaphore_mem>> -> memref<1x!tpu.dma_semaphore, #tpu.memory_space<semaphore_mem>>
        %dma_wait3A_1213 = tpu.memref_squeeze %dma_wait3A_1212 : memref<1x!tpu.dma_semaphore, #tpu.memory_space<semaphore_mem>> -> memref<!tpu.dma_semaphore, #tpu.memory_space<semaphore_mem>>
        %dma_wait3A_1214 = arith.constant 0 : i32
        %dma_wait3A_1215 = tpu.memref_slice %arg5[%mul3A_1173, %dma_wait3A_1214] : memref<25024x128xf32, #tpu.memory_space<hbm>> -> memref<8x128xf32, #tpu.memory_space<hbm>>
        %dma_wait3A_1216 = arith.constant 16 : i32
        %dma_wait3A_1217 = arith.constant 0 : i32
        %dma_wait3A_1218 = tpu.memref_slice %arg9[%rem3A_1059, %dma_wait3A_1216, %dma_wait3A_1217] : memref<2x32x129xf32, #tpu.memory_space<vmem>> -> memref<1x8x128xf32, #tpu.memory_space<vmem>>
        %dma_wait3A_1219 = tpu.memref_squeeze %dma_wait3A_1218 : memref<1x8x128xf32, #tpu.memory_space<vmem>> -> memref<8x128xf32, #tpu.memory_space<vmem>>
        tpu.wait_dma2 semaphore(%dma_wait3A_1213 : memref<!tpu.dma_semaphore, #tpu.memory_space<semaphore_mem>>) src(%dma_wait3A_1219 : memref<8x128xf32, #tpu.memory_space<vmem>>) dst(%dma_wait3A_1215 : memref<8x128xf32, #tpu.memory_space<hbm>>)
        %dma_wait3A_1220 = arith.constant 24 : i32
        %dma_wait3A_1221 = arith.constant 0 : i32
        %dma_wait3A_1222 = tpu.memref_slice %arg9[%rem3A_1059, %dma_wait3A_1220, %dma_wait3A_1221] : memref<2x32x129xf32, #tpu.memory_space<vmem>> -> memref<1x8x128xf32, #tpu.memory_space<vmem>>
        %dma_wait3A_1223 = tpu.memref_squeeze %dma_wait3A_1222 : memref<1x8x128xf32, #tpu.memory_space<vmem>> -> memref<8x128xf32, #tpu.memory_space<vmem>>
        %dma_wait3A_1224 = arith.constant 0 : i32
        %dma_wait3A_1225 = tpu.memref_slice %arg5[%mul3A_1177, %dma_wait3A_1224] : memref<25024x128xf32, #tpu.memory_space<hbm>> -> memref<8x128xf32, #tpu.memory_space<hbm>>
        %dma_wait3A_1226 = tpu.memref_slice %arg12[%rem3A_1059] : memref<2x!tpu.dma_semaphore, #tpu.memory_space<semaphore_mem>> -> memref<1x!tpu.dma_semaphore, #tpu.memory_space<semaphore_mem>>
        %dma_wait3A_1227 = tpu.memref_squeeze %dma_wait3A_1226 : memref<1x!tpu.dma_semaphore, #tpu.memory_space<semaphore_mem>> -> memref<!tpu.dma_semaphore, #tpu.memory_space<semaphore_mem>>
        %dma_wait3A_1228 = arith.constant 0 : i32
        %dma_wait3A_1229 = tpu.memref_slice %arg5[%mul3A_1177, %dma_wait3A_1228] : memref<25024x128xf32, #tpu.memory_space<hbm>> -> memref<8x128xf32, #tpu.memory_space<hbm>>
        %dma_wait3A_1230 = arith.constant 24 : i32
        %dma_wait3A_1231 = arith.constant 0 : i32
        %dma_wait3A_1232 = tpu.memref_slice %arg9[%rem3A_1059, %dma_wait3A_1230, %dma_wait3A_1231] : memref<2x32x129xf32, #tpu.memory_space<vmem>> -> memref<1x8x128xf32, #tpu.memory_space<vmem>>
        %dma_wait3A_1233 = tpu.memref_squeeze %dma_wait3A_1232 : memref<1x8x128xf32, #tpu.memory_space<vmem>> -> memref<8x128xf32, #tpu.memory_space<vmem>>
        tpu.wait_dma2 semaphore(%dma_wait3A_1227 : memref<!tpu.dma_semaphore, #tpu.memory_space<semaphore_mem>>) src(%dma_wait3A_1233 : memref<8x128xf32, #tpu.memory_space<vmem>>) dst(%dma_wait3A_1229 : memref<8x128xf32, #tpu.memory_space<hbm>>)
      } else {
      }
      %scan3A = arith.constant 0 : i32
      %scan3A_1083 = arith.constant 0 : i32
      %scan3A_1084 = arith.constant 128 : i32
      %scan3A_1085 = arith.addi %scan3A_1083, %scan3A_1084 : i32
      %scan3A_1086 = arith.constant 1 : i32
      scf.for %scan3A_1160 = %scan3A_1083 to %scan3A_1085 step %scan3A_1086  : i32 {
        %add3A_1161 = arith.constant 0 : i32
        %add3A_1162 = arith.addi %add3A_1161, %scan3A_1160 : i32
        %get3A_1163 = arith.index_cast %rem3A_1059 : i32 to index
        %get3A_1164 = arith.index_cast %add3A_1162 : i32 to index
        %get3A_1165 = arith.constant 0 : index
        %get3A_1166 = tpu.vector_load %arg8[%get3A_1163, %get3A_1164, %get3A_1165] {strides = array<i32>} : memref<2x1152x32xf32, #tpu.memory_space<vmem>>, vector<16xf32>,
        %add3A_1167 = arith.addf %get3A_11, %get3A_1166 : vector<16xf32>
        %add3A_1168 = arith.constant 0 : i32
        %add3A_1169 = arith.addi %add3A_1168, %scan3A_1160 : i32
        %get3A_1170 = arith.index_cast %rem3A_1059 : i32 to index
        %get3A_1171 = arith.index_cast %add3A_1169 : i32 to index
        %get3A_1172 = arith.constant 16 : index
        %get3A_1173 = tpu.vector_load %arg8[%get3A_1170, %get3A_1171, %get3A_1172] {strides = array<i32>} : memref<2x1152x32xf32, #tpu.memory_space<vmem>>, vector<16xf32>,
        %add3A_1174 = arith.addf %get3A_13, %get3A_1173 : vector<16xf32>
        %add3A_1175 = arith.constant 128 : i32
        %add3A_1176 = arith.addi %add3A_1175, %scan3A_1160 : i32
        %get3A_1177 = arith.index_cast %rem3A_1059 : i32 to index
        %get3A_1178 = arith.index_cast %add3A_1176 : i32 to index
        %get3A_1179 = arith.constant 0 : index
        %get3A_1180 = tpu.vector_load %arg8[%get3A_1177, %get3A_1178, %get3A_1179] {strides = array<i32>} : memref<2x1152x32xf32, #tpu.memory_space<vmem>>, vector<16xf32>,
        %add3A_1181 = arith.addf %add3A_1167, %get3A_1180 : vector<16xf32>
        %add3A_1182 = arith.constant 128 : i32
        %add3A_1183 = arith.addi %add3A_1182, %scan3A_1160 : i32
        %get3A_1184 = arith.index_cast %rem3A_1059 : i32 to index
        %get3A_1185 = arith.index_cast %add3A_1183 : i32 to index
        %get3A_1186 = arith.constant 16 : index
        %get3A_1187 = tpu.vector_load %arg8[%get3A_1184, %get3A_1185, %get3A_1186] {strides = array<i32>} : memref<2x1152x32xf32, #tpu.memory_space<vmem>>, vector<16xf32>,
        %add3A_1188 = arith.addf %add3A_1174, %get3A_1187 : vector<16xf32>
        %add3A_1189 = arith.constant 256 : i32
        %add3A_1190 = arith.addi %add3A_1189, %scan3A_1160 : i32
        %get3A_1191 = arith.index_cast %rem3A_1059 : i32 to index
        %get3A_1192 = arith.index_cast %add3A_1190 : i32 to index
        %get3A_1193 = arith.constant 0 : index
        %get3A_1194 = tpu.vector_load %arg8[%get3A_1191, %get3A_1192, %get3A_1193] {strides = array<i32>} : memref<2x1152x32xf32, #tpu.memory_space<vmem>>, vector<16xf32>,
        %add3A_1195 = arith.addf %add3A_1181, %get3A_1194 : vector<16xf32>
        %add3A_1196 = arith.constant 256 : i32
        %add3A_1197 = arith.addi %add3A_1196, %scan3A_1160 : i32
        %get3A_1198 = arith.index_cast %rem3A_1059 : i32 to index
        %get3A_1199 = arith.index_cast %add3A_1197 : i32 to index
        %get3A_1200 = arith.constant 16 : index
        %get3A_1201 = tpu.vector_load %arg8[%get3A_1198, %get3A_1199, %get3A_1200] {strides = array<i32>} : memref<2x1152x32xf32, #tpu.memory_space<vmem>>, vector<16xf32>,
        %add3A_1202 = arith.addf %add3A_1188, %get3A_1201 : vector<16xf32>
        %add3A_1203 = arith.constant 384 : i32
        %add3A_1204 = arith.addi %add3A_1203, %scan3A_1160 : i32
        %get3A_1205 = arith.index_cast %rem3A_1059 : i32 to index
        %get3A_1206 = arith.index_cast %add3A_1204 : i32 to index
        %get3A_1207 = arith.constant 0 : index
        %get3A_1208 = tpu.vector_load %arg8[%get3A_1205, %get3A_1206, %get3A_1207] {strides = array<i32>} : memref<2x1152x32xf32, #tpu.memory_space<vmem>>, vector<16xf32>,
        %add3A_1209 = arith.addf %add3A_1195, %get3A_1208 : vector<16xf32>
        %add3A_1210 = arith.constant 384 : i32
        %add3A_1211 = arith.addi %add3A_1210, %scan3A_1160 : i32
        %get3A_1212 = arith.index_cast %rem3A_1059 : i32 to index
        %get3A_1213 = arith.index_cast %add3A_1211 : i32 to index
        %get3A_1214 = arith.constant 16 : index
        %get3A_1215 = tpu.vector_load %arg8[%get3A_1212, %get3A_1213, %get3A_1214] {strides = array<i32>} : memref<2x1152x32xf32, #tpu.memory_space<vmem>>, vector<16xf32>,
        %add3A_1216 = arith.addf %add3A_1202, %get3A_1215 : vector<16xf32>
        %add3A_1217 = arith.constant 512 : i32
        %add3A_1218 = arith.addi %add3A_1217, %scan3A_1160 : i32
        %get3A_1219 = arith.index_cast %rem3A_1059 : i32 to index
        %get3A_1220 = arith.index_cast %add3A_1218 : i32 to index
        %get3A_1221 = arith.constant 0 : index
        %get3A_1222 = tpu.vector_load %arg8[%get3A_1219, %get3A_1220, %get3A_1221] {strides = array<i32>} : memref<2x1152x32xf32, #tpu.memory_space<vmem>>, vector<16xf32>,
        %add3A_1223 = arith.addf %add3A_1209, %get3A_1222 : vector<16xf32>
        %add3A_1224 = arith.constant 512 : i32
        %add3A_1225 = arith.addi %add3A_1224, %scan3A_1160 : i32
        %get3A_1226 = arith.index_cast %rem3A_1059 : i32 to index
        %get3A_1227 = arith.index_cast %add3A_1225 : i32 to index
        %get3A_1228 = arith.constant 16 : index
        %get3A_1229 = tpu.vector_load %arg8[%get3A_1226, %get3A_1227, %get3A_1228] {strides = array<i32>} : memref<2x1152x32xf32, #tpu.memory_space<vmem>>, vector<16xf32>,
        %add3A_1230 = arith.addf %add3A_1216, %get3A_1229 : vector<16xf32>
        %add3A_1231 = arith.constant 640 : i32
        %add3A_1232 = arith.addi %add3A_1231, %scan3A_1160 : i32
        %get3A_1233 = arith.index_cast %rem3A_1059 : i32 to index
        %get3A_1234 = arith.index_cast %add3A_1232 : i32 to index
        %get3A_1235 = arith.constant 0 : index
        %get3A_1236 = tpu.vector_load %arg8[%get3A_1233, %get3A_1234, %get3A_1235] {strides = array<i32>} : memref<2x1152x32xf32, #tpu.memory_space<vmem>>, vector<16xf32>,
        %add3A_1237 = arith.addf %add3A_1223, %get3A_1236 : vector<16xf32>
        %add3A_1238 = arith.constant 640 : i32
        %add3A_1239 = arith.addi %add3A_1238, %scan3A_1160 : i32
        %get3A_1240 = arith.index_cast %rem3A_1059 : i32 to index
        %get3A_1241 = arith.index_cast %add3A_1239 : i32 to index
        %get3A_1242 = arith.constant 16 : index
        %get3A_1243 = tpu.vector_load %arg8[%get3A_1240, %get3A_1241, %get3A_1242] {strides = array<i32>} : memref<2x1152x32xf32, #tpu.memory_space<vmem>>, vector<16xf32>,
        %add3A_1244 = arith.addf %add3A_1230, %get3A_1243 : vector<16xf32>
        %add3A_1245 = arith.constant 768 : i32
        %add3A_1246 = arith.addi %add3A_1245, %scan3A_1160 : i32
        %get3A_1247 = arith.index_cast %rem3A_1059 : i32 to index
        %get3A_1248 = arith.index_cast %add3A_1246 : i32 to index
        %get3A_1249 = arith.constant 0 : index
        %get3A_1250 = tpu.vector_load %arg8[%get3A_1247, %get3A_1248, %get3A_1249] {strides = array<i32>} : memref<2x1152x32xf32, #tpu.memory_space<vmem>>, vector<16xf32>,
        %add3A_1251 = arith.addf %add3A_1237, %get3A_1250 : vector<16xf32>
        %add3A_1252 = arith.constant 768 : i32
        %add3A_1253 = arith.addi %add3A_1252, %scan3A_1160 : i32
        %get3A_1254 = arith.index_cast %rem3A_1059 : i32 to index
        %get3A_1255 = arith.index_cast %add3A_1253 : i32 to index
        %get3A_1256 = arith.constant 16 : index
        %get3A_1257 = tpu.vector_load %arg8[%get3A_1254, %get3A_1255, %get3A_1256] {strides = array<i32>} : memref<2x1152x32xf32, #tpu.memory_space<vmem>>, vector<16xf32>,
        %add3A_1258 = arith.addf %add3A_1244, %get3A_1257 : vector<16xf32>
        %add3A_1259 = arith.constant 896 : i32
        %add3A_1260 = arith.addi %add3A_1259, %scan3A_1160 : i32
        %get3A_1261 = arith.index_cast %rem3A_1059 : i32 to index
        %get3A_1262 = arith.index_cast %add3A_1260 : i32 to index
        %get3A_1263 = arith.constant 0 : index
        %get3A_1264 = tpu.vector_load %arg8[%get3A_1261, %get3A_1262, %get3A_1263] {strides = array<i32>} : memref<2x1152x32xf32, #tpu.memory_space<vmem>>, vector<16xf32>,
        %add3A_1265 = arith.addf %add3A_1251, %get3A_1264 : vector<16xf32>
        %add3A_1266 = arith.constant 896 : i32
        %add3A_1267 = arith.addi %add3A_1266, %scan3A_1160 : i32
        %get3A_1268 = arith.index_cast %rem3A_1059 : i32 to index
        %get3A_1269 = arith.index_cast %add3A_1267 : i32 to index
        %get3A_1270 = arith.constant 16 : index
        %get3A_1271 = tpu.vector_load %arg8[%get3A_1268, %get3A_1269, %get3A_1270] {strides = array<i32>} : memref<2x1152x32xf32, #tpu.memory_space<vmem>>, vector<16xf32>,
        %add3A_1272 = arith.addf %add3A_1258, %get3A_1271 : vector<16xf32>
        %add3A_1273 = arith.constant 1024 : i32
        %add3A_1274 = arith.addi %add3A_1273, %scan3A_1160 : i32
        %get3A_1275 = arith.index_cast %rem3A_1059 : i32 to index
        %get3A_1276 = arith.index_cast %add3A_1274 : i32 to index
        %get3A_1277 = arith.constant 0 : index
        %get3A_1278 = tpu.vector_load %arg8[%get3A_1275, %get3A_1276, %get3A_1277] {strides = array<i32>} : memref<2x1152x32xf32, #tpu.memory_space<vmem>>, vector<16xf32>,
        %add3A_1279 = arith.addf %add3A_1265, %get3A_1278 : vector<16xf32>
        %add3A_1280 = arith.constant 1024 : i32
        %add3A_1281 = arith.addi %add3A_1280, %scan3A_1160 : i32
        %get3A_1282 = arith.index_cast %rem3A_1059 : i32 to index
        %get3A_1283 = arith.index_cast %add3A_1281 : i32 to index
        %get3A_1284 = arith.constant 16 : index
        %get3A_1285 = tpu.vector_load %arg8[%get3A_1282, %get3A_1283, %get3A_1284] {strides = array<i32>} : memref<2x1152x32xf32, #tpu.memory_space<vmem>>, vector<16xf32>,
        %add3A_1286 = arith.addf %add3A_1272, %get3A_1285 : vector<16xf32>
        %broadcast_in_dim3A_1287 = vector.broadcast %scan3A_1160 : i32 to vector<16xi32>
        %scatter3A = arith.constant 0 : i32
        %scatter3A_1288 = arith.constant 0 : i32
        %scatter3A_1289 = tpu.memref_slice %arg9[%rem3A_1059, %scatter3A, %scatter3A_1288] : memref<2x32x129xf32, #tpu.memory_space<vmem>> -> memref<1x32x129xf32, #tpu.memory_space<vmem>>
        %scatter3A_1290 = tpu.memref_squeeze %scatter3A_1289 : memref<1x32x129xf32, #tpu.memory_space<vmem>> -> memref<32x129xf32, #tpu.memory_space<vmem>>
        tpu.vector_store_idx %scatter3A_1290[%iota3A, %broadcast_in_dim3A_1287], %add3A_1279 : memref<32x129xf32, #tpu.memory_space<vmem>>[vector<16xi32>, vector<16xi32>], vector<16xf32>,
        %scatter3A_1291 = arith.constant 0 : i32
        %scatter3A_1292 = arith.constant 0 : i32
        %scatter3A_1293 = tpu.memref_slice %arg9[%rem3A_1059, %scatter3A_1291, %scatter3A_1292] : memref<2x32x129xf32, #tpu.memory_space<vmem>> -> memref<1x32x129xf32, #tpu.memory_space<vmem>>
        %scatter3A_1294 = tpu.memref_squeeze %scatter3A_1293 : memref<1x32x129xf32, #tpu.memory_space<vmem>> -> memref<32x129xf32, #tpu.memory_space<vmem>>
        tpu.vector_store_idx %scatter3A_1294[%add3A_10, %broadcast_in_dim3A_1287], %add3A_1286 : memref<32x129xf32, #tpu.memory_space<vmem>>[vector<16xi32>, vector<16xi32>], vector<16xf32>,
      }
      %scan3A_1087 = arith.constant 128 : i32
      %add3A_1088 = arith.constant 0 : i32
      %add3A_1089 = arith.addi %add3A_1088, %add3A_1060 : i32
      %mul3A_1090 = arith.constant 8 : i32
      %mul3A_1091 = arith.muli %add3A_1089, %mul3A_1090 : i32
      %add3A_1092 = arith.constant 782 : i32
      %add3A_1093 = arith.addi %add3A_1092, %add3A_1060 : i32
      %mul3A_1094 = arith.constant 8 : i32
      %mul3A_1095 = arith.muli %add3A_1093, %mul3A_1094 : i32
      %add3A_1096 = arith.constant 1564 : i32
      %add3A_1097 = arith.addi %add3A_1096, %add3A_1060 : i32
      %mul3A_1098 = arith.constant 8 : i32
      %mul3A_1099 = arith.muli %add3A_1097, %mul3A_1098 : i32
      %add3A_1100 = arith.constant 2346 : i32
      %add3A_1101 = arith.addi %add3A_1100, %add3A_1060 : i32
      %mul3A_1102 = arith.constant 8 : i32
      %mul3A_1103 = arith.muli %add3A_1101, %mul3A_1102 : i32
      %dma_start3A_1104 = arith.constant 0 : i32
      %dma_start3A_1105 = arith.constant 0 : i32
      %dma_start3A_1106 = tpu.memref_slice %arg9[%rem3A_1059, %dma_start3A_1104, %dma_start3A_1105] : memref<2x32x129xf32, #tpu.memory_space<vmem>> -> memref<1x8x128xf32, #tpu.memory_space<vmem>>
      %dma_start3A_1107 = tpu.memref_squeeze %dma_start3A_1106 : memref<1x8x128xf32, #tpu.memory_space<vmem>> -> memref<8x128xf32, #tpu.memory_space<vmem>>
      %dma_start3A_1108 = arith.constant 0 : i32
      %dma_start3A_1109 = tpu.memref_slice %arg5[%mul3A_1091, %dma_start3A_1108] : memref<25024x128xf32, #tpu.memory_space<hbm>> -> memref<8x128xf32, #tpu.memory_space<hbm>>
      %dma_start3A_1110 = tpu.memref_slice %arg12[%rem3A_1059] : memref<2x!tpu.dma_semaphore, #tpu.memory_space<semaphore_mem>> -> memref<1x!tpu.dma_semaphore, #tpu.memory_space<semaphore_mem>>
      %dma_start3A_1111 = tpu.memref_squeeze %dma_start3A_1110 : memref<1x!tpu.dma_semaphore, #tpu.memory_space<semaphore_mem>> -> memref<!tpu.dma_semaphore, #tpu.memory_space<semaphore_mem>>
      %dma_start3A_1112 = arith.constant 0 : i32
      %dma_start3A_1113 = tpu.memref_slice %arg5[%mul3A_1091, %dma_start3A_1112] : memref<25024x128xf32, #tpu.memory_space<hbm>> -> memref<8x128xf32, #tpu.memory_space<hbm>>
      %dma_start3A_1114 = arith.constant 0 : i32
      %dma_start3A_1115 = arith.constant 0 : i32
      %dma_start3A_1116 = tpu.memref_slice %arg9[%rem3A_1059, %dma_start3A_1114, %dma_start3A_1115] : memref<2x32x129xf32, #tpu.memory_space<vmem>> -> memref<1x8x128xf32, #tpu.memory_space<vmem>>
      %dma_start3A_1117 = tpu.memref_squeeze %dma_start3A_1116 : memref<1x8x128xf32, #tpu.memory_space<vmem>> -> memref<8x128xf32, #tpu.memory_space<vmem>>
      tpu.enqueue_dma source(%dma_start3A_1117 : memref<8x128xf32, #tpu.memory_space<vmem>>) target(%dma_start3A_1113 : memref<8x128xf32, #tpu.memory_space<hbm>>) target_semaphore(%dma_start3A_1111 : memref<!tpu.dma_semaphore, #tpu.memory_space<semaphore_mem>>)
      %dma_start3A_1118 = arith.constant 8 : i32
      %dma_start3A_1119 = arith.constant 0 : i32
      %dma_start3A_1120 = tpu.memref_slice %arg9[%rem3A_1059, %dma_start3A_1118, %dma_start3A_1119] : memref<2x32x129xf32, #tpu.memory_space<vmem>> -> memref<1x8x128xf32, #tpu.memory_space<vmem>>
      %dma_start3A_1121 = tpu.memref_squeeze %dma_start3A_1120 : memref<1x8x128xf32, #tpu.memory_space<vmem>> -> memref<8x128xf32, #tpu.memory_space<vmem>>
      %dma_start3A_1122 = arith.constant 0 : i32
      %dma_start3A_1123 = tpu.memref_slice %arg5[%mul3A_1095, %dma_start3A_1122] : memref<25024x128xf32, #tpu.memory_space<hbm>> -> memref<8x128xf32, #tpu.memory_space<hbm>>
      %dma_start3A_1124 = tpu.memref_slice %arg12[%rem3A_1059] : memref<2x!tpu.dma_semaphore, #tpu.memory_space<semaphore_mem>> -> memref<1x!tpu.dma_semaphore, #tpu.memory_space<semaphore_mem>>
      %dma_start3A_1125 = tpu.memref_squeeze %dma_start3A_1124 : memref<1x!tpu.dma_semaphore, #tpu.memory_space<semaphore_mem>> -> memref<!tpu.dma_semaphore, #tpu.memory_space<semaphore_mem>>
      %dma_start3A_1126 = arith.constant 0 : i32
      %dma_start3A_1127 = tpu.memref_slice %arg5[%mul3A_1095, %dma_start3A_1126] : memref<25024x128xf32, #tpu.memory_space<hbm>> -> memref<8x128xf32, #tpu.memory_space<hbm>>
      %dma_start3A_1128 = arith.constant 8 : i32
      %dma_start3A_1129 = arith.constant 0 : i32
      %dma_start3A_1130 = tpu.memref_slice %arg9[%rem3A_1059, %dma_start3A_1128, %dma_start3A_1129] : memref<2x32x129xf32, #tpu.memory_space<vmem>> -> memref<1x8x128xf32, #tpu.memory_space<vmem>>
      %dma_start3A_1131 = tpu.memref_squeeze %dma_start3A_1130 : memref<1x8x128xf32, #tpu.memory_space<vmem>> -> memref<8x128xf32, #tpu.memory_space<vmem>>
      tpu.enqueue_dma source(%dma_start3A_1131 : memref<8x128xf32, #tpu.memory_space<vmem>>) target(%dma_start3A_1127 : memref<8x128xf32, #tpu.memory_space<hbm>>) target_semaphore(%dma_start3A_1125 : memref<!tpu.dma_semaphore, #tpu.memory_space<semaphore_mem>>)
      %dma_start3A_1132 = arith.constant 16 : i32
      %dma_start3A_1133 = arith.constant 0 : i32
      %dma_start3A_1134 = tpu.memref_slice %arg9[%rem3A_1059, %dma_start3A_1132, %dma_start3A_1133] : memref<2x32x129xf32, #tpu.memory_space<vmem>> -> memref<1x8x128xf32, #tpu.memory_space<vmem>>
      %dma_start3A_1135 = tpu.memref_squeeze %dma_start3A_1134 : memref<1x8x128xf32, #tpu.memory_space<vmem>> -> memref<8x128xf32, #tpu.memory_space<vmem>>
      %dma_start3A_1136 = arith.constant 0 : i32
      %dma_start3A_1137 = tpu.memref_slice %arg5[%mul3A_1099, %dma_start3A_1136] : memref<25024x128xf32, #tpu.memory_space<hbm>> -> memref<8x128xf32, #tpu.memory_space<hbm>>
      %dma_start3A_1138 = tpu.memref_slice %arg12[%rem3A_1059] : memref<2x!tpu.dma_semaphore, #tpu.memory_space<semaphore_mem>> -> memref<1x!tpu.dma_semaphore, #tpu.memory_space<semaphore_mem>>
      %dma_start3A_1139 = tpu.memref_squeeze %dma_start3A_1138 : memref<1x!tpu.dma_semaphore, #tpu.memory_space<semaphore_mem>> -> memref<!tpu.dma_semaphore, #tpu.memory_space<semaphore_mem>>
      %dma_start3A_1140 = arith.constant 0 : i32
      %dma_start3A_1141 = tpu.memref_slice %arg5[%mul3A_1099, %dma_start3A_1140] : memref<25024x128xf32, #tpu.memory_space<hbm>> -> memref<8x128xf32, #tpu.memory_space<hbm>>
      %dma_start3A_1142 = arith.constant 16 : i32
      %dma_start3A_1143 = arith.constant 0 : i32
      %dma_start3A_1144 = tpu.memref_slice %arg9[%rem3A_1059, %dma_start3A_1142, %dma_start3A_1143] : memref<2x32x129xf32, #tpu.memory_space<vmem>> -> memref<1x8x128xf32, #tpu.memory_space<vmem>>
      %dma_start3A_1145 = tpu.memref_squeeze %dma_start3A_1144 : memref<1x8x128xf32, #tpu.memory_space<vmem>> -> memref<8x128xf32, #tpu.memory_space<vmem>>
      tpu.enqueue_dma source(%dma_start3A_1145 : memref<8x128xf32, #tpu.memory_space<vmem>>) target(%dma_start3A_1141 : memref<8x128xf32, #tpu.memory_space<hbm>>) target_semaphore(%dma_start3A_1139 : memref<!tpu.dma_semaphore, #tpu.memory_space<semaphore_mem>>)
      %dma_start3A_1146 = arith.constant 24 : i32
      %dma_start3A_1147 = arith.constant 0 : i32
      %dma_start3A_1148 = tpu.memref_slice %arg9[%rem3A_1059, %dma_start3A_1146, %dma_start3A_1147] : memref<2x32x129xf32, #tpu.memory_space<vmem>> -> memref<1x8x128xf32, #tpu.memory_space<vmem>>
      %dma_start3A_1149 = tpu.memref_squeeze %dma_start3A_1148 : memref<1x8x128xf32, #tpu.memory_space<vmem>> -> memref<8x128xf32, #tpu.memory_space<vmem>>
      %dma_start3A_1150 = arith.constant 0 : i32
      %dma_start3A_1151 = tpu.memref_slice %arg5[%mul3A_1103, %dma_start3A_1150] : memref<25024x128xf32, #tpu.memory_space<hbm>> -> memref<8x128xf32, #tpu.memory_space<hbm>>
      %dma_start3A_1152 = tpu.memref_slice %arg12[%rem3A_1059] : memref<2x!tpu.dma_semaphore, #tpu.memory_space<semaphore_mem>> -> memref<1x!tpu.dma_semaphore, #tpu.memory_space<semaphore_mem>>
      %dma_start3A_1153 = tpu.memref_squeeze %dma_start3A_1152 : memref<1x!tpu.dma_semaphore, #tpu.memory_space<semaphore_mem>> -> memref<!tpu.dma_semaphore, #tpu.memory_space<semaphore_mem>>
      %dma_start3A_1154 = arith.constant 0 : i32
      %dma_start3A_1155 = tpu.memref_slice %arg5[%mul3A_1103, %dma_start3A_1154] : memref<25024x128xf32, #tpu.memory_space<hbm>> -> memref<8x128xf32, #tpu.memory_space<hbm>>
      %dma_start3A_1156 = arith.constant 24 : i32
      %dma_start3A_1157 = arith.constant 0 : i32
      %dma_start3A_1158 = tpu.memref_slice %arg9[%rem3A_1059, %dma_start3A_1156, %dma_start3A_1157] : memref<2x32x129xf32, #tpu.memory_space<vmem>> -> memref<1x8x128xf32, #tpu.memory_space<vmem>>
      %dma_start3A_1159 = tpu.memref_squeeze %dma_start3A_1158 : memref<1x8x128xf32, #tpu.memory_space<vmem>> -> memref<8x128xf32, #tpu.memory_space<vmem>>
      tpu.enqueue_dma source(%dma_start3A_1159 : memref<8x128xf32, #tpu.memory_space<vmem>>) target(%dma_start3A_1155 : memref<8x128xf32, #tpu.memory_space<hbm>>) target_semaphore(%dma_start3A_1153 : memref<!tpu.dma_semaphore, #tpu.memory_space<semaphore_mem>>)
    }
    %while3A_902 = arith.constant 1 : i32
    scf.for %while3A_1057 = %while3A_900 to %while3A_896 step %while3A_902  : i32 {
      %rem3A_1058 = arith.constant 2 : i32
      %rem3A_1059 = arith.remsi %while3A_1057, %rem3A_1058 : i32
      %add3A_1060 = arith.addi %add3A_4, %while3A_1057 : i32
      %add3A_1061 = arith.constant 1 : i32
      %add3A_1062 = arith.addi %while3A_1057, %add3A_1061 : i32
      %lt3A_1063 = arith.cmpi slt, %add3A_1062, %select_n3A : i32
      %convert_element_type3A_1064 = arith.extui %lt3A_1063 : i1 to i32
      %cond3A_1065 = arith.constant 0 : i32
      %cond3A_1066 = arith.cmpi ne, %convert_element_type3A_1064, %cond3A_1065 : i32
      scf.if %cond3A_1066 {
        %add3A_1160 = arith.constant 1 : i32
        %add3A_1161 = arith.addi %while3A_1057, %add3A_1160 : i32
        %rem3A_1162 = arith.constant 2 : i32
        %rem3A_1163 = arith.remsi %add3A_1161, %rem3A_1162 : i32
        %add3A_1164 = arith.addi %add3A_4, %add3A_1161 : i32
        %mul3A_1165 = arith.constant 128 : i32
        %mul3A_1166 = arith.muli %add3A_1164, %mul3A_1165 : i32
        "tpu.region"() ({
          %run_scoped3A = tpu.sem_alloc : memref<!tpu.dma_semaphore, #tpu.memory_space<semaphore_mem>>
          %dma_start3A_2043 = arith.constant 0 : i32
          %dma_start3A_2044 = arith.constant 0 : i32
          %dma_start3A_2045 = tpu.memref_slice %arg6[%rem3A_1163, %dma_start3A_2043, %dma_start3A_2044] : memref<2x9x128xi32, #tpu.memory_space<vmem>> -> memref<1x9x128xi32, #tpu.memory_space<vmem>>
          %dma_start3A_2046 = tpu.memref_squeeze %dma_start3A_2045 : memref<1x9x128xi32, #tpu.memory_space<vmem>> -> memref<9x128xi32, #tpu.memory_space<vmem>>
          %dma_start3A_2047 = arith.constant 0 : i32
          %dma_start3A_2048 = tpu.memref_slice %arg3[%dma_start3A_2047, %mul3A_1166] : memref<9x100000xi32, #tpu.memory_space<hbm>> -> memref<9x128xi32, #tpu.memory_space<hbm>>
          %dma_start3A_2049 = arith.constant 0 : i32
          %dma_start3A_2050 = arith.constant 0 : i32
          %dma_start3A_2051 = tpu.memref_slice %arg6[%rem3A_1163, %dma_start3A_2049, %dma_start3A_2050] : memref<2x9x128xi32, #tpu.memory_space<vmem>> -> memref<1x9x128xi32, #tpu.memory_space<vmem>>
          %dma_start3A_2052 = tpu.memref_squeeze %dma_start3A_2051 : memref<1x9x128xi32, #tpu.memory_space<vmem>> -> memref<9x128xi32, #tpu.memory_space<vmem>>
          %dma_start3A_2053 = arith.constant 0 : i32
          %dma_start3A_2054 = tpu.memref_slice %arg3[%dma_start3A_2053, %mul3A_1166] : memref<9x100000xi32, #tpu.memory_space<hbm>> -> memref<9x128xi32, #tpu.memory_space<hbm>>
          tpu.enqueue_dma source(%dma_start3A_2054 : memref<9x128xi32, #tpu.memory_space<hbm>>) target(%dma_start3A_2052 : memref<9x128xi32, #tpu.memory_space<vmem>>) target_semaphore(%run_scoped3A : memref<!tpu.dma_semaphore, #tpu.memory_space<semaphore_mem>>)
          %dma_wait3A_2055 = arith.constant 0 : i32
          %dma_wait3A_2056 = arith.constant 0 : i32
          %dma_wait3A_2057 = tpu.memref_slice %arg6[%rem3A_1163, %dma_wait3A_2055, %dma_wait3A_2056] : memref<2x9x128xi32, #tpu.memory_space<vmem>> -> memref<1x9x128xi32, #tpu.memory_space<vmem>>
          %dma_wait3A_2058 = tpu.memref_squeeze %dma_wait3A_2057 : memref<1x9x128xi32, #tpu.memory_space<vmem>> -> memref<9x128xi32, #tpu.memory_space<vmem>>
          %dma_wait3A_2059 = arith.constant 0 : i32
          %dma_wait3A_2060 = tpu.memref_slice %arg3[%dma_wait3A_2059, %mul3A_1166] : memref<9x100000xi32, #tpu.memory_space<hbm>> -> memref<9x128xi32, #tpu.memory_space<hbm>>
          %dma_wait3A_2061 = arith.constant 0 : i32
          %dma_wait3A_2062 = arith.constant 0 : i32
          %dma_wait3A_2063 = tpu.memref_slice %arg6[%rem3A_1163, %dma_wait3A_2061, %dma_wait3A_2062] : memref<2x9x128xi32, #tpu.memory_space<vmem>> -> memref<1x9x128xi32, #tpu.memory_space<vmem>>
          %dma_wait3A_2064 = tpu.memref_squeeze %dma_wait3A_2063 : memref<1x9x128xi32, #tpu.memory_space<vmem>> -> memref<9x128xi32, #tpu.memory_space<vmem>>
          %dma_wait3A_2065 = arith.constant 0 : i32
          %dma_wait3A_2066 = tpu.memref_slice %arg3[%dma_wait3A_2065, %mul3A_1166] : memref<9x100000xi32, #tpu.memory_space<hbm>> -> memref<9x128xi32, #tpu.memory_space<hbm>>
          tpu.wait_dma2 semaphore(%run_scoped3A : memref<!tpu.dma_semaphore, #tpu.memory_space<semaphore_mem>>) src(%dma_wait3A_2066 : memref<9x128xi32, #tpu.memory_space<hbm>>) dst(%dma_wait3A_2064 : memref<9x128xi32, #tpu.memory_space<vmem>>)
          tpu.yield
        }) : () -> ()
        %get3A_1167 = arith.constant 0 : i32
        %get3A_1168 = arith.index_cast %rem3A_1163 : i32 to index
        %get3A_1169 = arith.index_cast %get3A_1167 : i32 to index
        %get3A_1170 = arith.constant 0 : index
        %get3A_1171 = tpu.vector_load %arg6[%get3A_1168, %get3A_1169, %get3A_1170] {strides = array<i32>} : memref<2x9x128xi32, #tpu.memory_space<vmem>>, vector<16xi32>,
        %mul3A_1172 = arith.muli %get3A_1171, %broadcast_in_dim3A_7 : vector<16xi32>
        %broadcast_in_dim3A_1173 = arith.constant 0 : i32
        %broadcast_in_dim3A_1174 = vector.broadcast %broadcast_in_dim3A_1173 : i32 to vector<16xi32>
        %add3A_1175 = arith.addi %mul3A_1172, %broadcast_in_dim3A_1174 : vector<16xi32>
        %swap3A_1176 = arith.index_cast %rem3A_1163 : i32 to index
        %swap3A_1177 = arith.constant 0 : index
        %swap3A_1178 = tpu.vector_load %arg7[%swap3A_1176, %swap3A_1177] {strides = array<i32>} : memref<2x1152xi32, #tpu.memory_space<vmem>>, vector<16xi32>,
        tpu.vector_store %arg7[%swap3A_1176, %swap3A_1177], %add3A_1175 {strides = array<i32>} : memref<2x1152xi32, #tpu.memory_space<vmem>>, vector<16xi32>,
        %get3A_1179 = arith.constant 0 : i32
        %get3A_1180 = arith.index_cast %rem3A_1163 : i32 to index
        %get3A_1181 = arith.index_cast %get3A_1179 : i32 to index
        %get3A_1182 = arith.constant 16 : index
        %get3A_1183 = tpu.vector_load %arg6[%get3A_1180, %get3A_1181, %get3A_1182] {strides = array<i32>} : memref<2x9x128xi32, #tpu.memory_space<vmem>>, vector<16xi32>,
        %mul3A_1184 = arith.muli %get3A_1183, %broadcast_in_dim3A_7 : vector<16xi32>
        %broadcast_in_dim3A_1185 = arith.constant 0 : i32
        %broadcast_in_dim3A_1186 = vector.broadcast %broadcast_in_dim3A_1185 : i32 to vector<16xi32>
        %add3A_1187 = arith.addi %mul3A_1184, %broadcast_in_dim3A_1186 : vector<16xi32>
        %swap3A_1188 = arith.index_cast %rem3A_1163 : i32 to index
        %swap3A_1189 = arith.constant 16 : index
        %swap3A_1190 = tpu.vector_load %arg7[%swap3A_1188, %swap3A_1189] {strides = array<i32>} : memref<2x1152xi32, #tpu.memory_space<vmem>>, vector<16xi32>,
        tpu.vector_store %arg7[%swap3A_1188, %swap3A_1189], %add3A_1187 {strides = array<i32>} : memref<2x1152xi32, #tpu.memory_space<vmem>>, vector<16xi32>,
        %get3A_1191 = arith.constant 0 : i32
        %get3A_1192 = arith.index_cast %rem3A_1163 : i32 to index
        %get3A_1193 = arith.index_cast %get3A_1191 : i32 to index
        %get3A_1194 = arith.constant 32 : index
        %get3A_1195 = tpu.vector_load %arg6[%get3A_1192, %get3A_1193, %get3A_1194] {strides = array<i32>} : memref<2x9x128xi32, #tpu.memory_space<vmem>>, vector<16xi32>,
        %mul3A_1196 = arith.muli %get3A_1195, %broadcast_in_dim3A_7 : vector<16xi32>
        %broadcast_in_dim3A_1197 = arith.constant 0 : i32
        %broadcast_in_dim3A_1198 = vector.broadcast %broadcast_in_dim3A_1197 : i32 to vector<16xi32>
        %add3A_1199 = arith.addi %mul3A_1196, %broadcast_in_dim3A_1198 : vector<16xi32>
        %swap3A_1200 = arith.index_cast %rem3A_1163 : i32 to index
        %swap3A_1201 = arith.constant 32 : index
        %swap3A_1202 = tpu.vector_load %arg7[%swap3A_1200, %swap3A_1201] {strides = array<i32>} : memref<2x1152xi32, #tpu.memory_space<vmem>>, vector<16xi32>,
        tpu.vector_store %arg7[%swap3A_1200, %swap3A_1201], %add3A_1199 {strides = array<i32>} : memref<2x1152xi32, #tpu.memory_space<vmem>>, vector<16xi32>,
        %get3A_1203 = arith.constant 0 : i32
        %get3A_1204 = arith.index_cast %rem3A_1163 : i32 to index
        %get3A_1205 = arith.index_cast %get3A_1203 : i32 to index
        %get3A_1206 = arith.constant 48 : index
        %get3A_1207 = tpu.vector_load %arg6[%get3A_1204, %get3A_1205, %get3A_1206] {strides = array<i32>} : memref<2x9x128xi32, #tpu.memory_space<vmem>>, vector<16xi32>,
        %mul3A_1208 = arith.muli %get3A_1207, %broadcast_in_dim3A_7 : vector<16xi32>
        %broadcast_in_dim3A_1209 = arith.constant 0 : i32
        %broadcast_in_dim3A_1210 = vector.broadcast %broadcast_in_dim3A_1209 : i32 to vector<16xi32>
        %add3A_1211 = arith.addi %mul3A_1208, %broadcast_in_dim3A_1210 : vector<16xi32>
        %swap3A_1212 = arith.index_cast %rem3A_1163 : i32 to index
        %swap3A_1213 = arith.constant 48 : index
        %swap3A_1214 = tpu.vector_load %arg7[%swap3A_1212, %swap3A_1213] {strides = array<i32>} : memref<2x1152xi32, #tpu.memory_space<vmem>>, vector<16xi32>,
        tpu.vector_store %arg7[%swap3A_1212, %swap3A_1213], %add3A_1211 {strides = array<i32>} : memref<2x1152xi32, #tpu.memory_space<vmem>>, vector<16xi32>,
        %get3A_1215 = arith.constant 0 : i32
        %get3A_1216 = arith.index_cast %rem3A_1163 : i32 to index
        %get3A_1217 = arith.index_cast %get3A_1215 : i32 to index
        %get3A_1218 = arith.constant 64 : index
        %get3A_1219 = tpu.vector_load %arg6[%get3A_1216, %get3A_1217, %get3A_1218] {strides = array<i32>} : memref<2x9x128xi32, #tpu.memory_space<vmem>>, vector<16xi32>,
        %mul3A_1220 = arith.muli %get3A_1219, %broadcast_in_dim3A_7 : vector<16xi32>
        %broadcast_in_dim3A_1221 = arith.constant 0 : i32
        %broadcast_in_dim3A_1222 = vector.broadcast %broadcast_in_dim3A_1221 : i32 to vector<16xi32>
        %add3A_1223 = arith.addi %mul3A_1220, %broadcast_in_dim3A_1222 : vector<16xi32>
        %swap3A_1224 = arith.index_cast %rem3A_1163 : i32 to index
        %swap3A_1225 = arith.constant 64 : index
        %swap3A_1226 = tpu.vector_load %arg7[%swap3A_1224, %swap3A_1225] {strides = array<i32>} : memref<2x1152xi32, #tpu.memory_space<vmem>>, vector<16xi32>,
        tpu.vector_store %arg7[%swap3A_1224, %swap3A_1225], %add3A_1223 {strides = array<i32>} : memref<2x1152xi32, #tpu.memory_space<vmem>>, vector<16xi32>,
        %get3A_1227 = arith.constant 0 : i32
        %get3A_1228 = arith.index_cast %rem3A_1163 : i32 to index
        %get3A_1229 = arith.index_cast %get3A_1227 : i32 to index
        %get3A_1230 = arith.constant 80 : index
        %get3A_1231 = tpu.vector_load %arg6[%get3A_1228, %get3A_1229, %get3A_1230] {strides = array<i32>} : memref<2x9x128xi32, #tpu.memory_space<vmem>>, vector<16xi32>,
        %mul3A_1232 = arith.muli %get3A_1231, %broadcast_in_dim3A_7 : vector<16xi32>
        %broadcast_in_dim3A_1233 = arith.constant 0 : i32
        %broadcast_in_dim3A_1234 = vector.broadcast %broadcast_in_dim3A_1233 : i32 to vector<16xi32>
        %add3A_1235 = arith.addi %mul3A_1232, %broadcast_in_dim3A_1234 : vector<16xi32>
        %swap3A_1236 = arith.index_cast %rem3A_1163 : i32 to index
        %swap3A_1237 = arith.constant 80 : index
        %swap3A_1238 = tpu.vector_load %arg7[%swap3A_1236, %swap3A_1237] {strides = array<i32>} : memref<2x1152xi32, #tpu.memory_space<vmem>>, vector<16xi32>,
        tpu.vector_store %arg7[%swap3A_1236, %swap3A_1237], %add3A_1235 {strides = array<i32>} : memref<2x1152xi32, #tpu.memory_space<vmem>>, vector<16xi32>,
        %get3A_1239 = arith.constant 0 : i32
        %get3A_1240 = arith.index_cast %rem3A_1163 : i32 to index
        %get3A_1241 = arith.index_cast %get3A_1239 : i32 to index
        %get3A_1242 = arith.constant 96 : index
        %get3A_1243 = tpu.vector_load %arg6[%get3A_1240, %get3A_1241, %get3A_1242] {strides = array<i32>} : memref<2x9x128xi32, #tpu.memory_space<vmem>>, vector<16xi32>,
        %mul3A_1244 = arith.muli %get3A_1243, %broadcast_in_dim3A_7 : vector<16xi32>
        %broadcast_in_dim3A_1245 = arith.constant 0 : i32
        %broadcast_in_dim3A_1246 = vector.broadcast %broadcast_in_dim3A_1245 : i32 to vector<16xi32>
        %add3A_1247 = arith.addi %mul3A_1244, %broadcast_in_dim3A_1246 : vector<16xi32>
        %swap3A_1248 = arith.index_cast %rem3A_1163 : i32 to index
        %swap3A_1249 = arith.constant 96 : index
        %swap3A_1250 = tpu.vector_load %arg7[%swap3A_1248, %swap3A_1249] {strides = array<i32>} : memref<2x1152xi32, #tpu.memory_space<vmem>>, vector<16xi32>,
        tpu.vector_store %arg7[%swap3A_1248, %swap3A_1249], %add3A_1247 {strides = array<i32>} : memref<2x1152xi32, #tpu.memory_space<vmem>>, vector<16xi32>,
        %get3A_1251 = arith.constant 0 : i32
        %get3A_1252 = arith.index_cast %rem3A_1163 : i32 to index
        %get3A_1253 = arith.index_cast %get3A_1251 : i32 to index
        %get3A_1254 = arith.constant 112 : index
        %get3A_1255 = tpu.vector_load %arg6[%get3A_1252, %get3A_1253, %get3A_1254] {strides = array<i32>} : memref<2x9x128xi32, #tpu.memory_space<vmem>>, vector<16xi32>,
        %mul3A_1256 = arith.muli %get3A_1255, %broadcast_in_dim3A_7 : vector<16xi32>
        %broadcast_in_dim3A_1257 = arith.constant 0 : i32
        %broadcast_in_dim3A_1258 = vector.broadcast %broadcast_in_dim3A_1257 : i32 to vector<16xi32>
        %add3A_1259 = arith.addi %mul3A_1256, %broadcast_in_dim3A_1258 : vector<16xi32>
        %swap3A_1260 = arith.index_cast %rem3A_1163 : i32 to index
        %swap3A_1261 = arith.constant 112 : index
        %swap3A_1262 = tpu.vector_load %arg7[%swap3A_1260, %swap3A_1261] {strides = array<i32>} : memref<2x1152xi32, #tpu.memory_space<vmem>>, vector<16xi32>,
        tpu.vector_store %arg7[%swap3A_1260, %swap3A_1261], %add3A_1259 {strides = array<i32>} : memref<2x1152xi32, #tpu.memory_space<vmem>>, vector<16xi32>,
        %get3A_1263 = arith.constant 1 : i32
        %get3A_1264 = arith.index_cast %rem3A_1163 : i32 to index
        %get3A_1265 = arith.index_cast %get3A_1263 : i32 to index
        %get3A_1266 = arith.constant 0 : index
        %get3A_1267 = tpu.vector_load %arg6[%get3A_1264, %get3A_1265, %get3A_1266] {strides = array<i32>} : memref<2x9x128xi32, #tpu.memory_space<vmem>>, vector<16xi32>,
        %mul3A_1268 = arith.muli %get3A_1267, %broadcast_in_dim3A_7 : vector<16xi32>
        %broadcast_in_dim3A_1269 = arith.constant 1 : i32
        %broadcast_in_dim3A_1270 = vector.broadcast %broadcast_in_dim3A_1269 : i32 to vector<16xi32>
        %add3A_1271 = arith.addi %mul3A_1268, %broadcast_in_dim3A_1270 : vector<16xi32>
        %swap3A_1272 = arith.index_cast %rem3A_1163 : i32 to index
        %swap3A_1273 = arith.constant 128 : index
        %swap3A_1274 = tpu.vector_load %arg7[%swap3A_1272, %swap3A_1273] {strides = array<i32>} : memref<2x1152xi32, #tpu.memory_space<vmem>>, vector<16xi32>,
        tpu.vector_store %arg7[%swap3A_1272, %swap3A_1273], %add3A_1271 {strides = array<i32>} : memref<2x1152xi32, #tpu.memory_space<vmem>>, vector<16xi32>,
        %get3A_1275 = arith.constant 1 : i32
        %get3A_1276 = arith.index_cast %rem3A_1163 : i32 to index
        %get3A_1277 = arith.index_cast %get3A_1275 : i32 to index
        %get3A_1278 = arith.constant 16 : index
        %get3A_1279 = tpu.vector_load %arg6[%get3A_1276, %get3A_1277, %get3A_1278] {strides = array<i32>} : memref<2x9x128xi32, #tpu.memory_space<vmem>>, vector<16xi32>,
        %mul3A_1280 = arith.muli %get3A_1279, %broadcast_in_dim3A_7 : vector<16xi32>
        %broadcast_in_dim3A_1281 = arith.constant 1 : i32
        %broadcast_in_dim3A_1282 = vector.broadcast %broadcast_in_dim3A_1281 : i32 to vector<16xi32>
        %add3A_1283 = arith.addi %mul3A_1280, %broadcast_in_dim3A_1282 : vector<16xi32>
        %swap3A_1284 = arith.index_cast %rem3A_1163 : i32 to index
        %swap3A_1285 = arith.constant 144 : index
        %swap3A_1286 = tpu.vector_load %arg7[%swap3A_1284, %swap3A_1285] {strides = array<i32>} : memref<2x1152xi32, #tpu.memory_space<vmem>>, vector<16xi32>,
        tpu.vector_store %arg7[%swap3A_1284, %swap3A_1285], %add3A_1283 {strides = array<i32>} : memref<2x1152xi32, #tpu.memory_space<vmem>>, vector<16xi32>,
        %get3A_1287 = arith.constant 1 : i32
        %get3A_1288 = arith.index_cast %rem3A_1163 : i32 to index
        %get3A_1289 = arith.index_cast %get3A_1287 : i32 to index
        %get3A_1290 = arith.constant 32 : index
        %get3A_1291 = tpu.vector_load %arg6[%get3A_1288, %get3A_1289, %get3A_1290] {strides = array<i32>} : memref<2x9x128xi32, #tpu.memory_space<vmem>>, vector<16xi32>,
        %mul3A_1292 = arith.muli %get3A_1291, %broadcast_in_dim3A_7 : vector<16xi32>
        %broadcast_in_dim3A_1293 = arith.constant 1 : i32
        %broadcast_in_dim3A_1294 = vector.broadcast %broadcast_in_dim3A_1293 : i32 to vector<16xi32>
        %add3A_1295 = arith.addi %mul3A_1292, %broadcast_in_dim3A_1294 : vector<16xi32>
        %swap3A_1296 = arith.index_cast %rem3A_1163 : i32 to index
        %swap3A_1297 = arith.constant 160 : index
        %swap3A_1298 = tpu.vector_load %arg7[%swap3A_1296, %swap3A_1297] {strides = array<i32>} : memref<2x1152xi32, #tpu.memory_space<vmem>>, vector<16xi32>,
        tpu.vector_store %arg7[%swap3A_1296, %swap3A_1297], %add3A_1295 {strides = array<i32>} : memref<2x1152xi32, #tpu.memory_space<vmem>>, vector<16xi32>,
        %get3A_1299 = arith.constant 1 : i32
        %get3A_1300 = arith.index_cast %rem3A_1163 : i32 to index
        %get3A_1301 = arith.index_cast %get3A_1299 : i32 to index
        %get3A_1302 = arith.constant 48 : index
        %get3A_1303 = tpu.vector_load %arg6[%get3A_1300, %get3A_1301, %get3A_1302] {strides = array<i32>} : memref<2x9x128xi32, #tpu.memory_space<vmem>>, vector<16xi32>,
        %mul3A_1304 = arith.muli %get3A_1303, %broadcast_in_dim3A_7 : vector<16xi32>
        %broadcast_in_dim3A_1305 = arith.constant 1 : i32
        %broadcast_in_dim3A_1306 = vector.broadcast %broadcast_in_dim3A_1305 : i32 to vector<16xi32>
        %add3A_1307 = arith.addi %mul3A_1304, %broadcast_in_dim3A_1306 : vector<16xi32>
        %swap3A_1308 = arith.index_cast %rem3A_1163 : i32 to index
        %swap3A_1309 = arith.constant 176 : index
        %swap3A_1310 = tpu.vector_load %arg7[%swap3A_1308, %swap3A_1309] {strides = array<i32>} : memref<2x1152xi32, #tpu.memory_space<vmem>>, vector<16xi32>,
        tpu.vector_store %arg7[%swap3A_1308, %swap3A_1309], %add3A_1307 {strides = array<i32>} : memref<2x1152xi32, #tpu.memory_space<vmem>>, vector<16xi32>,
        %get3A_1311 = arith.constant 1 : i32
        %get3A_1312 = arith.index_cast %rem3A_1163 : i32 to index
        %get3A_1313 = arith.index_cast %get3A_1311 : i32 to index
        %get3A_1314 = arith.constant 64 : index
        %get3A_1315 = tpu.vector_load %arg6[%get3A_1312, %get3A_1313, %get3A_1314] {strides = array<i32>} : memref<2x9x128xi32, #tpu.memory_space<vmem>>, vector<16xi32>,
        %mul3A_1316 = arith.muli %get3A_1315, %broadcast_in_dim3A_7 : vector<16xi32>
        %broadcast_in_dim3A_1317 = arith.constant 1 : i32
        %broadcast_in_dim3A_1318 = vector.broadcast %broadcast_in_dim3A_1317 : i32 to vector<16xi32>
        %add3A_1319 = arith.addi %mul3A_1316, %broadcast_in_dim3A_1318 : vector<16xi32>
        %swap3A_1320 = arith.index_cast %rem3A_1163 : i32 to index
        %swap3A_1321 = arith.constant 192 : index
        %swap3A_1322 = tpu.vector_load %arg7[%swap3A_1320, %swap3A_1321] {strides = array<i32>} : memref<2x1152xi32, #tpu.memory_space<vmem>>, vector<16xi32>,
        tpu.vector_store %arg7[%swap3A_1320, %swap3A_1321], %add3A_1319 {strides = array<i32>} : memref<2x1152xi32, #tpu.memory_space<vmem>>, vector<16xi32>,
        %get3A_1323 = arith.constant 1 : i32
        %get3A_1324 = arith.index_cast %rem3A_1163 : i32 to index
        %get3A_1325 = arith.index_cast %get3A_1323 : i32 to index
        %get3A_1326 = arith.constant 80 : index
        %get3A_1327 = tpu.vector_load %arg6[%get3A_1324, %get3A_1325, %get3A_1326] {strides = array<i32>} : memref<2x9x128xi32, #tpu.memory_space<vmem>>, vector<16xi32>,
        %mul3A_1328 = arith.muli %get3A_1327, %broadcast_in_dim3A_7 : vector<16xi32>
        %broadcast_in_dim3A_1329 = arith.constant 1 : i32
        %broadcast_in_dim3A_1330 = vector.broadcast %broadcast_in_dim3A_1329 : i32 to vector<16xi32>
        %add3A_1331 = arith.addi %mul3A_1328, %broadcast_in_dim3A_1330 : vector<16xi32>
        %swap3A_1332 = arith.index_cast %rem3A_1163 : i32 to index
        %swap3A_1333 = arith.constant 208 : index
        %swap3A_1334 = tpu.vector_load %arg7[%swap3A_1332, %swap3A_1333] {strides = array<i32>} : memref<2x1152xi32, #tpu.memory_space<vmem>>, vector<16xi32>,
        tpu.vector_store %arg7[%swap3A_1332, %swap3A_1333], %add3A_1331 {strides = array<i32>} : memref<2x1152xi32, #tpu.memory_space<vmem>>, vector<16xi32>,
        %get3A_1335 = arith.constant 1 : i32
        %get3A_1336 = arith.index_cast %rem3A_1163 : i32 to index
        %get3A_1337 = arith.index_cast %get3A_1335 : i32 to index
        %get3A_1338 = arith.constant 96 : index
        %get3A_1339 = tpu.vector_load %arg6[%get3A_1336, %get3A_1337, %get3A_1338] {strides = array<i32>} : memref<2x9x128xi32, #tpu.memory_space<vmem>>, vector<16xi32>,
        %mul3A_1340 = arith.muli %get3A_1339, %broadcast_in_dim3A_7 : vector<16xi32>
        %broadcast_in_dim3A_1341 = arith.constant 1 : i32
        %broadcast_in_dim3A_1342 = vector.broadcast %broadcast_in_dim3A_1341 : i32 to vector<16xi32>
        %add3A_1343 = arith.addi %mul3A_1340, %broadcast_in_dim3A_1342 : vector<16xi32>
        %swap3A_1344 = arith.index_cast %rem3A_1163 : i32 to index
        %swap3A_1345 = arith.constant 224 : index
        %swap3A_1346 = tpu.vector_load %arg7[%swap3A_1344, %swap3A_1345] {strides = array<i32>} : memref<2x1152xi32, #tpu.memory_space<vmem>>, vector<16xi32>,
        tpu.vector_store %arg7[%swap3A_1344, %swap3A_1345], %add3A_1343 {strides = array<i32>} : memref<2x1152xi32, #tpu.memory_space<vmem>>, vector<16xi32>,
        %get3A_1347 = arith.constant 1 : i32
        %get3A_1348 = arith.index_cast %rem3A_1163 : i32 to index
        %get3A_1349 = arith.index_cast %get3A_1347 : i32 to index
        %get3A_1350 = arith.constant 112 : index
        %get3A_1351 = tpu.vector_load %arg6[%get3A_1348, %get3A_1349, %get3A_1350] {strides = array<i32>} : memref<2x9x128xi32, #tpu.memory_space<vmem>>, vector<16xi32>,
        %mul3A_1352 = arith.muli %get3A_1351, %broadcast_in_dim3A_7 : vector<16xi32>
        %broadcast_in_dim3A_1353 = arith.constant 1 : i32
        %broadcast_in_dim3A_1354 = vector.broadcast %broadcast_in_dim3A_1353 : i32 to vector<16xi32>
        %add3A_1355 = arith.addi %mul3A_1352, %broadcast_in_dim3A_1354 : vector<16xi32>
        %swap3A_1356 = arith.index_cast %rem3A_1163 : i32 to index
        %swap3A_1357 = arith.constant 240 : index
        %swap3A_1358 = tpu.vector_load %arg7[%swap3A_1356, %swap3A_1357] {strides = array<i32>} : memref<2x1152xi32, #tpu.memory_space<vmem>>, vector<16xi32>,
        tpu.vector_store %arg7[%swap3A_1356, %swap3A_1357], %add3A_1355 {strides = array<i32>} : memref<2x1152xi32, #tpu.memory_space<vmem>>, vector<16xi32>,
        %get3A_1359 = arith.constant 2 : i32
        %get3A_1360 = arith.index_cast %rem3A_1163 : i32 to index
        %get3A_1361 = arith.index_cast %get3A_1359 : i32 to index
        %get3A_1362 = arith.constant 0 : index
        %get3A_1363 = tpu.vector_load %arg6[%get3A_1360, %get3A_1361, %get3A_1362] {strides = array<i32>} : memref<2x9x128xi32, #tpu.memory_space<vmem>>, vector<16xi32>,
        %mul3A_1364 = arith.muli %get3A_1363, %broadcast_in_dim3A_7 : vector<16xi32>
        %broadcast_in_dim3A_1365 = arith.constant 2 : i32
        %broadcast_in_dim3A_1366 = vector.broadcast %broadcast_in_dim3A_1365 : i32 to vector<16xi32>
        %add3A_1367 = arith.addi %mul3A_1364, %broadcast_in_dim3A_1366 : vector<16xi32>
        %swap3A_1368 = arith.index_cast %rem3A_1163 : i32 to index
        %swap3A_1369 = arith.constant 256 : index
        %swap3A_1370 = tpu.vector_load %arg7[%swap3A_1368, %swap3A_1369] {strides = array<i32>} : memref<2x1152xi32, #tpu.memory_space<vmem>>, vector<16xi32>,
        tpu.vector_store %arg7[%swap3A_1368, %swap3A_1369], %add3A_1367 {strides = array<i32>} : memref<2x1152xi32, #tpu.memory_space<vmem>>, vector<16xi32>,
        %get3A_1371 = arith.constant 2 : i32
        %get3A_1372 = arith.index_cast %rem3A_1163 : i32 to index
        %get3A_1373 = arith.index_cast %get3A_1371 : i32 to index
        %get3A_1374 = arith.constant 16 : index
        %get3A_1375 = tpu.vector_load %arg6[%get3A_1372, %get3A_1373, %get3A_1374] {strides = array<i32>} : memref<2x9x128xi32, #tpu.memory_space<vmem>>, vector<16xi32>,
        %mul3A_1376 = arith.muli %get3A_1375, %broadcast_in_dim3A_7 : vector<16xi32>
        %broadcast_in_dim3A_1377 = arith.constant 2 : i32
        %broadcast_in_dim3A_1378 = vector.broadcast %broadcast_in_dim3A_1377 : i32 to vector<16xi32>
        %add3A_1379 = arith.addi %mul3A_1376, %broadcast_in_dim3A_1378 : vector<16xi32>
        %swap3A_1380 = arith.index_cast %rem3A_1163 : i32 to index
        %swap3A_1381 = arith.constant 272 : index
        %swap3A_1382 = tpu.vector_load %arg7[%swap3A_1380, %swap3A_1381] {strides = array<i32>} : memref<2x1152xi32, #tpu.memory_space<vmem>>, vector<16xi32>,
        tpu.vector_store %arg7[%swap3A_1380, %swap3A_1381], %add3A_1379 {strides = array<i32>} : memref<2x1152xi32, #tpu.memory_space<vmem>>, vector<16xi32>,
        %get3A_1383 = arith.constant 2 : i32
        %get3A_1384 = arith.index_cast %rem3A_1163 : i32 to index
        %get3A_1385 = arith.index_cast %get3A_1383 : i32 to index
        %get3A_1386 = arith.constant 32 : index
        %get3A_1387 = tpu.vector_load %arg6[%get3A_1384, %get3A_1385, %get3A_1386] {strides = array<i32>} : memref<2x9x128xi32, #tpu.memory_space<vmem>>, vector<16xi32>,
        %mul3A_1388 = arith.muli %get3A_1387, %broadcast_in_dim3A_7 : vector<16xi32>
        %broadcast_in_dim3A_1389 = arith.constant 2 : i32
        %broadcast_in_dim3A_1390 = vector.broadcast %broadcast_in_dim3A_1389 : i32 to vector<16xi32>
        %add3A_1391 = arith.addi %mul3A_1388, %broadcast_in_dim3A_1390 : vector<16xi32>
        %swap3A_1392 = arith.index_cast %rem3A_1163 : i32 to index
        %swap3A_1393 = arith.constant 288 : index
        %swap3A_1394 = tpu.vector_load %arg7[%swap3A_1392, %swap3A_1393] {strides = array<i32>} : memref<2x1152xi32, #tpu.memory_space<vmem>>, vector<16xi32>,
        tpu.vector_store %arg7[%swap3A_1392, %swap3A_1393], %add3A_1391 {strides = array<i32>} : memref<2x1152xi32, #tpu.memory_space<vmem>>, vector<16xi32>,
        %get3A_1395 = arith.constant 2 : i32
        %get3A_1396 = arith.index_cast %rem3A_1163 : i32 to index
        %get3A_1397 = arith.index_cast %get3A_1395 : i32 to index
        %get3A_1398 = arith.constant 48 : index
        %get3A_1399 = tpu.vector_load %arg6[%get3A_1396, %get3A_1397, %get3A_1398] {strides = array<i32>} : memref<2x9x128xi32, #tpu.memory_space<vmem>>, vector<16xi32>,
        %mul3A_1400 = arith.muli %get3A_1399, %broadcast_in_dim3A_7 : vector<16xi32>
        %broadcast_in_dim3A_1401 = arith.constant 2 : i32
        %broadcast_in_dim3A_1402 = vector.broadcast %broadcast_in_dim3A_1401 : i32 to vector<16xi32>
        %add3A_1403 = arith.addi %mul3A_1400, %broadcast_in_dim3A_1402 : vector<16xi32>
        %swap3A_1404 = arith.index_cast %rem3A_1163 : i32 to index
        %swap3A_1405 = arith.constant 304 : index
        %swap3A_1406 = tpu.vector_load %arg7[%swap3A_1404, %swap3A_1405] {strides = array<i32>} : memref<2x1152xi32, #tpu.memory_space<vmem>>, vector<16xi32>,
        tpu.vector_store %arg7[%swap3A_1404, %swap3A_1405], %add3A_1403 {strides = array<i32>} : memref<2x1152xi32, #tpu.memory_space<vmem>>, vector<16xi32>,
        %get3A_1407 = arith.constant 2 : i32
        %get3A_1408 = arith.index_cast %rem3A_1163 : i32 to index
        %get3A_1409 = arith.index_cast %get3A_1407 : i32 to index
        %get3A_1410 = arith.constant 64 : index
        %get3A_1411 = tpu.vector_load %arg6[%get3A_1408, %get3A_1409, %get3A_1410] {strides = array<i32>} : memref<2x9x128xi32, #tpu.memory_space<vmem>>, vector<16xi32>,
        %mul3A_1412 = arith.muli %get3A_1411, %broadcast_in_dim3A_7 : vector<16xi32>
        %broadcast_in_dim3A_1413 = arith.constant 2 : i32
        %broadcast_in_dim3A_1414 = vector.broadcast %broadcast_in_dim3A_1413 : i32 to vector<16xi32>
        %add3A_1415 = arith.addi %mul3A_1412, %broadcast_in_dim3A_1414 : vector<16xi32>
        %swap3A_1416 = arith.index_cast %rem3A_1163 : i32 to index
        %swap3A_1417 = arith.constant 320 : index
        %swap3A_1418 = tpu.vector_load %arg7[%swap3A_1416, %swap3A_1417] {strides = array<i32>} : memref<2x1152xi32, #tpu.memory_space<vmem>>, vector<16xi32>,
        tpu.vector_store %arg7[%swap3A_1416, %swap3A_1417], %add3A_1415 {strides = array<i32>} : memref<2x1152xi32, #tpu.memory_space<vmem>>, vector<16xi32>,
        %get3A_1419 = arith.constant 2 : i32
        %get3A_1420 = arith.index_cast %rem3A_1163 : i32 to index
        %get3A_1421 = arith.index_cast %get3A_1419 : i32 to index
        %get3A_1422 = arith.constant 80 : index
        %get3A_1423 = tpu.vector_load %arg6[%get3A_1420, %get3A_1421, %get3A_1422] {strides = array<i32>} : memref<2x9x128xi32, #tpu.memory_space<vmem>>, vector<16xi32>,
        %mul3A_1424 = arith.muli %get3A_1423, %broadcast_in_dim3A_7 : vector<16xi32>
        %broadcast_in_dim3A_1425 = arith.constant 2 : i32
        %broadcast_in_dim3A_1426 = vector.broadcast %broadcast_in_dim3A_1425 : i32 to vector<16xi32>
        %add3A_1427 = arith.addi %mul3A_1424, %broadcast_in_dim3A_1426 : vector<16xi32>
        %swap3A_1428 = arith.index_cast %rem3A_1163 : i32 to index
        %swap3A_1429 = arith.constant 336 : index
        %swap3A_1430 = tpu.vector_load %arg7[%swap3A_1428, %swap3A_1429] {strides = array<i32>} : memref<2x1152xi32, #tpu.memory_space<vmem>>, vector<16xi32>,
        tpu.vector_store %arg7[%swap3A_1428, %swap3A_1429], %add3A_1427 {strides = array<i32>} : memref<2x1152xi32, #tpu.memory_space<vmem>>, vector<16xi32>,
        %get3A_1431 = arith.constant 2 : i32
        %get3A_1432 = arith.index_cast %rem3A_1163 : i32 to index
        %get3A_1433 = arith.index_cast %get3A_1431 : i32 to index
        %get3A_1434 = arith.constant 96 : index
        %get3A_1435 = tpu.vector_load %arg6[%get3A_1432, %get3A_1433, %get3A_1434] {strides = array<i32>} : memref<2x9x128xi32, #tpu.memory_space<vmem>>, vector<16xi32>,
        %mul3A_1436 = arith.muli %get3A_1435, %broadcast_in_dim3A_7 : vector<16xi32>
        %broadcast_in_dim3A_1437 = arith.constant 2 : i32
        %broadcast_in_dim3A_1438 = vector.broadcast %broadcast_in_dim3A_1437 : i32 to vector<16xi32>
        %add3A_1439 = arith.addi %mul3A_1436, %broadcast_in_dim3A_1438 : vector<16xi32>
        %swap3A_1440 = arith.index_cast %rem3A_1163 : i32 to index
        %swap3A_1441 = arith.constant 352 : index
        %swap3A_1442 = tpu.vector_load %arg7[%swap3A_1440, %swap3A_1441] {strides = array<i32>} : memref<2x1152xi32, #tpu.memory_space<vmem>>, vector<16xi32>,
        tpu.vector_store %arg7[%swap3A_1440, %swap3A_1441], %add3A_1439 {strides = array<i32>} : memref<2x1152xi32, #tpu.memory_space<vmem>>, vector<16xi32>,
        %get3A_1443 = arith.constant 2 : i32
        %get3A_1444 = arith.index_cast %rem3A_1163 : i32 to index
        %get3A_1445 = arith.index_cast %get3A_1443 : i32 to index
        %get3A_1446 = arith.constant 112 : index
        %get3A_1447 = tpu.vector_load %arg6[%get3A_1444, %get3A_1445, %get3A_1446] {strides = array<i32>} : memref<2x9x128xi32, #tpu.memory_space<vmem>>, vector<16xi32>,
        %mul3A_1448 = arith.muli %get3A_1447, %broadcast_in_dim3A_7 : vector<16xi32>
        %broadcast_in_dim3A_1449 = arith.constant 2 : i32
        %broadcast_in_dim3A_1450 = vector.broadcast %broadcast_in_dim3A_1449 : i32 to vector<16xi32>
        %add3A_1451 = arith.addi %mul3A_1448, %broadcast_in_dim3A_1450 : vector<16xi32>
        %swap3A_1452 = arith.index_cast %rem3A_1163 : i32 to index
        %swap3A_1453 = arith.constant 368 : index
        %swap3A_1454 = tpu.vector_load %arg7[%swap3A_1452, %swap3A_1453] {strides = array<i32>} : memref<2x1152xi32, #tpu.memory_space<vmem>>, vector<16xi32>,
        tpu.vector_store %arg7[%swap3A_1452, %swap3A_1453], %add3A_1451 {strides = array<i32>} : memref<2x1152xi32, #tpu.memory_space<vmem>>, vector<16xi32>,
        %get3A_1455 = arith.constant 3 : i32
        %get3A_1456 = arith.index_cast %rem3A_1163 : i32 to index
        %get3A_1457 = arith.index_cast %get3A_1455 : i32 to index
        %get3A_1458 = arith.constant 0 : index
        %get3A_1459 = tpu.vector_load %arg6[%get3A_1456, %get3A_1457, %get3A_1458] {strides = array<i32>} : memref<2x9x128xi32, #tpu.memory_space<vmem>>, vector<16xi32>,
        %mul3A_1460 = arith.muli %get3A_1459, %broadcast_in_dim3A_7 : vector<16xi32>
        %broadcast_in_dim3A_1461 = arith.constant 3 : i32
        %broadcast_in_dim3A_1462 = vector.broadcast %broadcast_in_dim3A_1461 : i32 to vector<16xi32>
        %add3A_1463 = arith.addi %mul3A_1460, %broadcast_in_dim3A_1462 : vector<16xi32>
        %swap3A_1464 = arith.index_cast %rem3A_1163 : i32 to index
        %swap3A_1465 = arith.constant 384 : index
        %swap3A_1466 = tpu.vector_load %arg7[%swap3A_1464, %swap3A_1465] {strides = array<i32>} : memref<2x1152xi32, #tpu.memory_space<vmem>>, vector<16xi32>,
        tpu.vector_store %arg7[%swap3A_1464, %swap3A_1465], %add3A_1463 {strides = array<i32>} : memref<2x1152xi32, #tpu.memory_space<vmem>>, vector<16xi32>,
        %get3A_1467 = arith.constant 3 : i32
        %get3A_1468 = arith.index_cast %rem3A_1163 : i32 to index
        %get3A_1469 = arith.index_cast %get3A_1467 : i32 to index
        %get3A_1470 = arith.constant 16 : index
        %get3A_1471 = tpu.vector_load %arg6[%get3A_1468, %get3A_1469, %get3A_1470] {strides = array<i32>} : memref<2x9x128xi32, #tpu.memory_space<vmem>>, vector<16xi32>,
        %mul3A_1472 = arith.muli %get3A_1471, %broadcast_in_dim3A_7 : vector<16xi32>
        %broadcast_in_dim3A_1473 = arith.constant 3 : i32
        %broadcast_in_dim3A_1474 = vector.broadcast %broadcast_in_dim3A_1473 : i32 to vector<16xi32>
        %add3A_1475 = arith.addi %mul3A_1472, %broadcast_in_dim3A_1474 : vector<16xi32>
        %swap3A_1476 = arith.index_cast %rem3A_1163 : i32 to index
        %swap3A_1477 = arith.constant 400 : index
        %swap3A_1478 = tpu.vector_load %arg7[%swap3A_1476, %swap3A_1477] {strides = array<i32>} : memref<2x1152xi32, #tpu.memory_space<vmem>>, vector<16xi32>,
        tpu.vector_store %arg7[%swap3A_1476, %swap3A_1477], %add3A_1475 {strides = array<i32>} : memref<2x1152xi32, #tpu.memory_space<vmem>>, vector<16xi32>,
        %get3A_1479 = arith.constant 3 : i32
        %get3A_1480 = arith.index_cast %rem3A_1163 : i32 to index
        %get3A_1481 = arith.index_cast %get3A_1479 : i32 to index
        %get3A_1482 = arith.constant 32 : index
        %get3A_1483 = tpu.vector_load %arg6[%get3A_1480, %get3A_1481, %get3A_1482] {strides = array<i32>} : memref<2x9x128xi32, #tpu.memory_space<vmem>>, vector<16xi32>,
        %mul3A_1484 = arith.muli %get3A_1483, %broadcast_in_dim3A_7 : vector<16xi32>
        %broadcast_in_dim3A_1485 = arith.constant 3 : i32
        %broadcast_in_dim3A_1486 = vector.broadcast %broadcast_in_dim3A_1485 : i32 to vector<16xi32>
        %add3A_1487 = arith.addi %mul3A_1484, %broadcast_in_dim3A_1486 : vector<16xi32>
        %swap3A_1488 = arith.index_cast %rem3A_1163 : i32 to index
        %swap3A_1489 = arith.constant 416 : index
        %swap3A_1490 = tpu.vector_load %arg7[%swap3A_1488, %swap3A_1489] {strides = array<i32>} : memref<2x1152xi32, #tpu.memory_space<vmem>>, vector<16xi32>,
        tpu.vector_store %arg7[%swap3A_1488, %swap3A_1489], %add3A_1487 {strides = array<i32>} : memref<2x1152xi32, #tpu.memory_space<vmem>>, vector<16xi32>,
        %get3A_1491 = arith.constant 3 : i32
        %get3A_1492 = arith.index_cast %rem3A_1163 : i32 to index
        %get3A_1493 = arith.index_cast %get3A_1491 : i32 to index
        %get3A_1494 = arith.constant 48 : index
        %get3A_1495 = tpu.vector_load %arg6[%get3A_1492, %get3A_1493, %get3A_1494] {strides = array<i32>} : memref<2x9x128xi32, #tpu.memory_space<vmem>>, vector<16xi32>,
        %mul3A_1496 = arith.muli %get3A_1495, %broadcast_in_dim3A_7 : vector<16xi32>
        %broadcast_in_dim3A_1497 = arith.constant 3 : i32
        %broadcast_in_dim3A_1498 = vector.broadcast %broadcast_in_dim3A_1497 : i32 to vector<16xi32>
        %add3A_1499 = arith.addi %mul3A_1496, %broadcast_in_dim3A_1498 : vector<16xi32>
        %swap3A_1500 = arith.index_cast %rem3A_1163 : i32 to index
        %swap3A_1501 = arith.constant 432 : index
        %swap3A_1502 = tpu.vector_load %arg7[%swap3A_1500, %swap3A_1501] {strides = array<i32>} : memref<2x1152xi32, #tpu.memory_space<vmem>>, vector<16xi32>,
        tpu.vector_store %arg7[%swap3A_1500, %swap3A_1501], %add3A_1499 {strides = array<i32>} : memref<2x1152xi32, #tpu.memory_space<vmem>>, vector<16xi32>,
        %get3A_1503 = arith.constant 3 : i32
        %get3A_1504 = arith.index_cast %rem3A_1163 : i32 to index
        %get3A_1505 = arith.index_cast %get3A_1503 : i32 to index
        %get3A_1506 = arith.constant 64 : index
        %get3A_1507 = tpu.vector_load %arg6[%get3A_1504, %get3A_1505, %get3A_1506] {strides = array<i32>} : memref<2x9x128xi32, #tpu.memory_space<vmem>>, vector<16xi32>,
        %mul3A_1508 = arith.muli %get3A_1507, %broadcast_in_dim3A_7 : vector<16xi32>
        %broadcast_in_dim3A_1509 = arith.constant 3 : i32
        %broadcast_in_dim3A_1510 = vector.broadcast %broadcast_in_dim3A_1509 : i32 to vector<16xi32>
        %add3A_1511 = arith.addi %mul3A_1508, %broadcast_in_dim3A_1510 : vector<16xi32>
        %swap3A_1512 = arith.index_cast %rem3A_1163 : i32 to index
        %swap3A_1513 = arith.constant 448 : index
        %swap3A_1514 = tpu.vector_load %arg7[%swap3A_1512, %swap3A_1513] {strides = array<i32>} : memref<2x1152xi32, #tpu.memory_space<vmem>>, vector<16xi32>,
        tpu.vector_store %arg7[%swap3A_1512, %swap3A_1513], %add3A_1511 {strides = array<i32>} : memref<2x1152xi32, #tpu.memory_space<vmem>>, vector<16xi32>,
        %get3A_1515 = arith.constant 3 : i32
        %get3A_1516 = arith.index_cast %rem3A_1163 : i32 to index
        %get3A_1517 = arith.index_cast %get3A_1515 : i32 to index
        %get3A_1518 = arith.constant 80 : index
        %get3A_1519 = tpu.vector_load %arg6[%get3A_1516, %get3A_1517, %get3A_1518] {strides = array<i32>} : memref<2x9x128xi32, #tpu.memory_space<vmem>>, vector<16xi32>,
        %mul3A_1520 = arith.muli %get3A_1519, %broadcast_in_dim3A_7 : vector<16xi32>
        %broadcast_in_dim3A_1521 = arith.constant 3 : i32
        %broadcast_in_dim3A_1522 = vector.broadcast %broadcast_in_dim3A_1521 : i32 to vector<16xi32>
        %add3A_1523 = arith.addi %mul3A_1520, %broadcast_in_dim3A_1522 : vector<16xi32>
        %swap3A_1524 = arith.index_cast %rem3A_1163 : i32 to index
        %swap3A_1525 = arith.constant 464 : index
        %swap3A_1526 = tpu.vector_load %arg7[%swap3A_1524, %swap3A_1525] {strides = array<i32>} : memref<2x1152xi32, #tpu.memory_space<vmem>>, vector<16xi32>,
        tpu.vector_store %arg7[%swap3A_1524, %swap3A_1525], %add3A_1523 {strides = array<i32>} : memref<2x1152xi32, #tpu.memory_space<vmem>>, vector<16xi32>,
        %get3A_1527 = arith.constant 3 : i32
        %get3A_1528 = arith.index_cast %rem3A_1163 : i32 to index
        %get3A_1529 = arith.index_cast %get3A_1527 : i32 to index
        %get3A_1530 = arith.constant 96 : index
        %get3A_1531 = tpu.vector_load %arg6[%get3A_1528, %get3A_1529, %get3A_1530] {strides = array<i32>} : memref<2x9x128xi32, #tpu.memory_space<vmem>>, vector<16xi32>,
        %mul3A_1532 = arith.muli %get3A_1531, %broadcast_in_dim3A_7 : vector<16xi32>
        %broadcast_in_dim3A_1533 = arith.constant 3 : i32
        %broadcast_in_dim3A_1534 = vector.broadcast %broadcast_in_dim3A_1533 : i32 to vector<16xi32>
        %add3A_1535 = arith.addi %mul3A_1532, %broadcast_in_dim3A_1534 : vector<16xi32>
        %swap3A_1536 = arith.index_cast %rem3A_1163 : i32 to index
        %swap3A_1537 = arith.constant 480 : index
        %swap3A_1538 = tpu.vector_load %arg7[%swap3A_1536, %swap3A_1537] {strides = array<i32>} : memref<2x1152xi32, #tpu.memory_space<vmem>>, vector<16xi32>,
        tpu.vector_store %arg7[%swap3A_1536, %swap3A_1537], %add3A_1535 {strides = array<i32>} : memref<2x1152xi32, #tpu.memory_space<vmem>>, vector<16xi32>,
        %get3A_1539 = arith.constant 3 : i32
        %get3A_1540 = arith.index_cast %rem3A_1163 : i32 to index
        %get3A_1541 = arith.index_cast %get3A_1539 : i32 to index
        %get3A_1542 = arith.constant 112 : index
        %get3A_1543 = tpu.vector_load %arg6[%get3A_1540, %get3A_1541, %get3A_1542] {strides = array<i32>} : memref<2x9x128xi32, #tpu.memory_space<vmem>>, vector<16xi32>,
        %mul3A_1544 = arith.muli %get3A_1543, %broadcast_in_dim3A_7 : vector<16xi32>
        %broadcast_in_dim3A_1545 = arith.constant 3 : i32
        %broadcast_in_dim3A_1546 = vector.broadcast %broadcast_in_dim3A_1545 : i32 to vector<16xi32>
        %add3A_1547 = arith.addi %mul3A_1544, %broadcast_in_dim3A_1546 : vector<16xi32>
        %swap3A_1548 = arith.index_cast %rem3A_1163 : i32 to index
        %swap3A_1549 = arith.constant 496 : index
        %swap3A_1550 = tpu.vector_load %arg7[%swap3A_1548, %swap3A_1549] {strides = array<i32>} : memref<2x1152xi32, #tpu.memory_space<vmem>>, vector<16xi32>,
        tpu.vector_store %arg7[%swap3A_1548, %swap3A_1549], %add3A_1547 {strides = array<i32>} : memref<2x1152xi32, #tpu.memory_space<vmem>>, vector<16xi32>,
        %get3A_1551 = arith.constant 4 : i32
        %get3A_1552 = arith.index_cast %rem3A_1163 : i32 to index
        %get3A_1553 = arith.index_cast %get3A_1551 : i32 to index
        %get3A_1554 = arith.constant 0 : index
        %get3A_1555 = tpu.vector_load %arg6[%get3A_1552, %get3A_1553, %get3A_1554] {strides = array<i32>} : memref<2x9x128xi32, #tpu.memory_space<vmem>>, vector<16xi32>,
        %mul3A_1556 = arith.muli %get3A_1555, %broadcast_in_dim3A_7 : vector<16xi32>
        %broadcast_in_dim3A_1557 = arith.constant 400000 : i32
        %broadcast_in_dim3A_1558 = vector.broadcast %broadcast_in_dim3A_1557 : i32 to vector<16xi32>
        %add3A_1559 = arith.addi %mul3A_1556, %broadcast_in_dim3A_1558 : vector<16xi32>
        %swap3A_1560 = arith.index_cast %rem3A_1163 : i32 to index
        %swap3A_1561 = arith.constant 512 : index
        %swap3A_1562 = tpu.vector_load %arg7[%swap3A_1560, %swap3A_1561] {strides = array<i32>} : memref<2x1152xi32, #tpu.memory_space<vmem>>, vector<16xi32>,
        tpu.vector_store %arg7[%swap3A_1560, %swap3A_1561], %add3A_1559 {strides = array<i32>} : memref<2x1152xi32, #tpu.memory_space<vmem>>, vector<16xi32>,
        %get3A_1563 = arith.constant 4 : i32
        %get3A_1564 = arith.index_cast %rem3A_1163 : i32 to index
        %get3A_1565 = arith.index_cast %get3A_1563 : i32 to index
        %get3A_1566 = arith.constant 16 : index
        %get3A_1567 = tpu.vector_load %arg6[%get3A_1564, %get3A_1565, %get3A_1566] {strides = array<i32>} : memref<2x9x128xi32, #tpu.memory_space<vmem>>, vector<16xi32>,
        %mul3A_1568 = arith.muli %get3A_1567, %broadcast_in_dim3A_7 : vector<16xi32>
        %broadcast_in_dim3A_1569 = arith.constant 400000 : i32
        %broadcast_in_dim3A_1570 = vector.broadcast %broadcast_in_dim3A_1569 : i32 to vector<16xi32>
        %add3A_1571 = arith.addi %mul3A_1568, %broadcast_in_dim3A_1570 : vector<16xi32>
        %swap3A_1572 = arith.index_cast %rem3A_1163 : i32 to index
        %swap3A_1573 = arith.constant 528 : index
        %swap3A_1574 = tpu.vector_load %arg7[%swap3A_1572, %swap3A_1573] {strides = array<i32>} : memref<2x1152xi32, #tpu.memory_space<vmem>>, vector<16xi32>,
        tpu.vector_store %arg7[%swap3A_1572, %swap3A_1573], %add3A_1571 {strides = array<i32>} : memref<2x1152xi32, #tpu.memory_space<vmem>>, vector<16xi32>,
        %get3A_1575 = arith.constant 4 : i32
        %get3A_1576 = arith.index_cast %rem3A_1163 : i32 to index
        %get3A_1577 = arith.index_cast %get3A_1575 : i32 to index
        %get3A_1578 = arith.constant 32 : index
        %get3A_1579 = tpu.vector_load %arg6[%get3A_1576, %get3A_1577, %get3A_1578] {strides = array<i32>} : memref<2x9x128xi32, #tpu.memory_space<vmem>>, vector<16xi32>,
        %mul3A_1580 = arith.muli %get3A_1579, %broadcast_in_dim3A_7 : vector<16xi32>
        %broadcast_in_dim3A_1581 = arith.constant 400000 : i32
        %broadcast_in_dim3A_1582 = vector.broadcast %broadcast_in_dim3A_1581 : i32 to vector<16xi32>
        %add3A_1583 = arith.addi %mul3A_1580, %broadcast_in_dim3A_1582 : vector<16xi32>
        %swap3A_1584 = arith.index_cast %rem3A_1163 : i32 to index
        %swap3A_1585 = arith.constant 544 : index
        %swap3A_1586 = tpu.vector_load %arg7[%swap3A_1584, %swap3A_1585] {strides = array<i32>} : memref<2x1152xi32, #tpu.memory_space<vmem>>, vector<16xi32>,
        tpu.vector_store %arg7[%swap3A_1584, %swap3A_1585], %add3A_1583 {strides = array<i32>} : memref<2x1152xi32, #tpu.memory_space<vmem>>, vector<16xi32>,
        %get3A_1587 = arith.constant 4 : i32
        %get3A_1588 = arith.index_cast %rem3A_1163 : i32 to index
        %get3A_1589 = arith.index_cast %get3A_1587 : i32 to index
        %get3A_1590 = arith.constant 48 : index
        %get3A_1591 = tpu.vector_load %arg6[%get3A_1588, %get3A_1589, %get3A_1590] {strides = array<i32>} : memref<2x9x128xi32, #tpu.memory_space<vmem>>, vector<16xi32>,
        %mul3A_1592 = arith.muli %get3A_1591, %broadcast_in_dim3A_7 : vector<16xi32>
        %broadcast_in_dim3A_1593 = arith.constant 400000 : i32
        %broadcast_in_dim3A_1594 = vector.broadcast %broadcast_in_dim3A_1593 : i32 to vector<16xi32>
        %add3A_1595 = arith.addi %mul3A_1592, %broadcast_in_dim3A_1594 : vector<16xi32>
        %swap3A_1596 = arith.index_cast %rem3A_1163 : i32 to index
        %swap3A_1597 = arith.constant 560 : index
        %swap3A_1598 = tpu.vector_load %arg7[%swap3A_1596, %swap3A_1597] {strides = array<i32>} : memref<2x1152xi32, #tpu.memory_space<vmem>>, vector<16xi32>,
        tpu.vector_store %arg7[%swap3A_1596, %swap3A_1597], %add3A_1595 {strides = array<i32>} : memref<2x1152xi32, #tpu.memory_space<vmem>>, vector<16xi32>,
        %get3A_1599 = arith.constant 4 : i32
        %get3A_1600 = arith.index_cast %rem3A_1163 : i32 to index
        %get3A_1601 = arith.index_cast %get3A_1599 : i32 to index
        %get3A_1602 = arith.constant 64 : index
        %get3A_1603 = tpu.vector_load %arg6[%get3A_1600, %get3A_1601, %get3A_1602] {strides = array<i32>} : memref<2x9x128xi32, #tpu.memory_space<vmem>>, vector<16xi32>,
        %mul3A_1604 = arith.muli %get3A_1603, %broadcast_in_dim3A_7 : vector<16xi32>
        %broadcast_in_dim3A_1605 = arith.constant 400000 : i32
        %broadcast_in_dim3A_1606 = vector.broadcast %broadcast_in_dim3A_1605 : i32 to vector<16xi32>
        %add3A_1607 = arith.addi %mul3A_1604, %broadcast_in_dim3A_1606 : vector<16xi32>
        %swap3A_1608 = arith.index_cast %rem3A_1163 : i32 to index
        %swap3A_1609 = arith.constant 576 : index
        %swap3A_1610 = tpu.vector_load %arg7[%swap3A_1608, %swap3A_1609] {strides = array<i32>} : memref<2x1152xi32, #tpu.memory_space<vmem>>, vector<16xi32>,
        tpu.vector_store %arg7[%swap3A_1608, %swap3A_1609], %add3A_1607 {strides = array<i32>} : memref<2x1152xi32, #tpu.memory_space<vmem>>, vector<16xi32>,
        %get3A_1611 = arith.constant 4 : i32
        %get3A_1612 = arith.index_cast %rem3A_1163 : i32 to index
        %get3A_1613 = arith.index_cast %get3A_1611 : i32 to index
        %get3A_1614 = arith.constant 80 : index
        %get3A_1615 = tpu.vector_load %arg6[%get3A_1612, %get3A_1613, %get3A_1614] {strides = array<i32>} : memref<2x9x128xi32, #tpu.memory_space<vmem>>, vector<16xi32>,
        %mul3A_1616 = arith.muli %get3A_1615, %broadcast_in_dim3A_7 : vector<16xi32>
        %broadcast_in_dim3A_1617 = arith.constant 400000 : i32
        %broadcast_in_dim3A_1618 = vector.broadcast %broadcast_in_dim3A_1617 : i32 to vector<16xi32>
        %add3A_1619 = arith.addi %mul3A_1616, %broadcast_in_dim3A_1618 : vector<16xi32>
        %swap3A_1620 = arith.index_cast %rem3A_1163 : i32 to index
        %swap3A_1621 = arith.constant 592 : index
        %swap3A_1622 = tpu.vector_load %arg7[%swap3A_1620, %swap3A_1621] {strides = array<i32>} : memref<2x1152xi32, #tpu.memory_space<vmem>>, vector<16xi32>,
        tpu.vector_store %arg7[%swap3A_1620, %swap3A_1621], %add3A_1619 {strides = array<i32>} : memref<2x1152xi32, #tpu.memory_space<vmem>>, vector<16xi32>,
        %get3A_1623 = arith.constant 4 : i32
        %get3A_1624 = arith.index_cast %rem3A_1163 : i32 to index
        %get3A_1625 = arith.index_cast %get3A_1623 : i32 to index
        %get3A_1626 = arith.constant 96 : index
        %get3A_1627 = tpu.vector_load %arg6[%get3A_1624, %get3A_1625, %get3A_1626] {strides = array<i32>} : memref<2x9x128xi32, #tpu.memory_space<vmem>>, vector<16xi32>,
        %mul3A_1628 = arith.muli %get3A_1627, %broadcast_in_dim3A_7 : vector<16xi32>
        %broadcast_in_dim3A_1629 = arith.constant 400000 : i32
        %broadcast_in_dim3A_1630 = vector.broadcast %broadcast_in_dim3A_1629 : i32 to vector<16xi32>
        %add3A_1631 = arith.addi %mul3A_1628, %broadcast_in_dim3A_1630 : vector<16xi32>
        %swap3A_1632 = arith.index_cast %rem3A_1163 : i32 to index
        %swap3A_1633 = arith.constant 608 : index
        %swap3A_1634 = tpu.vector_load %arg7[%swap3A_1632, %swap3A_1633] {strides = array<i32>} : memref<2x1152xi32, #tpu.memory_space<vmem>>, vector<16xi32>,
        tpu.vector_store %arg7[%swap3A_1632, %swap3A_1633], %add3A_1631 {strides = array<i32>} : memref<2x1152xi32, #tpu.memory_space<vmem>>, vector<16xi32>,
        %get3A_1635 = arith.constant 4 : i32
        %get3A_1636 = arith.index_cast %rem3A_1163 : i32 to index
        %get3A_1637 = arith.index_cast %get3A_1635 : i32 to index
        %get3A_1638 = arith.constant 112 : index
        %get3A_1639 = tpu.vector_load %arg6[%get3A_1636, %get3A_1637, %get3A_1638] {strides = array<i32>} : memref<2x9x128xi32, #tpu.memory_space<vmem>>, vector<16xi32>,
        %mul3A_1640 = arith.muli %get3A_1639, %broadcast_in_dim3A_7 : vector<16xi32>
        %broadcast_in_dim3A_1641 = arith.constant 400000 : i32
        %broadcast_in_dim3A_1642 = vector.broadcast %broadcast_in_dim3A_1641 : i32 to vector<16xi32>
        %add3A_1643 = arith.addi %mul3A_1640, %broadcast_in_dim3A_1642 : vector<16xi32>
        %swap3A_1644 = arith.index_cast %rem3A_1163 : i32 to index
        %swap3A_1645 = arith.constant 624 : index
        %swap3A_1646 = tpu.vector_load %arg7[%swap3A_1644, %swap3A_1645] {strides = array<i32>} : memref<2x1152xi32, #tpu.memory_space<vmem>>, vector<16xi32>,
        tpu.vector_store %arg7[%swap3A_1644, %swap3A_1645], %add3A_1643 {strides = array<i32>} : memref<2x1152xi32, #tpu.memory_space<vmem>>, vector<16xi32>,
        %get3A_1647 = arith.constant 5 : i32
        %get3A_1648 = arith.index_cast %rem3A_1163 : i32 to index
        %get3A_1649 = arith.index_cast %get3A_1647 : i32 to index
        %get3A_1650 = arith.constant 0 : index
        %get3A_1651 = tpu.vector_load %arg6[%get3A_1648, %get3A_1649, %get3A_1650] {strides = array<i32>} : memref<2x9x128xi32, #tpu.memory_space<vmem>>, vector<16xi32>,
        %mul3A_1652 = arith.muli %get3A_1651, %broadcast_in_dim3A_7 : vector<16xi32>
        %broadcast_in_dim3A_1653 = arith.constant 400001 : i32
        %broadcast_in_dim3A_1654 = vector.broadcast %broadcast_in_dim3A_1653 : i32 to vector<16xi32>
        %add3A_1655 = arith.addi %mul3A_1652, %broadcast_in_dim3A_1654 : vector<16xi32>
        %swap3A_1656 = arith.index_cast %rem3A_1163 : i32 to index
        %swap3A_1657 = arith.constant 640 : index
        %swap3A_1658 = tpu.vector_load %arg7[%swap3A_1656, %swap3A_1657] {strides = array<i32>} : memref<2x1152xi32, #tpu.memory_space<vmem>>, vector<16xi32>,
        tpu.vector_store %arg7[%swap3A_1656, %swap3A_1657], %add3A_1655 {strides = array<i32>} : memref<2x1152xi32, #tpu.memory_space<vmem>>, vector<16xi32>,
        %get3A_1659 = arith.constant 5 : i32
        %get3A_1660 = arith.index_cast %rem3A_1163 : i32 to index
        %get3A_1661 = arith.index_cast %get3A_1659 : i32 to index
        %get3A_1662 = arith.constant 16 : index
        %get3A_1663 = tpu.vector_load %arg6[%get3A_1660, %get3A_1661, %get3A_1662] {strides = array<i32>} : memref<2x9x128xi32, #tpu.memory_space<vmem>>, vector<16xi32>,
        %mul3A_1664 = arith.muli %get3A_1663, %broadcast_in_dim3A_7 : vector<16xi32>
        %broadcast_in_dim3A_1665 = arith.constant 400001 : i32
        %broadcast_in_dim3A_1666 = vector.broadcast %broadcast_in_dim3A_1665 : i32 to vector<16xi32>
        %add3A_1667 = arith.addi %mul3A_1664, %broadcast_in_dim3A_1666 : vector<16xi32>
        %swap3A_1668 = arith.index_cast %rem3A_1163 : i32 to index
        %swap3A_1669 = arith.constant 656 : index
        %swap3A_1670 = tpu.vector_load %arg7[%swap3A_1668, %swap3A_1669] {strides = array<i32>} : memref<2x1152xi32, #tpu.memory_space<vmem>>, vector<16xi32>,
        tpu.vector_store %arg7[%swap3A_1668, %swap3A_1669], %add3A_1667 {strides = array<i32>} : memref<2x1152xi32, #tpu.memory_space<vmem>>, vector<16xi32>,
        %get3A_1671 = arith.constant 5 : i32
        %get3A_1672 = arith.index_cast %rem3A_1163 : i32 to index
        %get3A_1673 = arith.index_cast %get3A_1671 : i32 to index
        %get3A_1674 = arith.constant 32 : index
        %get3A_1675 = tpu.vector_load %arg6[%get3A_1672, %get3A_1673, %get3A_1674] {strides = array<i32>} : memref<2x9x128xi32, #tpu.memory_space<vmem>>, vector<16xi32>,
        %mul3A_1676 = arith.muli %get3A_1675, %broadcast_in_dim3A_7 : vector<16xi32>
        %broadcast_in_dim3A_1677 = arith.constant 400001 : i32
        %broadcast_in_dim3A_1678 = vector.broadcast %broadcast_in_dim3A_1677 : i32 to vector<16xi32>
        %add3A_1679 = arith.addi %mul3A_1676, %broadcast_in_dim3A_1678 : vector<16xi32>
        %swap3A_1680 = arith.index_cast %rem3A_1163 : i32 to index
        %swap3A_1681 = arith.constant 672 : index
        %swap3A_1682 = tpu.vector_load %arg7[%swap3A_1680, %swap3A_1681] {strides = array<i32>} : memref<2x1152xi32, #tpu.memory_space<vmem>>, vector<16xi32>,
        tpu.vector_store %arg7[%swap3A_1680, %swap3A_1681], %add3A_1679 {strides = array<i32>} : memref<2x1152xi32, #tpu.memory_space<vmem>>, vector<16xi32>,
        %get3A_1683 = arith.constant 5 : i32
        %get3A_1684 = arith.index_cast %rem3A_1163 : i32 to index
        %get3A_1685 = arith.index_cast %get3A_1683 : i32 to index
        %get3A_1686 = arith.constant 48 : index
        %get3A_1687 = tpu.vector_load %arg6[%get3A_1684, %get3A_1685, %get3A_1686] {strides = array<i32>} : memref<2x9x128xi32, #tpu.memory_space<vmem>>, vector<16xi32>,
        %mul3A_1688 = arith.muli %get3A_1687, %broadcast_in_dim3A_7 : vector<16xi32>
        %broadcast_in_dim3A_1689 = arith.constant 400001 : i32
        %broadcast_in_dim3A_1690 = vector.broadcast %broadcast_in_dim3A_1689 : i32 to vector<16xi32>
        %add3A_1691 = arith.addi %mul3A_1688, %broadcast_in_dim3A_1690 : vector<16xi32>
        %swap3A_1692 = arith.index_cast %rem3A_1163 : i32 to index
        %swap3A_1693 = arith.constant 688 : index
        %swap3A_1694 = tpu.vector_load %arg7[%swap3A_1692, %swap3A_1693] {strides = array<i32>} : memref<2x1152xi32, #tpu.memory_space<vmem>>, vector<16xi32>,
        tpu.vector_store %arg7[%swap3A_1692, %swap3A_1693], %add3A_1691 {strides = array<i32>} : memref<2x1152xi32, #tpu.memory_space<vmem>>, vector<16xi32>,
        %get3A_1695 = arith.constant 5 : i32
        %get3A_1696 = arith.index_cast %rem3A_1163 : i32 to index
        %get3A_1697 = arith.index_cast %get3A_1695 : i32 to index
        %get3A_1698 = arith.constant 64 : index
        %get3A_1699 = tpu.vector_load %arg6[%get3A_1696, %get3A_1697, %get3A_1698] {strides = array<i32>} : memref<2x9x128xi32, #tpu.memory_space<vmem>>, vector<16xi32>,
        %mul3A_1700 = arith.muli %get3A_1699, %broadcast_in_dim3A_7 : vector<16xi32>
        %broadcast_in_dim3A_1701 = arith.constant 400001 : i32
        %broadcast_in_dim3A_1702 = vector.broadcast %broadcast_in_dim3A_1701 : i32 to vector<16xi32>
        %add3A_1703 = arith.addi %mul3A_1700, %broadcast_in_dim3A_1702 : vector<16xi32>
        %swap3A_1704 = arith.index_cast %rem3A_1163 : i32 to index
        %swap3A_1705 = arith.constant 704 : index
        %swap3A_1706 = tpu.vector_load %arg7[%swap3A_1704, %swap3A_1705] {strides = array<i32>} : memref<2x1152xi32, #tpu.memory_space<vmem>>, vector<16xi32>,
        tpu.vector_store %arg7[%swap3A_1704, %swap3A_1705], %add3A_1703 {strides = array<i32>} : memref<2x1152xi32, #tpu.memory_space<vmem>>, vector<16xi32>,
        %get3A_1707 = arith.constant 5 : i32
        %get3A_1708 = arith.index_cast %rem3A_1163 : i32 to index
        %get3A_1709 = arith.index_cast %get3A_1707 : i32 to index
        %get3A_1710 = arith.constant 80 : index
        %get3A_1711 = tpu.vector_load %arg6[%get3A_1708, %get3A_1709, %get3A_1710] {strides = array<i32>} : memref<2x9x128xi32, #tpu.memory_space<vmem>>, vector<16xi32>,
        %mul3A_1712 = arith.muli %get3A_1711, %broadcast_in_dim3A_7 : vector<16xi32>
        %broadcast_in_dim3A_1713 = arith.constant 400001 : i32
        %broadcast_in_dim3A_1714 = vector.broadcast %broadcast_in_dim3A_1713 : i32 to vector<16xi32>
        %add3A_1715 = arith.addi %mul3A_1712, %broadcast_in_dim3A_1714 : vector<16xi32>
        %swap3A_1716 = arith.index_cast %rem3A_1163 : i32 to index
        %swap3A_1717 = arith.constant 720 : index
        %swap3A_1718 = tpu.vector_load %arg7[%swap3A_1716, %swap3A_1717] {strides = array<i32>} : memref<2x1152xi32, #tpu.memory_space<vmem>>, vector<16xi32>,
        tpu.vector_store %arg7[%swap3A_1716, %swap3A_1717], %add3A_1715 {strides = array<i32>} : memref<2x1152xi32, #tpu.memory_space<vmem>>, vector<16xi32>,
        %get3A_1719 = arith.constant 5 : i32
        %get3A_1720 = arith.index_cast %rem3A_1163 : i32 to index
        %get3A_1721 = arith.index_cast %get3A_1719 : i32 to index
        %get3A_1722 = arith.constant 96 : index
        %get3A_1723 = tpu.vector_load %arg6[%get3A_1720, %get3A_1721, %get3A_1722] {strides = array<i32>} : memref<2x9x128xi32, #tpu.memory_space<vmem>>, vector<16xi32>,
        %mul3A_1724 = arith.muli %get3A_1723, %broadcast_in_dim3A_7 : vector<16xi32>
        %broadcast_in_dim3A_1725 = arith.constant 400001 : i32
        %broadcast_in_dim3A_1726 = vector.broadcast %broadcast_in_dim3A_1725 : i32 to vector<16xi32>
        %add3A_1727 = arith.addi %mul3A_1724, %broadcast_in_dim3A_1726 : vector<16xi32>
        %swap3A_1728 = arith.index_cast %rem3A_1163 : i32 to index
        %swap3A_1729 = arith.constant 736 : index
        %swap3A_1730 = tpu.vector_load %arg7[%swap3A_1728, %swap3A_1729] {strides = array<i32>} : memref<2x1152xi32, #tpu.memory_space<vmem>>, vector<16xi32>,
        tpu.vector_store %arg7[%swap3A_1728, %swap3A_1729], %add3A_1727 {strides = array<i32>} : memref<2x1152xi32, #tpu.memory_space<vmem>>, vector<16xi32>,
        %get3A_1731 = arith.constant 5 : i32
        %get3A_1732 = arith.index_cast %rem3A_1163 : i32 to index
        %get3A_1733 = arith.index_cast %get3A_1731 : i32 to index
        %get3A_1734 = arith.constant 112 : index
        %get3A_1735 = tpu.vector_load %arg6[%get3A_1732, %get3A_1733, %get3A_1734] {strides = array<i32>} : memref<2x9x128xi32, #tpu.memory_space<vmem>>, vector<16xi32>,
        %mul3A_1736 = arith.muli %get3A_1735, %broadcast_in_dim3A_7 : vector<16xi32>
        %broadcast_in_dim3A_1737 = arith.constant 400001 : i32
        %broadcast_in_dim3A_1738 = vector.broadcast %broadcast_in_dim3A_1737 : i32 to vector<16xi32>
        %add3A_1739 = arith.addi %mul3A_1736, %broadcast_in_dim3A_1738 : vector<16xi32>
        %swap3A_1740 = arith.index_cast %rem3A_1163 : i32 to index
        %swap3A_1741 = arith.constant 752 : index
        %swap3A_1742 = tpu.vector_load %arg7[%swap3A_1740, %swap3A_1741] {strides = array<i32>} : memref<2x1152xi32, #tpu.memory_space<vmem>>, vector<16xi32>,
        tpu.vector_store %arg7[%swap3A_1740, %swap3A_1741], %add3A_1739 {strides = array<i32>} : memref<2x1152xi32, #tpu.memory_space<vmem>>, vector<16xi32>,
        %get3A_1743 = arith.constant 6 : i32
        %get3A_1744 = arith.index_cast %rem3A_1163 : i32 to index
        %get3A_1745 = arith.index_cast %get3A_1743 : i32 to index
        %get3A_1746 = arith.constant 0 : index
        %get3A_1747 = tpu.vector_load %arg6[%get3A_1744, %get3A_1745, %get3A_1746] {strides = array<i32>} : memref<2x9x128xi32, #tpu.memory_space<vmem>>, vector<16xi32>,
        %mul3A_1748 = arith.muli %get3A_1747, %broadcast_in_dim3A_7 : vector<16xi32>
        %broadcast_in_dim3A_1749 = arith.constant 400002 : i32
        %broadcast_in_dim3A_1750 = vector.broadcast %broadcast_in_dim3A_1749 : i32 to vector<16xi32>
        %add3A_1751 = arith.addi %mul3A_1748, %broadcast_in_dim3A_1750 : vector<16xi32>
        %swap3A_1752 = arith.index_cast %rem3A_1163 : i32 to index
        %swap3A_1753 = arith.constant 768 : index
        %swap3A_1754 = tpu.vector_load %arg7[%swap3A_1752, %swap3A_1753] {strides = array<i32>} : memref<2x1152xi32, #tpu.memory_space<vmem>>, vector<16xi32>,
        tpu.vector_store %arg7[%swap3A_1752, %swap3A_1753], %add3A_1751 {strides = array<i32>} : memref<2x1152xi32, #tpu.memory_space<vmem>>, vector<16xi32>,
        %get3A_1755 = arith.constant 6 : i32
        %get3A_1756 = arith.index_cast %rem3A_1163 : i32 to index
        %get3A_1757 = arith.index_cast %get3A_1755 : i32 to index
        %get3A_1758 = arith.constant 16 : index
        %get3A_1759 = tpu.vector_load %arg6[%get3A_1756, %get3A_1757, %get3A_1758] {strides = array<i32>} : memref<2x9x128xi32, #tpu.memory_space<vmem>>, vector<16xi32>,
        %mul3A_1760 = arith.muli %get3A_1759, %broadcast_in_dim3A_7 : vector<16xi32>
        %broadcast_in_dim3A_1761 = arith.constant 400002 : i32
        %broadcast_in_dim3A_1762 = vector.broadcast %broadcast_in_dim3A_1761 : i32 to vector<16xi32>
        %add3A_1763 = arith.addi %mul3A_1760, %broadcast_in_dim3A_1762 : vector<16xi32>
        %swap3A_1764 = arith.index_cast %rem3A_1163 : i32 to index
        %swap3A_1765 = arith.constant 784 : index
        %swap3A_1766 = tpu.vector_load %arg7[%swap3A_1764, %swap3A_1765] {strides = array<i32>} : memref<2x1152xi32, #tpu.memory_space<vmem>>, vector<16xi32>,
        tpu.vector_store %arg7[%swap3A_1764, %swap3A_1765], %add3A_1763 {strides = array<i32>} : memref<2x1152xi32, #tpu.memory_space<vmem>>, vector<16xi32>,
        %get3A_1767 = arith.constant 6 : i32
        %get3A_1768 = arith.index_cast %rem3A_1163 : i32 to index
        %get3A_1769 = arith.index_cast %get3A_1767 : i32 to index
        %get3A_1770 = arith.constant 32 : index
        %get3A_1771 = tpu.vector_load %arg6[%get3A_1768, %get3A_1769, %get3A_1770] {strides = array<i32>} : memref<2x9x128xi32, #tpu.memory_space<vmem>>, vector<16xi32>,
        %mul3A_1772 = arith.muli %get3A_1771, %broadcast_in_dim3A_7 : vector<16xi32>
        %broadcast_in_dim3A_1773 = arith.constant 400002 : i32
        %broadcast_in_dim3A_1774 = vector.broadcast %broadcast_in_dim3A_1773 : i32 to vector<16xi32>
        %add3A_1775 = arith.addi %mul3A_1772, %broadcast_in_dim3A_1774 : vector<16xi32>
        %swap3A_1776 = arith.index_cast %rem3A_1163 : i32 to index
        %swap3A_1777 = arith.constant 800 : index
        %swap3A_1778 = tpu.vector_load %arg7[%swap3A_1776, %swap3A_1777] {strides = array<i32>} : memref<2x1152xi32, #tpu.memory_space<vmem>>, vector<16xi32>,
        tpu.vector_store %arg7[%swap3A_1776, %swap3A_1777], %add3A_1775 {strides = array<i32>} : memref<2x1152xi32, #tpu.memory_space<vmem>>, vector<16xi32>,
        %get3A_1779 = arith.constant 6 : i32
        %get3A_1780 = arith.index_cast %rem3A_1163 : i32 to index
        %get3A_1781 = arith.index_cast %get3A_1779 : i32 to index
        %get3A_1782 = arith.constant 48 : index
        %get3A_1783 = tpu.vector_load %arg6[%get3A_1780, %get3A_1781, %get3A_1782] {strides = array<i32>} : memref<2x9x128xi32, #tpu.memory_space<vmem>>, vector<16xi32>,
        %mul3A_1784 = arith.muli %get3A_1783, %broadcast_in_dim3A_7 : vector<16xi32>
        %broadcast_in_dim3A_1785 = arith.constant 400002 : i32
        %broadcast_in_dim3A_1786 = vector.broadcast %broadcast_in_dim3A_1785 : i32 to vector<16xi32>
        %add3A_1787 = arith.addi %mul3A_1784, %broadcast_in_dim3A_1786 : vector<16xi32>
        %swap3A_1788 = arith.index_cast %rem3A_1163 : i32 to index
        %swap3A_1789 = arith.constant 816 : index
        %swap3A_1790 = tpu.vector_load %arg7[%swap3A_1788, %swap3A_1789] {strides = array<i32>} : memref<2x1152xi32, #tpu.memory_space<vmem>>, vector<16xi32>,
        tpu.vector_store %arg7[%swap3A_1788, %swap3A_1789], %add3A_1787 {strides = array<i32>} : memref<2x1152xi32, #tpu.memory_space<vmem>>, vector<16xi32>,
        %get3A_1791 = arith.constant 6 : i32
        %get3A_1792 = arith.index_cast %rem3A_1163 : i32 to index
        %get3A_1793 = arith.index_cast %get3A_1791 : i32 to index
        %get3A_1794 = arith.constant 64 : index
        %get3A_1795 = tpu.vector_load %arg6[%get3A_1792, %get3A_1793, %get3A_1794] {strides = array<i32>} : memref<2x9x128xi32, #tpu.memory_space<vmem>>, vector<16xi32>,
        %mul3A_1796 = arith.muli %get3A_1795, %broadcast_in_dim3A_7 : vector<16xi32>
        %broadcast_in_dim3A_1797 = arith.constant 400002 : i32
        %broadcast_in_dim3A_1798 = vector.broadcast %broadcast_in_dim3A_1797 : i32 to vector<16xi32>
        %add3A_1799 = arith.addi %mul3A_1796, %broadcast_in_dim3A_1798 : vector<16xi32>
        %swap3A_1800 = arith.index_cast %rem3A_1163 : i32 to index
        %swap3A_1801 = arith.constant 832 : index
        %swap3A_1802 = tpu.vector_load %arg7[%swap3A_1800, %swap3A_1801] {strides = array<i32>} : memref<2x1152xi32, #tpu.memory_space<vmem>>, vector<16xi32>,
        tpu.vector_store %arg7[%swap3A_1800, %swap3A_1801], %add3A_1799 {strides = array<i32>} : memref<2x1152xi32, #tpu.memory_space<vmem>>, vector<16xi32>,
        %get3A_1803 = arith.constant 6 : i32
        %get3A_1804 = arith.index_cast %rem3A_1163 : i32 to index
        %get3A_1805 = arith.index_cast %get3A_1803 : i32 to index
        %get3A_1806 = arith.constant 80 : index
        %get3A_1807 = tpu.vector_load %arg6[%get3A_1804, %get3A_1805, %get3A_1806] {strides = array<i32>} : memref<2x9x128xi32, #tpu.memory_space<vmem>>, vector<16xi32>,
        %mul3A_1808 = arith.muli %get3A_1807, %broadcast_in_dim3A_7 : vector<16xi32>
        %broadcast_in_dim3A_1809 = arith.constant 400002 : i32
        %broadcast_in_dim3A_1810 = vector.broadcast %broadcast_in_dim3A_1809 : i32 to vector<16xi32>
        %add3A_1811 = arith.addi %mul3A_1808, %broadcast_in_dim3A_1810 : vector<16xi32>
        %swap3A_1812 = arith.index_cast %rem3A_1163 : i32 to index
        %swap3A_1813 = arith.constant 848 : index
        %swap3A_1814 = tpu.vector_load %arg7[%swap3A_1812, %swap3A_1813] {strides = array<i32>} : memref<2x1152xi32, #tpu.memory_space<vmem>>, vector<16xi32>,
        tpu.vector_store %arg7[%swap3A_1812, %swap3A_1813], %add3A_1811 {strides = array<i32>} : memref<2x1152xi32, #tpu.memory_space<vmem>>, vector<16xi32>,
        %get3A_1815 = arith.constant 6 : i32
        %get3A_1816 = arith.index_cast %rem3A_1163 : i32 to index
        %get3A_1817 = arith.index_cast %get3A_1815 : i32 to index
        %get3A_1818 = arith.constant 96 : index
        %get3A_1819 = tpu.vector_load %arg6[%get3A_1816, %get3A_1817, %get3A_1818] {strides = array<i32>} : memref<2x9x128xi32, #tpu.memory_space<vmem>>, vector<16xi32>,
        %mul3A_1820 = arith.muli %get3A_1819, %broadcast_in_dim3A_7 : vector<16xi32>
        %broadcast_in_dim3A_1821 = arith.constant 400002 : i32
        %broadcast_in_dim3A_1822 = vector.broadcast %broadcast_in_dim3A_1821 : i32 to vector<16xi32>
        %add3A_1823 = arith.addi %mul3A_1820, %broadcast_in_dim3A_1822 : vector<16xi32>
        %swap3A_1824 = arith.index_cast %rem3A_1163 : i32 to index
        %swap3A_1825 = arith.constant 864 : index
        %swap3A_1826 = tpu.vector_load %arg7[%swap3A_1824, %swap3A_1825] {strides = array<i32>} : memref<2x1152xi32, #tpu.memory_space<vmem>>, vector<16xi32>,
        tpu.vector_store %arg7[%swap3A_1824, %swap3A_1825], %add3A_1823 {strides = array<i32>} : memref<2x1152xi32, #tpu.memory_space<vmem>>, vector<16xi32>,
        %get3A_1827 = arith.constant 6 : i32
        %get3A_1828 = arith.index_cast %rem3A_1163 : i32 to index
        %get3A_1829 = arith.index_cast %get3A_1827 : i32 to index
        %get3A_1830 = arith.constant 112 : index
        %get3A_1831 = tpu.vector_load %arg6[%get3A_1828, %get3A_1829, %get3A_1830] {strides = array<i32>} : memref<2x9x128xi32, #tpu.memory_space<vmem>>, vector<16xi32>,
        %mul3A_1832 = arith.muli %get3A_1831, %broadcast_in_dim3A_7 : vector<16xi32>
        %broadcast_in_dim3A_1833 = arith.constant 400002 : i32
        %broadcast_in_dim3A_1834 = vector.broadcast %broadcast_in_dim3A_1833 : i32 to vector<16xi32>
        %add3A_1835 = arith.addi %mul3A_1832, %broadcast_in_dim3A_1834 : vector<16xi32>
        %swap3A_1836 = arith.index_cast %rem3A_1163 : i32 to index
        %swap3A_1837 = arith.constant 880 : index
        %swap3A_1838 = tpu.vector_load %arg7[%swap3A_1836, %swap3A_1837] {strides = array<i32>} : memref<2x1152xi32, #tpu.memory_space<vmem>>, vector<16xi32>,
        tpu.vector_store %arg7[%swap3A_1836, %swap3A_1837], %add3A_1835 {strides = array<i32>} : memref<2x1152xi32, #tpu.memory_space<vmem>>, vector<16xi32>,
        %get3A_1839 = arith.constant 7 : i32
        %get3A_1840 = arith.index_cast %rem3A_1163 : i32 to index
        %get3A_1841 = arith.index_cast %get3A_1839 : i32 to index
        %get3A_1842 = arith.constant 0 : index
        %get3A_1843 = tpu.vector_load %arg6[%get3A_1840, %get3A_1841, %get3A_1842] {strides = array<i32>} : memref<2x9x128xi32, #tpu.memory_space<vmem>>, vector<16xi32>,
        %mul3A_1844 = arith.muli %get3A_1843, %broadcast_in_dim3A_7 : vector<16xi32>
        %broadcast_in_dim3A_1845 = arith.constant 400003 : i32
        %broadcast_in_dim3A_1846 = vector.broadcast %broadcast_in_dim3A_1845 : i32 to vector<16xi32>
        %add3A_1847 = arith.addi %mul3A_1844, %broadcast_in_dim3A_1846 : vector<16xi32>
        %swap3A_1848 = arith.index_cast %rem3A_1163 : i32 to index
        %swap3A_1849 = arith.constant 896 : index
        %swap3A_1850 = tpu.vector_load %arg7[%swap3A_1848, %swap3A_1849] {strides = array<i32>} : memref<2x1152xi32, #tpu.memory_space<vmem>>, vector<16xi32>,
        tpu.vector_store %arg7[%swap3A_1848, %swap3A_1849], %add3A_1847 {strides = array<i32>} : memref<2x1152xi32, #tpu.memory_space<vmem>>, vector<16xi32>,
        %get3A_1851 = arith.constant 7 : i32
        %get3A_1852 = arith.index_cast %rem3A_1163 : i32 to index
        %get3A_1853 = arith.index_cast %get3A_1851 : i32 to index
        %get3A_1854 = arith.constant 16 : index
        %get3A_1855 = tpu.vector_load %arg6[%get3A_1852, %get3A_1853, %get3A_1854] {strides = array<i32>} : memref<2x9x128xi32, #tpu.memory_space<vmem>>, vector<16xi32>,
        %mul3A_1856 = arith.muli %get3A_1855, %broadcast_in_dim3A_7 : vector<16xi32>
        %broadcast_in_dim3A_1857 = arith.constant 400003 : i32
        %broadcast_in_dim3A_1858 = vector.broadcast %broadcast_in_dim3A_1857 : i32 to vector<16xi32>
        %add3A_1859 = arith.addi %mul3A_1856, %broadcast_in_dim3A_1858 : vector<16xi32>
        %swap3A_1860 = arith.index_cast %rem3A_1163 : i32 to index
        %swap3A_1861 = arith.constant 912 : index
        %swap3A_1862 = tpu.vector_load %arg7[%swap3A_1860, %swap3A_1861] {strides = array<i32>} : memref<2x1152xi32, #tpu.memory_space<vmem>>, vector<16xi32>,
        tpu.vector_store %arg7[%swap3A_1860, %swap3A_1861], %add3A_1859 {strides = array<i32>} : memref<2x1152xi32, #tpu.memory_space<vmem>>, vector<16xi32>,
        %get3A_1863 = arith.constant 7 : i32
        %get3A_1864 = arith.index_cast %rem3A_1163 : i32 to index
        %get3A_1865 = arith.index_cast %get3A_1863 : i32 to index
        %get3A_1866 = arith.constant 32 : index
        %get3A_1867 = tpu.vector_load %arg6[%get3A_1864, %get3A_1865, %get3A_1866] {strides = array<i32>} : memref<2x9x128xi32, #tpu.memory_space<vmem>>, vector<16xi32>,
        %mul3A_1868 = arith.muli %get3A_1867, %broadcast_in_dim3A_7 : vector<16xi32>
        %broadcast_in_dim3A_1869 = arith.constant 400003 : i32
        %broadcast_in_dim3A_1870 = vector.broadcast %broadcast_in_dim3A_1869 : i32 to vector<16xi32>
        %add3A_1871 = arith.addi %mul3A_1868, %broadcast_in_dim3A_1870 : vector<16xi32>
        %swap3A_1872 = arith.index_cast %rem3A_1163 : i32 to index
        %swap3A_1873 = arith.constant 928 : index
        %swap3A_1874 = tpu.vector_load %arg7[%swap3A_1872, %swap3A_1873] {strides = array<i32>} : memref<2x1152xi32, #tpu.memory_space<vmem>>, vector<16xi32>,
        tpu.vector_store %arg7[%swap3A_1872, %swap3A_1873], %add3A_1871 {strides = array<i32>} : memref<2x1152xi32, #tpu.memory_space<vmem>>, vector<16xi32>,
        %get3A_1875 = arith.constant 7 : i32
        %get3A_1876 = arith.index_cast %rem3A_1163 : i32 to index
        %get3A_1877 = arith.index_cast %get3A_1875 : i32 to index
        %get3A_1878 = arith.constant 48 : index
        %get3A_1879 = tpu.vector_load %arg6[%get3A_1876, %get3A_1877, %get3A_1878] {strides = array<i32>} : memref<2x9x128xi32, #tpu.memory_space<vmem>>, vector<16xi32>,
        %mul3A_1880 = arith.muli %get3A_1879, %broadcast_in_dim3A_7 : vector<16xi32>
        %broadcast_in_dim3A_1881 = arith.constant 400003 : i32
        %broadcast_in_dim3A_1882 = vector.broadcast %broadcast_in_dim3A_1881 : i32 to vector<16xi32>
        %add3A_1883 = arith.addi %mul3A_1880, %broadcast_in_dim3A_1882 : vector<16xi32>
        %swap3A_1884 = arith.index_cast %rem3A_1163 : i32 to index
        %swap3A_1885 = arith.constant 944 : index
        %swap3A_1886 = tpu.vector_load %arg7[%swap3A_1884, %swap3A_1885] {strides = array<i32>} : memref<2x1152xi32, #tpu.memory_space<vmem>>, vector<16xi32>,
        tpu.vector_store %arg7[%swap3A_1884, %swap3A_1885], %add3A_1883 {strides = array<i32>} : memref<2x1152xi32, #tpu.memory_space<vmem>>, vector<16xi32>,
        %get3A_1887 = arith.constant 7 : i32
        %get3A_1888 = arith.index_cast %rem3A_1163 : i32 to index
        %get3A_1889 = arith.index_cast %get3A_1887 : i32 to index
        %get3A_1890 = arith.constant 64 : index
        %get3A_1891 = tpu.vector_load %arg6[%get3A_1888, %get3A_1889, %get3A_1890] {strides = array<i32>} : memref<2x9x128xi32, #tpu.memory_space<vmem>>, vector<16xi32>,
        %mul3A_1892 = arith.muli %get3A_1891, %broadcast_in_dim3A_7 : vector<16xi32>
        %broadcast_in_dim3A_1893 = arith.constant 400003 : i32
        %broadcast_in_dim3A_1894 = vector.broadcast %broadcast_in_dim3A_1893 : i32 to vector<16xi32>
        %add3A_1895 = arith.addi %mul3A_1892, %broadcast_in_dim3A_1894 : vector<16xi32>
        %swap3A_1896 = arith.index_cast %rem3A_1163 : i32 to index
        %swap3A_1897 = arith.constant 960 : index
        %swap3A_1898 = tpu.vector_load %arg7[%swap3A_1896, %swap3A_1897] {strides = array<i32>} : memref<2x1152xi32, #tpu.memory_space<vmem>>, vector<16xi32>,
        tpu.vector_store %arg7[%swap3A_1896, %swap3A_1897], %add3A_1895 {strides = array<i32>} : memref<2x1152xi32, #tpu.memory_space<vmem>>, vector<16xi32>,
        %get3A_1899 = arith.constant 7 : i32
        %get3A_1900 = arith.index_cast %rem3A_1163 : i32 to index
        %get3A_1901 = arith.index_cast %get3A_1899 : i32 to index
        %get3A_1902 = arith.constant 80 : index
        %get3A_1903 = tpu.vector_load %arg6[%get3A_1900, %get3A_1901, %get3A_1902] {strides = array<i32>} : memref<2x9x128xi32, #tpu.memory_space<vmem>>, vector<16xi32>,
        %mul3A_1904 = arith.muli %get3A_1903, %broadcast_in_dim3A_7 : vector<16xi32>
        %broadcast_in_dim3A_1905 = arith.constant 400003 : i32
        %broadcast_in_dim3A_1906 = vector.broadcast %broadcast_in_dim3A_1905 : i32 to vector<16xi32>
        %add3A_1907 = arith.addi %mul3A_1904, %broadcast_in_dim3A_1906 : vector<16xi32>
        %swap3A_1908 = arith.index_cast %rem3A_1163 : i32 to index
        %swap3A_1909 = arith.constant 976 : index
        %swap3A_1910 = tpu.vector_load %arg7[%swap3A_1908, %swap3A_1909] {strides = array<i32>} : memref<2x1152xi32, #tpu.memory_space<vmem>>, vector<16xi32>,
        tpu.vector_store %arg7[%swap3A_1908, %swap3A_1909], %add3A_1907 {strides = array<i32>} : memref<2x1152xi32, #tpu.memory_space<vmem>>, vector<16xi32>,
        %get3A_1911 = arith.constant 7 : i32
        %get3A_1912 = arith.index_cast %rem3A_1163 : i32 to index
        %get3A_1913 = arith.index_cast %get3A_1911 : i32 to index
        %get3A_1914 = arith.constant 96 : index
        %get3A_1915 = tpu.vector_load %arg6[%get3A_1912, %get3A_1913, %get3A_1914] {strides = array<i32>} : memref<2x9x128xi32, #tpu.memory_space<vmem>>, vector<16xi32>,
        %mul3A_1916 = arith.muli %get3A_1915, %broadcast_in_dim3A_7 : vector<16xi32>
        %broadcast_in_dim3A_1917 = arith.constant 400003 : i32
        %broadcast_in_dim3A_1918 = vector.broadcast %broadcast_in_dim3A_1917 : i32 to vector<16xi32>
        %add3A_1919 = arith.addi %mul3A_1916, %broadcast_in_dim3A_1918 : vector<16xi32>
        %swap3A_1920 = arith.index_cast %rem3A_1163 : i32 to index
        %swap3A_1921 = arith.constant 992 : index
        %swap3A_1922 = tpu.vector_load %arg7[%swap3A_1920, %swap3A_1921] {strides = array<i32>} : memref<2x1152xi32, #tpu.memory_space<vmem>>, vector<16xi32>,
        tpu.vector_store %arg7[%swap3A_1920, %swap3A_1921], %add3A_1919 {strides = array<i32>} : memref<2x1152xi32, #tpu.memory_space<vmem>>, vector<16xi32>,
        %get3A_1923 = arith.constant 7 : i32
        %get3A_1924 = arith.index_cast %rem3A_1163 : i32 to index
        %get3A_1925 = arith.index_cast %get3A_1923 : i32 to index
        %get3A_1926 = arith.constant 112 : index
        %get3A_1927 = tpu.vector_load %arg6[%get3A_1924, %get3A_1925, %get3A_1926] {strides = array<i32>} : memref<2x9x128xi32, #tpu.memory_space<vmem>>, vector<16xi32>,
        %mul3A_1928 = arith.muli %get3A_1927, %broadcast_in_dim3A_7 : vector<16xi32>
        %broadcast_in_dim3A_1929 = arith.constant 400003 : i32
        %broadcast_in_dim3A_1930 = vector.broadcast %broadcast_in_dim3A_1929 : i32 to vector<16xi32>
        %add3A_1931 = arith.addi %mul3A_1928, %broadcast_in_dim3A_1930 : vector<16xi32>
        %swap3A_1932 = arith.index_cast %rem3A_1163 : i32 to index
        %swap3A_1933 = arith.constant 1008 : index
        %swap3A_1934 = tpu.vector_load %arg7[%swap3A_1932, %swap3A_1933] {strides = array<i32>} : memref<2x1152xi32, #tpu.memory_space<vmem>>, vector<16xi32>,
        tpu.vector_store %arg7[%swap3A_1932, %swap3A_1933], %add3A_1931 {strides = array<i32>} : memref<2x1152xi32, #tpu.memory_space<vmem>>, vector<16xi32>,
        %get3A_1935 = arith.constant 8 : i32
        %get3A_1936 = arith.index_cast %rem3A_1163 : i32 to index
        %get3A_1937 = arith.index_cast %get3A_1935 : i32 to index
        %get3A_1938 = arith.constant 0 : index
        %get3A_1939 = tpu.vector_load %arg6[%get3A_1936, %get3A_1937, %get3A_1938] {strides = array<i32>} : memref<2x9x128xi32, #tpu.memory_space<vmem>>, vector<16xi32>,
        %mul3A_1940 = arith.muli %get3A_1939, %broadcast_in_dim3A_7 : vector<16xi32>
        %broadcast_in_dim3A_1941 = arith.constant 800000 : i32
        %broadcast_in_dim3A_1942 = vector.broadcast %broadcast_in_dim3A_1941 : i32 to vector<16xi32>
        %add3A_1943 = arith.addi %mul3A_1940, %broadcast_in_dim3A_1942 : vector<16xi32>
        %swap3A_1944 = arith.index_cast %rem3A_1163 : i32 to index
        %swap3A_1945 = arith.constant 1024 : index
        %swap3A_1946 = tpu.vector_load %arg7[%swap3A_1944, %swap3A_1945] {strides = array<i32>} : memref<2x1152xi32, #tpu.memory_space<vmem>>, vector<16xi32>,
        tpu.vector_store %arg7[%swap3A_1944, %swap3A_1945], %add3A_1943 {strides = array<i32>} : memref<2x1152xi32, #tpu.memory_space<vmem>>, vector<16xi32>,
        %get3A_1947 = arith.constant 8 : i32
        %get3A_1948 = arith.index_cast %rem3A_1163 : i32 to index
        %get3A_1949 = arith.index_cast %get3A_1947 : i32 to index
        %get3A_1950 = arith.constant 16 : index
        %get3A_1951 = tpu.vector_load %arg6[%get3A_1948, %get3A_1949, %get3A_1950] {strides = array<i32>} : memref<2x9x128xi32, #tpu.memory_space<vmem>>, vector<16xi32>,
        %mul3A_1952 = arith.muli %get3A_1951, %broadcast_in_dim3A_7 : vector<16xi32>
        %broadcast_in_dim3A_1953 = arith.constant 800000 : i32
        %broadcast_in_dim3A_1954 = vector.broadcast %broadcast_in_dim3A_1953 : i32 to vector<16xi32>
        %add3A_1955 = arith.addi %mul3A_1952, %broadcast_in_dim3A_1954 : vector<16xi32>
        %swap3A_1956 = arith.index_cast %rem3A_1163 : i32 to index
        %swap3A_1957 = arith.constant 1040 : index
        %swap3A_1958 = tpu.vector_load %arg7[%swap3A_1956, %swap3A_1957] {strides = array<i32>} : memref<2x1152xi32, #tpu.memory_space<vmem>>, vector<16xi32>,
        tpu.vector_store %arg7[%swap3A_1956, %swap3A_1957], %add3A_1955 {strides = array<i32>} : memref<2x1152xi32, #tpu.memory_space<vmem>>, vector<16xi32>,
        %get3A_1959 = arith.constant 8 : i32
        %get3A_1960 = arith.index_cast %rem3A_1163 : i32 to index
        %get3A_1961 = arith.index_cast %get3A_1959 : i32 to index
        %get3A_1962 = arith.constant 32 : index
        %get3A_1963 = tpu.vector_load %arg6[%get3A_1960, %get3A_1961, %get3A_1962] {strides = array<i32>} : memref<2x9x128xi32, #tpu.memory_space<vmem>>, vector<16xi32>,
        %mul3A_1964 = arith.muli %get3A_1963, %broadcast_in_dim3A_7 : vector<16xi32>
        %broadcast_in_dim3A_1965 = arith.constant 800000 : i32
        %broadcast_in_dim3A_1966 = vector.broadcast %broadcast_in_dim3A_1965 : i32 to vector<16xi32>
        %add3A_1967 = arith.addi %mul3A_1964, %broadcast_in_dim3A_1966 : vector<16xi32>
        %swap3A_1968 = arith.index_cast %rem3A_1163 : i32 to index
        %swap3A_1969 = arith.constant 1056 : index
        %swap3A_1970 = tpu.vector_load %arg7[%swap3A_1968, %swap3A_1969] {strides = array<i32>} : memref<2x1152xi32, #tpu.memory_space<vmem>>, vector<16xi32>,
        tpu.vector_store %arg7[%swap3A_1968, %swap3A_1969], %add3A_1967 {strides = array<i32>} : memref<2x1152xi32, #tpu.memory_space<vmem>>, vector<16xi32>,
        %get3A_1971 = arith.constant 8 : i32
        %get3A_1972 = arith.index_cast %rem3A_1163 : i32 to index
        %get3A_1973 = arith.index_cast %get3A_1971 : i32 to index
        %get3A_1974 = arith.constant 48 : index
        %get3A_1975 = tpu.vector_load %arg6[%get3A_1972, %get3A_1973, %get3A_1974] {strides = array<i32>} : memref<2x9x128xi32, #tpu.memory_space<vmem>>, vector<16xi32>,
        %mul3A_1976 = arith.muli %get3A_1975, %broadcast_in_dim3A_7 : vector<16xi32>
        %broadcast_in_dim3A_1977 = arith.constant 800000 : i32
        %broadcast_in_dim3A_1978 = vector.broadcast %broadcast_in_dim3A_1977 : i32 to vector<16xi32>
        %add3A_1979 = arith.addi %mul3A_1976, %broadcast_in_dim3A_1978 : vector<16xi32>
        %swap3A_1980 = arith.index_cast %rem3A_1163 : i32 to index
        %swap3A_1981 = arith.constant 1072 : index
        %swap3A_1982 = tpu.vector_load %arg7[%swap3A_1980, %swap3A_1981] {strides = array<i32>} : memref<2x1152xi32, #tpu.memory_space<vmem>>, vector<16xi32>,
        tpu.vector_store %arg7[%swap3A_1980, %swap3A_1981], %add3A_1979 {strides = array<i32>} : memref<2x1152xi32, #tpu.memory_space<vmem>>, vector<16xi32>,
        %get3A_1983 = arith.constant 8 : i32
        %get3A_1984 = arith.index_cast %rem3A_1163 : i32 to index
        %get3A_1985 = arith.index_cast %get3A_1983 : i32 to index
        %get3A_1986 = arith.constant 64 : index
        %get3A_1987 = tpu.vector_load %arg6[%get3A_1984, %get3A_1985, %get3A_1986] {strides = array<i32>} : memref<2x9x128xi32, #tpu.memory_space<vmem>>, vector<16xi32>,
        %mul3A_1988 = arith.muli %get3A_1987, %broadcast_in_dim3A_7 : vector<16xi32>
        %broadcast_in_dim3A_1989 = arith.constant 800000 : i32
        %broadcast_in_dim3A_1990 = vector.broadcast %broadcast_in_dim3A_1989 : i32 to vector<16xi32>
        %add3A_1991 = arith.addi %mul3A_1988, %broadcast_in_dim3A_1990 : vector<16xi32>
        %swap3A_1992 = arith.index_cast %rem3A_1163 : i32 to index
        %swap3A_1993 = arith.constant 1088 : index
        %swap3A_1994 = tpu.vector_load %arg7[%swap3A_1992, %swap3A_1993] {strides = array<i32>} : memref<2x1152xi32, #tpu.memory_space<vmem>>, vector<16xi32>,
        tpu.vector_store %arg7[%swap3A_1992, %swap3A_1993], %add3A_1991 {strides = array<i32>} : memref<2x1152xi32, #tpu.memory_space<vmem>>, vector<16xi32>,
        %get3A_1995 = arith.constant 8 : i32
        %get3A_1996 = arith.index_cast %rem3A_1163 : i32 to index
        %get3A_1997 = arith.index_cast %get3A_1995 : i32 to index
        %get3A_1998 = arith.constant 80 : index
        %get3A_1999 = tpu.vector_load %arg6[%get3A_1996, %get3A_1997, %get3A_1998] {strides = array<i32>} : memref<2x9x128xi32, #tpu.memory_space<vmem>>, vector<16xi32>,
        %mul3A_2000 = arith.muli %get3A_1999, %broadcast_in_dim3A_7 : vector<16xi32>
        %broadcast_in_dim3A_2001 = arith.constant 800000 : i32
        %broadcast_in_dim3A_2002 = vector.broadcast %broadcast_in_dim3A_2001 : i32 to vector<16xi32>
        %add3A_2003 = arith.addi %mul3A_2000, %broadcast_in_dim3A_2002 : vector<16xi32>
        %swap3A_2004 = arith.index_cast %rem3A_1163 : i32 to index
        %swap3A_2005 = arith.constant 1104 : index
        %swap3A_2006 = tpu.vector_load %arg7[%swap3A_2004, %swap3A_2005] {strides = array<i32>} : memref<2x1152xi32, #tpu.memory_space<vmem>>, vector<16xi32>,
        tpu.vector_store %arg7[%swap3A_2004, %swap3A_2005], %add3A_2003 {strides = array<i32>} : memref<2x1152xi32, #tpu.memory_space<vmem>>, vector<16xi32>,
        %get3A_2007 = arith.constant 8 : i32
        %get3A_2008 = arith.index_cast %rem3A_1163 : i32 to index
        %get3A_2009 = arith.index_cast %get3A_2007 : i32 to index
        %get3A_2010 = arith.constant 96 : index
        %get3A_2011 = tpu.vector_load %arg6[%get3A_2008, %get3A_2009, %get3A_2010] {strides = array<i32>} : memref<2x9x128xi32, #tpu.memory_space<vmem>>, vector<16xi32>,
        %mul3A_2012 = arith.muli %get3A_2011, %broadcast_in_dim3A_7 : vector<16xi32>
        %broadcast_in_dim3A_2013 = arith.constant 800000 : i32
        %broadcast_in_dim3A_2014 = vector.broadcast %broadcast_in_dim3A_2013 : i32 to vector<16xi32>
        %add3A_2015 = arith.addi %mul3A_2012, %broadcast_in_dim3A_2014 : vector<16xi32>
        %swap3A_2016 = arith.index_cast %rem3A_1163 : i32 to index
        %swap3A_2017 = arith.constant 1120 : index
        %swap3A_2018 = tpu.vector_load %arg7[%swap3A_2016, %swap3A_2017] {strides = array<i32>} : memref<2x1152xi32, #tpu.memory_space<vmem>>, vector<16xi32>,
        tpu.vector_store %arg7[%swap3A_2016, %swap3A_2017], %add3A_2015 {strides = array<i32>} : memref<2x1152xi32, #tpu.memory_space<vmem>>, vector<16xi32>,
        %get3A_2019 = arith.constant 8 : i32
        %get3A_2020 = arith.index_cast %rem3A_1163 : i32 to index
        %get3A_2021 = arith.index_cast %get3A_2019 : i32 to index
        %get3A_2022 = arith.constant 112 : index
        %get3A_2023 = tpu.vector_load %arg6[%get3A_2020, %get3A_2021, %get3A_2022] {strides = array<i32>} : memref<2x9x128xi32, #tpu.memory_space<vmem>>, vector<16xi32>,
        %mul3A_2024 = arith.muli %get3A_2023, %broadcast_in_dim3A_7 : vector<16xi32>
        %broadcast_in_dim3A_2025 = arith.constant 800000 : i32
        %broadcast_in_dim3A_2026 = vector.broadcast %broadcast_in_dim3A_2025 : i32 to vector<16xi32>
        %add3A_2027 = arith.addi %mul3A_2024, %broadcast_in_dim3A_2026 : vector<16xi32>
        %swap3A_2028 = arith.index_cast %rem3A_1163 : i32 to index
        %swap3A_2029 = arith.constant 1136 : index
        %swap3A_2030 = tpu.vector_load %arg7[%swap3A_2028, %swap3A_2029] {strides = array<i32>} : memref<2x1152xi32, #tpu.memory_space<vmem>>, vector<16xi32>,
        tpu.vector_store %arg7[%swap3A_2028, %swap3A_2029], %add3A_2027 {strides = array<i32>} : memref<2x1152xi32, #tpu.memory_space<vmem>>, vector<16xi32>,
        %dma_start3A_2031 = arith.constant 0 : i32
        %dma_start3A_2032 = arith.constant 0 : i32
        %dma_start3A_2033 = tpu.memref_slice %arg8[%rem3A_1163, %dma_start3A_2031, %dma_start3A_2032] : memref<2x1152x32xf32, #tpu.memory_space<vmem>> -> memref<1x1152x32xf32, #tpu.memory_space<vmem>>
        %dma_start3A_2034 = tpu.memref_squeeze %dma_start3A_2033 : memref<1x1152x32xf32, #tpu.memory_space<vmem>> -> memref<1152x32xf32, #tpu.memory_space<vmem>>
        %dma_start3A_2035 = arith.constant 0 : i32
        %dma_start3A_2036 = tpu.memref_slice %arg7[%rem3A_1163, %dma_start3A_2035] : memref<2x1152xi32, #tpu.memory_space<vmem>> -> memref<1x1152xi32, #tpu.memory_space<vmem>>
        %dma_start3A_2037 = tpu.memref_squeeze %dma_start3A_2036 : memref<1x1152xi32, #tpu.memory_space<vmem>> -> memref<1152xi32, #tpu.memory_space<vmem>>
        %dma_start3A_2038 = arith.constant 0 : i32
        %dma_start3A_2039 = arith.constant 0 : i32
        %dma_start3A_2040 = tpu.memref_slice %arg2[%dma_start3A_2038, %dma_start3A_2039] : memref<1200000x32xf32, #tpu.memory_space<hbm>> -> memref<1200000x32xf32, #tpu.memory_space<hbm>>
        %dma_start3A_2041 = tpu.memref_slice %arg11[%rem3A_1163] : memref<2x!tpu.dma_semaphore, #tpu.memory_space<semaphore_mem>> -> memref<1x!tpu.dma_semaphore, #tpu.memory_space<semaphore_mem>>
        %dma_start3A_2042 = tpu.memref_squeeze %dma_start3A_2041 : memref<1x!tpu.dma_semaphore, #tpu.memory_space<semaphore_mem>> -> memref<!tpu.dma_semaphore, #tpu.memory_space<semaphore_mem>>
        tpu.enqueue_indirect_dma source(%dma_start3A_2040 : memref<1200000x32xf32, #tpu.memory_space<hbm>>) target(%dma_start3A_2034 : memref<1152x32xf32, #tpu.memory_space<vmem>>) offsets(%dma_start3A_2037 : memref<1152xi32, #tpu.memory_space<vmem>>) semaphore(%dma_start3A_2042 : memref<!tpu.dma_semaphore, #tpu.memory_space<semaphore_mem>>)
      } else {
      }
      %dma_wait3A_1067 = arith.constant 0 : i32
      %dma_wait3A_1068 = arith.constant 0 : i32
      %dma_wait3A_1069 = tpu.memref_slice %arg8[%rem3A_1059, %dma_wait3A_1067, %dma_wait3A_1068] : memref<2x1152x32xf32, #tpu.memory_space<vmem>> -> memref<1x1152x32xf32, #tpu.memory_space<vmem>>
      %dma_wait3A_1070 = tpu.memref_squeeze %dma_wait3A_1069 : memref<1x1152x32xf32, #tpu.memory_space<vmem>> -> memref<1152x32xf32, #tpu.memory_space<vmem>>
      %dma_wait3A_1071 = arith.constant 0 : i32
      %dma_wait3A_1072 = tpu.memref_slice %arg7[%rem3A_1059, %dma_wait3A_1071] : memref<2x1152xi32, #tpu.memory_space<vmem>> -> memref<1x1152xi32, #tpu.memory_space<vmem>>
      %dma_wait3A_1073 = tpu.memref_squeeze %dma_wait3A_1072 : memref<1x1152xi32, #tpu.memory_space<vmem>> -> memref<1152xi32, #tpu.memory_space<vmem>>
      %dma_wait3A_1074 = arith.constant 0 : i32
      %dma_wait3A_1075 = arith.constant 0 : i32
      %dma_wait3A_1076 = tpu.memref_slice %arg2[%dma_wait3A_1074, %dma_wait3A_1075] : memref<1200000x32xf32, #tpu.memory_space<hbm>> -> memref<1200000x32xf32, #tpu.memory_space<hbm>>
      %dma_wait3A_1077 = tpu.memref_slice %arg11[%rem3A_1059] : memref<2x!tpu.dma_semaphore, #tpu.memory_space<semaphore_mem>> -> memref<1x!tpu.dma_semaphore, #tpu.memory_space<semaphore_mem>>
      %dma_wait3A_1078 = tpu.memref_squeeze %dma_wait3A_1077 : memref<1x!tpu.dma_semaphore, #tpu.memory_space<semaphore_mem>> -> memref<!tpu.dma_semaphore, #tpu.memory_space<semaphore_mem>>
      tpu.wait_indirect_dma semaphore(%dma_wait3A_1078 : memref<!tpu.dma_semaphore, #tpu.memory_space<semaphore_mem>>) src(%dma_wait3A_1076 : memref<1200000x32xf32, #tpu.memory_space<hbm>>) dst(%dma_wait3A_1070 : memref<1152x32xf32, #tpu.memory_space<vmem>>)
      %ge3A = arith.constant 2 : i32
      %ge3A_1079 = arith.cmpi sge, %while3A_1057, %ge3A : i32
      %convert_element_type3A_1080 = arith.extui %ge3A_1079 : i1 to i32
      %cond3A_1081 = arith.constant 0 : i32
      %cond3A_1082 = arith.cmpi ne, %convert_element_type3A_1080, %cond3A_1081 : i32
      scf.if %cond3A_1082 {
        %sub3A_1160 = arith.constant 2 : i32
        %sub3A_1161 = arith.subi %add3A_1060, %sub3A_1160 : i32
        %add3A_1162 = arith.constant 0 : i32
        %add3A_1163 = arith.addi %add3A_1162, %sub3A_1161 : i32
        %mul3A_1164 = arith.constant 8 : i32
        %mul3A_1165 = arith.muli %add3A_1163, %mul3A_1164 : i32
        %add3A_1166 = arith.constant 782 : i32
        %add3A_1167 = arith.addi %add3A_1166, %sub3A_1161 : i32
        %mul3A_1168 = arith.constant 8 : i32
        %mul3A_1169 = arith.muli %add3A_1167, %mul3A_1168 : i32
        %add3A_1170 = arith.constant 1564 : i32
        %add3A_1171 = arith.addi %add3A_1170, %sub3A_1161 : i32
        %mul3A_1172 = arith.constant 8 : i32
        %mul3A_1173 = arith.muli %add3A_1171, %mul3A_1172 : i32
        %add3A_1174 = arith.constant 2346 : i32
        %add3A_1175 = arith.addi %add3A_1174, %sub3A_1161 : i32
        %mul3A_1176 = arith.constant 8 : i32
        %mul3A_1177 = arith.muli %add3A_1175, %mul3A_1176 : i32
        %dma_wait3A_1178 = arith.constant 0 : i32
        %dma_wait3A_1179 = arith.constant 0 : i32
        %dma_wait3A_1180 = tpu.memref_slice %arg9[%rem3A_1059, %dma_wait3A_1178, %dma_wait3A_1179] : memref<2x32x129xf32, #tpu.memory_space<vmem>> -> memref<1x8x128xf32, #tpu.memory_space<vmem>>
        %dma_wait3A_1181 = tpu.memref_squeeze %dma_wait3A_1180 : memref<1x8x128xf32, #tpu.memory_space<vmem>> -> memref<8x128xf32, #tpu.memory_space<vmem>>
        %dma_wait3A_1182 = arith.constant 0 : i32
        %dma_wait3A_1183 = tpu.memref_slice %arg5[%mul3A_1165, %dma_wait3A_1182] : memref<25024x128xf32, #tpu.memory_space<hbm>> -> memref<8x128xf32, #tpu.memory_space<hbm>>
        %dma_wait3A_1184 = tpu.memref_slice %arg12[%rem3A_1059] : memref<2x!tpu.dma_semaphore, #tpu.memory_space<semaphore_mem>> -> memref<1x!tpu.dma_semaphore, #tpu.memory_space<semaphore_mem>>
        %dma_wait3A_1185 = tpu.memref_squeeze %dma_wait3A_1184 : memref<1x!tpu.dma_semaphore, #tpu.memory_space<semaphore_mem>> -> memref<!tpu.dma_semaphore, #tpu.memory_space<semaphore_mem>>
        %dma_wait3A_1186 = arith.constant 0 : i32
        %dma_wait3A_1187 = tpu.memref_slice %arg5[%mul3A_1165, %dma_wait3A_1186] : memref<25024x128xf32, #tpu.memory_space<hbm>> -> memref<8x128xf32, #tpu.memory_space<hbm>>
        %dma_wait3A_1188 = arith.constant 0 : i32
        %dma_wait3A_1189 = arith.constant 0 : i32
        %dma_wait3A_1190 = tpu.memref_slice %arg9[%rem3A_1059, %dma_wait3A_1188, %dma_wait3A_1189] : memref<2x32x129xf32, #tpu.memory_space<vmem>> -> memref<1x8x128xf32, #tpu.memory_space<vmem>>
        %dma_wait3A_1191 = tpu.memref_squeeze %dma_wait3A_1190 : memref<1x8x128xf32, #tpu.memory_space<vmem>> -> memref<8x128xf32, #tpu.memory_space<vmem>>
        tpu.wait_dma2 semaphore(%dma_wait3A_1185 : memref<!tpu.dma_semaphore, #tpu.memory_space<semaphore_mem>>) src(%dma_wait3A_1191 : memref<8x128xf32, #tpu.memory_space<vmem>>) dst(%dma_wait3A_1187 : memref<8x128xf32, #tpu.memory_space<hbm>>)
        %dma_wait3A_1192 = arith.constant 8 : i32
        %dma_wait3A_1193 = arith.constant 0 : i32
        %dma_wait3A_1194 = tpu.memref_slice %arg9[%rem3A_1059, %dma_wait3A_1192, %dma_wait3A_1193] : memref<2x32x129xf32, #tpu.memory_space<vmem>> -> memref<1x8x128xf32, #tpu.memory_space<vmem>>
        %dma_wait3A_1195 = tpu.memref_squeeze %dma_wait3A_1194 : memref<1x8x128xf32, #tpu.memory_space<vmem>> -> memref<8x128xf32, #tpu.memory_space<vmem>>
        %dma_wait3A_1196 = arith.constant 0 : i32
        %dma_wait3A_1197 = tpu.memref_slice %arg5[%mul3A_1169, %dma_wait3A_1196] : memref<25024x128xf32, #tpu.memory_space<hbm>> -> memref<8x128xf32, #tpu.memory_space<hbm>>
        %dma_wait3A_1198 = tpu.memref_slice %arg12[%rem3A_1059] : memref<2x!tpu.dma_semaphore, #tpu.memory_space<semaphore_mem>> -> memref<1x!tpu.dma_semaphore, #tpu.memory_space<semaphore_mem>>
        %dma_wait3A_1199 = tpu.memref_squeeze %dma_wait3A_1198 : memref<1x!tpu.dma_semaphore, #tpu.memory_space<semaphore_mem>> -> memref<!tpu.dma_semaphore, #tpu.memory_space<semaphore_mem>>
        %dma_wait3A_1200 = arith.constant 0 : i32
        %dma_wait3A_1201 = tpu.memref_slice %arg5[%mul3A_1169, %dma_wait3A_1200] : memref<25024x128xf32, #tpu.memory_space<hbm>> -> memref<8x128xf32, #tpu.memory_space<hbm>>
        %dma_wait3A_1202 = arith.constant 8 : i32
        %dma_wait3A_1203 = arith.constant 0 : i32
        %dma_wait3A_1204 = tpu.memref_slice %arg9[%rem3A_1059, %dma_wait3A_1202, %dma_wait3A_1203] : memref<2x32x129xf32, #tpu.memory_space<vmem>> -> memref<1x8x128xf32, #tpu.memory_space<vmem>>
        %dma_wait3A_1205 = tpu.memref_squeeze %dma_wait3A_1204 : memref<1x8x128xf32, #tpu.memory_space<vmem>> -> memref<8x128xf32, #tpu.memory_space<vmem>>
        tpu.wait_dma2 semaphore(%dma_wait3A_1199 : memref<!tpu.dma_semaphore, #tpu.memory_space<semaphore_mem>>) src(%dma_wait3A_1205 : memref<8x128xf32, #tpu.memory_space<vmem>>) dst(%dma_wait3A_1201 : memref<8x128xf32, #tpu.memory_space<hbm>>)
        %dma_wait3A_1206 = arith.constant 16 : i32
        %dma_wait3A_1207 = arith.constant 0 : i32
        %dma_wait3A_1208 = tpu.memref_slice %arg9[%rem3A_1059, %dma_wait3A_1206, %dma_wait3A_1207] : memref<2x32x129xf32, #tpu.memory_space<vmem>> -> memref<1x8x128xf32, #tpu.memory_space<vmem>>
        %dma_wait3A_1209 = tpu.memref_squeeze %dma_wait3A_1208 : memref<1x8x128xf32, #tpu.memory_space<vmem>> -> memref<8x128xf32, #tpu.memory_space<vmem>>
        %dma_wait3A_1210 = arith.constant 0 : i32
        %dma_wait3A_1211 = tpu.memref_slice %arg5[%mul3A_1173, %dma_wait3A_1210] : memref<25024x128xf32, #tpu.memory_space<hbm>> -> memref<8x128xf32, #tpu.memory_space<hbm>>
        %dma_wait3A_1212 = tpu.memref_slice %arg12[%rem3A_1059] : memref<2x!tpu.dma_semaphore, #tpu.memory_space<semaphore_mem>> -> memref<1x!tpu.dma_semaphore, #tpu.memory_space<semaphore_mem>>
        %dma_wait3A_1213 = tpu.memref_squeeze %dma_wait3A_1212 : memref<1x!tpu.dma_semaphore, #tpu.memory_space<semaphore_mem>> -> memref<!tpu.dma_semaphore, #tpu.memory_space<semaphore_mem>>
        %dma_wait3A_1214 = arith.constant 0 : i32
        %dma_wait3A_1215 = tpu.memref_slice %arg5[%mul3A_1173, %dma_wait3A_1214] : memref<25024x128xf32, #tpu.memory_space<hbm>> -> memref<8x128xf32, #tpu.memory_space<hbm>>
        %dma_wait3A_1216 = arith.constant 16 : i32
        %dma_wait3A_1217 = arith.constant 0 : i32
        %dma_wait3A_1218 = tpu.memref_slice %arg9[%rem3A_1059, %dma_wait3A_1216, %dma_wait3A_1217] : memref<2x32x129xf32, #tpu.memory_space<vmem>> -> memref<1x8x128xf32, #tpu.memory_space<vmem>>
        %dma_wait3A_1219 = tpu.memref_squeeze %dma_wait3A_1218 : memref<1x8x128xf32, #tpu.memory_space<vmem>> -> memref<8x128xf32, #tpu.memory_space<vmem>>
        tpu.wait_dma2 semaphore(%dma_wait3A_1213 : memref<!tpu.dma_semaphore, #tpu.memory_space<semaphore_mem>>) src(%dma_wait3A_1219 : memref<8x128xf32, #tpu.memory_space<vmem>>) dst(%dma_wait3A_1215 : memref<8x128xf32, #tpu.memory_space<hbm>>)
        %dma_wait3A_1220 = arith.constant 24 : i32
        %dma_wait3A_1221 = arith.constant 0 : i32
        %dma_wait3A_1222 = tpu.memref_slice %arg9[%rem3A_1059, %dma_wait3A_1220, %dma_wait3A_1221] : memref<2x32x129xf32, #tpu.memory_space<vmem>> -> memref<1x8x128xf32, #tpu.memory_space<vmem>>
        %dma_wait3A_1223 = tpu.memref_squeeze %dma_wait3A_1222 : memref<1x8x128xf32, #tpu.memory_space<vmem>> -> memref<8x128xf32, #tpu.memory_space<vmem>>
        %dma_wait3A_1224 = arith.constant 0 : i32
        %dma_wait3A_1225 = tpu.memref_slice %arg5[%mul3A_1177, %dma_wait3A_1224] : memref<25024x128xf32, #tpu.memory_space<hbm>> -> memref<8x128xf32, #tpu.memory_space<hbm>>
        %dma_wait3A_1226 = tpu.memref_slice %arg12[%rem3A_1059] : memref<2x!tpu.dma_semaphore, #tpu.memory_space<semaphore_mem>> -> memref<1x!tpu.dma_semaphore, #tpu.memory_space<semaphore_mem>>
        %dma_wait3A_1227 = tpu.memref_squeeze %dma_wait3A_1226 : memref<1x!tpu.dma_semaphore, #tpu.memory_space<semaphore_mem>> -> memref<!tpu.dma_semaphore, #tpu.memory_space<semaphore_mem>>
        %dma_wait3A_1228 = arith.constant 0 : i32
        %dma_wait3A_1229 = tpu.memref_slice %arg5[%mul3A_1177, %dma_wait3A_1228] : memref<25024x128xf32, #tpu.memory_space<hbm>> -> memref<8x128xf32, #tpu.memory_space<hbm>>
        %dma_wait3A_1230 = arith.constant 24 : i32
        %dma_wait3A_1231 = arith.constant 0 : i32
        %dma_wait3A_1232 = tpu.memref_slice %arg9[%rem3A_1059, %dma_wait3A_1230, %dma_wait3A_1231] : memref<2x32x129xf32, #tpu.memory_space<vmem>> -> memref<1x8x128xf32, #tpu.memory_space<vmem>>
        %dma_wait3A_1233 = tpu.memref_squeeze %dma_wait3A_1232 : memref<1x8x128xf32, #tpu.memory_space<vmem>> -> memref<8x128xf32, #tpu.memory_space<vmem>>
        tpu.wait_dma2 semaphore(%dma_wait3A_1227 : memref<!tpu.dma_semaphore, #tpu.memory_space<semaphore_mem>>) src(%dma_wait3A_1233 : memref<8x128xf32, #tpu.memory_space<vmem>>) dst(%dma_wait3A_1229 : memref<8x128xf32, #tpu.memory_space<hbm>>)
      } else {
      }
      %scan3A = arith.constant 0 : i32
      %scan3A_1083 = arith.constant 0 : i32
      %scan3A_1084 = arith.constant 128 : i32
      %scan3A_1085 = arith.addi %scan3A_1083, %scan3A_1084 : i32
      %scan3A_1086 = arith.constant 1 : i32
      scf.for %scan3A_1160 = %scan3A_1083 to %scan3A_1085 step %scan3A_1086  : i32 {
        %add3A_1161 = arith.constant 0 : i32
        %add3A_1162 = arith.addi %add3A_1161, %scan3A_1160 : i32
        %get3A_1163 = arith.index_cast %rem3A_1059 : i32 to index
        %get3A_1164 = arith.index_cast %add3A_1162 : i32 to index
        %get3A_1165 = arith.constant 0 : index
        %get3A_1166 = tpu.vector_load %arg8[%get3A_1163, %get3A_1164, %get3A_1165] {strides = array<i32>} : memref<2x1152x32xf32, #tpu.memory_space<vmem>>, vector<16xf32>,
        %add3A_1167 = arith.addf %get3A_11, %get3A_1166 : vector<16xf32>
        %add3A_1168 = arith.constant 0 : i32
        %add3A_1169 = arith.addi %add3A_1168, %scan3A_1160 : i32
        %get3A_1170 = arith.index_cast %rem3A_1059 : i32 to index
        %get3A_1171 = arith.index_cast %add3A_1169 : i32 to index
        %get3A_1172 = arith.constant 16 : index
        %get3A_1173 = tpu.vector_load %arg8[%get3A_1170, %get3A_1171, %get3A_1172] {strides = array<i32>} : memref<2x1152x32xf32, #tpu.memory_space<vmem>>, vector<16xf32>,
        %add3A_1174 = arith.addf %get3A_13, %get3A_1173 : vector<16xf32>
        %add3A_1175 = arith.constant 128 : i32
        %add3A_1176 = arith.addi %add3A_1175, %scan3A_1160 : i32
        %get3A_1177 = arith.index_cast %rem3A_1059 : i32 to index
        %get3A_1178 = arith.index_cast %add3A_1176 : i32 to index
        %get3A_1179 = arith.constant 0 : index
        %get3A_1180 = tpu.vector_load %arg8[%get3A_1177, %get3A_1178, %get3A_1179] {strides = array<i32>} : memref<2x1152x32xf32, #tpu.memory_space<vmem>>, vector<16xf32>,
        %add3A_1181 = arith.addf %add3A_1167, %get3A_1180 : vector<16xf32>
        %add3A_1182 = arith.constant 128 : i32
        %add3A_1183 = arith.addi %add3A_1182, %scan3A_1160 : i32
        %get3A_1184 = arith.index_cast %rem3A_1059 : i32 to index
        %get3A_1185 = arith.index_cast %add3A_1183 : i32 to index
        %get3A_1186 = arith.constant 16 : index
        %get3A_1187 = tpu.vector_load %arg8[%get3A_1184, %get3A_1185, %get3A_1186] {strides = array<i32>} : memref<2x1152x32xf32, #tpu.memory_space<vmem>>, vector<16xf32>,
        %add3A_1188 = arith.addf %add3A_1174, %get3A_1187 : vector<16xf32>
        %add3A_1189 = arith.constant 256 : i32
        %add3A_1190 = arith.addi %add3A_1189, %scan3A_1160 : i32
        %get3A_1191 = arith.index_cast %rem3A_1059 : i32 to index
        %get3A_1192 = arith.index_cast %add3A_1190 : i32 to index
        %get3A_1193 = arith.constant 0 : index
        %get3A_1194 = tpu.vector_load %arg8[%get3A_1191, %get3A_1192, %get3A_1193] {strides = array<i32>} : memref<2x1152x32xf32, #tpu.memory_space<vmem>>, vector<16xf32>,
        %add3A_1195 = arith.addf %add3A_1181, %get3A_1194 : vector<16xf32>
        %add3A_1196 = arith.constant 256 : i32
        %add3A_1197 = arith.addi %add3A_1196, %scan3A_1160 : i32
        %get3A_1198 = arith.index_cast %rem3A_1059 : i32 to index
        %get3A_1199 = arith.index_cast %add3A_1197 : i32 to index
        %get3A_1200 = arith.constant 16 : index
        %get3A_1201 = tpu.vector_load %arg8[%get3A_1198, %get3A_1199, %get3A_1200] {strides = array<i32>} : memref<2x1152x32xf32, #tpu.memory_space<vmem>>, vector<16xf32>,
        %add3A_1202 = arith.addf %add3A_1188, %get3A_1201 : vector<16xf32>
        %add3A_1203 = arith.constant 384 : i32
        %add3A_1204 = arith.addi %add3A_1203, %scan3A_1160 : i32
        %get3A_1205 = arith.index_cast %rem3A_1059 : i32 to index
        %get3A_1206 = arith.index_cast %add3A_1204 : i32 to index
        %get3A_1207 = arith.constant 0 : index
        %get3A_1208 = tpu.vector_load %arg8[%get3A_1205, %get3A_1206, %get3A_1207] {strides = array<i32>} : memref<2x1152x32xf32, #tpu.memory_space<vmem>>, vector<16xf32>,
        %add3A_1209 = arith.addf %add3A_1195, %get3A_1208 : vector<16xf32>
        %add3A_1210 = arith.constant 384 : i32
        %add3A_1211 = arith.addi %add3A_1210, %scan3A_1160 : i32
        %get3A_1212 = arith.index_cast %rem3A_1059 : i32 to index
        %get3A_1213 = arith.index_cast %add3A_1211 : i32 to index
        %get3A_1214 = arith.constant 16 : index
        %get3A_1215 = tpu.vector_load %arg8[%get3A_1212, %get3A_1213, %get3A_1214] {strides = array<i32>} : memref<2x1152x32xf32, #tpu.memory_space<vmem>>, vector<16xf32>,
        %add3A_1216 = arith.addf %add3A_1202, %get3A_1215 : vector<16xf32>
        %add3A_1217 = arith.constant 512 : i32
        %add3A_1218 = arith.addi %add3A_1217, %scan3A_1160 : i32
        %get3A_1219 = arith.index_cast %rem3A_1059 : i32 to index
        %get3A_1220 = arith.index_cast %add3A_1218 : i32 to index
        %get3A_1221 = arith.constant 0 : index
        %get3A_1222 = tpu.vector_load %arg8[%get3A_1219, %get3A_1220, %get3A_1221] {strides = array<i32>} : memref<2x1152x32xf32, #tpu.memory_space<vmem>>, vector<16xf32>,
        %add3A_1223 = arith.addf %add3A_1209, %get3A_1222 : vector<16xf32>
        %add3A_1224 = arith.constant 512 : i32
        %add3A_1225 = arith.addi %add3A_1224, %scan3A_1160 : i32
        %get3A_1226 = arith.index_cast %rem3A_1059 : i32 to index
        %get3A_1227 = arith.index_cast %add3A_1225 : i32 to index
        %get3A_1228 = arith.constant 16 : index
        %get3A_1229 = tpu.vector_load %arg8[%get3A_1226, %get3A_1227, %get3A_1228] {strides = array<i32>} : memref<2x1152x32xf32, #tpu.memory_space<vmem>>, vector<16xf32>,
        %add3A_1230 = arith.addf %add3A_1216, %get3A_1229 : vector<16xf32>
        %add3A_1231 = arith.constant 640 : i32
        %add3A_1232 = arith.addi %add3A_1231, %scan3A_1160 : i32
        %get3A_1233 = arith.index_cast %rem3A_1059 : i32 to index
        %get3A_1234 = arith.index_cast %add3A_1232 : i32 to index
        %get3A_1235 = arith.constant 0 : index
        %get3A_1236 = tpu.vector_load %arg8[%get3A_1233, %get3A_1234, %get3A_1235] {strides = array<i32>} : memref<2x1152x32xf32, #tpu.memory_space<vmem>>, vector<16xf32>,
        %add3A_1237 = arith.addf %add3A_1223, %get3A_1236 : vector<16xf32>
        %add3A_1238 = arith.constant 640 : i32
        %add3A_1239 = arith.addi %add3A_1238, %scan3A_1160 : i32
        %get3A_1240 = arith.index_cast %rem3A_1059 : i32 to index
        %get3A_1241 = arith.index_cast %add3A_1239 : i32 to index
        %get3A_1242 = arith.constant 16 : index
        %get3A_1243 = tpu.vector_load %arg8[%get3A_1240, %get3A_1241, %get3A_1242] {strides = array<i32>} : memref<2x1152x32xf32, #tpu.memory_space<vmem>>, vector<16xf32>,
        %add3A_1244 = arith.addf %add3A_1230, %get3A_1243 : vector<16xf32>
        %add3A_1245 = arith.constant 768 : i32
        %add3A_1246 = arith.addi %add3A_1245, %scan3A_1160 : i32
        %get3A_1247 = arith.index_cast %rem3A_1059 : i32 to index
        %get3A_1248 = arith.index_cast %add3A_1246 : i32 to index
        %get3A_1249 = arith.constant 0 : index
        %get3A_1250 = tpu.vector_load %arg8[%get3A_1247, %get3A_1248, %get3A_1249] {strides = array<i32>} : memref<2x1152x32xf32, #tpu.memory_space<vmem>>, vector<16xf32>,
        %add3A_1251 = arith.addf %add3A_1237, %get3A_1250 : vector<16xf32>
        %add3A_1252 = arith.constant 768 : i32
        %add3A_1253 = arith.addi %add3A_1252, %scan3A_1160 : i32
        %get3A_1254 = arith.index_cast %rem3A_1059 : i32 to index
        %get3A_1255 = arith.index_cast %add3A_1253 : i32 to index
        %get3A_1256 = arith.constant 16 : index
        %get3A_1257 = tpu.vector_load %arg8[%get3A_1254, %get3A_1255, %get3A_1256] {strides = array<i32>} : memref<2x1152x32xf32, #tpu.memory_space<vmem>>, vector<16xf32>,
        %add3A_1258 = arith.addf %add3A_1244, %get3A_1257 : vector<16xf32>
        %add3A_1259 = arith.constant 896 : i32
        %add3A_1260 = arith.addi %add3A_1259, %scan3A_1160 : i32
        %get3A_1261 = arith.index_cast %rem3A_1059 : i32 to index
        %get3A_1262 = arith.index_cast %add3A_1260 : i32 to index
        %get3A_1263 = arith.constant 0 : index
        %get3A_1264 = tpu.vector_load %arg8[%get3A_1261, %get3A_1262, %get3A_1263] {strides = array<i32>} : memref<2x1152x32xf32, #tpu.memory_space<vmem>>, vector<16xf32>,
        %add3A_1265 = arith.addf %add3A_1251, %get3A_1264 : vector<16xf32>
        %add3A_1266 = arith.constant 896 : i32
        %add3A_1267 = arith.addi %add3A_1266, %scan3A_1160 : i32
        %get3A_1268 = arith.index_cast %rem3A_1059 : i32 to index
        %get3A_1269 = arith.index_cast %add3A_1267 : i32 to index
        %get3A_1270 = arith.constant 16 : index
        %get3A_1271 = tpu.vector_load %arg8[%get3A_1268, %get3A_1269, %get3A_1270] {strides = array<i32>} : memref<2x1152x32xf32, #tpu.memory_space<vmem>>, vector<16xf32>,
        %add3A_1272 = arith.addf %add3A_1258, %get3A_1271 : vector<16xf32>
        %add3A_1273 = arith.constant 1024 : i32
        %add3A_1274 = arith.addi %add3A_1273, %scan3A_1160 : i32
        %get3A_1275 = arith.index_cast %rem3A_1059 : i32 to index
        %get3A_1276 = arith.index_cast %add3A_1274 : i32 to index
        %get3A_1277 = arith.constant 0 : index
        %get3A_1278 = tpu.vector_load %arg8[%get3A_1275, %get3A_1276, %get3A_1277] {strides = array<i32>} : memref<2x1152x32xf32, #tpu.memory_space<vmem>>, vector<16xf32>,
        %add3A_1279 = arith.addf %add3A_1265, %get3A_1278 : vector<16xf32>
        %add3A_1280 = arith.constant 1024 : i32
        %add3A_1281 = arith.addi %add3A_1280, %scan3A_1160 : i32
        %get3A_1282 = arith.index_cast %rem3A_1059 : i32 to index
        %get3A_1283 = arith.index_cast %add3A_1281 : i32 to index
        %get3A_1284 = arith.constant 16 : index
        %get3A_1285 = tpu.vector_load %arg8[%get3A_1282, %get3A_1283, %get3A_1284] {strides = array<i32>} : memref<2x1152x32xf32, #tpu.memory_space<vmem>>, vector<16xf32>,
        %add3A_1286 = arith.addf %add3A_1272, %get3A_1285 : vector<16xf32>
        %broadcast_in_dim3A_1287 = vector.broadcast %scan3A_1160 : i32 to vector<16xi32>
        %scatter3A = arith.constant 0 : i32
        %scatter3A_1288 = arith.constant 0 : i32
        %scatter3A_1289 = tpu.memref_slice %arg9[%rem3A_1059, %scatter3A, %scatter3A_1288] : memref<2x32x129xf32, #tpu.memory_space<vmem>> -> memref<1x32x129xf32, #tpu.memory_space<vmem>>
        %scatter3A_1290 = tpu.memref_squeeze %scatter3A_1289 : memref<1x32x129xf32, #tpu.memory_space<vmem>> -> memref<32x129xf32, #tpu.memory_space<vmem>>
        tpu.vector_store_idx %scatter3A_1290[%iota3A, %broadcast_in_dim3A_1287], %add3A_1279 : memref<32x129xf32, #tpu.memory_space<vmem>>[vector<16xi32>, vector<16xi32>], vector<16xf32>,
        %scatter3A_1291 = arith.constant 0 : i32
        %scatter3A_1292 = arith.constant 0 : i32
        %scatter3A_1293 = tpu.memref_slice %arg9[%rem3A_1059, %scatter3A_1291, %scatter3A_1292] : memref<2x32x129xf32, #tpu.memory_space<vmem>> -> memref<1x32x129xf32, #tpu.memory_space<vmem>>
        %scatter3A_1294 = tpu.memref_squeeze %scatter3A_1293 : memref<1x32x129xf32, #tpu.memory_space<vmem>> -> memref<32x129xf32, #tpu.memory_space<vmem>>
        tpu.vector_store_idx %scatter3A_1294[%add3A_10, %broadcast_in_dim3A_1287], %add3A_1286 : memref<32x129xf32, #tpu.memory_space<vmem>>[vector<16xi32>, vector<16xi32>], vector<16xf32>,
      }
      %scan3A_1087 = arith.constant 128 : i32
      %add3A_1088 = arith.constant 0 : i32
      %add3A_1089 = arith.addi %add3A_1088, %add3A_1060 : i32
      %mul3A_1090 = arith.constant 8 : i32
      %mul3A_1091 = arith.muli %add3A_1089, %mul3A_1090 : i32
      %add3A_1092 = arith.constant 782 : i32
      %add3A_1093 = arith.addi %add3A_1092, %add3A_1060 : i32
      %mul3A_1094 = arith.constant 8 : i32
      %mul3A_1095 = arith.muli %add3A_1093, %mul3A_1094 : i32
      %add3A_1096 = arith.constant 1564 : i32
      %add3A_1097 = arith.addi %add3A_1096, %add3A_1060 : i32
      %mul3A_1098 = arith.constant 8 : i32
      %mul3A_1099 = arith.muli %add3A_1097, %mul3A_1098 : i32
      %add3A_1100 = arith.constant 2346 : i32
      %add3A_1101 = arith.addi %add3A_1100, %add3A_1060 : i32
      %mul3A_1102 = arith.constant 8 : i32
      %mul3A_1103 = arith.muli %add3A_1101, %mul3A_1102 : i32
      %dma_start3A_1104 = arith.constant 0 : i32
      %dma_start3A_1105 = arith.constant 0 : i32
      %dma_start3A_1106 = tpu.memref_slice %arg9[%rem3A_1059, %dma_start3A_1104, %dma_start3A_1105] : memref<2x32x129xf32, #tpu.memory_space<vmem>> -> memref<1x8x128xf32, #tpu.memory_space<vmem>>
      %dma_start3A_1107 = tpu.memref_squeeze %dma_start3A_1106 : memref<1x8x128xf32, #tpu.memory_space<vmem>> -> memref<8x128xf32, #tpu.memory_space<vmem>>
      %dma_start3A_1108 = arith.constant 0 : i32
      %dma_start3A_1109 = tpu.memref_slice %arg5[%mul3A_1091, %dma_start3A_1108] : memref<25024x128xf32, #tpu.memory_space<hbm>> -> memref<8x128xf32, #tpu.memory_space<hbm>>
      %dma_start3A_1110 = tpu.memref_slice %arg12[%rem3A_1059] : memref<2x!tpu.dma_semaphore, #tpu.memory_space<semaphore_mem>> -> memref<1x!tpu.dma_semaphore, #tpu.memory_space<semaphore_mem>>
      %dma_start3A_1111 = tpu.memref_squeeze %dma_start3A_1110 : memref<1x!tpu.dma_semaphore, #tpu.memory_space<semaphore_mem>> -> memref<!tpu.dma_semaphore, #tpu.memory_space<semaphore_mem>>
      %dma_start3A_1112 = arith.constant 0 : i32
      %dma_start3A_1113 = tpu.memref_slice %arg5[%mul3A_1091, %dma_start3A_1112] : memref<25024x128xf32, #tpu.memory_space<hbm>> -> memref<8x128xf32, #tpu.memory_space<hbm>>
      %dma_start3A_1114 = arith.constant 0 : i32
      %dma_start3A_1115 = arith.constant 0 : i32
      %dma_start3A_1116 = tpu.memref_slice %arg9[%rem3A_1059, %dma_start3A_1114, %dma_start3A_1115] : memref<2x32x129xf32, #tpu.memory_space<vmem>> -> memref<1x8x128xf32, #tpu.memory_space<vmem>>
      %dma_start3A_1117 = tpu.memref_squeeze %dma_start3A_1116 : memref<1x8x128xf32, #tpu.memory_space<vmem>> -> memref<8x128xf32, #tpu.memory_space<vmem>>
      tpu.enqueue_dma source(%dma_start3A_1117 : memref<8x128xf32, #tpu.memory_space<vmem>>) target(%dma_start3A_1113 : memref<8x128xf32, #tpu.memory_space<hbm>>) target_semaphore(%dma_start3A_1111 : memref<!tpu.dma_semaphore, #tpu.memory_space<semaphore_mem>>)
      %dma_start3A_1118 = arith.constant 8 : i32
      %dma_start3A_1119 = arith.constant 0 : i32
      %dma_start3A_1120 = tpu.memref_slice %arg9[%rem3A_1059, %dma_start3A_1118, %dma_start3A_1119] : memref<2x32x129xf32, #tpu.memory_space<vmem>> -> memref<1x8x128xf32, #tpu.memory_space<vmem>>
      %dma_start3A_1121 = tpu.memref_squeeze %dma_start3A_1120 : memref<1x8x128xf32, #tpu.memory_space<vmem>> -> memref<8x128xf32, #tpu.memory_space<vmem>>
      %dma_start3A_1122 = arith.constant 0 : i32
      %dma_start3A_1123 = tpu.memref_slice %arg5[%mul3A_1095, %dma_start3A_1122] : memref<25024x128xf32, #tpu.memory_space<hbm>> -> memref<8x128xf32, #tpu.memory_space<hbm>>
      %dma_start3A_1124 = tpu.memref_slice %arg12[%rem3A_1059] : memref<2x!tpu.dma_semaphore, #tpu.memory_space<semaphore_mem>> -> memref<1x!tpu.dma_semaphore, #tpu.memory_space<semaphore_mem>>
      %dma_start3A_1125 = tpu.memref_squeeze %dma_start3A_1124 : memref<1x!tpu.dma_semaphore, #tpu.memory_space<semaphore_mem>> -> memref<!tpu.dma_semaphore, #tpu.memory_space<semaphore_mem>>
      %dma_start3A_1126 = arith.constant 0 : i32
      %dma_start3A_1127 = tpu.memref_slice %arg5[%mul3A_1095, %dma_start3A_1126] : memref<25024x128xf32, #tpu.memory_space<hbm>> -> memref<8x128xf32, #tpu.memory_space<hbm>>
      %dma_start3A_1128 = arith.constant 8 : i32
      %dma_start3A_1129 = arith.constant 0 : i32
      %dma_start3A_1130 = tpu.memref_slice %arg9[%rem3A_1059, %dma_start3A_1128, %dma_start3A_1129] : memref<2x32x129xf32, #tpu.memory_space<vmem>> -> memref<1x8x128xf32, #tpu.memory_space<vmem>>
      %dma_start3A_1131 = tpu.memref_squeeze %dma_start3A_1130 : memref<1x8x128xf32, #tpu.memory_space<vmem>> -> memref<8x128xf32, #tpu.memory_space<vmem>>
      tpu.enqueue_dma source(%dma_start3A_1131 : memref<8x128xf32, #tpu.memory_space<vmem>>) target(%dma_start3A_1127 : memref<8x128xf32, #tpu.memory_space<hbm>>) target_semaphore(%dma_start3A_1125 : memref<!tpu.dma_semaphore, #tpu.memory_space<semaphore_mem>>)
      %dma_start3A_1132 = arith.constant 16 : i32
      %dma_start3A_1133 = arith.constant 0 : i32
      %dma_start3A_1134 = tpu.memref_slice %arg9[%rem3A_1059, %dma_start3A_1132, %dma_start3A_1133] : memref<2x32x129xf32, #tpu.memory_space<vmem>> -> memref<1x8x128xf32, #tpu.memory_space<vmem>>
      %dma_start3A_1135 = tpu.memref_squeeze %dma_start3A_1134 : memref<1x8x128xf32, #tpu.memory_space<vmem>> -> memref<8x128xf32, #tpu.memory_space<vmem>>
      %dma_start3A_1136 = arith.constant 0 : i32
      %dma_start3A_1137 = tpu.memref_slice %arg5[%mul3A_1099, %dma_start3A_1136] : memref<25024x128xf32, #tpu.memory_space<hbm>> -> memref<8x128xf32, #tpu.memory_space<hbm>>
      %dma_start3A_1138 = tpu.memref_slice %arg12[%rem3A_1059] : memref<2x!tpu.dma_semaphore, #tpu.memory_space<semaphore_mem>> -> memref<1x!tpu.dma_semaphore, #tpu.memory_space<semaphore_mem>>
      %dma_start3A_1139 = tpu.memref_squeeze %dma_start3A_1138 : memref<1x!tpu.dma_semaphore, #tpu.memory_space<semaphore_mem>> -> memref<!tpu.dma_semaphore, #tpu.memory_space<semaphore_mem>>
      %dma_start3A_1140 = arith.constant 0 : i32
      %dma_start3A_1141 = tpu.memref_slice %arg5[%mul3A_1099, %dma_start3A_1140] : memref<25024x128xf32, #tpu.memory_space<hbm>> -> memref<8x128xf32, #tpu.memory_space<hbm>>
      %dma_start3A_1142 = arith.constant 16 : i32
      %dma_start3A_1143 = arith.constant 0 : i32
      %dma_start3A_1144 = tpu.memref_slice %arg9[%rem3A_1059, %dma_start3A_1142, %dma_start3A_1143] : memref<2x32x129xf32, #tpu.memory_space<vmem>> -> memref<1x8x128xf32, #tpu.memory_space<vmem>>
      %dma_start3A_1145 = tpu.memref_squeeze %dma_start3A_1144 : memref<1x8x128xf32, #tpu.memory_space<vmem>> -> memref<8x128xf32, #tpu.memory_space<vmem>>
      tpu.enqueue_dma source(%dma_start3A_1145 : memref<8x128xf32, #tpu.memory_space<vmem>>) target(%dma_start3A_1141 : memref<8x128xf32, #tpu.memory_space<hbm>>) target_semaphore(%dma_start3A_1139 : memref<!tpu.dma_semaphore, #tpu.memory_space<semaphore_mem>>)
      %dma_start3A_1146 = arith.constant 24 : i32
      %dma_start3A_1147 = arith.constant 0 : i32
      %dma_start3A_1148 = tpu.memref_slice %arg9[%rem3A_1059, %dma_start3A_1146, %dma_start3A_1147] : memref<2x32x129xf32, #tpu.memory_space<vmem>> -> memref<1x8x128xf32, #tpu.memory_space<vmem>>
      %dma_start3A_1149 = tpu.memref_squeeze %dma_start3A_1148 : memref<1x8x128xf32, #tpu.memory_space<vmem>> -> memref<8x128xf32, #tpu.memory_space<vmem>>
      %dma_start3A_1150 = arith.constant 0 : i32
      %dma_start3A_1151 = tpu.memref_slice %arg5[%mul3A_1103, %dma_start3A_1150] : memref<25024x128xf32, #tpu.memory_space<hbm>> -> memref<8x128xf32, #tpu.memory_space<hbm>>
      %dma_start3A_1152 = tpu.memref_slice %arg12[%rem3A_1059] : memref<2x!tpu.dma_semaphore, #tpu.memory_space<semaphore_mem>> -> memref<1x!tpu.dma_semaphore, #tpu.memory_space<semaphore_mem>>
      %dma_start3A_1153 = tpu.memref_squeeze %dma_start3A_1152 : memref<1x!tpu.dma_semaphore, #tpu.memory_space<semaphore_mem>> -> memref<!tpu.dma_semaphore, #tpu.memory_space<semaphore_mem>>
      %dma_start3A_1154 = arith.constant 0 : i32
      %dma_start3A_1155 = tpu.memref_slice %arg5[%mul3A_1103, %dma_start3A_1154] : memref<25024x128xf32, #tpu.memory_space<hbm>> -> memref<8x128xf32, #tpu.memory_space<hbm>>
      %dma_start3A_1156 = arith.constant 24 : i32
      %dma_start3A_1157 = arith.constant 0 : i32
      %dma_start3A_1158 = tpu.memref_slice %arg9[%rem3A_1059, %dma_start3A_1156, %dma_start3A_1157] : memref<2x32x129xf32, #tpu.memory_space<vmem>> -> memref<1x8x128xf32, #tpu.memory_space<vmem>>
      %dma_start3A_1159 = tpu.memref_squeeze %dma_start3A_1158 : memref<1x8x128xf32, #tpu.memory_space<vmem>> -> memref<8x128xf32, #tpu.memory_space<vmem>>
      tpu.enqueue_dma source(%dma_start3A_1159 : memref<8x128xf32, #tpu.memory_space<vmem>>) target(%dma_start3A_1155 : memref<8x128xf32, #tpu.memory_space<hbm>>) target_semaphore(%dma_start3A_1153 : memref<!tpu.dma_semaphore, #tpu.memory_space<semaphore_mem>>)
    }
    %sub3A = arith.constant 2 : i32
    %sub3A_903 = arith.subi %select_n3A, %sub3A : i32
    %rem3A_904 = arith.constant 2 : i32
    %rem3A_905 = arith.remsi %sub3A_903, %rem3A_904 : i32
    %add3A_906 = arith.addi %add3A_4, %sub3A_903 : i32
    %add3A_907 = arith.constant 0 : i32
    %add3A_908 = arith.addi %add3A_907, %add3A_906 : i32
    %mul3A_909 = arith.constant 8 : i32
    %mul3A_910 = arith.muli %add3A_908, %mul3A_909 : i32
    %add3A_911 = arith.constant 782 : i32
    %add3A_912 = arith.addi %add3A_911, %add3A_906 : i32
    %mul3A_913 = arith.constant 8 : i32
    %mul3A_914 = arith.muli %add3A_912, %mul3A_913 : i32
    %add3A_915 = arith.constant 1564 : i32
    %add3A_916 = arith.addi %add3A_915, %add3A_906 : i32
    %mul3A_917 = arith.constant 8 : i32
    %mul3A_918 = arith.muli %add3A_916, %mul3A_917 : i32
    %add3A_919 = arith.constant 2346 : i32
    %add3A_920 = arith.addi %add3A_919, %add3A_906 : i32
    %mul3A_921 = arith.constant 8 : i32
    %mul3A_922 = arith.muli %add3A_920, %mul3A_921 : i32
    %dma_wait3A = arith.constant 0 : i32
    %dma_wait3A_923 = arith.constant 0 : i32
    %dma_wait3A_924 = tpu.memref_slice %arg9[%rem3A_905, %dma_wait3A, %dma_wait3A_923] : memref<2x32x129xf32, #tpu.memory_space<vmem>> -> memref<1x8x128xf32, #tpu.memory_space<vmem>>
    %dma_wait3A_925 = tpu.memref_squeeze %dma_wait3A_924 : memref<1x8x128xf32, #tpu.memory_space<vmem>> -> memref<8x128xf32, #tpu.memory_space<vmem>>
    %dma_wait3A_926 = arith.constant 0 : i32
    %dma_wait3A_927 = tpu.memref_slice %arg5[%mul3A_910, %dma_wait3A_926] : memref<25024x128xf32, #tpu.memory_space<hbm>> -> memref<8x128xf32, #tpu.memory_space<hbm>>
    %dma_wait3A_928 = tpu.memref_slice %arg12[%rem3A_905] : memref<2x!tpu.dma_semaphore, #tpu.memory_space<semaphore_mem>> -> memref<1x!tpu.dma_semaphore, #tpu.memory_space<semaphore_mem>>
    %dma_wait3A_929 = tpu.memref_squeeze %dma_wait3A_928 : memref<1x!tpu.dma_semaphore, #tpu.memory_space<semaphore_mem>> -> memref<!tpu.dma_semaphore, #tpu.memory_space<semaphore_mem>>
    %dma_wait3A_930 = arith.constant 0 : i32
    %dma_wait3A_931 = tpu.memref_slice %arg5[%mul3A_910, %dma_wait3A_930] : memref<25024x128xf32, #tpu.memory_space<hbm>> -> memref<8x128xf32, #tpu.memory_space<hbm>>
    %dma_wait3A_932 = arith.constant 0 : i32
    %dma_wait3A_933 = arith.constant 0 : i32
    %dma_wait3A_934 = tpu.memref_slice %arg9[%rem3A_905, %dma_wait3A_932, %dma_wait3A_933] : memref<2x32x129xf32, #tpu.memory_space<vmem>> -> memref<1x8x128xf32, #tpu.memory_space<vmem>>
    %dma_wait3A_935 = tpu.memref_squeeze %dma_wait3A_934 : memref<1x8x128xf32, #tpu.memory_space<vmem>> -> memref<8x128xf32, #tpu.memory_space<vmem>>
    tpu.wait_dma2 semaphore(%dma_wait3A_929 : memref<!tpu.dma_semaphore, #tpu.memory_space<semaphore_mem>>) src(%dma_wait3A_935 : memref<8x128xf32, #tpu.memory_space<vmem>>) dst(%dma_wait3A_931 : memref<8x128xf32, #tpu.memory_space<hbm>>)
    %dma_wait3A_936 = arith.constant 8 : i32
    %dma_wait3A_937 = arith.constant 0 : i32
    %dma_wait3A_938 = tpu.memref_slice %arg9[%rem3A_905, %dma_wait3A_936, %dma_wait3A_937] : memref<2x32x129xf32, #tpu.memory_space<vmem>> -> memref<1x8x128xf32, #tpu.memory_space<vmem>>
    %dma_wait3A_939 = tpu.memref_squeeze %dma_wait3A_938 : memref<1x8x128xf32, #tpu.memory_space<vmem>> -> memref<8x128xf32, #tpu.memory_space<vmem>>
    %dma_wait3A_940 = arith.constant 0 : i32
    %dma_wait3A_941 = tpu.memref_slice %arg5[%mul3A_914, %dma_wait3A_940] : memref<25024x128xf32, #tpu.memory_space<hbm>> -> memref<8x128xf32, #tpu.memory_space<hbm>>
    %dma_wait3A_942 = tpu.memref_slice %arg12[%rem3A_905] : memref<2x!tpu.dma_semaphore, #tpu.memory_space<semaphore_mem>> -> memref<1x!tpu.dma_semaphore, #tpu.memory_space<semaphore_mem>>
    %dma_wait3A_943 = tpu.memref_squeeze %dma_wait3A_942 : memref<1x!tpu.dma_semaphore, #tpu.memory_space<semaphore_mem>> -> memref<!tpu.dma_semaphore, #tpu.memory_space<semaphore_mem>>
    %dma_wait3A_944 = arith.constant 0 : i32
    %dma_wait3A_945 = tpu.memref_slice %arg5[%mul3A_914, %dma_wait3A_944] : memref<25024x128xf32, #tpu.memory_space<hbm>> -> memref<8x128xf32, #tpu.memory_space<hbm>>
    %dma_wait3A_946 = arith.constant 8 : i32
    %dma_wait3A_947 = arith.constant 0 : i32
    %dma_wait3A_948 = tpu.memref_slice %arg9[%rem3A_905, %dma_wait3A_946, %dma_wait3A_947] : memref<2x32x129xf32, #tpu.memory_space<vmem>> -> memref<1x8x128xf32, #tpu.memory_space<vmem>>
    %dma_wait3A_949 = tpu.memref_squeeze %dma_wait3A_948 : memref<1x8x128xf32, #tpu.memory_space<vmem>> -> memref<8x128xf32, #tpu.memory_space<vmem>>
    tpu.wait_dma2 semaphore(%dma_wait3A_943 : memref<!tpu.dma_semaphore, #tpu.memory_space<semaphore_mem>>) src(%dma_wait3A_949 : memref<8x128xf32, #tpu.memory_space<vmem>>) dst(%dma_wait3A_945 : memref<8x128xf32, #tpu.memory_space<hbm>>)
    %dma_wait3A_950 = arith.constant 16 : i32
    %dma_wait3A_951 = arith.constant 0 : i32
    %dma_wait3A_952 = tpu.memref_slice %arg9[%rem3A_905, %dma_wait3A_950, %dma_wait3A_951] : memref<2x32x129xf32, #tpu.memory_space<vmem>> -> memref<1x8x128xf32, #tpu.memory_space<vmem>>
    %dma_wait3A_953 = tpu.memref_squeeze %dma_wait3A_952 : memref<1x8x128xf32, #tpu.memory_space<vmem>> -> memref<8x128xf32, #tpu.memory_space<vmem>>
    %dma_wait3A_954 = arith.constant 0 : i32
    %dma_wait3A_955 = tpu.memref_slice %arg5[%mul3A_918, %dma_wait3A_954] : memref<25024x128xf32, #tpu.memory_space<hbm>> -> memref<8x128xf32, #tpu.memory_space<hbm>>
    %dma_wait3A_956 = tpu.memref_slice %arg12[%rem3A_905] : memref<2x!tpu.dma_semaphore, #tpu.memory_space<semaphore_mem>> -> memref<1x!tpu.dma_semaphore, #tpu.memory_space<semaphore_mem>>
    %dma_wait3A_957 = tpu.memref_squeeze %dma_wait3A_956 : memref<1x!tpu.dma_semaphore, #tpu.memory_space<semaphore_mem>> -> memref<!tpu.dma_semaphore, #tpu.memory_space<semaphore_mem>>
    %dma_wait3A_958 = arith.constant 0 : i32
    %dma_wait3A_959 = tpu.memref_slice %arg5[%mul3A_918, %dma_wait3A_958] : memref<25024x128xf32, #tpu.memory_space<hbm>> -> memref<8x128xf32, #tpu.memory_space<hbm>>
    %dma_wait3A_960 = arith.constant 16 : i32
    %dma_wait3A_961 = arith.constant 0 : i32
    %dma_wait3A_962 = tpu.memref_slice %arg9[%rem3A_905, %dma_wait3A_960, %dma_wait3A_961] : memref<2x32x129xf32, #tpu.memory_space<vmem>> -> memref<1x8x128xf32, #tpu.memory_space<vmem>>
    %dma_wait3A_963 = tpu.memref_squeeze %dma_wait3A_962 : memref<1x8x128xf32, #tpu.memory_space<vmem>> -> memref<8x128xf32, #tpu.memory_space<vmem>>
    tpu.wait_dma2 semaphore(%dma_wait3A_957 : memref<!tpu.dma_semaphore, #tpu.memory_space<semaphore_mem>>) src(%dma_wait3A_963 : memref<8x128xf32, #tpu.memory_space<vmem>>) dst(%dma_wait3A_959 : memref<8x128xf32, #tpu.memory_space<hbm>>)
    %dma_wait3A_964 = arith.constant 24 : i32
    %dma_wait3A_965 = arith.constant 0 : i32
    %dma_wait3A_966 = tpu.memref_slice %arg9[%rem3A_905, %dma_wait3A_964, %dma_wait3A_965] : memref<2x32x129xf32, #tpu.memory_space<vmem>> -> memref<1x8x128xf32, #tpu.memory_space<vmem>>
    %dma_wait3A_967 = tpu.memref_squeeze %dma_wait3A_966 : memref<1x8x128xf32, #tpu.memory_space<vmem>> -> memref<8x128xf32, #tpu.memory_space<vmem>>
    %dma_wait3A_968 = arith.constant 0 : i32
    %dma_wait3A_969 = tpu.memref_slice %arg5[%mul3A_922, %dma_wait3A_968] : memref<25024x128xf32, #tpu.memory_space<hbm>> -> memref<8x128xf32, #tpu.memory_space<hbm>>
    %dma_wait3A_970 = tpu.memref_slice %arg12[%rem3A_905] : memref<2x!tpu.dma_semaphore, #tpu.memory_space<semaphore_mem>> -> memref<1x!tpu.dma_semaphore, #tpu.memory_space<semaphore_mem>>
    %dma_wait3A_971 = tpu.memref_squeeze %dma_wait3A_970 : memref<1x!tpu.dma_semaphore, #tpu.memory_space<semaphore_mem>> -> memref<!tpu.dma_semaphore, #tpu.memory_space<semaphore_mem>>
    %dma_wait3A_972 = arith.constant 0 : i32
    %dma_wait3A_973 = tpu.memref_slice %arg5[%mul3A_922, %dma_wait3A_972] : memref<25024x128xf32, #tpu.memory_space<hbm>> -> memref<8x128xf32, #tpu.memory_space<hbm>>
    %dma_wait3A_974 = arith.constant 24 : i32
    %dma_wait3A_975 = arith.constant 0 : i32
    %dma_wait3A_976 = tpu.memref_slice %arg9[%rem3A_905, %dma_wait3A_974, %dma_wait3A_975] : memref<2x32x129xf32, #tpu.memory_space<vmem>> -> memref<1x8x128xf32, #tpu.memory_space<vmem>>
    %dma_wait3A_977 = tpu.memref_squeeze %dma_wait3A_976 : memref<1x8x128xf32, #tpu.memory_space<vmem>> -> memref<8x128xf32, #tpu.memory_space<vmem>>
    tpu.wait_dma2 semaphore(%dma_wait3A_971 : memref<!tpu.dma_semaphore, #tpu.memory_space<semaphore_mem>>) src(%dma_wait3A_977 : memref<8x128xf32, #tpu.memory_space<vmem>>) dst(%dma_wait3A_973 : memref<8x128xf32, #tpu.memory_space<hbm>>)
    %sub3A_978 = arith.constant 1 : i32
    %sub3A_979 = arith.subi %select_n3A, %sub3A_978 : i32
    %rem3A_980 = arith.constant 2 : i32
    %rem3A_981 = arith.remsi %sub3A_979, %rem3A_980 : i32
    %add3A_982 = arith.addi %add3A_4, %sub3A_979 : i32
    %add3A_983 = arith.constant 0 : i32
    %add3A_984 = arith.addi %add3A_983, %add3A_982 : i32
    %mul3A_985 = arith.constant 8 : i32
    %mul3A_986 = arith.muli %add3A_984, %mul3A_985 : i32
    %add3A_987 = arith.constant 782 : i32
    %add3A_988 = arith.addi %add3A_987, %add3A_982 : i32
    %mul3A_989 = arith.constant 8 : i32
    %mul3A_990 = arith.muli %add3A_988, %mul3A_989 : i32
    %add3A_991 = arith.constant 1564 : i32
    %add3A_992 = arith.addi %add3A_991, %add3A_982 : i32
    %mul3A_993 = arith.constant 8 : i32
    %mul3A_994 = arith.muli %add3A_992, %mul3A_993 : i32
    %add3A_995 = arith.constant 2346 : i32
    %add3A_996 = arith.addi %add3A_995, %add3A_982 : i32
    %mul3A_997 = arith.constant 8 : i32
    %mul3A_998 = arith.muli %add3A_996, %mul3A_997 : i32
    %dma_wait3A_999 = arith.constant 0 : i32
    %dma_wait3A_1000 = arith.constant 0 : i32
    %dma_wait3A_1001 = tpu.memref_slice %arg9[%rem3A_981, %dma_wait3A_999, %dma_wait3A_1000] : memref<2x32x129xf32, #tpu.memory_space<vmem>> -> memref<1x8x128xf32, #tpu.memory_space<vmem>>
    %dma_wait3A_1002 = tpu.memref_squeeze %dma_wait3A_1001 : memref<1x8x128xf32, #tpu.memory_space<vmem>> -> memref<8x128xf32, #tpu.memory_space<vmem>>
    %dma_wait3A_1003 = arith.constant 0 : i32
    %dma_wait3A_1004 = tpu.memref_slice %arg5[%mul3A_986, %dma_wait3A_1003] : memref<25024x128xf32, #tpu.memory_space<hbm>> -> memref<8x128xf32, #tpu.memory_space<hbm>>
    %dma_wait3A_1005 = tpu.memref_slice %arg12[%rem3A_981] : memref<2x!tpu.dma_semaphore, #tpu.memory_space<semaphore_mem>> -> memref<1x!tpu.dma_semaphore, #tpu.memory_space<semaphore_mem>>
    %dma_wait3A_1006 = tpu.memref_squeeze %dma_wait3A_1005 : memref<1x!tpu.dma_semaphore, #tpu.memory_space<semaphore_mem>> -> memref<!tpu.dma_semaphore, #tpu.memory_space<semaphore_mem>>
    %dma_wait3A_1007 = arith.constant 0 : i32
    %dma_wait3A_1008 = tpu.memref_slice %arg5[%mul3A_986, %dma_wait3A_1007] : memref<25024x128xf32, #tpu.memory_space<hbm>> -> memref<8x128xf32, #tpu.memory_space<hbm>>
    %dma_wait3A_1009 = arith.constant 0 : i32
    %dma_wait3A_1010 = arith.constant 0 : i32
    %dma_wait3A_1011 = tpu.memref_slice %arg9[%rem3A_981, %dma_wait3A_1009, %dma_wait3A_1010] : memref<2x32x129xf32, #tpu.memory_space<vmem>> -> memref<1x8x128xf32, #tpu.memory_space<vmem>>
    %dma_wait3A_1012 = tpu.memref_squeeze %dma_wait3A_1011 : memref<1x8x128xf32, #tpu.memory_space<vmem>> -> memref<8x128xf32, #tpu.memory_space<vmem>>
    tpu.wait_dma2 semaphore(%dma_wait3A_1006 : memref<!tpu.dma_semaphore, #tpu.memory_space<semaphore_mem>>) src(%dma_wait3A_1012 : memref<8x128xf32, #tpu.memory_space<vmem>>) dst(%dma_wait3A_1008 : memref<8x128xf32, #tpu.memory_space<hbm>>)
    %dma_wait3A_1013 = arith.constant 8 : i32
    %dma_wait3A_1014 = arith.constant 0 : i32
    %dma_wait3A_1015 = tpu.memref_slice %arg9[%rem3A_981, %dma_wait3A_1013, %dma_wait3A_1014] : memref<2x32x129xf32, #tpu.memory_space<vmem>> -> memref<1x8x128xf32, #tpu.memory_space<vmem>>
    %dma_wait3A_1016 = tpu.memref_squeeze %dma_wait3A_1015 : memref<1x8x128xf32, #tpu.memory_space<vmem>> -> memref<8x128xf32, #tpu.memory_space<vmem>>
    %dma_wait3A_1017 = arith.constant 0 : i32
    %dma_wait3A_1018 = tpu.memref_slice %arg5[%mul3A_990, %dma_wait3A_1017] : memref<25024x128xf32, #tpu.memory_space<hbm>> -> memref<8x128xf32, #tpu.memory_space<hbm>>
    %dma_wait3A_1019 = tpu.memref_slice %arg12[%rem3A_981] : memref<2x!tpu.dma_semaphore, #tpu.memory_space<semaphore_mem>> -> memref<1x!tpu.dma_semaphore, #tpu.memory_space<semaphore_mem>>
    %dma_wait3A_1020 = tpu.memref_squeeze %dma_wait3A_1019 : memref<1x!tpu.dma_semaphore, #tpu.memory_space<semaphore_mem>> -> memref<!tpu.dma_semaphore, #tpu.memory_space<semaphore_mem>>
    %dma_wait3A_1021 = arith.constant 0 : i32
    %dma_wait3A_1022 = tpu.memref_slice %arg5[%mul3A_990, %dma_wait3A_1021] : memref<25024x128xf32, #tpu.memory_space<hbm>> -> memref<8x128xf32, #tpu.memory_space<hbm>>
    %dma_wait3A_1023 = arith.constant 8 : i32
    %dma_wait3A_1024 = arith.constant 0 : i32
    %dma_wait3A_1025 = tpu.memref_slice %arg9[%rem3A_981, %dma_wait3A_1023, %dma_wait3A_1024] : memref<2x32x129xf32, #tpu.memory_space<vmem>> -> memref<1x8x128xf32, #tpu.memory_space<vmem>>
    %dma_wait3A_1026 = tpu.memref_squeeze %dma_wait3A_1025 : memref<1x8x128xf32, #tpu.memory_space<vmem>> -> memref<8x128xf32, #tpu.memory_space<vmem>>
    tpu.wait_dma2 semaphore(%dma_wait3A_1020 : memref<!tpu.dma_semaphore, #tpu.memory_space<semaphore_mem>>) src(%dma_wait3A_1026 : memref<8x128xf32, #tpu.memory_space<vmem>>) dst(%dma_wait3A_1022 : memref<8x128xf32, #tpu.memory_space<hbm>>)
    %dma_wait3A_1027 = arith.constant 16 : i32
    %dma_wait3A_1028 = arith.constant 0 : i32
    %dma_wait3A_1029 = tpu.memref_slice %arg9[%rem3A_981, %dma_wait3A_1027, %dma_wait3A_1028] : memref<2x32x129xf32, #tpu.memory_space<vmem>> -> memref<1x8x128xf32, #tpu.memory_space<vmem>>
    %dma_wait3A_1030 = tpu.memref_squeeze %dma_wait3A_1029 : memref<1x8x128xf32, #tpu.memory_space<vmem>> -> memref<8x128xf32, #tpu.memory_space<vmem>>
    %dma_wait3A_1031 = arith.constant 0 : i32
    %dma_wait3A_1032 = tpu.memref_slice %arg5[%mul3A_994, %dma_wait3A_1031] : memref<25024x128xf32, #tpu.memory_space<hbm>> -> memref<8x128xf32, #tpu.memory_space<hbm>>
    %dma_wait3A_1033 = tpu.memref_slice %arg12[%rem3A_981] : memref<2x!tpu.dma_semaphore, #tpu.memory_space<semaphore_mem>> -> memref<1x!tpu.dma_semaphore, #tpu.memory_space<semaphore_mem>>
    %dma_wait3A_1034 = tpu.memref_squeeze %dma_wait3A_1033 : memref<1x!tpu.dma_semaphore, #tpu.memory_space<semaphore_mem>> -> memref<!tpu.dma_semaphore, #tpu.memory_space<semaphore_mem>>
    %dma_wait3A_1035 = arith.constant 0 : i32
    %dma_wait3A_1036 = tpu.memref_slice %arg5[%mul3A_994, %dma_wait3A_1035] : memref<25024x128xf32, #tpu.memory_space<hbm>> -> memref<8x128xf32, #tpu.memory_space<hbm>>
    %dma_wait3A_1037 = arith.constant 16 : i32
    %dma_wait3A_1038 = arith.constant 0 : i32
    %dma_wait3A_1039 = tpu.memref_slice %arg9[%rem3A_981, %dma_wait3A_1037, %dma_wait3A_1038] : memref<2x32x129xf32, #tpu.memory_space<vmem>> -> memref<1x8x128xf32, #tpu.memory_space<vmem>>
    %dma_wait3A_1040 = tpu.memref_squeeze %dma_wait3A_1039 : memref<1x8x128xf32, #tpu.memory_space<vmem>> -> memref<8x128xf32, #tpu.memory_space<vmem>>
    tpu.wait_dma2 semaphore(%dma_wait3A_1034 : memref<!tpu.dma_semaphore, #tpu.memory_space<semaphore_mem>>) src(%dma_wait3A_1040 : memref<8x128xf32, #tpu.memory_space<vmem>>) dst(%dma_wait3A_1036 : memref<8x128xf32, #tpu.memory_space<hbm>>)
    %dma_wait3A_1041 = arith.constant 24 : i32
    %dma_wait3A_1042 = arith.constant 0 : i32
    %dma_wait3A_1043 = tpu.memref_slice %arg9[%rem3A_981, %dma_wait3A_1041, %dma_wait3A_1042] : memref<2x32x129xf32, #tpu.memory_space<vmem>> -> memref<1x8x128xf32, #tpu.memory_space<vmem>>
    %dma_wait3A_1044 = tpu.memref_squeeze %dma_wait3A_1043 : memref<1x8x128xf32, #tpu.memory_space<vmem>> -> memref<8x128xf32, #tpu.memory_space<vmem>>
    %dma_wait3A_1045 = arith.constant 0 : i32
    %dma_wait3A_1046 = tpu.memref_slice %arg5[%mul3A_998, %dma_wait3A_1045] : memref<25024x128xf32, #tpu.memory_space<hbm>> -> memref<8x128xf32, #tpu.memory_space<hbm>>
    %dma_wait3A_1047 = tpu.memref_slice %arg12[%rem3A_981] : memref<2x!tpu.dma_semaphore, #tpu.memory_space<semaphore_mem>> -> memref<1x!tpu.dma_semaphore, #tpu.memory_space<semaphore_mem>>
    %dma_wait3A_1048 = tpu.memref_squeeze %dma_wait3A_1047 : memref<1x!tpu.dma_semaphore, #tpu.memory_space<semaphore_mem>> -> memref<!tpu.dma_semaphore, #tpu.memory_space<semaphore_mem>>
    %dma_wait3A_1049 = arith.constant 0 : i32
    %dma_wait3A_1050 = tpu.memref_slice %arg5[%mul3A_998, %dma_wait3A_1049] : memref<25024x128xf32, #tpu.memory_space<hbm>> -> memref<8x128xf32, #tpu.memory_space<hbm>>
    %dma_wait3A_1051 = arith.constant 24 : i32
    %dma_wait3A_1052 = arith.constant 0 : i32
    %dma_wait3A_1053 = tpu.memref_slice %arg9[%rem3A_981, %dma_wait3A_1051, %dma_wait3A_1052] : memref<2x32x129xf32, #tpu.memory_space<vmem>> -> memref<1x8x128xf32, #tpu.memory_space<vmem>>
    %dma_wait3A_1054 = tpu.memref_squeeze %dma_wait3A_1053 : memref<1x8x128xf32, #tpu.memory_space<vmem>> -> memref<8x128xf32, #tpu.memory_space<vmem>>
    tpu.wait_dma2 semaphore(%dma_wait3A_1048 : memref<!tpu.dma_semaphore, #tpu.memory_space<semaphore_mem>>) src(%dma_wait3A_1054 : memref<8x128xf32, #tpu.memory_space<vmem>>) dst(%dma_wait3A_1050 : memref<8x128xf32, #tpu.memory_space<hbm>>)
    %eq3A = arith.constant 31 : i32
    %eq3A_1055 = arith.cmpi eq, %add3A, %eq3A : i32
    %convert_element_type3A = arith.extui %eq3A_1055 : i1 to i32
    %cond3A = arith.constant 0 : i32
    %cond3A_1056 = arith.cmpi ne, %convert_element_type3A, %cond3A : i32
    scf.if %cond3A_1056 {
      %run_scoped3A = arith.constant 0 : i32
      "tpu.region"() ({
        %run_scoped3A_1488 = tpu.sem_alloc : memref<!tpu.dma_semaphore, #tpu.memory_space<semaphore_mem>>
        %dma_start3A_1489 = arith.constant 0 : i32
        %dma_start3A_1490 = arith.constant 0 : i32
        %dma_start3A_1491 = tpu.memref_slice %arg6[%run_scoped3A, %dma_start3A_1489, %dma_start3A_1490] : memref<2x9x128xi32, #tpu.memory_space<vmem>> -> memref<1x9x32xi32, #tpu.memory_space<vmem>>
        %dma_start3A_1492 = tpu.memref_squeeze %dma_start3A_1491 : memref<1x9x32xi32, #tpu.memory_space<vmem>> -> memref<9x32xi32, #tpu.memory_space<vmem>>
        %dma_start3A_1493 = arith.constant 0 : i32
        %dma_start3A_1494 = arith.constant 99968 : i32
        %dma_start3A_1495 = tpu.memref_slice %arg3[%dma_start3A_1493, %dma_start3A_1494] : memref<9x100000xi32, #tpu.memory_space<hbm>> -> memref<9x32xi32, #tpu.memory_space<hbm>>
        %dma_start3A_1496 = arith.constant 0 : i32
        %dma_start3A_1497 = arith.constant 0 : i32
        %dma_start3A_1498 = tpu.memref_slice %arg6[%run_scoped3A, %dma_start3A_1496, %dma_start3A_1497] : memref<2x9x128xi32, #tpu.memory_space<vmem>> -> memref<1x9x32xi32, #tpu.memory_space<vmem>>
        %dma_start3A_1499 = tpu.memref_squeeze %dma_start3A_1498 : memref<1x9x32xi32, #tpu.memory_space<vmem>> -> memref<9x32xi32, #tpu.memory_space<vmem>>
        %dma_start3A_1500 = arith.constant 0 : i32
        %dma_start3A_1501 = arith.constant 99968 : i32
        %dma_start3A_1502 = tpu.memref_slice %arg3[%dma_start3A_1500, %dma_start3A_1501] : memref<9x100000xi32, #tpu.memory_space<hbm>> -> memref<9x32xi32, #tpu.memory_space<hbm>>
        tpu.enqueue_dma source(%dma_start3A_1502 : memref<9x32xi32, #tpu.memory_space<hbm>>) target(%dma_start3A_1499 : memref<9x32xi32, #tpu.memory_space<vmem>>) target_semaphore(%run_scoped3A_1488 : memref<!tpu.dma_semaphore, #tpu.memory_space<semaphore_mem>>)
        %dma_wait3A_1503 = arith.constant 0 : i32
        %dma_wait3A_1504 = arith.constant 0 : i32
        %dma_wait3A_1505 = tpu.memref_slice %arg6[%run_scoped3A, %dma_wait3A_1503, %dma_wait3A_1504] : memref<2x9x128xi32, #tpu.memory_space<vmem>> -> memref<1x9x32xi32, #tpu.memory_space<vmem>>
        %dma_wait3A_1506 = tpu.memref_squeeze %dma_wait3A_1505 : memref<1x9x32xi32, #tpu.memory_space<vmem>> -> memref<9x32xi32, #tpu.memory_space<vmem>>
        %dma_wait3A_1507 = arith.constant 0 : i32
        %dma_wait3A_1508 = arith.constant 99968 : i32
        %dma_wait3A_1509 = tpu.memref_slice %arg3[%dma_wait3A_1507, %dma_wait3A_1508] : memref<9x100000xi32, #tpu.memory_space<hbm>> -> memref<9x32xi32, #tpu.memory_space<hbm>>
        %dma_wait3A_1510 = arith.constant 0 : i32
        %dma_wait3A_1511 = arith.constant 0 : i32
        %dma_wait3A_1512 = tpu.memref_slice %arg6[%run_scoped3A, %dma_wait3A_1510, %dma_wait3A_1511] : memref<2x9x128xi32, #tpu.memory_space<vmem>> -> memref<1x9x32xi32, #tpu.memory_space<vmem>>
        %dma_wait3A_1513 = tpu.memref_squeeze %dma_wait3A_1512 : memref<1x9x32xi32, #tpu.memory_space<vmem>> -> memref<9x32xi32, #tpu.memory_space<vmem>>
        %dma_wait3A_1514 = arith.constant 0 : i32
        %dma_wait3A_1515 = arith.constant 99968 : i32
        %dma_wait3A_1516 = tpu.memref_slice %arg3[%dma_wait3A_1514, %dma_wait3A_1515] : memref<9x100000xi32, #tpu.memory_space<hbm>> -> memref<9x32xi32, #tpu.memory_space<hbm>>
        tpu.wait_dma2 semaphore(%run_scoped3A_1488 : memref<!tpu.dma_semaphore, #tpu.memory_space<semaphore_mem>>) src(%dma_wait3A_1516 : memref<9x32xi32, #tpu.memory_space<hbm>>) dst(%dma_wait3A_1513 : memref<9x32xi32, #tpu.memory_space<vmem>>)
        tpu.yield
      }) : () -> ()
      %get3A_1057 = arith.constant 0 : i32
      %get3A_1058 = arith.constant 0 : i32
      %get3A_1059 = arith.index_cast %get3A_1057 : i32 to index
      %get3A_1060 = arith.index_cast %get3A_1058 : i32 to index
      %get3A_1061 = arith.constant 0 : index
      %get3A_1062 = tpu.vector_load %arg6[%get3A_1059, %get3A_1060, %get3A_1061] {strides = array<i32>} : memref<2x9x128xi32, #tpu.memory_space<vmem>>, vector<16xi32>,
      %mul3A_1063 = arith.muli %get3A_1062, %broadcast_in_dim3A_7 : vector<16xi32>
      %broadcast_in_dim3A_1064 = arith.constant 0 : i32
      %broadcast_in_dim3A_1065 = vector.broadcast %broadcast_in_dim3A_1064 : i32 to vector<16xi32>
      %add3A_1066 = arith.addi %mul3A_1063, %broadcast_in_dim3A_1065 : vector<16xi32>
      %swap3A_1067 = arith.constant 0 : i32
      %swap3A_1068 = arith.index_cast %swap3A_1067 : i32 to index
      %swap3A_1069 = arith.constant 0 : index
      %swap3A_1070 = tpu.vector_load %arg7[%swap3A_1068, %swap3A_1069] {strides = array<i32>} : memref<2x1152xi32, #tpu.memory_space<vmem>>, vector<16xi32>,
      tpu.vector_store %arg7[%swap3A_1068, %swap3A_1069], %add3A_1066 {strides = array<i32>} : memref<2x1152xi32, #tpu.memory_space<vmem>>, vector<16xi32>,
      %get3A_1071 = arith.constant 0 : i32
      %get3A_1072 = arith.constant 0 : i32
      %get3A_1073 = arith.index_cast %get3A_1071 : i32 to index
      %get3A_1074 = arith.index_cast %get3A_1072 : i32 to index
      %get3A_1075 = arith.constant 16 : index
      %get3A_1076 = tpu.vector_load %arg6[%get3A_1073, %get3A_1074, %get3A_1075] {strides = array<i32>} : memref<2x9x128xi32, #tpu.memory_space<vmem>>, vector<16xi32>,
      %mul3A_1077 = arith.muli %get3A_1076, %broadcast_in_dim3A_7 : vector<16xi32>
      %broadcast_in_dim3A_1078 = arith.constant 0 : i32
      %broadcast_in_dim3A_1079 = vector.broadcast %broadcast_in_dim3A_1078 : i32 to vector<16xi32>
      %add3A_1080 = arith.addi %mul3A_1077, %broadcast_in_dim3A_1079 : vector<16xi32>
      %swap3A_1081 = arith.constant 0 : i32
      %swap3A_1082 = arith.index_cast %swap3A_1081 : i32 to index
      %swap3A_1083 = arith.constant 16 : index
      %swap3A_1084 = tpu.vector_load %arg7[%swap3A_1082, %swap3A_1083] {strides = array<i32>} : memref<2x1152xi32, #tpu.memory_space<vmem>>, vector<16xi32>,
      tpu.vector_store %arg7[%swap3A_1082, %swap3A_1083], %add3A_1080 {strides = array<i32>} : memref<2x1152xi32, #tpu.memory_space<vmem>>, vector<16xi32>,
      %get3A_1085 = arith.constant 0 : i32
      %get3A_1086 = arith.constant 1 : i32
      %get3A_1087 = arith.index_cast %get3A_1085 : i32 to index
      %get3A_1088 = arith.index_cast %get3A_1086 : i32 to index
      %get3A_1089 = arith.constant 0 : index
      %get3A_1090 = tpu.vector_load %arg6[%get3A_1087, %get3A_1088, %get3A_1089] {strides = array<i32>} : memref<2x9x128xi32, #tpu.memory_space<vmem>>, vector<16xi32>,
      %mul3A_1091 = arith.muli %get3A_1090, %broadcast_in_dim3A_7 : vector<16xi32>
      %broadcast_in_dim3A_1092 = arith.constant 1 : i32
      %broadcast_in_dim3A_1093 = vector.broadcast %broadcast_in_dim3A_1092 : i32 to vector<16xi32>
      %add3A_1094 = arith.addi %mul3A_1091, %broadcast_in_dim3A_1093 : vector<16xi32>
      %swap3A_1095 = arith.constant 0 : i32
      %swap3A_1096 = arith.index_cast %swap3A_1095 : i32 to index
      %swap3A_1097 = arith.constant 32 : index
      %swap3A_1098 = tpu.vector_load %arg7[%swap3A_1096, %swap3A_1097] {strides = array<i32>} : memref<2x1152xi32, #tpu.memory_space<vmem>>, vector<16xi32>,
      tpu.vector_store %arg7[%swap3A_1096, %swap3A_1097], %add3A_1094 {strides = array<i32>} : memref<2x1152xi32, #tpu.memory_space<vmem>>, vector<16xi32>,
      %get3A_1099 = arith.constant 0 : i32
      %get3A_1100 = arith.constant 1 : i32
      %get3A_1101 = arith.index_cast %get3A_1099 : i32 to index
      %get3A_1102 = arith.index_cast %get3A_1100 : i32 to index
      %get3A_1103 = arith.constant 16 : index
      %get3A_1104 = tpu.vector_load %arg6[%get3A_1101, %get3A_1102, %get3A_1103] {strides = array<i32>} : memref<2x9x128xi32, #tpu.memory_space<vmem>>, vector<16xi32>,
      %mul3A_1105 = arith.muli %get3A_1104, %broadcast_in_dim3A_7 : vector<16xi32>
      %broadcast_in_dim3A_1106 = arith.constant 1 : i32
      %broadcast_in_dim3A_1107 = vector.broadcast %broadcast_in_dim3A_1106 : i32 to vector<16xi32>
      %add3A_1108 = arith.addi %mul3A_1105, %broadcast_in_dim3A_1107 : vector<16xi32>
      %swap3A_1109 = arith.constant 0 : i32
      %swap3A_1110 = arith.index_cast %swap3A_1109 : i32 to index
      %swap3A_1111 = arith.constant 48 : index
      %swap3A_1112 = tpu.vector_load %arg7[%swap3A_1110, %swap3A_1111] {strides = array<i32>} : memref<2x1152xi32, #tpu.memory_space<vmem>>, vector<16xi32>,
      tpu.vector_store %arg7[%swap3A_1110, %swap3A_1111], %add3A_1108 {strides = array<i32>} : memref<2x1152xi32, #tpu.memory_space<vmem>>, vector<16xi32>,
      %get3A_1113 = arith.constant 0 : i32
      %get3A_1114 = arith.constant 2 : i32
      %get3A_1115 = arith.index_cast %get3A_1113 : i32 to index
      %get3A_1116 = arith.index_cast %get3A_1114 : i32 to index
      %get3A_1117 = arith.constant 0 : index
      %get3A_1118 = tpu.vector_load %arg6[%get3A_1115, %get3A_1116, %get3A_1117] {strides = array<i32>} : memref<2x9x128xi32, #tpu.memory_space<vmem>>, vector<16xi32>,
      %mul3A_1119 = arith.muli %get3A_1118, %broadcast_in_dim3A_7 : vector<16xi32>
      %broadcast_in_dim3A_1120 = arith.constant 2 : i32
      %broadcast_in_dim3A_1121 = vector.broadcast %broadcast_in_dim3A_1120 : i32 to vector<16xi32>
      %add3A_1122 = arith.addi %mul3A_1119, %broadcast_in_dim3A_1121 : vector<16xi32>
      %swap3A_1123 = arith.constant 0 : i32
      %swap3A_1124 = arith.index_cast %swap3A_1123 : i32 to index
      %swap3A_1125 = arith.constant 64 : index
      %swap3A_1126 = tpu.vector_load %arg7[%swap3A_1124, %swap3A_1125] {strides = array<i32>} : memref<2x1152xi32, #tpu.memory_space<vmem>>, vector<16xi32>,
      tpu.vector_store %arg7[%swap3A_1124, %swap3A_1125], %add3A_1122 {strides = array<i32>} : memref<2x1152xi32, #tpu.memory_space<vmem>>, vector<16xi32>,
      %get3A_1127 = arith.constant 0 : i32
      %get3A_1128 = arith.constant 2 : i32
      %get3A_1129 = arith.index_cast %get3A_1127 : i32 to index
      %get3A_1130 = arith.index_cast %get3A_1128 : i32 to index
      %get3A_1131 = arith.constant 16 : index
      %get3A_1132 = tpu.vector_load %arg6[%get3A_1129, %get3A_1130, %get3A_1131] {strides = array<i32>} : memref<2x9x128xi32, #tpu.memory_space<vmem>>, vector<16xi32>,
      %mul3A_1133 = arith.muli %get3A_1132, %broadcast_in_dim3A_7 : vector<16xi32>
      %broadcast_in_dim3A_1134 = arith.constant 2 : i32
      %broadcast_in_dim3A_1135 = vector.broadcast %broadcast_in_dim3A_1134 : i32 to vector<16xi32>
      %add3A_1136 = arith.addi %mul3A_1133, %broadcast_in_dim3A_1135 : vector<16xi32>
      %swap3A_1137 = arith.constant 0 : i32
      %swap3A_1138 = arith.index_cast %swap3A_1137 : i32 to index
      %swap3A_1139 = arith.constant 80 : index
      %swap3A_1140 = tpu.vector_load %arg7[%swap3A_1138, %swap3A_1139] {strides = array<i32>} : memref<2x1152xi32, #tpu.memory_space<vmem>>, vector<16xi32>,
      tpu.vector_store %arg7[%swap3A_1138, %swap3A_1139], %add3A_1136 {strides = array<i32>} : memref<2x1152xi32, #tpu.memory_space<vmem>>, vector<16xi32>,
      %get3A_1141 = arith.constant 0 : i32
      %get3A_1142 = arith.constant 3 : i32
      %get3A_1143 = arith.index_cast %get3A_1141 : i32 to index
      %get3A_1144 = arith.index_cast %get3A_1142 : i32 to index
      %get3A_1145 = arith.constant 0 : index
      %get3A_1146 = tpu.vector_load %arg6[%get3A_1143, %get3A_1144, %get3A_1145] {strides = array<i32>} : memref<2x9x128xi32, #tpu.memory_space<vmem>>, vector<16xi32>,
      %mul3A_1147 = arith.muli %get3A_1146, %broadcast_in_dim3A_7 : vector<16xi32>
      %broadcast_in_dim3A_1148 = arith.constant 3 : i32
      %broadcast_in_dim3A_1149 = vector.broadcast %broadcast_in_dim3A_1148 : i32 to vector<16xi32>
      %add3A_1150 = arith.addi %mul3A_1147, %broadcast_in_dim3A_1149 : vector<16xi32>
      %swap3A_1151 = arith.constant 0 : i32
      %swap3A_1152 = arith.index_cast %swap3A_1151 : i32 to index
      %swap3A_1153 = arith.constant 96 : index
      %swap3A_1154 = tpu.vector_load %arg7[%swap3A_1152, %swap3A_1153] {strides = array<i32>} : memref<2x1152xi32, #tpu.memory_space<vmem>>, vector<16xi32>,
      tpu.vector_store %arg7[%swap3A_1152, %swap3A_1153], %add3A_1150 {strides = array<i32>} : memref<2x1152xi32, #tpu.memory_space<vmem>>, vector<16xi32>,
      %get3A_1155 = arith.constant 0 : i32
      %get3A_1156 = arith.constant 3 : i32
      %get3A_1157 = arith.index_cast %get3A_1155 : i32 to index
      %get3A_1158 = arith.index_cast %get3A_1156 : i32 to index
      %get3A_1159 = arith.constant 16 : index
      %get3A_1160 = tpu.vector_load %arg6[%get3A_1157, %get3A_1158, %get3A_1159] {strides = array<i32>} : memref<2x9x128xi32, #tpu.memory_space<vmem>>, vector<16xi32>,
      %mul3A_1161 = arith.muli %get3A_1160, %broadcast_in_dim3A_7 : vector<16xi32>
      %broadcast_in_dim3A_1162 = arith.constant 3 : i32
      %broadcast_in_dim3A_1163 = vector.broadcast %broadcast_in_dim3A_1162 : i32 to vector<16xi32>
      %add3A_1164 = arith.addi %mul3A_1161, %broadcast_in_dim3A_1163 : vector<16xi32>
      %swap3A_1165 = arith.constant 0 : i32
      %swap3A_1166 = arith.index_cast %swap3A_1165 : i32 to index
      %swap3A_1167 = arith.constant 112 : index
      %swap3A_1168 = tpu.vector_load %arg7[%swap3A_1166, %swap3A_1167] {strides = array<i32>} : memref<2x1152xi32, #tpu.memory_space<vmem>>, vector<16xi32>,
      tpu.vector_store %arg7[%swap3A_1166, %swap3A_1167], %add3A_1164 {strides = array<i32>} : memref<2x1152xi32, #tpu.memory_space<vmem>>, vector<16xi32>,
      %get3A_1169 = arith.constant 0 : i32
      %get3A_1170 = arith.constant 4 : i32
      %get3A_1171 = arith.index_cast %get3A_1169 : i32 to index
      %get3A_1172 = arith.index_cast %get3A_1170 : i32 to index
      %get3A_1173 = arith.constant 0 : index
      %get3A_1174 = tpu.vector_load %arg6[%get3A_1171, %get3A_1172, %get3A_1173] {strides = array<i32>} : memref<2x9x128xi32, #tpu.memory_space<vmem>>, vector<16xi32>,
      %mul3A_1175 = arith.muli %get3A_1174, %broadcast_in_dim3A_7 : vector<16xi32>
      %broadcast_in_dim3A_1176 = arith.constant 400000 : i32
      %broadcast_in_dim3A_1177 = vector.broadcast %broadcast_in_dim3A_1176 : i32 to vector<16xi32>
      %add3A_1178 = arith.addi %mul3A_1175, %broadcast_in_dim3A_1177 : vector<16xi32>
      %swap3A_1179 = arith.constant 0 : i32
      %swap3A_1180 = arith.index_cast %swap3A_1179 : i32 to index
      %swap3A_1181 = arith.constant 128 : index
      %swap3A_1182 = tpu.vector_load %arg7[%swap3A_1180, %swap3A_1181] {strides = array<i32>} : memref<2x1152xi32, #tpu.memory_space<vmem>>, vector<16xi32>,
      tpu.vector_store %arg7[%swap3A_1180, %swap3A_1181], %add3A_1178 {strides = array<i32>} : memref<2x1152xi32, #tpu.memory_space<vmem>>, vector<16xi32>,
      %get3A_1183 = arith.constant 0 : i32
      %get3A_1184 = arith.constant 4 : i32
      %get3A_1185 = arith.index_cast %get3A_1183 : i32 to index
      %get3A_1186 = arith.index_cast %get3A_1184 : i32 to index
      %get3A_1187 = arith.constant 16 : index
      %get3A_1188 = tpu.vector_load %arg6[%get3A_1185, %get3A_1186, %get3A_1187] {strides = array<i32>} : memref<2x9x128xi32, #tpu.memory_space<vmem>>, vector<16xi32>,
      %mul3A_1189 = arith.muli %get3A_1188, %broadcast_in_dim3A_7 : vector<16xi32>
      %broadcast_in_dim3A_1190 = arith.constant 400000 : i32
      %broadcast_in_dim3A_1191 = vector.broadcast %broadcast_in_dim3A_1190 : i32 to vector<16xi32>
      %add3A_1192 = arith.addi %mul3A_1189, %broadcast_in_dim3A_1191 : vector<16xi32>
      %swap3A_1193 = arith.constant 0 : i32
      %swap3A_1194 = arith.index_cast %swap3A_1193 : i32 to index
      %swap3A_1195 = arith.constant 144 : index
      %swap3A_1196 = tpu.vector_load %arg7[%swap3A_1194, %swap3A_1195] {strides = array<i32>} : memref<2x1152xi32, #tpu.memory_space<vmem>>, vector<16xi32>,
      tpu.vector_store %arg7[%swap3A_1194, %swap3A_1195], %add3A_1192 {strides = array<i32>} : memref<2x1152xi32, #tpu.memory_space<vmem>>, vector<16xi32>,
      %get3A_1197 = arith.constant 0 : i32
      %get3A_1198 = arith.constant 5 : i32
      %get3A_1199 = arith.index_cast %get3A_1197 : i32 to index
      %get3A_1200 = arith.index_cast %get3A_1198 : i32 to index
      %get3A_1201 = arith.constant 0 : index
      %get3A_1202 = tpu.vector_load %arg6[%get3A_1199, %get3A_1200, %get3A_1201] {strides = array<i32>} : memref<2x9x128xi32, #tpu.memory_space<vmem>>, vector<16xi32>,
      %mul3A_1203 = arith.muli %get3A_1202, %broadcast_in_dim3A_7 : vector<16xi32>
      %broadcast_in_dim3A_1204 = arith.constant 400001 : i32
      %broadcast_in_dim3A_1205 = vector.broadcast %broadcast_in_dim3A_1204 : i32 to vector<16xi32>
      %add3A_1206 = arith.addi %mul3A_1203, %broadcast_in_dim3A_1205 : vector<16xi32>
      %swap3A_1207 = arith.constant 0 : i32
      %swap3A_1208 = arith.index_cast %swap3A_1207 : i32 to index
      %swap3A_1209 = arith.constant 160 : index
      %swap3A_1210 = tpu.vector_load %arg7[%swap3A_1208, %swap3A_1209] {strides = array<i32>} : memref<2x1152xi32, #tpu.memory_space<vmem>>, vector<16xi32>,
      tpu.vector_store %arg7[%swap3A_1208, %swap3A_1209], %add3A_1206 {strides = array<i32>} : memref<2x1152xi32, #tpu.memory_space<vmem>>, vector<16xi32>,
      %get3A_1211 = arith.constant 0 : i32
      %get3A_1212 = arith.constant 5 : i32
      %get3A_1213 = arith.index_cast %get3A_1211 : i32 to index
      %get3A_1214 = arith.index_cast %get3A_1212 : i32 to index
      %get3A_1215 = arith.constant 16 : index
      %get3A_1216 = tpu.vector_load %arg6[%get3A_1213, %get3A_1214, %get3A_1215] {strides = array<i32>} : memref<2x9x128xi32, #tpu.memory_space<vmem>>, vector<16xi32>,
      %mul3A_1217 = arith.muli %get3A_1216, %broadcast_in_dim3A_7 : vector<16xi32>
      %broadcast_in_dim3A_1218 = arith.constant 400001 : i32
      %broadcast_in_dim3A_1219 = vector.broadcast %broadcast_in_dim3A_1218 : i32 to vector<16xi32>
      %add3A_1220 = arith.addi %mul3A_1217, %broadcast_in_dim3A_1219 : vector<16xi32>
      %swap3A_1221 = arith.constant 0 : i32
      %swap3A_1222 = arith.index_cast %swap3A_1221 : i32 to index
      %swap3A_1223 = arith.constant 176 : index
      %swap3A_1224 = tpu.vector_load %arg7[%swap3A_1222, %swap3A_1223] {strides = array<i32>} : memref<2x1152xi32, #tpu.memory_space<vmem>>, vector<16xi32>,
      tpu.vector_store %arg7[%swap3A_1222, %swap3A_1223], %add3A_1220 {strides = array<i32>} : memref<2x1152xi32, #tpu.memory_space<vmem>>, vector<16xi32>,
      %get3A_1225 = arith.constant 0 : i32
      %get3A_1226 = arith.constant 6 : i32
      %get3A_1227 = arith.index_cast %get3A_1225 : i32 to index
      %get3A_1228 = arith.index_cast %get3A_1226 : i32 to index
      %get3A_1229 = arith.constant 0 : index
      %get3A_1230 = tpu.vector_load %arg6[%get3A_1227, %get3A_1228, %get3A_1229] {strides = array<i32>} : memref<2x9x128xi32, #tpu.memory_space<vmem>>, vector<16xi32>,
      %mul3A_1231 = arith.muli %get3A_1230, %broadcast_in_dim3A_7 : vector<16xi32>
      %broadcast_in_dim3A_1232 = arith.constant 400002 : i32
      %broadcast_in_dim3A_1233 = vector.broadcast %broadcast_in_dim3A_1232 : i32 to vector<16xi32>
      %add3A_1234 = arith.addi %mul3A_1231, %broadcast_in_dim3A_1233 : vector<16xi32>
      %swap3A_1235 = arith.constant 0 : i32
      %swap3A_1236 = arith.index_cast %swap3A_1235 : i32 to index
      %swap3A_1237 = arith.constant 192 : index
      %swap3A_1238 = tpu.vector_load %arg7[%swap3A_1236, %swap3A_1237] {strides = array<i32>} : memref<2x1152xi32, #tpu.memory_space<vmem>>, vector<16xi32>,
      tpu.vector_store %arg7[%swap3A_1236, %swap3A_1237], %add3A_1234 {strides = array<i32>} : memref<2x1152xi32, #tpu.memory_space<vmem>>, vector<16xi32>,
      %get3A_1239 = arith.constant 0 : i32
      %get3A_1240 = arith.constant 6 : i32
      %get3A_1241 = arith.index_cast %get3A_1239 : i32 to index
      %get3A_1242 = arith.index_cast %get3A_1240 : i32 to index
      %get3A_1243 = arith.constant 16 : index
      %get3A_1244 = tpu.vector_load %arg6[%get3A_1241, %get3A_1242, %get3A_1243] {strides = array<i32>} : memref<2x9x128xi32, #tpu.memory_space<vmem>>, vector<16xi32>,
      %mul3A_1245 = arith.muli %get3A_1244, %broadcast_in_dim3A_7 : vector<16xi32>
      %broadcast_in_dim3A_1246 = arith.constant 400002 : i32
      %broadcast_in_dim3A_1247 = vector.broadcast %broadcast_in_dim3A_1246 : i32 to vector<16xi32>
      %add3A_1248 = arith.addi %mul3A_1245, %broadcast_in_dim3A_1247 : vector<16xi32>
      %swap3A_1249 = arith.constant 0 : i32
      %swap3A_1250 = arith.index_cast %swap3A_1249 : i32 to index
      %swap3A_1251 = arith.constant 208 : index
      %swap3A_1252 = tpu.vector_load %arg7[%swap3A_1250, %swap3A_1251] {strides = array<i32>} : memref<2x1152xi32, #tpu.memory_space<vmem>>, vector<16xi32>,
      tpu.vector_store %arg7[%swap3A_1250, %swap3A_1251], %add3A_1248 {strides = array<i32>} : memref<2x1152xi32, #tpu.memory_space<vmem>>, vector<16xi32>,
      %get3A_1253 = arith.constant 0 : i32
      %get3A_1254 = arith.constant 7 : i32
      %get3A_1255 = arith.index_cast %get3A_1253 : i32 to index
      %get3A_1256 = arith.index_cast %get3A_1254 : i32 to index
      %get3A_1257 = arith.constant 0 : index
      %get3A_1258 = tpu.vector_load %arg6[%get3A_1255, %get3A_1256, %get3A_1257] {strides = array<i32>} : memref<2x9x128xi32, #tpu.memory_space<vmem>>, vector<16xi32>,
      %mul3A_1259 = arith.muli %get3A_1258, %broadcast_in_dim3A_7 : vector<16xi32>
      %broadcast_in_dim3A_1260 = arith.constant 400003 : i32
      %broadcast_in_dim3A_1261 = vector.broadcast %broadcast_in_dim3A_1260 : i32 to vector<16xi32>
      %add3A_1262 = arith.addi %mul3A_1259, %broadcast_in_dim3A_1261 : vector<16xi32>
      %swap3A_1263 = arith.constant 0 : i32
      %swap3A_1264 = arith.index_cast %swap3A_1263 : i32 to index
      %swap3A_1265 = arith.constant 224 : index
      %swap3A_1266 = tpu.vector_load %arg7[%swap3A_1264, %swap3A_1265] {strides = array<i32>} : memref<2x1152xi32, #tpu.memory_space<vmem>>, vector<16xi32>,
      tpu.vector_store %arg7[%swap3A_1264, %swap3A_1265], %add3A_1262 {strides = array<i32>} : memref<2x1152xi32, #tpu.memory_space<vmem>>, vector<16xi32>,
      %get3A_1267 = arith.constant 0 : i32
      %get3A_1268 = arith.constant 7 : i32
      %get3A_1269 = arith.index_cast %get3A_1267 : i32 to index
      %get3A_1270 = arith.index_cast %get3A_1268 : i32 to index
      %get3A_1271 = arith.constant 16 : index
      %get3A_1272 = tpu.vector_load %arg6[%get3A_1269, %get3A_1270, %get3A_1271] {strides = array<i32>} : memref<2x9x128xi32, #tpu.memory_space<vmem>>, vector<16xi32>,
      %mul3A_1273 = arith.muli %get3A_1272, %broadcast_in_dim3A_7 : vector<16xi32>
      %broadcast_in_dim3A_1274 = arith.constant 400003 : i32
      %broadcast_in_dim3A_1275 = vector.broadcast %broadcast_in_dim3A_1274 : i32 to vector<16xi32>
      %add3A_1276 = arith.addi %mul3A_1273, %broadcast_in_dim3A_1275 : vector<16xi32>
      %swap3A_1277 = arith.constant 0 : i32
      %swap3A_1278 = arith.index_cast %swap3A_1277 : i32 to index
      %swap3A_1279 = arith.constant 240 : index
      %swap3A_1280 = tpu.vector_load %arg7[%swap3A_1278, %swap3A_1279] {strides = array<i32>} : memref<2x1152xi32, #tpu.memory_space<vmem>>, vector<16xi32>,
      tpu.vector_store %arg7[%swap3A_1278, %swap3A_1279], %add3A_1276 {strides = array<i32>} : memref<2x1152xi32, #tpu.memory_space<vmem>>, vector<16xi32>,
      %get3A_1281 = arith.constant 0 : i32
      %get3A_1282 = arith.constant 8 : i32
      %get3A_1283 = arith.index_cast %get3A_1281 : i32 to index
      %get3A_1284 = arith.index_cast %get3A_1282 : i32 to index
      %get3A_1285 = arith.constant 0 : index
      %get3A_1286 = tpu.vector_load %arg6[%get3A_1283, %get3A_1284, %get3A_1285] {strides = array<i32>} : memref<2x9x128xi32, #tpu.memory_space<vmem>>, vector<16xi32>,
      %mul3A_1287 = arith.muli %get3A_1286, %broadcast_in_dim3A_7 : vector<16xi32>
      %broadcast_in_dim3A_1288 = arith.constant 800000 : i32
      %broadcast_in_dim3A_1289 = vector.broadcast %broadcast_in_dim3A_1288 : i32 to vector<16xi32>
      %add3A_1290 = arith.addi %mul3A_1287, %broadcast_in_dim3A_1289 : vector<16xi32>
      %swap3A_1291 = arith.constant 0 : i32
      %swap3A_1292 = arith.index_cast %swap3A_1291 : i32 to index
      %swap3A_1293 = arith.constant 256 : index
      %swap3A_1294 = tpu.vector_load %arg7[%swap3A_1292, %swap3A_1293] {strides = array<i32>} : memref<2x1152xi32, #tpu.memory_space<vmem>>, vector<16xi32>,
      tpu.vector_store %arg7[%swap3A_1292, %swap3A_1293], %add3A_1290 {strides = array<i32>} : memref<2x1152xi32, #tpu.memory_space<vmem>>, vector<16xi32>,
      %get3A_1295 = arith.constant 0 : i32
      %get3A_1296 = arith.constant 8 : i32
      %get3A_1297 = arith.index_cast %get3A_1295 : i32 to index
      %get3A_1298 = arith.index_cast %get3A_1296 : i32 to index
      %get3A_1299 = arith.constant 16 : index
      %get3A_1300 = tpu.vector_load %arg6[%get3A_1297, %get3A_1298, %get3A_1299] {strides = array<i32>} : memref<2x9x128xi32, #tpu.memory_space<vmem>>, vector<16xi32>,
      %mul3A_1301 = arith.muli %get3A_1300, %broadcast_in_dim3A_7 : vector<16xi32>
      %broadcast_in_dim3A_1302 = arith.constant 800000 : i32
      %broadcast_in_dim3A_1303 = vector.broadcast %broadcast_in_dim3A_1302 : i32 to vector<16xi32>
      %add3A_1304 = arith.addi %mul3A_1301, %broadcast_in_dim3A_1303 : vector<16xi32>
      %swap3A_1305 = arith.constant 0 : i32
      %swap3A_1306 = arith.index_cast %swap3A_1305 : i32 to index
      %swap3A_1307 = arith.constant 272 : index
      %swap3A_1308 = tpu.vector_load %arg7[%swap3A_1306, %swap3A_1307] {strides = array<i32>} : memref<2x1152xi32, #tpu.memory_space<vmem>>, vector<16xi32>,
      tpu.vector_store %arg7[%swap3A_1306, %swap3A_1307], %add3A_1304 {strides = array<i32>} : memref<2x1152xi32, #tpu.memory_space<vmem>>, vector<16xi32>,
      %dma_start3A_1309 = arith.constant 0 : i32
      %dma_start3A_1310 = arith.constant 0 : i32
      %dma_start3A_1311 = arith.constant 0 : i32
      %dma_start3A_1312 = arith.constant 0 : i32
      %dma_start3A_1313 = arith.constant 0 : i32
      %dma_start3A_1314 = tpu.memref_slice %arg8[%dma_start3A_1310, %dma_start3A_1312, %dma_start3A_1313] : memref<2x1152x32xf32, #tpu.memory_space<vmem>> -> memref<1x288x32xf32, #tpu.memory_space<vmem>>
      %dma_start3A_1315 = tpu.memref_squeeze %dma_start3A_1314 : memref<1x288x32xf32, #tpu.memory_space<vmem>> -> memref<288x32xf32, #tpu.memory_space<vmem>>
      %dma_start3A_1316 = arith.constant 0 : i32
      %dma_start3A_1317 = tpu.memref_slice %arg7[%dma_start3A_1309, %dma_start3A_1316] : memref<2x1152xi32, #tpu.memory_space<vmem>> -> memref<1x288xi32, #tpu.memory_space<vmem>>
      %dma_start3A_1318 = tpu.memref_squeeze %dma_start3A_1317 : memref<1x288xi32, #tpu.memory_space<vmem>> -> memref<288xi32, #tpu.memory_space<vmem>>
      %dma_start3A_1319 = arith.constant 0 : i32
      %dma_start3A_1320 = arith.constant 0 : i32
      %dma_start3A_1321 = tpu.memref_slice %arg2[%dma_start3A_1319, %dma_start3A_1320] : memref<1200000x32xf32, #tpu.memory_space<hbm>> -> memref<1200000x32xf32, #tpu.memory_space<hbm>>
      %dma_start3A_1322 = tpu.memref_slice %arg11[%dma_start3A_1311] : memref<2x!tpu.dma_semaphore, #tpu.memory_space<semaphore_mem>> -> memref<1x!tpu.dma_semaphore, #tpu.memory_space<semaphore_mem>>
      %dma_start3A_1323 = tpu.memref_squeeze %dma_start3A_1322 : memref<1x!tpu.dma_semaphore, #tpu.memory_space<semaphore_mem>> -> memref<!tpu.dma_semaphore, #tpu.memory_space<semaphore_mem>>
      tpu.enqueue_indirect_dma source(%dma_start3A_1321 : memref<1200000x32xf32, #tpu.memory_space<hbm>>) target(%dma_start3A_1315 : memref<288x32xf32, #tpu.memory_space<vmem>>) offsets(%dma_start3A_1318 : memref<288xi32, #tpu.memory_space<vmem>>) semaphore(%dma_start3A_1323 : memref<!tpu.dma_semaphore, #tpu.memory_space<semaphore_mem>>)
      %dma_wait3A_1324 = arith.constant 0 : i32
      %dma_wait3A_1325 = arith.constant 0 : i32
      %dma_wait3A_1326 = arith.constant 0 : i32
      %dma_wait3A_1327 = arith.constant 0 : i32
      %dma_wait3A_1328 = arith.constant 0 : i32
      %dma_wait3A_1329 = tpu.memref_slice %arg8[%dma_wait3A_1325, %dma_wait3A_1327, %dma_wait3A_1328] : memref<2x1152x32xf32, #tpu.memory_space<vmem>> -> memref<1x288x32xf32, #tpu.memory_space<vmem>>
      %dma_wait3A_1330 = tpu.memref_squeeze %dma_wait3A_1329 : memref<1x288x32xf32, #tpu.memory_space<vmem>> -> memref<288x32xf32, #tpu.memory_space<vmem>>
      %dma_wait3A_1331 = arith.constant 0 : i32
      %dma_wait3A_1332 = tpu.memref_slice %arg7[%dma_wait3A_1324, %dma_wait3A_1331] : memref<2x1152xi32, #tpu.memory_space<vmem>> -> memref<1x288xi32, #tpu.memory_space<vmem>>
      %dma_wait3A_1333 = tpu.memref_squeeze %dma_wait3A_1332 : memref<1x288xi32, #tpu.memory_space<vmem>> -> memref<288xi32, #tpu.memory_space<vmem>>
      %dma_wait3A_1334 = arith.constant 0 : i32
      %dma_wait3A_1335 = arith.constant 0 : i32
      %dma_wait3A_1336 = tpu.memref_slice %arg2[%dma_wait3A_1334, %dma_wait3A_1335] : memref<1200000x32xf32, #tpu.memory_space<hbm>> -> memref<1200000x32xf32, #tpu.memory_space<hbm>>
      %dma_wait3A_1337 = tpu.memref_slice %arg11[%dma_wait3A_1326] : memref<2x!tpu.dma_semaphore, #tpu.memory_space<semaphore_mem>> -> memref<1x!tpu.dma_semaphore, #tpu.memory_space<semaphore_mem>>
      %dma_wait3A_1338 = tpu.memref_squeeze %dma_wait3A_1337 : memref<1x!tpu.dma_semaphore, #tpu.memory_space<semaphore_mem>> -> memref<!tpu.dma_semaphore, #tpu.memory_space<semaphore_mem>>
      tpu.wait_indirect_dma semaphore(%dma_wait3A_1338 : memref<!tpu.dma_semaphore, #tpu.memory_space<semaphore_mem>>) src(%dma_wait3A_1336 : memref<1200000x32xf32, #tpu.memory_space<hbm>>) dst(%dma_wait3A_1330 : memref<288x32xf32, #tpu.memory_space<vmem>>)
      %scan3A = arith.constant 0 : i32
      %scan3A_1339 = arith.constant 0 : i32
      %scan3A_1340 = arith.constant 32 : i32
      %scan3A_1341 = arith.addi %scan3A_1339, %scan3A_1340 : i32
      %scan3A_1342 = arith.constant 1 : i32
      scf.for %scan3A_1488 = %scan3A_1339 to %scan3A_1341 step %scan3A_1342  : i32 {
        %add3A_1489 = arith.constant 0 : i32
        %add3A_1490 = arith.addi %add3A_1489, %scan3A_1488 : i32
        %get3A_1491 = arith.constant 0 : i32
        %get3A_1492 = arith.index_cast %get3A_1491 : i32 to index
        %get3A_1493 = arith.index_cast %add3A_1490 : i32 to index
        %get3A_1494 = arith.constant 0 : index
        %get3A_1495 = tpu.vector_load %arg8[%get3A_1492, %get3A_1493, %get3A_1494] {strides = array<i32>} : memref<2x1152x32xf32, #tpu.memory_space<vmem>>, vector<16xf32>,
        %add3A_1496 = arith.addf %get3A_11, %get3A_1495 : vector<16xf32>
        %add3A_1497 = arith.constant 0 : i32
        %add3A_1498 = arith.addi %add3A_1497, %scan3A_1488 : i32
        %get3A_1499 = arith.constant 0 : i32
        %get3A_1500 = arith.index_cast %get3A_1499 : i32 to index
        %get3A_1501 = arith.index_cast %add3A_1498 : i32 to index
        %get3A_1502 = arith.constant 16 : index
        %get3A_1503 = tpu.vector_load %arg8[%get3A_1500, %get3A_1501, %get3A_1502] {strides = array<i32>} : memref<2x1152x32xf32, #tpu.memory_space<vmem>>, vector<16xf32>,
        %add3A_1504 = arith.addf %get3A_13, %get3A_1503 : vector<16xf32>
        %add3A_1505 = arith.constant 32 : i32
        %add3A_1506 = arith.addi %add3A_1505, %scan3A_1488 : i32
        %get3A_1507 = arith.constant 0 : i32
        %get3A_1508 = arith.index_cast %get3A_1507 : i32 to index
        %get3A_1509 = arith.index_cast %add3A_1506 : i32 to index
        %get3A_1510 = arith.constant 0 : index
        %get3A_1511 = tpu.vector_load %arg8[%get3A_1508, %get3A_1509, %get3A_1510] {strides = array<i32>} : memref<2x1152x32xf32, #tpu.memory_space<vmem>>, vector<16xf32>,
        %add3A_1512 = arith.addf %add3A_1496, %get3A_1511 : vector<16xf32>
        %add3A_1513 = arith.constant 32 : i32
        %add3A_1514 = arith.addi %add3A_1513, %scan3A_1488 : i32
        %get3A_1515 = arith.constant 0 : i32
        %get3A_1516 = arith.index_cast %get3A_1515 : i32 to index
        %get3A_1517 = arith.index_cast %add3A_1514 : i32 to index
        %get3A_1518 = arith.constant 16 : index
        %get3A_1519 = tpu.vector_load %arg8[%get3A_1516, %get3A_1517, %get3A_1518] {strides = array<i32>} : memref<2x1152x32xf32, #tpu.memory_space<vmem>>, vector<16xf32>,
        %add3A_1520 = arith.addf %add3A_1504, %get3A_1519 : vector<16xf32>
        %add3A_1521 = arith.constant 64 : i32
        %add3A_1522 = arith.addi %add3A_1521, %scan3A_1488 : i32
        %get3A_1523 = arith.constant 0 : i32
        %get3A_1524 = arith.index_cast %get3A_1523 : i32 to index
        %get3A_1525 = arith.index_cast %add3A_1522 : i32 to index
        %get3A_1526 = arith.constant 0 : index
        %get3A_1527 = tpu.vector_load %arg8[%get3A_1524, %get3A_1525, %get3A_1526] {strides = array<i32>} : memref<2x1152x32xf32, #tpu.memory_space<vmem>>, vector<16xf32>,
        %add3A_1528 = arith.addf %add3A_1512, %get3A_1527 : vector<16xf32>
        %add3A_1529 = arith.constant 64 : i32
        %add3A_1530 = arith.addi %add3A_1529, %scan3A_1488 : i32
        %get3A_1531 = arith.constant 0 : i32
        %get3A_1532 = arith.index_cast %get3A_1531 : i32 to index
        %get3A_1533 = arith.index_cast %add3A_1530 : i32 to index
        %get3A_1534 = arith.constant 16 : index
        %get3A_1535 = tpu.vector_load %arg8[%get3A_1532, %get3A_1533, %get3A_1534] {strides = array<i32>} : memref<2x1152x32xf32, #tpu.memory_space<vmem>>, vector<16xf32>,
        %add3A_1536 = arith.addf %add3A_1520, %get3A_1535 : vector<16xf32>
        %add3A_1537 = arith.constant 96 : i32
        %add3A_1538 = arith.addi %add3A_1537, %scan3A_1488 : i32
        %get3A_1539 = arith.constant 0 : i32
        %get3A_1540 = arith.index_cast %get3A_1539 : i32 to index
        %get3A_1541 = arith.index_cast %add3A_1538 : i32 to index
        %get3A_1542 = arith.constant 0 : index
        %get3A_1543 = tpu.vector_load %arg8[%get3A_1540, %get3A_1541, %get3A_1542] {strides = array<i32>} : memref<2x1152x32xf32, #tpu.memory_space<vmem>>, vector<16xf32>,
        %add3A_1544 = arith.addf %add3A_1528, %get3A_1543 : vector<16xf32>
        %add3A_1545 = arith.constant 96 : i32
        %add3A_1546 = arith.addi %add3A_1545, %scan3A_1488 : i32
        %get3A_1547 = arith.constant 0 : i32
        %get3A_1548 = arith.index_cast %get3A_1547 : i32 to index
        %get3A_1549 = arith.index_cast %add3A_1546 : i32 to index
        %get3A_1550 = arith.constant 16 : index
        %get3A_1551 = tpu.vector_load %arg8[%get3A_1548, %get3A_1549, %get3A_1550] {strides = array<i32>} : memref<2x1152x32xf32, #tpu.memory_space<vmem>>, vector<16xf32>,
        %add3A_1552 = arith.addf %add3A_1536, %get3A_1551 : vector<16xf32>
        %add3A_1553 = arith.constant 128 : i32
        %add3A_1554 = arith.addi %add3A_1553, %scan3A_1488 : i32
        %get3A_1555 = arith.constant 0 : i32
        %get3A_1556 = arith.index_cast %get3A_1555 : i32 to index
        %get3A_1557 = arith.index_cast %add3A_1554 : i32 to index
        %get3A_1558 = arith.constant 0 : index
        %get3A_1559 = tpu.vector_load %arg8[%get3A_1556, %get3A_1557, %get3A_1558] {strides = array<i32>} : memref<2x1152x32xf32, #tpu.memory_space<vmem>>, vector<16xf32>,
        %add3A_1560 = arith.addf %add3A_1544, %get3A_1559 : vector<16xf32>
        %add3A_1561 = arith.constant 128 : i32
        %add3A_1562 = arith.addi %add3A_1561, %scan3A_1488 : i32
        %get3A_1563 = arith.constant 0 : i32
        %get3A_1564 = arith.index_cast %get3A_1563 : i32 to index
        %get3A_1565 = arith.index_cast %add3A_1562 : i32 to index
        %get3A_1566 = arith.constant 16 : index
        %get3A_1567 = tpu.vector_load %arg8[%get3A_1564, %get3A_1565, %get3A_1566] {strides = array<i32>} : memref<2x1152x32xf32, #tpu.memory_space<vmem>>, vector<16xf32>,
        %add3A_1568 = arith.addf %add3A_1552, %get3A_1567 : vector<16xf32>
        %add3A_1569 = arith.constant 160 : i32
        %add3A_1570 = arith.addi %add3A_1569, %scan3A_1488 : i32
        %get3A_1571 = arith.constant 0 : i32
        %get3A_1572 = arith.index_cast %get3A_1571 : i32 to index
        %get3A_1573 = arith.index_cast %add3A_1570 : i32 to index
        %get3A_1574 = arith.constant 0 : index
        %get3A_1575 = tpu.vector_load %arg8[%get3A_1572, %get3A_1573, %get3A_1574] {strides = array<i32>} : memref<2x1152x32xf32, #tpu.memory_space<vmem>>, vector<16xf32>,
        %add3A_1576 = arith.addf %add3A_1560, %get3A_1575 : vector<16xf32>
        %add3A_1577 = arith.constant 160 : i32
        %add3A_1578 = arith.addi %add3A_1577, %scan3A_1488 : i32
        %get3A_1579 = arith.constant 0 : i32
        %get3A_1580 = arith.index_cast %get3A_1579 : i32 to index
        %get3A_1581 = arith.index_cast %add3A_1578 : i32 to index
        %get3A_1582 = arith.constant 16 : index
        %get3A_1583 = tpu.vector_load %arg8[%get3A_1580, %get3A_1581, %get3A_1582] {strides = array<i32>} : memref<2x1152x32xf32, #tpu.memory_space<vmem>>, vector<16xf32>,
        %add3A_1584 = arith.addf %add3A_1568, %get3A_1583 : vector<16xf32>
        %add3A_1585 = arith.constant 192 : i32
        %add3A_1586 = arith.addi %add3A_1585, %scan3A_1488 : i32
        %get3A_1587 = arith.constant 0 : i32
        %get3A_1588 = arith.index_cast %get3A_1587 : i32 to index
        %get3A_1589 = arith.index_cast %add3A_1586 : i32 to index
        %get3A_1590 = arith.constant 0 : index
        %get3A_1591 = tpu.vector_load %arg8[%get3A_1588, %get3A_1589, %get3A_1590] {strides = array<i32>} : memref<2x1152x32xf32, #tpu.memory_space<vmem>>, vector<16xf32>,
        %add3A_1592 = arith.addf %add3A_1576, %get3A_1591 : vector<16xf32>
        %add3A_1593 = arith.constant 192 : i32
        %add3A_1594 = arith.addi %add3A_1593, %scan3A_1488 : i32
        %get3A_1595 = arith.constant 0 : i32
        %get3A_1596 = arith.index_cast %get3A_1595 : i32 to index
        %get3A_1597 = arith.index_cast %add3A_1594 : i32 to index
        %get3A_1598 = arith.constant 16 : index
        %get3A_1599 = tpu.vector_load %arg8[%get3A_1596, %get3A_1597, %get3A_1598] {strides = array<i32>} : memref<2x1152x32xf32, #tpu.memory_space<vmem>>, vector<16xf32>,
        %add3A_1600 = arith.addf %add3A_1584, %get3A_1599 : vector<16xf32>
        %add3A_1601 = arith.constant 224 : i32
        %add3A_1602 = arith.addi %add3A_1601, %scan3A_1488 : i32
        %get3A_1603 = arith.constant 0 : i32
        %get3A_1604 = arith.index_cast %get3A_1603 : i32 to index
        %get3A_1605 = arith.index_cast %add3A_1602 : i32 to index
        %get3A_1606 = arith.constant 0 : index
        %get3A_1607 = tpu.vector_load %arg8[%get3A_1604, %get3A_1605, %get3A_1606] {strides = array<i32>} : memref<2x1152x32xf32, #tpu.memory_space<vmem>>, vector<16xf32>,
        %add3A_1608 = arith.addf %add3A_1592, %get3A_1607 : vector<16xf32>
        %add3A_1609 = arith.constant 224 : i32
        %add3A_1610 = arith.addi %add3A_1609, %scan3A_1488 : i32
        %get3A_1611 = arith.constant 0 : i32
        %get3A_1612 = arith.index_cast %get3A_1611 : i32 to index
        %get3A_1613 = arith.index_cast %add3A_1610 : i32 to index
        %get3A_1614 = arith.constant 16 : index
        %get3A_1615 = tpu.vector_load %arg8[%get3A_1612, %get3A_1613, %get3A_1614] {strides = array<i32>} : memref<2x1152x32xf32, #tpu.memory_space<vmem>>, vector<16xf32>,
        %add3A_1616 = arith.addf %add3A_1600, %get3A_1615 : vector<16xf32>
        %add3A_1617 = arith.constant 256 : i32
        %add3A_1618 = arith.addi %add3A_1617, %scan3A_1488 : i32
        %get3A_1619 = arith.constant 0 : i32
        %get3A_1620 = arith.index_cast %get3A_1619 : i32 to index
        %get3A_1621 = arith.index_cast %add3A_1618 : i32 to index
        %get3A_1622 = arith.constant 0 : index
        %get3A_1623 = tpu.vector_load %arg8[%get3A_1620, %get3A_1621, %get3A_1622] {strides = array<i32>} : memref<2x1152x32xf32, #tpu.memory_space<vmem>>, vector<16xf32>,
        %add3A_1624 = arith.addf %add3A_1608, %get3A_1623 : vector<16xf32>
        %add3A_1625 = arith.constant 256 : i32
        %add3A_1626 = arith.addi %add3A_1625, %scan3A_1488 : i32
        %get3A_1627 = arith.constant 0 : i32
        %get3A_1628 = arith.index_cast %get3A_1627 : i32 to index
        %get3A_1629 = arith.index_cast %add3A_1626 : i32 to index
        %get3A_1630 = arith.constant 16 : index
        %get3A_1631 = tpu.vector_load %arg8[%get3A_1628, %get3A_1629, %get3A_1630] {strides = array<i32>} : memref<2x1152x32xf32, #tpu.memory_space<vmem>>, vector<16xf32>,
        %add3A_1632 = arith.addf %add3A_1616, %get3A_1631 : vector<16xf32>
        %broadcast_in_dim3A_1633 = vector.broadcast %scan3A_1488 : i32 to vector<16xi32>
        %scatter3A = arith.constant 0 : i32
        %scatter3A_1634 = arith.constant 0 : i32
        %scatter3A_1635 = arith.constant 0 : i32
        %scatter3A_1636 = tpu.memref_slice %arg9[%scatter3A, %scatter3A_1634, %scatter3A_1635] : memref<2x32x129xf32, #tpu.memory_space<vmem>> -> memref<1x32x129xf32, #tpu.memory_space<vmem>>
        %scatter3A_1637 = tpu.memref_squeeze %scatter3A_1636 : memref<1x32x129xf32, #tpu.memory_space<vmem>> -> memref<32x129xf32, #tpu.memory_space<vmem>>
        tpu.vector_store_idx %scatter3A_1637[%iota3A, %broadcast_in_dim3A_1633], %add3A_1624 : memref<32x129xf32, #tpu.memory_space<vmem>>[vector<16xi32>, vector<16xi32>], vector<16xf32>,
        %scatter3A_1638 = arith.constant 0 : i32
        %scatter3A_1639 = arith.constant 0 : i32
        %scatter3A_1640 = arith.constant 0 : i32
        %scatter3A_1641 = tpu.memref_slice %arg9[%scatter3A_1638, %scatter3A_1639, %scatter3A_1640] : memref<2x32x129xf32, #tpu.memory_space<vmem>> -> memref<1x32x129xf32, #tpu.memory_space<vmem>>
        %scatter3A_1642 = tpu.memref_squeeze %scatter3A_1641 : memref<1x32x129xf32, #tpu.memory_space<vmem>> -> memref<32x129xf32, #tpu.memory_space<vmem>>
        tpu.vector_store_idx %scatter3A_1642[%add3A_10, %broadcast_in_dim3A_1633], %add3A_1632 : memref<32x129xf32, #tpu.memory_space<vmem>>[vector<16xi32>, vector<16xi32>], vector<16xf32>,
      }
      %scan3A_1343 = arith.constant 32 : i32
      %dma_start3A_1344 = arith.constant 0 : i32
      %dma_start3A_1345 = arith.constant 0 : i32
      %dma_start3A_1346 = arith.constant 0 : i32
      %dma_start3A_1347 = arith.constant 0 : i32
      %dma_start3A_1348 = tpu.memref_slice %arg9[%dma_start3A_1344, %dma_start3A_1346, %dma_start3A_1347] : memref<2x32x129xf32, #tpu.memory_space<vmem>> -> memref<1x8x32xf32, #tpu.memory_space<vmem>>
      %dma_start3A_1349 = tpu.memref_squeeze %dma_start3A_1348 : memref<1x8x32xf32, #tpu.memory_space<vmem>> -> memref<8x32xf32, #tpu.memory_space<vmem>>
      %dma_start3A_1350 = arith.constant 6248 : i32
      %dma_start3A_1351 = arith.constant 0 : i32
      %dma_start3A_1352 = tpu.memref_slice %arg5[%dma_start3A_1350, %dma_start3A_1351] : memref<25024x128xf32, #tpu.memory_space<hbm>> -> memref<8x32xf32, #tpu.memory_space<hbm>>
      %dma_start3A_1353 = tpu.memref_slice %arg12[%dma_start3A_1345] : memref<2x!tpu.dma_semaphore, #tpu.memory_space<semaphore_mem>> -> memref<1x!tpu.dma_semaphore, #tpu.memory_space<semaphore_mem>>
      %dma_start3A_1354 = tpu.memref_squeeze %dma_start3A_1353 : memref<1x!tpu.dma_semaphore, #tpu.memory_space<semaphore_mem>> -> memref<!tpu.dma_semaphore, #tpu.memory_space<semaphore_mem>>
      %dma_start3A_1355 = arith.constant 6248 : i32
      %dma_start3A_1356 = arith.constant 0 : i32
      %dma_start3A_1357 = tpu.memref_slice %arg5[%dma_start3A_1355, %dma_start3A_1356] : memref<25024x128xf32, #tpu.memory_space<hbm>> -> memref<8x32xf32, #tpu.memory_space<hbm>>
      %dma_start3A_1358 = arith.constant 0 : i32
      %dma_start3A_1359 = arith.constant 0 : i32
      %dma_start3A_1360 = tpu.memref_slice %arg9[%dma_start3A_1344, %dma_start3A_1358, %dma_start3A_1359] : memref<2x32x129xf32, #tpu.memory_space<vmem>> -> memref<1x8x32xf32, #tpu.memory_space<vmem>>
      %dma_start3A_1361 = tpu.memref_squeeze %dma_start3A_1360 : memref<1x8x32xf32, #tpu.memory_space<vmem>> -> memref<8x32xf32, #tpu.memory_space<vmem>>
      tpu.enqueue_dma source(%dma_start3A_1361 : memref<8x32xf32, #tpu.memory_space<vmem>>) target(%dma_start3A_1357 : memref<8x32xf32, #tpu.memory_space<hbm>>) target_semaphore(%dma_start3A_1354 : memref<!tpu.dma_semaphore, #tpu.memory_space<semaphore_mem>>)
      %dma_wait3A_1362 = arith.constant 0 : i32
      %dma_wait3A_1363 = arith.constant 0 : i32
      %dma_wait3A_1364 = arith.constant 0 : i32
      %dma_wait3A_1365 = arith.constant 0 : i32
      %dma_wait3A_1366 = tpu.memref_slice %arg9[%dma_wait3A_1362, %dma_wait3A_1364, %dma_wait3A_1365] : memref<2x32x129xf32, #tpu.memory_space<vmem>> -> memref<1x8x32xf32, #tpu.memory_space<vmem>>
      %dma_wait3A_1367 = tpu.memref_squeeze %dma_wait3A_1366 : memref<1x8x32xf32, #tpu.memory_space<vmem>> -> memref<8x32xf32, #tpu.memory_space<vmem>>
      %dma_wait3A_1368 = arith.constant 6248 : i32
      %dma_wait3A_1369 = arith.constant 0 : i32
      %dma_wait3A_1370 = tpu.memref_slice %arg5[%dma_wait3A_1368, %dma_wait3A_1369] : memref<25024x128xf32, #tpu.memory_space<hbm>> -> memref<8x32xf32, #tpu.memory_space<hbm>>
      %dma_wait3A_1371 = tpu.memref_slice %arg12[%dma_wait3A_1363] : memref<2x!tpu.dma_semaphore, #tpu.memory_space<semaphore_mem>> -> memref<1x!tpu.dma_semaphore, #tpu.memory_space<semaphore_mem>>
      %dma_wait3A_1372 = tpu.memref_squeeze %dma_wait3A_1371 : memref<1x!tpu.dma_semaphore, #tpu.memory_space<semaphore_mem>> -> memref<!tpu.dma_semaphore, #tpu.memory_space<semaphore_mem>>
      %dma_wait3A_1373 = arith.constant 6248 : i32
      %dma_wait3A_1374 = arith.constant 0 : i32
      %dma_wait3A_1375 = tpu.memref_slice %arg5[%dma_wait3A_1373, %dma_wait3A_1374] : memref<25024x128xf32, #tpu.memory_space<hbm>> -> memref<8x32xf32, #tpu.memory_space<hbm>>
      %dma_wait3A_1376 = arith.constant 0 : i32
      %dma_wait3A_1377 = arith.constant 0 : i32
      %dma_wait3A_1378 = tpu.memref_slice %arg9[%dma_wait3A_1362, %dma_wait3A_1376, %dma_wait3A_1377] : memref<2x32x129xf32, #tpu.memory_space<vmem>> -> memref<1x8x32xf32, #tpu.memory_space<vmem>>
      %dma_wait3A_1379 = tpu.memref_squeeze %dma_wait3A_1378 : memref<1x8x32xf32, #tpu.memory_space<vmem>> -> memref<8x32xf32, #tpu.memory_space<vmem>>
      tpu.wait_dma2 semaphore(%dma_wait3A_1372 : memref<!tpu.dma_semaphore, #tpu.memory_space<semaphore_mem>>) src(%dma_wait3A_1379 : memref<8x32xf32, #tpu.memory_space<vmem>>) dst(%dma_wait3A_1375 : memref<8x32xf32, #tpu.memory_space<hbm>>)
      %dma_start3A_1380 = arith.constant 0 : i32
      %dma_start3A_1381 = arith.constant 0 : i32
      %dma_start3A_1382 = arith.constant 8 : i32
      %dma_start3A_1383 = arith.constant 0 : i32
      %dma_start3A_1384 = tpu.memref_slice %arg9[%dma_start3A_1380, %dma_start3A_1382, %dma_start3A_1383] : memref<2x32x129xf32, #tpu.memory_space<vmem>> -> memref<1x8x32xf32, #tpu.memory_space<vmem>>
      %dma_start3A_1385 = tpu.memref_squeeze %dma_start3A_1384 : memref<1x8x32xf32, #tpu.memory_space<vmem>> -> memref<8x32xf32, #tpu.memory_space<vmem>>
      %dma_start3A_1386 = arith.constant 12504 : i32
      %dma_start3A_1387 = arith.constant 0 : i32
      %dma_start3A_1388 = tpu.memref_slice %arg5[%dma_start3A_1386, %dma_start3A_1387] : memref<25024x128xf32, #tpu.memory_space<hbm>> -> memref<8x32xf32, #tpu.memory_space<hbm>>
      %dma_start3A_1389 = tpu.memref_slice %arg12[%dma_start3A_1381] : memref<2x!tpu.dma_semaphore, #tpu.memory_space<semaphore_mem>> -> memref<1x!tpu.dma_semaphore, #tpu.memory_space<semaphore_mem>>
      %dma_start3A_1390 = tpu.memref_squeeze %dma_start3A_1389 : memref<1x!tpu.dma_semaphore, #tpu.memory_space<semaphore_mem>> -> memref<!tpu.dma_semaphore, #tpu.memory_space<semaphore_mem>>
      %dma_start3A_1391 = arith.constant 12504 : i32
      %dma_start3A_1392 = arith.constant 0 : i32
      %dma_start3A_1393 = tpu.memref_slice %arg5[%dma_start3A_1391, %dma_start3A_1392] : memref<25024x128xf32, #tpu.memory_space<hbm>> -> memref<8x32xf32, #tpu.memory_space<hbm>>
      %dma_start3A_1394 = arith.constant 8 : i32
      %dma_start3A_1395 = arith.constant 0 : i32
      %dma_start3A_1396 = tpu.memref_slice %arg9[%dma_start3A_1380, %dma_start3A_1394, %dma_start3A_1395] : memref<2x32x129xf32, #tpu.memory_space<vmem>> -> memref<1x8x32xf32, #tpu.memory_space<vmem>>
      %dma_start3A_1397 = tpu.memref_squeeze %dma_start3A_1396 : memref<1x8x32xf32, #tpu.memory_space<vmem>> -> memref<8x32xf32, #tpu.memory_space<vmem>>
      tpu.enqueue_dma source(%dma_start3A_1397 : memref<8x32xf32, #tpu.memory_space<vmem>>) target(%dma_start3A_1393 : memref<8x32xf32, #tpu.memory_space<hbm>>) target_semaphore(%dma_start3A_1390 : memref<!tpu.dma_semaphore, #tpu.memory_space<semaphore_mem>>)
      %dma_wait3A_1398 = arith.constant 0 : i32
      %dma_wait3A_1399 = arith.constant 0 : i32
      %dma_wait3A_1400 = arith.constant 8 : i32
      %dma_wait3A_1401 = arith.constant 0 : i32
      %dma_wait3A_1402 = tpu.memref_slice %arg9[%dma_wait3A_1398, %dma_wait3A_1400, %dma_wait3A_1401] : memref<2x32x129xf32, #tpu.memory_space<vmem>> -> memref<1x8x32xf32, #tpu.memory_space<vmem>>
      %dma_wait3A_1403 = tpu.memref_squeeze %dma_wait3A_1402 : memref<1x8x32xf32, #tpu.memory_space<vmem>> -> memref<8x32xf32, #tpu.memory_space<vmem>>
      %dma_wait3A_1404 = arith.constant 12504 : i32
      %dma_wait3A_1405 = arith.constant 0 : i32
      %dma_wait3A_1406 = tpu.memref_slice %arg5[%dma_wait3A_1404, %dma_wait3A_1405] : memref<25024x128xf32, #tpu.memory_space<hbm>> -> memref<8x32xf32, #tpu.memory_space<hbm>>
      %dma_wait3A_1407 = tpu.memref_slice %arg12[%dma_wait3A_1399] : memref<2x!tpu.dma_semaphore, #tpu.memory_space<semaphore_mem>> -> memref<1x!tpu.dma_semaphore, #tpu.memory_space<semaphore_mem>>
      %dma_wait3A_1408 = tpu.memref_squeeze %dma_wait3A_1407 : memref<1x!tpu.dma_semaphore, #tpu.memory_space<semaphore_mem>> -> memref<!tpu.dma_semaphore, #tpu.memory_space<semaphore_mem>>
      %dma_wait3A_1409 = arith.constant 12504 : i32
      %dma_wait3A_1410 = arith.constant 0 : i32
      %dma_wait3A_1411 = tpu.memref_slice %arg5[%dma_wait3A_1409, %dma_wait3A_1410] : memref<25024x128xf32, #tpu.memory_space<hbm>> -> memref<8x32xf32, #tpu.memory_space<hbm>>
      %dma_wait3A_1412 = arith.constant 8 : i32
      %dma_wait3A_1413 = arith.constant 0 : i32
      %dma_wait3A_1414 = tpu.memref_slice %arg9[%dma_wait3A_1398, %dma_wait3A_1412, %dma_wait3A_1413] : memref<2x32x129xf32, #tpu.memory_space<vmem>> -> memref<1x8x32xf32, #tpu.memory_space<vmem>>
      %dma_wait3A_1415 = tpu.memref_squeeze %dma_wait3A_1414 : memref<1x8x32xf32, #tpu.memory_space<vmem>> -> memref<8x32xf32, #tpu.memory_space<vmem>>
      tpu.wait_dma2 semaphore(%dma_wait3A_1408 : memref<!tpu.dma_semaphore, #tpu.memory_space<semaphore_mem>>) src(%dma_wait3A_1415 : memref<8x32xf32, #tpu.memory_space<vmem>>) dst(%dma_wait3A_1411 : memref<8x32xf32, #tpu.memory_space<hbm>>)
      %dma_start3A_1416 = arith.constant 0 : i32
      %dma_start3A_1417 = arith.constant 0 : i32
      %dma_start3A_1418 = arith.constant 16 : i32
      %dma_start3A_1419 = arith.constant 0 : i32
      %dma_start3A_1420 = tpu.memref_slice %arg9[%dma_start3A_1416, %dma_start3A_1418, %dma_start3A_1419] : memref<2x32x129xf32, #tpu.memory_space<vmem>> -> memref<1x8x32xf32, #tpu.memory_space<vmem>>
      %dma_start3A_1421 = tpu.memref_squeeze %dma_start3A_1420 : memref<1x8x32xf32, #tpu.memory_space<vmem>> -> memref<8x32xf32, #tpu.memory_space<vmem>>
      %dma_start3A_1422 = arith.constant 18760 : i32
      %dma_start3A_1423 = arith.constant 0 : i32
      %dma_start3A_1424 = tpu.memref_slice %arg5[%dma_start3A_1422, %dma_start3A_1423] : memref<25024x128xf32, #tpu.memory_space<hbm>> -> memref<8x32xf32, #tpu.memory_space<hbm>>
      %dma_start3A_1425 = tpu.memref_slice %arg12[%dma_start3A_1417] : memref<2x!tpu.dma_semaphore, #tpu.memory_space<semaphore_mem>> -> memref<1x!tpu.dma_semaphore, #tpu.memory_space<semaphore_mem>>
      %dma_start3A_1426 = tpu.memref_squeeze %dma_start3A_1425 : memref<1x!tpu.dma_semaphore, #tpu.memory_space<semaphore_mem>> -> memref<!tpu.dma_semaphore, #tpu.memory_space<semaphore_mem>>
      %dma_start3A_1427 = arith.constant 18760 : i32
      %dma_start3A_1428 = arith.constant 0 : i32
      %dma_start3A_1429 = tpu.memref_slice %arg5[%dma_start3A_1427, %dma_start3A_1428] : memref<25024x128xf32, #tpu.memory_space<hbm>> -> memref<8x32xf32, #tpu.memory_space<hbm>>
      %dma_start3A_1430 = arith.constant 16 : i32
      %dma_start3A_1431 = arith.constant 0 : i32
      %dma_start3A_1432 = tpu.memref_slice %arg9[%dma_start3A_1416, %dma_start3A_1430, %dma_start3A_1431] : memref<2x32x129xf32, #tpu.memory_space<vmem>> -> memref<1x8x32xf32, #tpu.memory_space<vmem>>
      %dma_start3A_1433 = tpu.memref_squeeze %dma_start3A_1432 : memref<1x8x32xf32, #tpu.memory_space<vmem>> -> memref<8x32xf32, #tpu.memory_space<vmem>>
      tpu.enqueue_dma source(%dma_start3A_1433 : memref<8x32xf32, #tpu.memory_space<vmem>>) target(%dma_start3A_1429 : memref<8x32xf32, #tpu.memory_space<hbm>>) target_semaphore(%dma_start3A_1426 : memref<!tpu.dma_semaphore, #tpu.memory_space<semaphore_mem>>)
      %dma_wait3A_1434 = arith.constant 0 : i32
      %dma_wait3A_1435 = arith.constant 0 : i32
      %dma_wait3A_1436 = arith.constant 16 : i32
      %dma_wait3A_1437 = arith.constant 0 : i32
      %dma_wait3A_1438 = tpu.memref_slice %arg9[%dma_wait3A_1434, %dma_wait3A_1436, %dma_wait3A_1437] : memref<2x32x129xf32, #tpu.memory_space<vmem>> -> memref<1x8x32xf32, #tpu.memory_space<vmem>>
      %dma_wait3A_1439 = tpu.memref_squeeze %dma_wait3A_1438 : memref<1x8x32xf32, #tpu.memory_space<vmem>> -> memref<8x32xf32, #tpu.memory_space<vmem>>
      %dma_wait3A_1440 = arith.constant 18760 : i32
      %dma_wait3A_1441 = arith.constant 0 : i32
      %dma_wait3A_1442 = tpu.memref_slice %arg5[%dma_wait3A_1440, %dma_wait3A_1441] : memref<25024x128xf32, #tpu.memory_space<hbm>> -> memref<8x32xf32, #tpu.memory_space<hbm>>
      %dma_wait3A_1443 = tpu.memref_slice %arg12[%dma_wait3A_1435] : memref<2x!tpu.dma_semaphore, #tpu.memory_space<semaphore_mem>> -> memref<1x!tpu.dma_semaphore, #tpu.memory_space<semaphore_mem>>
      %dma_wait3A_1444 = tpu.memref_squeeze %dma_wait3A_1443 : memref<1x!tpu.dma_semaphore, #tpu.memory_space<semaphore_mem>> -> memref<!tpu.dma_semaphore, #tpu.memory_space<semaphore_mem>>
      %dma_wait3A_1445 = arith.constant 18760 : i32
      %dma_wait3A_1446 = arith.constant 0 : i32
      %dma_wait3A_1447 = tpu.memref_slice %arg5[%dma_wait3A_1445, %dma_wait3A_1446] : memref<25024x128xf32, #tpu.memory_space<hbm>> -> memref<8x32xf32, #tpu.memory_space<hbm>>
      %dma_wait3A_1448 = arith.constant 16 : i32
      %dma_wait3A_1449 = arith.constant 0 : i32
      %dma_wait3A_1450 = tpu.memref_slice %arg9[%dma_wait3A_1434, %dma_wait3A_1448, %dma_wait3A_1449] : memref<2x32x129xf32, #tpu.memory_space<vmem>> -> memref<1x8x32xf32, #tpu.memory_space<vmem>>
      %dma_wait3A_1451 = tpu.memref_squeeze %dma_wait3A_1450 : memref<1x8x32xf32, #tpu.memory_space<vmem>> -> memref<8x32xf32, #tpu.memory_space<vmem>>
      tpu.wait_dma2 semaphore(%dma_wait3A_1444 : memref<!tpu.dma_semaphore, #tpu.memory_space<semaphore_mem>>) src(%dma_wait3A_1451 : memref<8x32xf32, #tpu.memory_space<vmem>>) dst(%dma_wait3A_1447 : memref<8x32xf32, #tpu.memory_space<hbm>>)
      %dma_start3A_1452 = arith.constant 0 : i32
      %dma_start3A_1453 = arith.constant 0 : i32
      %dma_start3A_1454 = arith.constant 24 : i32
      %dma_start3A_1455 = arith.constant 0 : i32
      %dma_start3A_1456 = tpu.memref_slice %arg9[%dma_start3A_1452, %dma_start3A_1454, %dma_start3A_1455] : memref<2x32x129xf32, #tpu.memory_space<vmem>> -> memref<1x8x32xf32, #tpu.memory_space<vmem>>
      %dma_start3A_1457 = tpu.memref_squeeze %dma_start3A_1456 : memref<1x8x32xf32, #tpu.memory_space<vmem>> -> memref<8x32xf32, #tpu.memory_space<vmem>>
      %dma_start3A_1458 = arith.constant 25016 : i32
      %dma_start3A_1459 = arith.constant 0 : i32
      %dma_start3A_1460 = tpu.memref_slice %arg5[%dma_start3A_1458, %dma_start3A_1459] : memref<25024x128xf32, #tpu.memory_space<hbm>> -> memref<8x32xf32, #tpu.memory_space<hbm>>
      %dma_start3A_1461 = tpu.memref_slice %arg12[%dma_start3A_1453] : memref<2x!tpu.dma_semaphore, #tpu.memory_space<semaphore_mem>> -> memref<1x!tpu.dma_semaphore, #tpu.memory_space<semaphore_mem>>
      %dma_start3A_1462 = tpu.memref_squeeze %dma_start3A_1461 : memref<1x!tpu.dma_semaphore, #tpu.memory_space<semaphore_mem>> -> memref<!tpu.dma_semaphore, #tpu.memory_space<semaphore_mem>>
      %dma_start3A_1463 = arith.constant 25016 : i32
      %dma_start3A_1464 = arith.constant 0 : i32
      %dma_start3A_1465 = tpu.memref_slice %arg5[%dma_start3A_1463, %dma_start3A_1464] : memref<25024x128xf32, #tpu.memory_space<hbm>> -> memref<8x32xf32, #tpu.memory_space<hbm>>
      %dma_start3A_1466 = arith.constant 24 : i32
      %dma_start3A_1467 = arith.constant 0 : i32
      %dma_start3A_1468 = tpu.memref_slice %arg9[%dma_start3A_1452, %dma_start3A_1466, %dma_start3A_1467] : memref<2x32x129xf32, #tpu.memory_space<vmem>> -> memref<1x8x32xf32, #tpu.memory_space<vmem>>
      %dma_start3A_1469 = tpu.memref_squeeze %dma_start3A_1468 : memref<1x8x32xf32, #tpu.memory_space<vmem>> -> memref<8x32xf32, #tpu.memory_space<vmem>>
      tpu.enqueue_dma source(%dma_start3A_1469 : memref<8x32xf32, #tpu.memory_space<vmem>>) target(%dma_start3A_1465 : memref<8x32xf32, #tpu.memory_space<hbm>>) target_semaphore(%dma_start3A_1462 : memref<!tpu.dma_semaphore, #tpu.memory_space<semaphore_mem>>)
      %dma_wait3A_1470 = arith.constant 0 : i32
      %dma_wait3A_1471 = arith.constant 0 : i32
      %dma_wait3A_1472 = arith.constant 24 : i32
      %dma_wait3A_1473 = arith.constant 0 : i32
      %dma_wait3A_1474 = tpu.memref_slice %arg9[%dma_wait3A_1470, %dma_wait3A_1472, %dma_wait3A_1473] : memref<2x32x129xf32, #tpu.memory_space<vmem>> -> memref<1x8x32xf32, #tpu.memory_space<vmem>>
      %dma_wait3A_1475 = tpu.memref_squeeze %dma_wait3A_1474 : memref<1x8x32xf32, #tpu.memory_space<vmem>> -> memref<8x32xf32, #tpu.memory_space<vmem>>
      %dma_wait3A_1476 = arith.constant 25016 : i32
      %dma_wait3A_1477 = arith.constant 0 : i32
      %dma_wait3A_1478 = tpu.memref_slice %arg5[%dma_wait3A_1476, %dma_wait3A_1477] : memref<25024x128xf32, #tpu.memory_space<hbm>> -> memref<8x32xf32, #tpu.memory_space<hbm>>
      %dma_wait3A_1479 = tpu.memref_slice %arg12[%dma_wait3A_1471] : memref<2x!tpu.dma_semaphore, #tpu.memory_space<semaphore_mem>> -> memref<1x!tpu.dma_semaphore, #tpu.memory_space<semaphore_mem>>
      %dma_wait3A_1480 = tpu.memref_squeeze %dma_wait3A_1479 : memref<1x!tpu.dma_semaphore, #tpu.memory_space<semaphore_mem>> -> memref<!tpu.dma_semaphore, #tpu.memory_space<semaphore_mem>>
      %dma_wait3A_1481 = arith.constant 25016 : i32
      %dma_wait3A_1482 = arith.constant 0 : i32
      %dma_wait3A_1483 = tpu.memref_slice %arg5[%dma_wait3A_1481, %dma_wait3A_1482] : memref<25024x128xf32, #tpu.memory_space<hbm>> -> memref<8x32xf32, #tpu.memory_space<hbm>>
      %dma_wait3A_1484 = arith.constant 24 : i32
      %dma_wait3A_1485 = arith.constant 0 : i32
      %dma_wait3A_1486 = tpu.memref_slice %arg9[%dma_wait3A_1470, %dma_wait3A_1484, %dma_wait3A_1485] : memref<2x32x129xf32, #tpu.memory_space<vmem>> -> memref<1x8x32xf32, #tpu.memory_space<vmem>>
      %dma_wait3A_1487 = tpu.memref_squeeze %dma_wait3A_1486 : memref<1x8x32xf32, #tpu.memory_space<vmem>> -> memref<8x32xf32, #tpu.memory_space<vmem>>
      tpu.wait_dma2 semaphore(%dma_wait3A_1480 : memref<!tpu.dma_semaphore, #tpu.memory_space<semaphore_mem>>) src(%dma_wait3A_1487 : memref<8x32xf32, #tpu.memory_space<vmem>>) dst(%dma_wait3A_1483 : memref<8x32xf32, #tpu.memory_space<hbm>>)
    } else {
    }
    return
  }
}

module attributes {stable_mosaic.version = 14 : i64} {
  func.func @_proj_body(%arg0: i32, %arg1: memref<4000x128xf32, #tpu.memory_space<vmem>>, %arg2: memref<3x128x128xf32, #tpu.memory_space<vmem>>, %arg3: memref<3x4000x128xf32, #tpu.memory_space<vmem>>) attributes {dimension_semantics = [#tpu.dimension_semantics<arbitrary>], iteration_bounds = array<i64: 25>, scalar_prefetch = 0 : i64, scratch_operands = 0 : i64, tpu.core_type = #tpu.core_type<tc>, window_params = [{transform_indices = @transform_0, window_bounds = array<i64: 4000, 128>}, {pipeline_mode = #tpu.pipeline_mode<synchronous>, transform_indices = @transform_1, window_bounds = array<i64: 3, 128, 128>}, {transform_indices = @transform_2, window_bounds = array<i64: 3, 4000, 128>}]} {
    %get3A = arith.constant 0 : index
    %get3A_0 = arith.constant 0 : index
    %get3A_1 = vector.load %arg1[%get3A, %get3A_0] : memref<4000x128xf32, #tpu.memory_space<vmem>>, vector<4000x128xf32>
    %get3A_2 = arith.constant 0 : index
    %get3A_3 = arith.constant 0 : index
    %get3A_4 = arith.constant 0 : index
    %get3A_5 = vector.load %arg2[%get3A_2, %get3A_3, %get3A_4] : memref<3x128x128xf32, #tpu.memory_space<vmem>>, vector<1x128x128xf32>
    %get3A_6 = vector.shape_cast %get3A_5 : vector<1x128x128xf32> to vector<128x128xf32>
    %dot_general3A = arith.constant dense<0.000000e+00> : vector<4000x128xf32>
    %dot_general3A_7 = tpu.matmul %get3A_1, %get3A_6, %dot_general3A {dimension_numbers = #tpu.dot_dimension_numbers<[1], [0], [0], [1], [0, 0, 1, 1], [], []>, transpose_lhs_hint = false} : vector<4000x128xf32>, vector<128x128xf32>, vector<4000x128xf32> -> vector<4000x128xf32>
    %swap3A = arith.constant 0 : index
    %swap3A_8 = arith.constant 0 : index
    %swap3A_9 = arith.constant 0 : index
    %swap3A_10 = vector.load %arg3[%swap3A, %swap3A_8, %swap3A_9] : memref<3x4000x128xf32, #tpu.memory_space<vmem>>, vector<1x4000x128xf32>
    %swap3A_11 = vector.shape_cast %swap3A_10 : vector<1x4000x128xf32> to vector<4000x128xf32>
    %swap3A_12 = vector.shape_cast %dot_general3A_7 : vector<4000x128xf32> to vector<1x4000x128xf32>
    tpu.vector_store %arg3[%swap3A, %swap3A_8, %swap3A_9], %swap3A_12 {strides = array<i32>} : memref<3x4000x128xf32, #tpu.memory_space<vmem>>, vector<1x4000x128xf32>,
    %get3A_13 = arith.constant 1 : index
    %get3A_14 = arith.constant 0 : index
    %get3A_15 = arith.constant 0 : index
    %get3A_16 = vector.load %arg2[%get3A_13, %get3A_14, %get3A_15] : memref<3x128x128xf32, #tpu.memory_space<vmem>>, vector<1x128x128xf32>
    %get3A_17 = vector.shape_cast %get3A_16 : vector<1x128x128xf32> to vector<128x128xf32>
    %dot_general3A_18 = arith.constant dense<0.000000e+00> : vector<4000x128xf32>
    %dot_general3A_19 = tpu.matmul %get3A_1, %get3A_17, %dot_general3A_18 {dimension_numbers = #tpu.dot_dimension_numbers<[1], [0], [0], [1], [0, 0, 1, 1], [], []>, transpose_lhs_hint = false} : vector<4000x128xf32>, vector<128x128xf32>, vector<4000x128xf32> -> vector<4000x128xf32>
    %swap3A_20 = arith.constant 1 : index
    %swap3A_21 = arith.constant 0 : index
    %swap3A_22 = arith.constant 0 : index
    %swap3A_23 = vector.load %arg3[%swap3A_20, %swap3A_21, %swap3A_22] : memref<3x4000x128xf32, #tpu.memory_space<vmem>>, vector<1x4000x128xf32>
    %swap3A_24 = vector.shape_cast %swap3A_23 : vector<1x4000x128xf32> to vector<4000x128xf32>
    %swap3A_25 = vector.shape_cast %dot_general3A_19 : vector<4000x128xf32> to vector<1x4000x128xf32>
    tpu.vector_store %arg3[%swap3A_20, %swap3A_21, %swap3A_22], %swap3A_25 {strides = array<i32>} : memref<3x4000x128xf32, #tpu.memory_space<vmem>>, vector<1x4000x128xf32>,
    %get3A_26 = arith.constant 2 : index
    %get3A_27 = arith.constant 0 : index
    %get3A_28 = arith.constant 0 : index
    %get3A_29 = vector.load %arg2[%get3A_26, %get3A_27, %get3A_28] : memref<3x128x128xf32, #tpu.memory_space<vmem>>, vector<1x128x128xf32>
    %get3A_30 = vector.shape_cast %get3A_29 : vector<1x128x128xf32> to vector<128x128xf32>
    %dot_general3A_31 = arith.constant dense<0.000000e+00> : vector<4000x128xf32>
    %dot_general3A_32 = tpu.matmul %get3A_1, %get3A_30, %dot_general3A_31 {dimension_numbers = #tpu.dot_dimension_numbers<[1], [0], [0], [1], [0, 0, 1, 1], [], []>, transpose_lhs_hint = false} : vector<4000x128xf32>, vector<128x128xf32>, vector<4000x128xf32> -> vector<4000x128xf32>
    %swap3A_33 = arith.constant 2 : index
    %swap3A_34 = arith.constant 0 : index
    %swap3A_35 = arith.constant 0 : index
    %swap3A_36 = vector.load %arg3[%swap3A_33, %swap3A_34, %swap3A_35] : memref<3x4000x128xf32, #tpu.memory_space<vmem>>, vector<1x4000x128xf32>
    %swap3A_37 = vector.shape_cast %swap3A_36 : vector<1x4000x128xf32> to vector<4000x128xf32>
    %swap3A_38 = vector.shape_cast %dot_general3A_32 : vector<4000x128xf32> to vector<1x4000x128xf32>
    tpu.vector_store %arg3[%swap3A_33, %swap3A_34, %swap3A_35], %swap3A_38 {strides = array<i32>} : memref<3x4000x128xf32, #tpu.memory_space<vmem>>, vector<1x4000x128xf32>,
    return
  }
  func.func @transform_0(%arg0: i32) -> (i32, i32) {
    %c0_i32 = arith.constant 0 : i32
    %c0_i32_0 = arith.constant 0 : i32
    return %arg0, %c0_i32 : i32, i32
  }
  func.func @transform_1(%arg0: i32) -> (i32, i32, i32) {
    %c0_i32 = arith.constant 0 : i32
    %c0_i32_0 = arith.constant 0 : i32
    %c0_i32_1 = arith.constant 0 : i32
    %c0_i32_2 = arith.constant 0 : i32
    return %c0_i32, %c0_i32_0, %c0_i32_1 : i32, i32, i32
  }
  func.func @transform_2(%arg0: i32) -> (i32, i32, i32) {
    %c0_i32 = arith.constant 0 : i32
    %c0_i32_0 = arith.constant 0 : i32
    %c0_i32_1 = arith.constant 0 : i32
    return %c0_i32, %arg0, %c0_i32_0 : i32, i32, i32
  }
}

</mosaic_0001>

<sc_bundles>
// kernel: kernel.4.cloned.1.call-start
scs
__scs_entry_jumppad:
0x0: {  	(pc) =	sbr.rel $0x88, $3  }
0x1: {  	(tag) =	ssettag $0x0;
	lr =	simm.s32 $0x1  }
0x2: {  	[smem:$0x3F9D] =	sst lr;
	_ =	strace $0xD0000000  }
0x3: {  	_ = 	snop  }
0x4: {  	_ = 	snop  }
0x5: {  	_ = 	snop  }
0x6: {  	_ = 	snop  }
0x7: {  	_ = 	snop  }
__scs_overlays_trampoline_lowered:
0x8: {  	[smem:$0x3FAC] =	sst s0  }
0x9: {  	[smem:$0x3FAD] =	sst s1  }
0xa: {  	[smem:$0x3FAE] =	sst s2  }
0xb: {  	[smem:$0x3FAF] =	sst s3  }
0xc: {  	[smem:$0x3FB0] =	sst s4  }
0xd: {  	[smem:$0x3FB1] =	sst s5  }
0xe: {  	[smem:$0x3FB2] =	sst s6  }
0xf: {  	[smem:$0x3FB3] =	sst s7  }
0x10: {  	[smem:$0x3FB4] =	sst s8  }
0x11: {  	[smem:$0x3FB5] =	sst s9;
	s0 =	simm.s32 @!p0 $0x0  }
0x12: {  	s1 =	sld [smem:$0x3F9B];
	s0 =	simm.s32 @p0 $0x1  }
0x13: {  	[smem:$0x3FB6] =	sst s0;
	s0 =	simm.s32 @!p1 $0x0  }
0x14: {  	s2 =	sld [smem:$0x3F9A];
	s0 =	simm.s32 @p1 $0x1  }
0x15: {  	[smem:$0x3FB7] =	sst s0;
	s0 =	simm.s32 @!p2 $0x0  }
0x16: {  	s3 =	sld [smem:$0x3FDB];
	s0 =	simm.s32 @p2 $0x1  }
0x17: {  	s4 =	simm.s32 $0x1BF5;
	[smem:$0x3FB9] =	sst s0  }
0x18: {  	s0 =	sld [smem:$0x3F9C];
	_ =	swait.ge [sflag:s4], $0x0  }
0x19: {  	s7 =	sld [smem:$0x3F9D]  }
0x1a: {  	s8 =	sadd.s32 $0xFFFFE003, lr  }
0x1b: {  	s9 =	sadd.s32 $0xFFFFFEF7, lr;
	s5 =	simm.s32 $0xFFFFFFFF;
	p2 =	slt.u32 s8, $0xFFFFF086  }
0x1c: {  	p1 =	slt.u32 s9, $0xF7A;
	s5 =	simm.s32 @!p2 $0x0  }
0x1d: {  	s5 =	simm.s32 @p1 $0x1;
	p0 =	seq.s32 s7, s2  }
0x1e: {  	s7 =	smul.u32 @!p0 $0xF7A, s2;
	p2 =	seq.s32 @!p0 s5, $0x0  }
0x1f: {  	s9 =	smul.u32 $0xF7A, s1;
	s8 =	simm.s32 @!p0 $0x1BF5;
	p2 =	por !p2, p0  }
0x20: {  	[sflag:s8] =	ssyncset.s32 @!p0 $0xFFFFF086;
	s6 =	sadd.s32 @!p0 s3, s7;
	s7 =	simm.s32 @!p0 $0x108  }
0x21: {  	s3 =	sadd.s32 s3, s9;
	s6 =	sadd.s32 @!p0 $0x88, s6;
	s7 =	simm.s32 @p2 $0x1082  }
0x22: {  	[simem:s7], [sflag:s8] =	dma.local @!p0 [hbm:s6], $0xF7A  }
0x23: {  	s9 =	sor.u32 $0xD0000000, s2;
	s6 =	simm.s32 $0x108;
	_ =	swait.ge @!p0 [sflag:s8], $0x0  }
0x24: {  	s3 =	sadd.s32 $0x88, s3;
	s6 =	simm.s32 @!p1 $0x1082;
	[sflag:s4] =	ssyncset.s32 $0xFFFFF086  }
0x25: {  	[simem:s6], [sflag:s4] =	dma.local [hbm:s3], $0xF7A  }
0x26: {  	[smem:$0x3F9D] =	sst s1;
	(tag) =	ssettag s2;
	_ =	strace s9  }
0x27: {  	s1 =	sld [smem:$0x3FAD]  }
0x28: {  	s2 =	sld [smem:$0x3FAE]  }
0x29: {  	s4 =	sld [smem:$0x3FB0]  }
0x2a: {  	p0 =	seq.s32 s5, $0x0;
	s5 =	sld [smem:$0x3FB1]  }
0x2b: {  	s6 =	sld [smem:$0x3FB2]  }
0x2c: {  	s7 =	sld [smem:$0x3FB3]  }
0x2d: {  	s3 =	simm.s32 $0x108;
	s8 =	sld [smem:$0x3FB4]  }
0x2e: {  	s3 =	simm.s32 @!p0 $0x1082;
	s9 =	sld [smem:$0x3FB5]  }
0x2f: {  	lr =	sadd.s32 s0, s3;
	s0 =	sld [smem:$0x3FAC]  }
0x30: {  	s3 =	sld [smem:$0x3FAF]  }
0x31: {  	[smem:$0x3FB8] =	sst s10  }
0x32: {  	s10 =	sld [smem:$0x3FB6];
	_ =	sdelay $0x3  }
0x33: {  	p0 =	seq.s32 s10, $0x1;
	s10 =	sld [smem:$0x3FB8];
	_ =	sdelay $0x3  }
0x34: {  	[smem:$0x3FB8] =	sst s10  }
0x35: {  	s10 =	sld [smem:$0x3FB7];
	_ =	sdelay $0x3  }
0x36: {  	p1 =	seq.s32 s10, $0x1;
	s10 =	sld [smem:$0x3FB8];
	_ =	sdelay $0x3  }
0x37: {  	[smem:$0x3FB8] =	sst s10  }
0x38: {  	s10 =	sld [smem:$0x3FB9]  }
0x39: {  	_ = 	snop;
	(pc) =	sbr.ind lr, $3  }
0x3a: {  	_ = 	snop  }
0x3b: {  	_ = 	snop  }
0x3c: {  	p2 =	seq.s32 s10, $0x1;
	s10 =	sld [smem:$0x3FB8]  }
0x3d: {  	_ =	shalt  }
0x3e: {  	_ =	shalt  }
0x3f: {  	_ =	shalt  }
0x40: {  	_ =	shalt  }
0x41: {  	_ =	shalt  }
0x42: {  	_ =	shalt  }
0x43: {  	_ =	shalt  }
0x44: {  	_ =	shalt  }
0x45: {  	_ =	shalt  }
0x46: {  	_ =	shalt  }
0x47: {  	_ =	shalt  }
0x48: {  	_ =	shalt  }
0x49: {  	_ =	shalt  }
0x4a: {  	_ =	shalt  }
0x4b: {  	_ =	shalt  }
0x4c: {  	_ =	shalt  }
0x4d: {  	_ =	shalt  }
0x4e: {  	_ =	shalt  }
0x4f: {  	_ =	shalt  }
0x50: {  	_ =	shalt  }
0x51: {  	_ =	shalt  }
0x52: {  	_ =	shalt  }
0x53: {  	_ =	shalt  }
0x54: {  	_ =	shalt  }
0x55: {  	_ =	shalt  }
0x56: {  	_ =	shalt  }
0x57: {  	_ =	shalt  }
0x58: {  	_ =	shalt  }
0x59: {  	_ =	shalt  }
0x5a: {  	_ =	shalt  }
0x5b: {  	_ =	shalt  }
0x5c: {  	_ =	shalt  }
0x5d: {  	_ =	shalt  }
0x5e: {  	_ =	shalt  }
0x5f: {  	_ =	shalt  }
0x60: {  	_ =	shalt  }
0x61: {  	_ =	shalt  }
0x62: {  	_ =	shalt  }
0x63: {  	_ =	shalt  }
0x64: {  	_ =	shalt  }
0x65: {  	_ =	shalt  }
0x66: {  	_ =	shalt  }
0x67: {  	_ =	shalt  }
0x68: {  	_ =	shalt  }
0x69: {  	_ =	shalt  }
0x6a: {  	_ =	shalt  }
0x6b: {  	_ =	shalt  }
0x6c: {  	_ =	shalt  }
0x6d: {  	_ =	shalt  }
0x6e: {  	_ =	shalt  }
0x6f: {  	_ =	shalt  }
0x70: {  	_ =	shalt  }
0x71: {  	_ =	shalt  }
0x72: {  	_ =	shalt  }
0x73: {  	_ =	shalt  }
0x74: {  	_ =	shalt  }
0x75: {  	_ =	shalt  }
0x76: {  	_ =	shalt  }
0x77: {  	_ =	shalt  }
0x78: {  	_ =	shalt  }
0x79: {  	_ =	shalt  }
0x7a: {  	_ =	shalt  }
0x7b: {  	_ =	shalt  }
0x7c: {  	_ =	shalt  }
0x7d: {  	_ =	shalt  }
0x7e: {  	_ =	shalt  }
0x7f: {  	_ =	shalt  }
0x80: {  	_ =	shalt  }
0x81: {  	_ =	shalt  }
0x82: {  	_ =	shalt  }
0x83: {  	_ =	shalt  }
0x84: {  	_ =	shalt  }
0x85: {  	_ =	shalt  }
0x86: {  	_ =	shalt  }
0x87: {  	_ =	shalt  }
.Lfunc_end0:
.L_simem_size_0:
called_computation_lowered:
.L_overlay_start_0:
0x88: {  	s2 =	sld [smem:$0x3FD9]  }
0x89: {  	s3 =	sld [smem:$0x3FFE];
	_ =	sdelay $0x1  }
0x8a: {  	s1 =	srdreg.scid  }
0x8b: {  	s0 =	sand.u32 $0x1, s1  }
0x8c: {  	s17 =	sshll.u32 s0, $0xA;
	s2 =	sadd.s32 s3, s2  }
0x8d: {  	s2 =	sadd.s32 s2, s17  }
0x8e: {  	[smem:$0x3FC4] =	sst s2  }
0x8f: {  	_ = 	snop  }
0x90: {  	s2 =	sld [smem:$0x3FC6]  }
0x91: {  	s18 =	sld [smem:$0x3FD0];
	(tm) =	ssettm $0x1  }
0x92: {  	s4 =	sld [smem:$0x3FFB];
	_ =	sdelay $0x3  }
0x93: {  	_ =	strace s4  }
0x94: {  	s4 =	sld [smem:$0x3FFC];
	_ =	sdelay $0x3  }
0x95: {  	_ =	strace s4  }
0x96: {  	s4 =	sld [smem:$0x3FFD];
	_ =	sdelay $0x3  }
0x97: {  	_ =	strace s4  }
0x98: {  	_ =	strace $0x8FFFFFFF  }
0x99: {  	s19 =	sld [smem:$0x3FDB];
	_ =	sdelay $0x1  }
0x9a: {  	s5 =	simm.s32 $_scs_section_size  }
0x9b: {  	s6 =	simm.s32 $_size__tile_overlayer_lowered;
	s7 =	simm.s32 $_tile_overlayer_lowered  }
0x9c: {  	s22 =	simm.s32 $0x1BFF;
	s21 =	sshll.u32 s7, $0x1;
	s4 =	sadd.s32 s5, s19  }
0x9d: {  	s8 =	simm.s32 $0x0;
	s20 =	sshll.u32 s6, $0x1;
	s6 =	sadd.s32 s21, s4  }
0x9e: {  	[timem:s8], [sflag:s22] =	dma.local [hbm:s6], s20  }
0x9f: {  	_ =	swait.ge [sflag:s22], s20  }
0xa0: {  	s5 =	ssub.s32 $0x0, s20;
	[sflag:s22] =	ssyncset.done $0x0  }
0xa1: {  	[sflag:s22] =	ssyncadd.s32 s5;
	_ =	sdelay $0x1  }
0xa2: {  	s23 =	simm.s32 $0x1B8B  }
0xa3: {  	_ =	swait.ge [sflag:s23], $0x1  }
0xa4: {  	[sflag:s23] =	ssyncset.done $0x0  }
0xa5: {  	s25 =	simm.s32 $0x1B8E;
	s24 =	sld [smem:$0x3FFE];
	[sflag:s23] =	ssyncadd.s32 $0xFFFFFFFF  }
0xa6: {  	s26 =	simm.s32 $execute0_lowered;
	[smem:$0x3FD2] =	sst s25  }
0xa7: {  	s6 =	sshll.u32 s26, $0x1;
	_ =	strace $0x80000046;
	[dreg:$0x1] =	wrdreg $0xFFFFFFFF  }
0xa8: {  	s28 =	simm.s32 $_size_execute0_lowered;
	s4 =	sadd.s32 s4, s6;
	[dreg:$0x0] =	wrdreg $0x0  }
0xa9: {  	s6 =	sshll.u32 s28, $0x1;
	[dreg:$0x2] =	wrdreg s4  }
0xaa: {  	[dreg:$0x3] =	wrdreg s6  }
0xab: {  	[dreg:$0x4] =	wrdreg $0xC0  }
0xac: {  	_ =	task [dreg:s8], $0x5FFFF  }
0xad: {  	[dreg:$0x1] =	wrdreg $0xFFFFFFFF  }
0xae: {  	[dreg:$0x0] =	wrdreg $0x60  }
0xaf: {  	[dreg:$0x2] =	wrdreg s24  }
0xb0: {  	[dreg:$0x3] =	wrdreg s2  }
0xb1: {  	[dreg:$0x4] =	wrdreg s18  }
0xb2: {  	[dreg:$0x5] =	wrdreg $0x9  }
0xb3: {  	_ =	task.clear_ibuf [dreg:s8], $0x6FFFF;
	_ =	strace $0x90000046  }
0xb4: {  	s29 =	simm.s32 $0x9;
	_ =	strace $0x80000048  }
0xb5: {  	_ =	swait.ge [sflag:s29], $0x1  }
0xb6: {  	[sflag:s29] =	ssyncadd.s32 $0xFFFFFFFF  }
0xb7: {  	_ =	strace $0x90000048  }
0xb8: {  	_ =	sfence  }
0xb9: {  	s30 =	sld [smem:$0x0];
	_ =	sdelay $0x2  }
0xba: {  	s31 =	sshll.u32 s1, $0xD;
	s1 =	sshrl.u32 s1, $0x2  }
0xbb: {  	s3 =	sand.u32 $0x4000, s31;
	s1 =	sadd.s32 s1, s30  }
0xbc: {  	s0 =	sor.u32 s3, s0;
	s1 =	sshll.u32 s1, $0x11  }
0xbd: {  	s0 =	sor.u32 s1, s0  }
0xbe: {  	s0 =	sadd.s32 $0x8F2B, s0  }
0xbf: {  	[sflag:s0] =	ssyncadd.remote.s32 $0x1  }
0xc0: {  	_ =	sfence.sel $0xFFFF  }
0xc1: {  	[dreg:$0x0] =	wrdreg $0xFFFFFFFF;
	(pc) =	sbr.abs _section_cstart, $3  }
0xc2: {  	[dreg:$0x1] =	wrdreg $0xFFFFFFFF  }
0xc3: {  	_ =	task.clear_ibuf [dreg:s8], $0x2FFFF;
	_ =	strace $0x9FFFFFFF  }
0xc4: {  	(tm) =	ssettm $0x7FFFFFFF  }
0xc5: {  	_ =	shalt  }
tec
execute0_lowered:
.L_overlay_start_1:
0x0: {  	(tag) =	ssettag $0x1  }
0x1: {  	s0 =	rddreg [dreg:$0x0]  }
0x2: {  	s2 =	rddreg [dreg:$0x2];
	s4 =	simm.s32 $0x0;
	s1 =	srdreg.scid  }
0x3: {  	s3 =	stileid.u32;
	s7 =	simm.s32 $0x19;
	s19 =	simm.s32 $0x5  }
0x4: {  	s20 =	simm.s32 $0x80;
	s21 =	simm.s32 $0x186A0;
	s22 =	simm.s32 $0x480  }
0x5: {  	s25 =	simm.s32 $0x1;
	s28 =	simm.s32 $0x13200;
	s30 =	simm.s32 $0x3  }
0x6: {  	s29 =	simm.s32 $0x0;
	[smem:$0x7FF] =	sst s4;
	s1 =	sand.u32 $0x1, s1  }
0x7: {  	s3 =	sshll.u32 s3, $0x1;
	s5 =	sadd.s32 $0x1BC00, s0;
	s6 =	sadd.s32 $0x400, s0  }
0x8: {  	s13 =	sadd.s32 $0x18680, s2;
	s14 =	sadd.s32 $0x30D80, s2;
	s15 =	sadd.s32 $0x49480, s2  }
0x9: {  	s16 =	sadd.s32 $0x61B80, s2;
	_ =	strace $0x80000047;
	s3 =	sor.u32 s1, s3  }
0xa: {  	s1 =	ssub.s32 $0x2, s1;
	s8 =	smul.u32 $0x18, s3;
	p0 =	slt.u32 s3, $0xD  }
.Ltmp0:
0xb: {  	s9 =	smin.u32 s3, $0xD;
	s10 =	sshrl.u32 s1, $0x1;
	(pc) =	sbr.rel .LBB2_1-.Ltmp0, $4  }
0xc: {  	v0 =	vlaneseq.u32;
	s7 =	simm.s32 @!p0 $0x18;
	s1 =	ssub.s32 s1, s10;
	p0 =	sne.s32 s3, $0x1F  }
0xd: {  	v0 =	vmul.u32 $0x88, v0;
	s8 =	sadd.s32 s9, s8;
	s11 =	sand.u32 $0x1, s7;
	s17 =	smax.u32 s1, $0x1  }
0xe: {  	s9 =	sshll.u32 s8, $0x4;
	s12 =	sxor.u32 $0x1, s11;
	s10 =	sadd.s32 $0x3, s11  }
0xf: {  	v1 =	vadd.s32 $0x880, v0;
	s9 =	sadd.s32 s6, s9;
	s11 =	sadd.s32 $0x3, s12;
	s12 =	sadd.s32 $0x34D0, s0  }
.LBB2_11:
0x10: {  	s29 =	sadd.s32 $0x1, s29  }
0x11: {  	p1 =	sne.s32 s29, s17  }
.Ltmp1:
0x12: {  	_ = 	snop;
	(pc) =	sbr.rel @!p1 .LBB2_12-.Ltmp1, $1  }
0x13: {  	_ =	sdelay $0x3  }
.LBB2_1:
0x14: {  	s0 =	rddreg [dreg:$0x1];
	s1 =	simm.s32 $0x15400  }
0x15: {  	[tilespmem:s1], [sflag:$0x5] =	stream.linear.gather [hbm4b:s0+s4], $0x20, $0x38;
	[tilespmem:$0x15420] =	vst v63  }
0x16: {  	_ =	swait.ge [sflag:s19], $0x20  }
0x17: {  	[sflag:s19] =	ssyncset.done $0x0  }
0x18: {  	[sflag:s19] =	ssyncadd.s32 $0xFFFFFFE0  }
0x19: {  	v3 =	vld [tilespmem:$0x15400]  }
0x1a: {  	v2 =	vld [tilespmem:$0x15410];
	[tilespmem:s4], [sflag:$0x5] =	stream.strided.gather [hbm4b:s9+s20], $0x480, s21, s20, $0x38  }
0x1b: {  	_ =	swait.ge [sflag:s19], $0x480  }
0x1c: {  	[sflag:s19] =	ssyncset.done $0x0  }
0x1d: {  	[sflag:s19] =	ssyncadd.s32 $0xFFFFFB80  }
0x1e: {  	v4 =	vld [tilespmem:$0x0]  }
0x1f: {  	v5 =	vld [tilespmem:$0x10]  }
0x20: {  	v6 =	vld [tilespmem:$0x20]  }
0x21: {  	v7 =	vld [tilespmem:$0x30]  }
0x22: {  	v8 =	vld [tilespmem:$0x40]  }
0x23: {  	v9 =	vld [tilespmem:$0x50]  }
0x24: {  	v10 =	vld [tilespmem:$0x60];
	v4 =	vshll.u32 v4, $0x2  }
0x25: {  	v52 =	vld [tilespmem:$0x80];
	[tilespmem:$0x900] =	vst v4;
	v4 =	vshll.u32 v5, $0x2  }
0x26: {  	v5 =	vld [tilespmem:$0x70];
	[tilespmem:$0x910] =	vst v4;
	v4 =	vshll.u32 v6, $0x2  }
0x27: {  	v53 =	vld [tilespmem:$0x90];
	[tilespmem:$0x920] =	vst v4;
	v4 =	vshll.u32 v7, $0x2  }
0x28: {  	v54 =	vld [tilespmem:$0xA0];
	[tilespmem:$0x930] =	vst v4;
	v4 =	vshll.u32 v8, $0x2  }
0x29: {  	v55 =	vld [tilespmem:$0xB0];
	[tilespmem:$0x940] =	vst v4;
	v4 =	vshll.u32 v9, $0x2  }
0x2a: {  	v56 =	vld [tilespmem:$0xC0];
	[tilespmem:$0x950] =	vst v4;
	v4 =	vshll.u32 v10, $0x2  }
0x2b: {  	v57 =	vld [tilespmem:$0xD0];
	[tilespmem:$0x960] =	vst v4;
	v4 =	vshll.u32 v5, $0x2;
	v5 =	vshll.u32 v52, $0x2  }
0x2c: {  	v58 =	vld [tilespmem:$0xE0];
	[tilespmem:$0x970] =	vst v4;
	v4 =	vor.u32 $0x1, v5;
	v5 =	vshll.u32 v53, $0x2  }
0x2d: {  	v59 =	vld [tilespmem:$0xF0];
	[tilespmem:$0x980] =	vst v4;
	v4 =	vor.u32 $0x1, v5;
	v5 =	vshll.u32 v54, $0x2  }
0x2e: {  	v60 =	vld [tilespmem:$0x100];
	[tilespmem:$0x990] =	vst v4;
	v4 =	vor.u32 $0x1, v5;
	v5 =	vshll.u32 v55, $0x2  }
0x2f: {  	v61 =	vld [tilespmem:$0x110];
	[tilespmem:$0x9A0] =	vst v4;
	v4 =	vor.u32 $0x1, v5;
	v5 =	vshll.u32 v56, $0x2  }
0x30: {  	v62 =	vld [tilespmem:$0x120];
	[tilespmem:$0x9B0] =	vst v4;
	v4 =	vor.u32 $0x1, v5;
	v5 =	vshll.u32 v57, $0x2  }
0x31: {  	v63 =	vld [tilespmem:$0x130];
	[tilespmem:$0x9C0] =	vst v4;
	v4 =	vor.u32 $0x1, v5;
	v5 =	vshll.u32 v58, $0x2  }
0x32: {  	v12 =	vld [tilespmem:$0x140];
	[tilespmem:$0x9D0] =	vst v4;
	v4 =	vor.u32 $0x1, v5;
	v5 =	vshll.u32 v59, $0x2  }
0x33: {  	v13 =	vld [tilespmem:$0x150];
	[tilespmem:$0x9E0] =	vst v4;
	v4 =	vor.u32 $0x1, v5;
	v5 =	vshll.u32 v60, $0x2  }
0x34: {  	v14 =	vld [tilespmem:$0x160];
	[tilespmem:$0x9F0] =	vst v4;
	v4 =	vor.u32 $0x2, v5;
	v5 =	vshll.u32 v61, $0x2  }
0x35: {  	v15 =	vld [tilespmem:$0x170];
	[tilespmem:$0xA00] =	vst v4;
	v4 =	vor.u32 $0x2, v5;
	v5 =	vshll.u32 v62, $0x2  }
0x36: {  	v16 =	vld [tilespmem:$0x180];
	[tilespmem:$0xA10] =	vst v4;
	v4 =	vor.u32 $0x2, v5;
	v5 =	vshll.u32 v63, $0x2  }
0x37: {  	v17 =	vld [tilespmem:$0x190];
	[tilespmem:$0xA20] =	vst v4;
	v4 =	vor.u32 $0x2, v5;
	v5 =	vshll.u32 v12, $0x2  }
0x38: {  	v18 =	vld [tilespmem:$0x1A0];
	[tilespmem:$0xA30] =	vst v4;
	v4 =	vor.u32 $0x2, v5;
	v5 =	vshll.u32 v13, $0x2  }
0x39: {  	v19 =	vld [tilespmem:$0x1B0];
	[tilespmem:$0xA40] =	vst v4;
	v4 =	vor.u32 $0x2, v5;
	v5 =	vshll.u32 v14, $0x2  }
0x3a: {  	v20 =	vld [tilespmem:$0x1C0];
	[tilespmem:$0xA50] =	vst v4;
	v4 =	vor.u32 $0x2, v5;
	v5 =	vshll.u32 v15, $0x2  }
0x3b: {  	v21 =	vld [tilespmem:$0x1D0];
	[tilespmem:$0xA60] =	vst v4;
	v4 =	vor.u32 $0x2, v5;
	v5 =	vshll.u32 v16, $0x2  }
0x3c: {  	v22 =	vld [tilespmem:$0x1E0];
	[tilespmem:$0xA70] =	vst v4;
	v4 =	vor.u32 $0x3, v5;
	v5 =	vshll.u32 v17, $0x2  }
0x3d: {  	v23 =	vld [tilespmem:$0x1F0];
	[tilespmem:$0xA80] =	vst v4;
	v4 =	vor.u32 $0x3, v5;
	v5 =	vshll.u32 v18, $0x2  }
0x3e: {  	v24 =	vld [tilespmem:$0x200];
	[tilespmem:$0xA90] =	vst v4;
	v4 =	vor.u32 $0x3, v5;
	v5 =	vshll.u32 v19, $0x2  }
0x3f: {  	v25 =	vld [tilespmem:$0x210];
	[tilespmem:$0xAA0] =	vst v4;
	v4 =	vor.u32 $0x3, v5;
	v5 =	vshll.u32 v20, $0x2  }
0x40: {  	v26 =	vld [tilespmem:$0x220];
	[tilespmem:$0xAB0] =	vst v4;
	v4 =	vor.u32 $0x3, v5;
	v5 =	vshll.u32 v21, $0x2  }
0x41: {  	v27 =	vld [tilespmem:$0x230];
	[tilespmem:$0xAC0] =	vst v4;
	v4 =	vor.u32 $0x3, v5;
	v5 =	vshll.u32 v22, $0x2  }
0x42: {  	v28 =	vld [tilespmem:$0x240];
	[tilespmem:$0xAD0] =	vst v4;
	v4 =	vor.u32 $0x3, v5;
	v5 =	vshll.u32 v23, $0x2  }
0x43: {  	v29 =	vld [tilespmem:$0x250];
	[tilespmem:$0xAE0] =	vst v4;
	v4 =	vor.u32 $0x3, v5;
	v5 =	vshll.u32 v24, $0x2  }
0x44: {  	v30 =	vld [tilespmem:$0x260];
	[tilespmem:$0xAF0] =	vst v4;
	v4 =	vadd.s32 $0x61A80, v5;
	v5 =	vshll.u32 v25, $0x2  }
0x45: {  	v31 =	vld [tilespmem:$0x270];
	[tilespmem:$0xB00] =	vst v4;
	v4 =	vadd.s32 $0x61A80, v5;
	v5 =	vshll.u32 v26, $0x2  }
0x46: {  	v32 =	vld [tilespmem:$0x280];
	[tilespmem:$0xB10] =	vst v4;
	v4 =	vadd.s32 $0x61A80, v5;
	v5 =	vshll.u32 v27, $0x2  }
0x47: {  	v33 =	vld [tilespmem:$0x290];
	[tilespmem:$0xB20] =	vst v4;
	v4 =	vadd.s32 $0x61A80, v5;
	v5 =	vshll.u32 v28, $0x2  }
0x48: {  	v34 =	vld [tilespmem:$0x2A0];
	[tilespmem:$0xB30] =	vst v4;
	v4 =	vadd.s32 $0x61A80, v5;
	v5 =	vshll.u32 v29, $0x2  }
0x49: {  	v35 =	vld [tilespmem:$0x2B0];
	[tilespmem:$0xB40] =	vst v4;
	v4 =	vadd.s32 $0x61A80, v5;
	v5 =	vshll.u32 v30, $0x2  }
0x4a: {  	v36 =	vld [tilespmem:$0x2C0];
	[tilespmem:$0xB50] =	vst v4;
	v4 =	vadd.s32 $0x61A80, v5;
	v5 =	vshll.u32 v31, $0x2  }
0x4b: {  	v37 =	vld [tilespmem:$0x2D0];
	[tilespmem:$0xB60] =	vst v4;
	v4 =	vadd.s32 $0x61A80, v5;
	v5 =	vshll.u32 v32, $0x2  }
0x4c: {  	v38 =	vld [tilespmem:$0x2E0];
	[tilespmem:$0xB70] =	vst v4;
	v4 =	vadd.s32 $0x61A81, v5;
	v5 =	vshll.u32 v33, $0x2  }
0x4d: {  	v39 =	vld [tilespmem:$0x2F0];
	[tilespmem:$0xB80] =	vst v4;
	v4 =	vadd.s32 $0x61A81, v5;
	v5 =	vshll.u32 v34, $0x2  }
0x4e: {  	v40 =	vld [tilespmem:$0x300];
	[tilespmem:$0xB90] =	vst v4;
	v4 =	vadd.s32 $0x61A81, v5;
	v5 =	vshll.u32 v35, $0x2  }
0x4f: {  	v41 =	vld [tilespmem:$0x310];
	[tilespmem:$0xBA0] =	vst v4;
	v4 =	vadd.s32 $0x61A81, v5;
	v5 =	vshll.u32 v36, $0x2  }
0x50: {  	v42 =	vld [tilespmem:$0x320];
	[tilespmem:$0xBB0] =	vst v4;
	v4 =	vadd.s32 $0x61A81, v5;
	v5 =	vshll.u32 v37, $0x2  }
0x51: {  	v43 =	vld [tilespmem:$0x330];
	[tilespmem:$0xBC0] =	vst v4;
	v4 =	vadd.s32 $0x61A81, v5;
	v5 =	vshll.u32 v38, $0x2  }
0x52: {  	v44 =	vld [tilespmem:$0x340];
	[tilespmem:$0xBD0] =	vst v4;
	v4 =	vadd.s32 $0x61A81, v5;
	v5 =	vshll.u32 v39, $0x2  }
0x53: {  	v45 =	vld [tilespmem:$0x350];
	[tilespmem:$0xBE0] =	vst v4;
	v4 =	vadd.s32 $0x61A81, v5;
	v5 =	vshll.u32 v40, $0x2  }
0x54: {  	v46 =	vld [tilespmem:$0x360];
	[tilespmem:$0xBF0] =	vst v4;
	v4 =	vadd.s32 $0x61A82, v5;
	v5 =	vshll.u32 v41, $0x2  }
0x55: {  	v47 =	vld [tilespmem:$0x370];
	[tilespmem:$0xC00] =	vst v4;
	v4 =	vadd.s32 $0x61A82, v5;
	v5 =	vshll.u32 v42, $0x2  }
0x56: {  	v48 =	vld [tilespmem:$0x380];
	[tilespmem:$0xC10] =	vst v4;
	v4 =	vadd.s32 $0x61A82, v5;
	v5 =	vshll.u32 v43, $0x2  }
0x57: {  	v49 =	vld [tilespmem:$0x390];
	[tilespmem:$0xC20] =	vst v4;
	v4 =	vadd.s32 $0x61A82, v5;
	v5 =	vshll.u32 v44, $0x2  }
0x58: {  	v50 =	vld [tilespmem:$0x3A0];
	[tilespmem:$0xC30] =	vst v4;
	v4 =	vadd.s32 $0x61A82, v5;
	v5 =	vshll.u32 v45, $0x2  }
0x59: {  	v51 =	vld [tilespmem:$0x3B0];
	[tilespmem:$0xC40] =	vst v4;
	v4 =	vadd.s32 $0x61A82, v5;
	v5 =	vshll.u32 v46, $0x2  }
0x5a: {  	v52 =	vld [tilespmem:$0x3C0];
	[tilespmem:$0xC50] =	vst v4;
	v4 =	vadd.s32 $0x61A82, v5;
	v5 =	vshll.u32 v47, $0x2  }
0x5b: {  	v53 =	vld [tilespmem:$0x3D0];
	[tilespmem:$0xC60] =	vst v4;
	v4 =	vadd.s32 $0x61A82, v5;
	v5 =	vshll.u32 v48, $0x2  }
0x5c: {  	v54 =	vld [tilespmem:$0x3E0];
	[tilespmem:$0xC70] =	vst v4;
	v4 =	vadd.s32 $0x61A83, v5;
	v5 =	vshll.u32 v49, $0x2  }
0x5d: {  	v55 =	vld [tilespmem:$0x3F0];
	[tilespmem:$0xC80] =	vst v4;
	v4 =	vadd.s32 $0x61A83, v5;
	v5 =	vshll.u32 v50, $0x2  }
0x5e: {  	v56 =	vld [tilespmem:$0x400];
	[tilespmem:$0xC90] =	vst v4;
	v4 =	vadd.s32 $0x61A83, v5;
	v5 =	vshll.u32 v51, $0x2  }
0x5f: {  	v57 =	vld [tilespmem:$0x410];
	[tilespmem:$0xCA0] =	vst v4;
	v4 =	vadd.s32 $0x61A83, v5;
	v5 =	vshll.u32 v52, $0x2  }
0x60: {  	v58 =	vld [tilespmem:$0x420];
	[tilespmem:$0xCB0] =	vst v4;
	v4 =	vadd.s32 $0x61A83, v5;
	v5 =	vshll.u32 v53, $0x2  }
0x61: {  	v59 =	vld [tilespmem:$0x430];
	[tilespmem:$0xCC0] =	vst v4;
	v4 =	vadd.s32 $0x61A83, v5;
	v5 =	vshll.u32 v54, $0x2  }
0x62: {  	v60 =	vld [tilespmem:$0x440];
	[tilespmem:$0xCD0] =	vst v4;
	v4 =	vadd.s32 $0x61A83, v5;
	v5 =	vshll.u32 v55, $0x2  }
0x63: {  	v61 =	vld [tilespmem:$0x450];
	[tilespmem:$0xCE0] =	vst v4;
	v4 =	vadd.s32 $0x61A83, v5;
	v5 =	vshll.u32 v56, $0x2  }
0x64: {  	v62 =	vld [tilespmem:$0x460];
	[tilespmem:$0xCF0] =	vst v4;
	v4 =	vadd.s32 $0xC3500, v5;
	v5 =	vshll.u32 v57, $0x2  }
0x65: {  	v63 =	vld [tilespmem:$0x470];
	[tilespmem:$0xD00] =	vst v4;
	v4 =	vadd.s32 $0xC3500, v5;
	v5 =	vshll.u32 v58, $0x2  }
0x66: {  	[tilespmem:$0xD10] =	vst v4;
	v4 =	vadd.s32 $0xC3500, v5;
	v5 =	vshll.u32 v59, $0x2  }
0x67: {  	[tilespmem:$0xD20] =	vst v4;
	v4 =	vadd.s32 $0xC3500, v5;
	v5 =	vshll.u32 v60, $0x2  }
0x68: {  	[tilespmem:$0xD30] =	vst v4;
	v4 =	vadd.s32 $0xC3500, v5;
	v5 =	vshll.u32 v61, $0x2  }
0x69: {  	[tilespmem:$0xD40] =	vst v4;
	v4 =	vadd.s32 $0xC3500, v5;
	v5 =	vshll.u32 v62, $0x2  }
0x6a: {  	[tilespmem:$0xD50] =	vst v4;
	v4 =	vadd.s32 $0xC3500, v5;
	v5 =	vshll.u32 v63, $0x2  }
0x6b: {  	s24 =	simm.s32 $0x900;
	[tilespmem:$0xD60] =	vst v4;
	v4 =	vadd.s32 $0xC3500, v5  }
0x6c: {  	s26 =	simm.s32 $0x1200;
	p1 =	por $0x0, $0x0;
	s31 =	simm.s32 $0x0;
	[tilespmem:$0xD70] =	vst v4  }
0x6d: {  	[tilespmem:s26], [sflag:$0x1] =	stream.indirect.gather [hbm4b:s5+s22], $0x20, s24, s22, $0xb8;
	[tilespmem:$0x15420] =	vst v63  }
.LBB2_2:
0x6e: {  	s0 =	sadd.s32 $0x1, s31  }
0x6f: {  	p2 =	sge.u32 s0, s7  }
.Ltmp2:
0x70: {  	_ = 	snop;
	(pc) =	sbr.rel @p2 .LBB2_4-.Ltmp2, $1  }
0x71: {  	_ =	sdelay $0x3  }
0x72: {  	s1 =	sadd.s32 s8, s0  }
0x73: {  	s3 =	sand.u32 $0x1, s0;
	s1 =	sshll.u32 s1, $0x4  }
0x74: {  	s26 =	smul.u32 $0x480, s3;
	s1 =	sand.u32 $0x1FFFFFF0, s1  }
0x75: {  	s1 =	sadd.s32 s6, s1  }
0x76: {  	[tilespmem:s26], [sflag:$0x5] =	stream.strided.gather [hbm4b:s1+s20], $0x480, s21, s20, $0x38;
	[tilespmem:$0x15420] =	vst v63  }
0x77: {  	_ =	swait.ge [sflag:s19], $0x480  }
0x78: {  	[sflag:s19] =	ssyncset.done $0x0  }
0x79: {  	[sflag:s19] =	ssyncadd.s32 $0xFFFFFB80  }
0x7a: {  	v4 =	vld [tilespmem:s26+$0x0]  }
0x7b: {  	v5 =	vld [tilespmem:s26+$0x10]  }
0x7c: {  	v6 =	vld [tilespmem:s26+$0x20]  }
0x7d: {  	v7 =	vld [tilespmem:s26+$0x30]  }
0x7e: {  	v8 =	vld [tilespmem:s26+$0x40]  }
0x7f: {  	v9 =	vld [tilespmem:s26+$0x50]  }
0x80: {  	v10 =	vld [tilespmem:s26+$0x60];
	v4 =	vshll.u32 v4, $0x2  }
0x81: {  	v52 =	vld [tilespmem:s26+$0x80];
	[tilespmem:s26+$0x900] =	vst v4;
	v4 =	vshll.u32 v5, $0x2  }
0x82: {  	v5 =	vld [tilespmem:s26+$0x70];
	[tilespmem:s26+$0x910] =	vst v4;
	v4 =	vshll.u32 v6, $0x2  }
0x83: {  	v53 =	vld [tilespmem:s26+$0x90];
	[tilespmem:s26+$0x920] =	vst v4;
	v4 =	vshll.u32 v7, $0x2  }
0x84: {  	v54 =	vld [tilespmem:s26+$0xA0];
	[tilespmem:s26+$0x930] =	vst v4;
	v4 =	vshll.u32 v8, $0x2  }
0x85: {  	v55 =	vld [tilespmem:s26+$0xB0];
	[tilespmem:s26+$0x940] =	vst v4;
	v4 =	vshll.u32 v9, $0x2  }
0x86: {  	v56 =	vld [tilespmem:s26+$0xC0];
	[tilespmem:s26+$0x950] =	vst v4;
	v4 =	vshll.u32 v10, $0x2  }
0x87: {  	v57 =	vld [tilespmem:s26+$0xD0];
	[tilespmem:s26+$0x960] =	vst v4;
	v4 =	vshll.u32 v5, $0x2;
	v5 =	vshll.u32 v52, $0x2  }
0x88: {  	v58 =	vld [tilespmem:s26+$0xE0];
	[tilespmem:s26+$0x970] =	vst v4;
	v4 =	vor.u32 $0x1, v5;
	v5 =	vshll.u32 v53, $0x2  }
0x89: {  	v59 =	vld [tilespmem:s26+$0xF0];
	[tilespmem:s26+$0x980] =	vst v4;
	v4 =	vor.u32 $0x1, v5;
	v5 =	vshll.u32 v54, $0x2  }
0x8a: {  	v60 =	vld [tilespmem:s26+$0x100];
	[tilespmem:s26+$0x990] =	vst v4;
	v4 =	vor.u32 $0x1, v5;
	v5 =	vshll.u32 v55, $0x2  }
0x8b: {  	v61 =	vld [tilespmem:s26+$0x110];
	[tilespmem:s26+$0x9A0] =	vst v4;
	v4 =	vor.u32 $0x1, v5;
	v5 =	vshll.u32 v56, $0x2  }
0x8c: {  	v62 =	vld [tilespmem:s26+$0x120];
	[tilespmem:s26+$0x9B0] =	vst v4;
	v4 =	vor.u32 $0x1, v5;
	v5 =	vshll.u32 v57, $0x2  }
0x8d: {  	v63 =	vld [tilespmem:s26+$0x130];
	[tilespmem:s26+$0x9C0] =	vst v4;
	v4 =	vor.u32 $0x1, v5;
	v5 =	vshll.u32 v58, $0x2  }
0x8e: {  	v12 =	vld [tilespmem:s26+$0x140];
	[tilespmem:s26+$0x9D0] =	vst v4;
	v4 =	vor.u32 $0x1, v5;
	v5 =	vshll.u32 v59, $0x2  }
0x8f: {  	v13 =	vld [tilespmem:s26+$0x150];
	[tilespmem:s26+$0x9E0] =	vst v4;
	v4 =	vor.u32 $0x1, v5;
	v5 =	vshll.u32 v60, $0x2  }
0x90: {  	v14 =	vld [tilespmem:s26+$0x160];
	[tilespmem:s26+$0x9F0] =	vst v4;
	v4 =	vor.u32 $0x2, v5;
	v5 =	vshll.u32 v61, $0x2  }
0x91: {  	v15 =	vld [tilespmem:s26+$0x170];
	[tilespmem:s26+$0xA00] =	vst v4;
	v4 =	vor.u32 $0x2, v5;
	v5 =	vshll.u32 v62, $0x2  }
0x92: {  	v16 =	vld [tilespmem:s26+$0x180];
	[tilespmem:s26+$0xA10] =	vst v4;
	v4 =	vor.u32 $0x2, v5;
	v5 =	vshll.u32 v63, $0x2  }
0x93: {  	v17 =	vld [tilespmem:s26+$0x190];
	[tilespmem:s26+$0xA20] =	vst v4;
	v4 =	vor.u32 $0x2, v5;
	v5 =	vshll.u32 v12, $0x2  }
0x94: {  	v18 =	vld [tilespmem:s26+$0x1A0];
	[tilespmem:s26+$0xA30] =	vst v4;
	v4 =	vor.u32 $0x2, v5;
	v5 =	vshll.u32 v13, $0x2  }
0x95: {  	v19 =	vld [tilespmem:s26+$0x1B0];
	[tilespmem:s26+$0xA40] =	vst v4;
	v4 =	vor.u32 $0x2, v5;
	v5 =	vshll.u32 v14, $0x2  }
0x96: {  	v20 =	vld [tilespmem:s26+$0x1C0];
	[tilespmem:s26+$0xA50] =	vst v4;
	v4 =	vor.u32 $0x2, v5;
	v5 =	vshll.u32 v15, $0x2  }
0x97: {  	v21 =	vld [tilespmem:s26+$0x1D0];
	[tilespmem:s26+$0xA60] =	vst v4;
	v4 =	vor.u32 $0x2, v5;
	v5 =	vshll.u32 v16, $0x2  }
0x98: {  	v22 =	vld [tilespmem:s26+$0x1E0];
	[tilespmem:s26+$0xA70] =	vst v4;
	v4 =	vor.u32 $0x3, v5;
	v5 =	vshll.u32 v17, $0x2  }
0x99: {  	v23 =	vld [tilespmem:s26+$0x1F0];
	[tilespmem:s26+$0xA80] =	vst v4;
	v4 =	vor.u32 $0x3, v5;
	v5 =	vshll.u32 v18, $0x2  }
0x9a: {  	v24 =	vld [tilespmem:s26+$0x200];
	[tilespmem:s26+$0xA90] =	vst v4;
	v4 =	vor.u32 $0x3, v5;
	v5 =	vshll.u32 v19, $0x2  }
0x9b: {  	v25 =	vld [tilespmem:s26+$0x210];
	[tilespmem:s26+$0xAA0] =	vst v4;
	v4 =	vor.u32 $0x3, v5;
	v5 =	vshll.u32 v20, $0x2  }
0x9c: {  	v26 =	vld [tilespmem:s26+$0x220];
	[tilespmem:s26+$0xAB0] =	vst v4;
	v4 =	vor.u32 $0x3, v5;
	v5 =	vshll.u32 v21, $0x2  }
0x9d: {  	v27 =	vld [tilespmem:s26+$0x230];
	[tilespmem:s26+$0xAC0] =	vst v4;
	v4 =	vor.u32 $0x3, v5;
	v5 =	vshll.u32 v22, $0x2  }
0x9e: {  	v28 =	vld [tilespmem:s26+$0x240];
	[tilespmem:s26+$0xAD0] =	vst v4;
	v4 =	vor.u32 $0x3, v5;
	v5 =	vshll.u32 v23, $0x2  }
0x9f: {  	v29 =	vld [tilespmem:s26+$0x250];
	[tilespmem:s26+$0xAE0] =	vst v4;
	v4 =	vor.u32 $0x3, v5;
	v5 =	vshll.u32 v24, $0x2  }
0xa0: {  	v30 =	vld [tilespmem:s26+$0x260];
	[tilespmem:s26+$0xAF0] =	vst v4;
	v4 =	vadd.s32 $0x61A80, v5;
	v5 =	vshll.u32 v25, $0x2  }
0xa1: {  	v31 =	vld [tilespmem:s26+$0x270];
	[tilespmem:s26+$0xB00] =	vst v4;
	v4 =	vadd.s32 $0x61A80, v5;
	v5 =	vshll.u32 v26, $0x2  }
0xa2: {  	v32 =	vld [tilespmem:s26+$0x280];
	[tilespmem:s26+$0xB10] =	vst v4;
	v4 =	vadd.s32 $0x61A80, v5;
	v5 =	vshll.u32 v27, $0x2  }
0xa3: {  	v33 =	vld [tilespmem:s26+$0x290];
	[tilespmem:s26+$0xB20] =	vst v4;
	v4 =	vadd.s32 $0x61A80, v5;
	v5 =	vshll.u32 v28, $0x2  }
0xa4: {  	v34 =	vld [tilespmem:s26+$0x2A0];
	[tilespmem:s26+$0xB30] =	vst v4;
	v4 =	vadd.s32 $0x61A80, v5;
	v5 =	vshll.u32 v29, $0x2  }
0xa5: {  	v35 =	vld [tilespmem:s26+$0x2B0];
	[tilespmem:s26+$0xB40] =	vst v4;
	v4 =	vadd.s32 $0x61A80, v5;
	v5 =	vshll.u32 v30, $0x2  }
0xa6: {  	v36 =	vld [tilespmem:s26+$0x2C0];
	[tilespmem:s26+$0xB50] =	vst v4;
	v4 =	vadd.s32 $0x61A80, v5;
	v5 =	vshll.u32 v31, $0x2  }
0xa7: {  	v37 =	vld [tilespmem:s26+$0x2D0];
	[tilespmem:s26+$0xB60] =	vst v4;
	v4 =	vadd.s32 $0x61A80, v5;
	v5 =	vshll.u32 v32, $0x2  }
0xa8: {  	v38 =	vld [tilespmem:s26+$0x2E0];
	[tilespmem:s26+$0xB70] =	vst v4;
	v4 =	vadd.s32 $0x61A81, v5;
	v5 =	vshll.u32 v33, $0x2  }
0xa9: {  	v39 =	vld [tilespmem:s26+$0x2F0];
	[tilespmem:s26+$0xB80] =	vst v4;
	v4 =	vadd.s32 $0x61A81, v5;
	v5 =	vshll.u32 v34, $0x2  }
0xaa: {  	v40 =	vld [tilespmem:s26+$0x300];
	[tilespmem:s26+$0xB90] =	vst v4;
	v4 =	vadd.s32 $0x61A81, v5;
	v5 =	vshll.u32 v35, $0x2  }
0xab: {  	v41 =	vld [tilespmem:s26+$0x310];
	[tilespmem:s26+$0xBA0] =	vst v4;
	v4 =	vadd.s32 $0x61A81, v5;
	v5 =	vshll.u32 v36, $0x2  }
0xac: {  	v42 =	vld [tilespmem:s26+$0x320];
	[tilespmem:s26+$0xBB0] =	vst v4;
	v4 =	vadd.s32 $0x61A81, v5;
	v5 =	vshll.u32 v37, $0x2  }
0xad: {  	v43 =	vld [tilespmem:s26+$0x330];
	[tilespmem:s26+$0xBC0] =	vst v4;
	v4 =	vadd.s32 $0x61A81, v5;
	v5 =	vshll.u32 v38, $0x2  }
0xae: {  	v44 =	vld [tilespmem:s26+$0x340];
	[tilespmem:s26+$0xBD0] =	vst v4;
	v4 =	vadd.s32 $0x61A81, v5;
	v5 =	vshll.u32 v39, $0x2  }
0xaf: {  	v45 =	vld [tilespmem:s26+$0x350];
	[tilespmem:s26+$0xBE0] =	vst v4;
	v4 =	vadd.s32 $0x61A81, v5;
	v5 =	vshll.u32 v40, $0x2  }
0xb0: {  	v46 =	vld [tilespmem:s26+$0x360];
	[tilespmem:s26+$0xBF0] =	vst v4;
	v4 =	vadd.s32 $0x61A82, v5;
	v5 =	vshll.u32 v41, $0x2  }
0xb1: {  	v47 =	vld [tilespmem:s26+$0x370];
	[tilespmem:s26+$0xC00] =	vst v4;
	v4 =	vadd.s32 $0x61A82, v5;
	v5 =	vshll.u32 v42, $0x2  }
0xb2: {  	v48 =	vld [tilespmem:s26+$0x380];
	[tilespmem:s26+$0xC10] =	vst v4;
	v4 =	vadd.s32 $0x61A82, v5;
	v5 =	vshll.u32 v43, $0x2  }
0xb3: {  	v49 =	vld [tilespmem:s26+$0x390];
	[tilespmem:s26+$0xC20] =	vst v4;
	v4 =	vadd.s32 $0x61A82, v5;
	v5 =	vshll.u32 v44, $0x2  }
0xb4: {  	v50 =	vld [tilespmem:s26+$0x3A0];
	[tilespmem:s26+$0xC30] =	vst v4;
	v4 =	vadd.s32 $0x61A82, v5;
	v5 =	vshll.u32 v45, $0x2  }
0xb5: {  	v51 =	vld [tilespmem:s26+$0x3B0];
	[tilespmem:s26+$0xC40] =	vst v4;
	v4 =	vadd.s32 $0x61A82, v5;
	v5 =	vshll.u32 v46, $0x2  }
0xb6: {  	v52 =	vld [tilespmem:s26+$0x3C0];
	[tilespmem:s26+$0xC50] =	vst v4;
	v4 =	vadd.s32 $0x61A82, v5;
	v5 =	vshll.u32 v47, $0x2  }
0xb7: {  	v53 =	vld [tilespmem:s26+$0x3D0];
	[tilespmem:s26+$0xC60] =	vst v4;
	v4 =	vadd.s32 $0x61A82, v5;
	v5 =	vshll.u32 v48, $0x2  }
0xb8: {  	v54 =	vld [tilespmem:s26+$0x3E0];
	[tilespmem:s26+$0xC70] =	vst v4;
	v4 =	vadd.s32 $0x61A83, v5;
	v5 =	vshll.u32 v49, $0x2  }
0xb9: {  	v55 =	vld [tilespmem:s26+$0x3F0];
	[tilespmem:s26+$0xC80] =	vst v4;
	v4 =	vadd.s32 $0x61A83, v5;
	v5 =	vshll.u32 v50, $0x2  }
0xba: {  	v56 =	vld [tilespmem:s26+$0x400];
	[tilespmem:s26+$0xC90] =	vst v4;
	v4 =	vadd.s32 $0x61A83, v5;
	v5 =	vshll.u32 v51, $0x2  }
0xbb: {  	v57 =	vld [tilespmem:s26+$0x410];
	[tilespmem:s26+$0xCA0] =	vst v4;
	v4 =	vadd.s32 $0x61A83, v5;
	v5 =	vshll.u32 v52, $0x2  }
0xbc: {  	v58 =	vld [tilespmem:s26+$0x420];
	[tilespmem:s26+$0xCB0] =	vst v4;
	v4 =	vadd.s32 $0x61A83, v5;
	v5 =	vshll.u32 v53, $0x2  }
0xbd: {  	v59 =	vld [tilespmem:s26+$0x430];
	[tilespmem:s26+$0xCC0] =	vst v4;
	v4 =	vadd.s32 $0x61A83, v5;
	v5 =	vshll.u32 v54, $0x2  }
0xbe: {  	v60 =	vld [tilespmem:s26+$0x440];
	[tilespmem:s26+$0xCD0] =	vst v4;
	v4 =	vadd.s32 $0x61A83, v5;
	v5 =	vshll.u32 v55, $0x2  }
0xbf: {  	v61 =	vld [tilespmem:s26+$0x450];
	[tilespmem:s26+$0xCE0] =	vst v4;
	v4 =	vadd.s32 $0x61A83, v5;
	v5 =	vshll.u32 v56, $0x2  }
0xc0: {  	v62 =	vld [tilespmem:s26+$0x460];
	[tilespmem:s26+$0xCF0] =	vst v4;
	v4 =	vadd.s32 $0xC3500, v5;
	v5 =	vshll.u32 v57, $0x2  }
0xc1: {  	v63 =	vld [tilespmem:s26+$0x470];
	[tilespmem:s26+$0xD00] =	vst v4;
	v4 =	vadd.s32 $0xC3500, v5;
	v5 =	vshll.u32 v58, $0x2  }
0xc2: {  	[tilespmem:s26+$0xD10] =	vst v4;
	v4 =	vadd.s32 $0xC3500, v5;
	v5 =	vshll.u32 v59, $0x2  }
0xc3: {  	[tilespmem:s26+$0xD20] =	vst v4;
	v4 =	vadd.s32 $0xC3500, v5;
	v5 =	vshll.u32 v60, $0x2  }
0xc4: {  	[tilespmem:s26+$0xD30] =	vst v4;
	v4 =	vadd.s32 $0xC3500, v5;
	v5 =	vshll.u32 v61, $0x2  }
0xc5: {  	s24 =	smul.u32 $0x24000, s3;
	[tilespmem:s26+$0xD40] =	vst v4;
	v4 =	vadd.s32 $0xC3500, v5;
	v5 =	vshll.u32 v62, $0x2  }
0xc6: {  	[tilespmem:s26+$0xD50] =	vst v4;
	v4 =	vadd.s32 $0xC3500, v5;
	v5 =	vshll.u32 v63, $0x2  }
0xc7: {  	s1 =	sshrl.u32 s24, $0x2;
	[tilespmem:s26+$0xD60] =	vst v4;
	v4 =	vadd.s32 $0xC3500, v5  }
0xc8: {  	s3 =	sadd.s32 $0x1, s3;
	s18 =	sadd.s32 $0x900, s26;
	s1 =	sadd.s32 $0x1200, s1;
	[tilespmem:s26+$0xD70] =	vst v4  }
0xc9: {  	[tilespmem:s1], [sflag:s3] =	stream.indirect.gather [hbm4b:s5+s22], $0x20, s18, s22, $0xb8;
	[tilespmem:$0x15420] =	vst v63  }
.LBB2_4:
0xca: {  	s26 =	sand.u32 $0x1, s31  }
0xcb: {  	s1 =	sadd.s32 $0x1, s26  }
0xcc: {  	_ =	swait.ge [sflag:s1], $0x9000  }
0xcd: {  	p2 =	slt.u32 s31, $0x2;
	[sflag:s1] =	ssyncset.done $0x0  }
0xce: {  	[sflag:s1] =	ssyncadd.s32 $0xFFFF7000;
	s1 =	sadd.s32 @!p2 $0x3, s26  }
0xcf: {  	_ =	swait.ge @!p2 [sflag:s1], $0x400  }
0xd0: {  	s3 =	simm.s32 $0x1;
	[sflag:s1] =	ssyncset.done @!p2 $0x0  }
0xd1: {  	s3 =	simm.s32 @!p1 $0x0;
	[sflag:s1] =	ssyncadd.s32 @!p2 $0xFFFFFC00  }
0xd2: {  	s3 =	smul.u32 $0x24000, s3;
	_ =	swait.ge @!p2 [sflag:s1], $0x400  }
0xd3: {  	[sflag:s1] =	ssyncset.done @!p2 $0x0  }
0xd4: {  	s3 =	sshrl.u32 s3, $0x2;
	[sflag:s1] =	ssyncadd.s32 @!p2 $0xFFFFFC00  }
0xd5: {  	s3 =	sadd.s32 $0x1200, s3;
	_ =	swait.ge @!p2 [sflag:s1], $0x400  }
0xd6: {  	v4 =	vmov s3;
	[sflag:s1] =	ssyncset.done @!p2 $0x0  }
0xd7: {  	[sflag:s1] =	ssyncadd.s32 @!p2 $0xFFFFFC00  }
0xd8: {  	_ =	swait.ge @!p2 [sflag:s1], $0x400  }
0xd9: {  	[sflag:s1] =	ssyncset.done @!p2 $0x0  }
0xda: {  	s23 =	simm.s32 $0x0;
	[sflag:s1] =	ssyncadd.s32 @!p2 $0xFFFFFC00  }
0xdb: {  	v5 =	vld.idx.msk [tilespmem:v4+s23+$0x0 ss:$0x1], $0xffff  }
0xdc: {  	v6 =	vld.idx.msk [tilespmem:v4+s23+$0x10 ss:$0x1], $0xffff  }
0xdd: {  	v7 =	vld.idx.msk [tilespmem:v4+s23+$0x1000 ss:$0x1], $0xffff  }
0xde: {  	v8 =	vld.idx.msk [tilespmem:v4+s23+$0x1010 ss:$0x1], $0xffff  }
0xdf: {  	v9 =	vld.idx.msk [tilespmem:v4+s23+$0x2000 ss:$0x1], $0xffff  }
0xe0: {  	v10 =	vld.idx.msk [tilespmem:v4+s23+$0x2010 ss:$0x1], $0xffff;
	v5 =	vadd.f32 v5, v3  }
0xe1: {  	v11 =	vld.idx.msk [tilespmem:v4+s23+$0x3000 ss:$0x1], $0xffff;
	v6 =	vadd.f32 v6, v2  }
0xe2: {  	v12 =	vld.idx.msk [tilespmem:v4+s23+$0x3010 ss:$0x1], $0xffff;
	v5 =	vadd.f32 v7, v5  }
0xe3: {  	v7 =	vld.idx.msk [tilespmem:v4+s23+$0x4000 ss:$0x1], $0xffff;
	v6 =	vadd.f32 v8, v6  }
0xe4: {  	v55 =	vld.idx.msk [tilespmem:v4+s23+$0x4010 ss:$0x1], $0xffff;
	v5 =	vadd.f32 v9, v5  }
0xe5: {  	v56 =	vld.idx.msk [tilespmem:v4+s23+$0x5000 ss:$0x1], $0xffff;
	v6 =	vadd.f32 v10, v6  }
0xe6: {  	v57 =	vld.idx.msk [tilespmem:v4+s23+$0x5010 ss:$0x1], $0xffff;
	v5 =	vadd.f32 v11, v5  }
0xe7: {  	v58 =	vld.idx.msk [tilespmem:v4+s23+$0x6000 ss:$0x1], $0xffff;
	v6 =	vadd.f32 v12, v6  }
0xe8: {  	v59 =	vld.idx.msk [tilespmem:v4+s23+$0x6010 ss:$0x1], $0xffff;
	v5 =	vadd.f32 v7, v5  }
0xe9: {  	v7 =	vld.idx.msk [tilespmem:v4+s23+$0x7000 ss:$0x1], $0xffff;
	v6 =	vadd.f32 v55, v6  }
0xea: {  	s18 =	simm.s32 $0x0;
	v60 =	vld.idx.msk [tilespmem:v4+s23+$0x7010 ss:$0x1], $0xffff;
	v5 =	vadd.f32 v56, v5  }
0xeb: {  	v62 =	vmov s18;
	v61 =	vld.idx.msk [tilespmem:v4+s23+$0x8000 ss:$0x1], $0xffff;
	v6 =	vadd.f32 v57, v6  }
0xec: {  	v13 =	vld.idx.msk [tilespmem:v4+s23+$0x8010 ss:$0x1], $0xffff;
	v10 =	vand.u32 $0x7F, v62;
	v5 =	vadd.f32 v58, v5  }
0xed: {  	v63 =	vadd.s32 v0, v10;
	v6 =	vadd.f32 v59, v6  }
0xee: {  	s24 =	smul.u32 $0x4400, s26;
	v5 =	vadd.f32 v7, v5;
	v7 =	vadd.s32 v1, v10  }
0xef: {  	v6 =	vadd.f32 v60, v6  }
0xf0: {  	s3 =	sshrl.u32 s24, $0x2;
	v5 =	vadd.f32 v61, v5  }
0xf1: {  	s1 =	sadd.s32 $0x13200, s3;
	v6 =	vadd.f32 v13, v6  }
0xf2: {  	[tilespmem:v63+s1+$0x0] =	vst.idx.msk $0xffff, v5  }
0xf3: {  	s23 =	simm.s32 $0x20;
	[tilespmem:v7+s1+$0x0] =	vst.idx.msk $0xffff, v6  }
0xf4: {  	s31 =	sadd.s32 s8, s31;
	s24 =	simm.s32 $0x100;
	v5 =	vld.idx.msk [tilespmem:v4+s23+$0x0 ss:$0x1], $0xffff  }
.LBB2_5:
0xf5: {  	p2 =	sne.s32 s24, $0x3F80;
	v6 =	vld.idx.msk [tilespmem:v4+s23+$0x10 ss:$0x1], $0xffff  }
0xf6: {  	v7 =	vld.idx.msk [tilespmem:v4+s23+$0x1000 ss:$0x1], $0xffff  }
0xf7: {  	v8 =	vld.idx.msk [tilespmem:v4+s23+$0x1010 ss:$0x1], $0xffff  }
0xf8: {  	v9 =	vld.idx.msk [tilespmem:v4+s23+$0x2000 ss:$0x1], $0xffff  }
0xf9: {  	v10 =	vld.idx.msk [tilespmem:v4+s23+$0x2010 ss:$0x1], $0xffff  }
0xfa: {  	v5 =	vadd.f32 v5, v3;
	v11 =	vld.idx.msk [tilespmem:v4+s23+$0x3000 ss:$0x1], $0xffff  }
0xfb: {  	v6 =	vadd.f32 v6, v2;
	v12 =	vld.idx.msk [tilespmem:v4+s23+$0x3010 ss:$0x1], $0xffff  }
0xfc: {  	v5 =	vadd.f32 v7, v5;
	v7 =	vld.idx.msk [tilespmem:v4+s23+$0x4000 ss:$0x1], $0xffff  }
0xfd: {  	v6 =	vadd.f32 v8, v6;
	v8 =	vld.idx.msk [tilespmem:v4+s23+$0x4010 ss:$0x1], $0xffff  }
0xfe: {  	v5 =	vadd.f32 v9, v5;
	v9 =	vld.idx.msk [tilespmem:v4+s23+$0x5000 ss:$0x1], $0xffff  }
0xff: {  	v6 =	vadd.f32 v10, v6;
	v10 =	vld.idx.msk [tilespmem:v4+s23+$0x5010 ss:$0x1], $0xffff  }
0x100: {  	v5 =	vadd.f32 v11, v5;
	v11 =	vld.idx.msk [tilespmem:v4+s23+$0x6000 ss:$0x1], $0xffff  }
0x101: {  	v6 =	vadd.f32 v12, v6;
	v12 =	vld.idx.msk [tilespmem:v4+s23+$0x6010 ss:$0x1], $0xffff  }
0x102: {  	v5 =	vadd.f32 v7, v5;
	v7 =	vld.idx.msk [tilespmem:v4+s23+$0x7000 ss:$0x1], $0xffff  }
0x103: {  	v6 =	vadd.f32 v8, v6;
	v8 =	vld.idx.msk [tilespmem:v4+s23+$0x7010 ss:$0x1], $0xffff  }
0x104: {  	s18 =	sadd.s32 $0x1, s18;
	v5 =	vadd.f32 v9, v5;
	v9 =	vld.idx.msk [tilespmem:v4+s23+$0x8000 ss:$0x1], $0xffff  }
0x105: {  	v13 =	vmov s18;
	v6 =	vadd.f32 v10, v6;
	v10 =	vld.idx.msk [tilespmem:v4+s23+$0x8010 ss:$0x1], $0xffff  }
0x106: {  	v5 =	vadd.f32 v11, v5;
	v11 =	vand.u32 $0x7F, v13  }
0x107: {  	v6 =	vadd.f32 v12, v6;
	v12 =	vadd.s32 v0, v11  }
0x108: {  	v5 =	vadd.f32 v7, v5;
	v7 =	vadd.s32 v1, v11  }
0x109: {  	v6 =	vadd.f32 v8, v6  }
.Ltmp3:
0x10a: {  	v5 =	vadd.f32 v9, v5;
	(pc) =	sbr.rel @p2 .LBB2_5-.Ltmp3, $4  }
0x10b: {  	v6 =	vadd.f32 v10, v6  }
0x10c: {  	[tilespmem:v12+s1+$0x0] =	vst.idx.msk $0xffff, v5  }
0x10d: {  	s23 =	sshra.s32 s24, $0x2;
	[tilespmem:v7+s1+$0x0] =	vst.idx.msk $0xffff, v6  }
0x10e: {  	s24 =	sadd.s32 $0x80, s24;
	v5 =	vld.idx.msk [tilespmem:v4+s23+$0x0 ss:$0x1], $0xffff  }
0x10f: {  	_ =	sdelay $0x3  }
0x110: {  	v6 =	vld.idx.msk [tilespmem:v4+s23+$0x10 ss:$0x1], $0xffff  }
0x111: {  	v7 =	vld.idx.msk [tilespmem:v4+s23+$0x1000 ss:$0x1], $0xffff  }
0x112: {  	v8 =	vld.idx.msk [tilespmem:v4+s23+$0x1010 ss:$0x1], $0xffff  }
0x113: {  	v9 =	vld.idx.msk [tilespmem:v4+s23+$0x2000 ss:$0x1], $0xffff  }
0x114: {  	v10 =	vld.idx.msk [tilespmem:v4+s23+$0x2010 ss:$0x1], $0xffff;
	v5 =	vadd.f32 v5, v3  }
0x115: {  	v11 =	vld.idx.msk [tilespmem:v4+s23+$0x3000 ss:$0x1], $0xffff;
	v6 =	vadd.f32 v6, v2  }
0x116: {  	v12 =	vld.idx.msk [tilespmem:v4+s23+$0x3010 ss:$0x1], $0xffff;
	v5 =	vadd.f32 v7, v5  }
0x117: {  	v52 =	vld.idx.msk [tilespmem:v4+s23+$0x4000 ss:$0x1], $0xffff;
	v6 =	vadd.f32 v8, v6  }
0x118: {  	v53 =	vld.idx.msk [tilespmem:v4+s23+$0x4010 ss:$0x1], $0xffff;
	v5 =	vadd.f32 v9, v5  }
0x119: {  	v54 =	vld.idx.msk [tilespmem:v4+s23+$0x5000 ss:$0x1], $0xffff;
	v6 =	vadd.f32 v10, v6  }
0x11a: {  	v55 =	vld.idx.msk [tilespmem:v4+s23+$0x5010 ss:$0x1], $0xffff;
	v5 =	vadd.f32 v11, v5  }
0x11b: {  	v56 =	vld.idx.msk [tilespmem:v4+s23+$0x6000 ss:$0x1], $0xffff;
	v6 =	vadd.f32 v12, v6  }
0x11c: {  	v57 =	vld.idx.msk [tilespmem:v4+s23+$0x6010 ss:$0x1], $0xffff;
	v5 =	vadd.f32 v52, v5  }
0x11d: {  	v58 =	vld.idx.msk [tilespmem:v4+s23+$0x7000 ss:$0x1], $0xffff;
	v6 =	vadd.f32 v53, v6  }
0x11e: {  	v59 =	vld.idx.msk [tilespmem:v4+s23+$0x7010 ss:$0x1], $0xffff;
	s18 =	sadd.s32 $0x1, s18;
	v5 =	vadd.f32 v54, v5  }
0x11f: {  	v60 =	vld.idx.msk [tilespmem:v4+s23+$0x8000 ss:$0x1], $0xffff;
	v61 =	vmov s18;
	v6 =	vadd.f32 v55, v6  }
0x120: {  	v4 =	vld.idx.msk [tilespmem:v4+s23+$0x8010 ss:$0x1], $0xffff;
	v10 =	vand.u32 $0x7F, v61;
	v5 =	vadd.f32 v56, v5  }
0x121: {  	v62 =	vadd.s32 v0, v10;
	v6 =	vadd.f32 v57, v6  }
0x122: {  	v63 =	vadd.s32 v1, v10;
	v5 =	vadd.f32 v58, v5  }
0x123: {  	v6 =	vadd.f32 v59, v6  }
0x124: {  	v5 =	vadd.f32 v60, v5  }
0x125: {  	s23 =	sshll.u32 s31, $0x7;
	v4 =	vadd.f32 v4, v6  }
0x126: {  	s24 =	sand.u32 $0x1FFFFF80, s23;
	[tilespmem:v62+s1+$0x0] =	vst.idx.msk $0xffff, v5  }
0x127: {  	s18 =	sadd.s32 $0x3, s26;
	s23 =	sadd.s32 s2, s24;
	[tilespmem:v63+s1+$0x0] =	vst.idx.msk $0xffff, v4  }
0x128: {  	[hbm4b:s23+s4] =	stream.linear.scatter [tilespmem:s1], [sflag:s18], $0x80, $0x38;
	[tilespmem:$0x15420] =	vst v63  }
0x129: {  	s26 =	sadd.s32 $0x13288, s3;
	s24 =	sadd.s32 $0x10, s23  }
0x12a: {  	[hbm4b:s24+s4] =	stream.linear.scatter [tilespmem:s26], [sflag:s18], $0x80, $0x38;
	[tilespmem:$0x15420] =	vst v63  }
0x12b: {  	s24 =	sadd.s32 $0x13310, s3;
	s26 =	sadd.s32 $0x20, s23  }
0x12c: {  	[hbm4b:s26+s4] =	stream.linear.scatter [tilespmem:s24], [sflag:s18], $0x80, $0x38;
	[tilespmem:$0x15420] =	vst v63  }
0x12d: {  	s24 =	sadd.s32 $0x13398, s3;
	s26 =	sadd.s32 $0x30, s23  }
0x12e: {  	[hbm4b:s26+s4] =	stream.linear.scatter [tilespmem:s24], [sflag:s18], $0x80, $0x38;
	[tilespmem:$0x15420] =	vst v63  }
0x12f: {  	s24 =	sadd.s32 $0x13420, s3;
	s26 =	sadd.s32 $0x40, s23  }
0x130: {  	[hbm4b:s26+s4] =	stream.linear.scatter [tilespmem:s24], [sflag:s18], $0x80, $0x38;
	[tilespmem:$0x15420] =	vst v63  }
0x131: {  	s24 =	sadd.s32 $0x134A8, s3;
	s26 =	sadd.s32 $0x50, s23  }
0x132: {  	[hbm4b:s26+s4] =	stream.linear.scatter [tilespmem:s24], [sflag:s18], $0x80, $0x38;
	[tilespmem:$0x15420] =	vst v63  }
0x133: {  	s24 =	sadd.s32 $0x13530, s3;
	s26 =	sadd.s32 $0x60, s23  }
0x134: {  	[hbm4b:s26+s4] =	stream.linear.scatter [tilespmem:s24], [sflag:s18], $0x80, $0x38;
	[tilespmem:$0x15420] =	vst v63  }
0x135: {  	s24 =	sadd.s32 $0x135B8, s3;
	s26 =	sadd.s32 $0x70, s23  }
0x136: {  	[hbm4b:s26+s4] =	stream.linear.scatter [tilespmem:s24], [sflag:s18], $0x80, $0x38;
	[tilespmem:$0x15420] =	vst v63  }
0x137: {  	s1 =	sadd.s32 $0x18700, s23;
	s26 =	sadd.s32 $0x13640, s3  }
0x138: {  	[hbm4b:s1+s4] =	stream.linear.scatter [tilespmem:s26], [sflag:s18], $0x80, $0x38;
	[tilespmem:$0x15420] =	vst v63  }
0x139: {  	s24 =	sadd.s32 $0x136C8, s3;
	s26 =	sadd.s32 $0x10, s1  }
0x13a: {  	[hbm4b:s26+s4] =	stream.linear.scatter [tilespmem:s24], [sflag:s18], $0x80, $0x38;
	[tilespmem:$0x15420] =	vst v63  }
0x13b: {  	s24 =	sadd.s32 $0x13750, s3;
	s26 =	sadd.s32 $0x20, s1  }
0x13c: {  	[hbm4b:s26+s4] =	stream.linear.scatter [tilespmem:s24], [sflag:s18], $0x80, $0x38;
	[tilespmem:$0x15420] =	vst v63  }
0x13d: {  	s24 =	sadd.s32 $0x137D8, s3;
	s26 =	sadd.s32 $0x30, s1  }
0x13e: {  	[hbm4b:s26+s4] =	stream.linear.scatter [tilespmem:s24], [sflag:s18], $0x80, $0x38;
	[tilespmem:$0x15420] =	vst v63  }
0x13f: {  	s24 =	sadd.s32 $0x13860, s3;
	s26 =	sadd.s32 $0x40, s1  }
0x140: {  	[hbm4b:s26+s4] =	stream.linear.scatter [tilespmem:s24], [sflag:s18], $0x80, $0x38;
	[tilespmem:$0x15420] =	vst v63  }
0x141: {  	s24 =	sadd.s32 $0x138E8, s3;
	s26 =	sadd.s32 $0x50, s1  }
0x142: {  	[hbm4b:s26+s4] =	stream.linear.scatter [tilespmem:s24], [sflag:s18], $0x80, $0x38;
	[tilespmem:$0x15420] =	vst v63  }
0x143: {  	s24 =	sadd.s32 $0x13970, s3;
	s26 =	sadd.s32 $0x60, s1  }
0x144: {  	[hbm4b:s26+s4] =	stream.linear.scatter [tilespmem:s24], [sflag:s18], $0x80, $0x38;
	[tilespmem:$0x15420] =	vst v63  }
0x145: {  	s1 =	sadd.s32 $0x70, s1;
	s26 =	sadd.s32 $0x139F8, s3  }
0x146: {  	[hbm4b:s1+s4] =	stream.linear.scatter [tilespmem:s26], [sflag:s18], $0x80, $0x38;
	[tilespmem:$0x15420] =	vst v63  }
0x147: {  	s1 =	sadd.s32 $0x30E00, s23;
	s26 =	sadd.s32 $0x13A80, s3  }
0x148: {  	[hbm4b:s1+s4] =	stream.linear.scatter [tilespmem:s26], [sflag:s18], $0x80, $0x38;
	[tilespmem:$0x15420] =	vst v63  }
0x149: {  	s24 =	sadd.s32 $0x13B08, s3;
	s26 =	sadd.s32 $0x10, s1  }
0x14a: {  	[hbm4b:s26+s4] =	stream.linear.scatter [tilespmem:s24], [sflag:s18], $0x80, $0x38;
	[tilespmem:$0x15420] =	vst v63  }
0x14b: {  	s24 =	sadd.s32 $0x13B90, s3;
	s26 =	sadd.s32 $0x20, s1  }
0x14c: {  	[hbm4b:s26+s4] =	stream.linear.scatter [tilespmem:s24], [sflag:s18], $0x80, $0x38;
	[tilespmem:$0x15420] =	vst v63  }
0x14d: {  	s24 =	sadd.s32 $0x13C18, s3;
	s26 =	sadd.s32 $0x30, s1  }
0x14e: {  	[hbm4b:s26+s4] =	stream.linear.scatter [tilespmem:s24], [sflag:s18], $0x80, $0x38;
	[tilespmem:$0x15420] =	vst v63  }
0x14f: {  	s24 =	sadd.s32 $0x13CA0, s3;
	s26 =	sadd.s32 $0x40, s1  }
0x150: {  	[hbm4b:s26+s4] =	stream.linear.scatter [tilespmem:s24], [sflag:s18], $0x80, $0x38;
	[tilespmem:$0x15420] =	vst v63  }
0x151: {  	s24 =	sadd.s32 $0x13D28, s3;
	s26 =	sadd.s32 $0x50, s1  }
0x152: {  	[hbm4b:s26+s4] =	stream.linear.scatter [tilespmem:s24], [sflag:s18], $0x80, $0x38;
	[tilespmem:$0x15420] =	vst v63  }
0x153: {  	s24 =	sadd.s32 $0x13DB0, s3;
	s26 =	sadd.s32 $0x60, s1  }
0x154: {  	[hbm4b:s26+s4] =	stream.linear.scatter [tilespmem:s24], [sflag:s18], $0x80, $0x38;
	[tilespmem:$0x15420] =	vst v63  }
0x155: {  	s1 =	sadd.s32 $0x70, s1;
	s26 =	sadd.s32 $0x13E38, s3  }
0x156: {  	[hbm4b:s1+s4] =	stream.linear.scatter [tilespmem:s26], [sflag:s18], $0x80, $0x38;
	[tilespmem:$0x15420] =	vst v63  }
0x157: {  	s1 =	sadd.s32 $0x49500, s23;
	s26 =	sadd.s32 $0x13EC0, s3  }
0x158: {  	[hbm4b:s1+s4] =	stream.linear.scatter [tilespmem:s26], [sflag:s18], $0x80, $0x38;
	[tilespmem:$0x15420] =	vst v63  }
0x159: {  	s24 =	sadd.s32 $0x13F48, s3;
	s26 =	sadd.s32 $0x10, s1  }
0x15a: {  	[hbm4b:s26+s4] =	stream.linear.scatter [tilespmem:s24], [sflag:s18], $0x80, $0x38;
	[tilespmem:$0x15420] =	vst v63  }
0x15b: {  	s24 =	sadd.s32 $0x13FD0, s3;
	s26 =	sadd.s32 $0x20, s1  }
0x15c: {  	[hbm4b:s26+s4] =	stream.linear.scatter [tilespmem:s24], [sflag:s18], $0x80, $0x38;
	[tilespmem:$0x15420] =	vst v63  }
0x15d: {  	s24 =	sadd.s32 $0x14058, s3;
	s26 =	sadd.s32 $0x30, s1  }
0x15e: {  	[hbm4b:s26+s4] =	stream.linear.scatter [tilespmem:s24], [sflag:s18], $0x80, $0x38;
	[tilespmem:$0x15420] =	vst v63  }
0x15f: {  	s24 =	sadd.s32 $0x140E0, s3;
	s26 =	sadd.s32 $0x40, s1  }
0x160: {  	[hbm4b:s26+s4] =	stream.linear.scatter [tilespmem:s24], [sflag:s18], $0x80, $0x38;
	[tilespmem:$0x15420] =	vst v63  }
0x161: {  	p2 =	sne.s32 s0, s7;
	s24 =	sadd.s32 $0x14168, s3;
	s26 =	sadd.s32 $0x50, s1  }
0x162: {  	[hbm4b:s26+s4] =	stream.linear.scatter [tilespmem:s24], [sflag:s18], $0x80, $0x38;
	[tilespmem:$0x15420] =	vst v63  }
.Ltmp4:
0x163: {  	_ = 	snop;
	(pc) =	sbr.rel @p2 .LBB2_2-.Ltmp4, $4  }
0x164: {  	p1 =	por !p1, !p1;
	s24 =	sadd.s32 $0x141F0, s3;
	s26 =	sadd.s32 $0x60, s1  }
0x165: {  	[hbm4b:s26+s4] =	stream.linear.scatter [tilespmem:s24], [sflag:s18], $0x80, $0x38;
	[tilespmem:$0x15420] =	vst v63  }
0x166: {  	s31 =	smov.u32 s0;
	s1 =	sadd.s32 $0x70, s1;
	s26 =	sadd.s32 $0x14278, s3  }
0x167: {  	[hbm4b:s1+s4] =	stream.linear.scatter [tilespmem:s26], [sflag:s18], $0x80, $0x38;
	[tilespmem:$0x15420] =	vst v63  }
0x168: {  	_ =	swait.ge [sflag:s10], $0x400  }
0x169: {  	[sflag:s10] =	ssyncset.done $0x0  }
0x16a: {  	[sflag:s10] =	ssyncadd.s32 $0xFFFFFC00  }
0x16b: {  	_ =	swait.ge [sflag:s10], $0x400  }
0x16c: {  	[sflag:s10] =	ssyncset.done $0x0  }
0x16d: {  	[sflag:s10] =	ssyncadd.s32 $0xFFFFFC00  }
0x16e: {  	_ =	swait.ge [sflag:s10], $0x400  }
0x16f: {  	[sflag:s10] =	ssyncset.done $0x0  }
0x170: {  	[sflag:s10] =	ssyncadd.s32 $0xFFFFFC00  }
0x171: {  	_ =	swait.ge [sflag:s10], $0x400  }
0x172: {  	[sflag:s10] =	ssyncset.done $0x0  }
0x173: {  	[sflag:s10] =	ssyncadd.s32 $0xFFFFFC00  }
0x174: {  	_ =	swait.ge [sflag:s11], $0x400  }
0x175: {  	[sflag:s11] =	ssyncset.done $0x0  }
0x176: {  	[sflag:s11] =	ssyncadd.s32 $0xFFFFFC00  }
0x177: {  	_ =	swait.ge [sflag:s11], $0x400  }
0x178: {  	[sflag:s11] =	ssyncset.done $0x0  }
0x179: {  	[sflag:s11] =	ssyncadd.s32 $0xFFFFFC00  }
0x17a: {  	_ =	swait.ge [sflag:s11], $0x400  }
.Ltmp5:
0x17b: {  	[sflag:s11] =	ssyncset.done $0x0;
	(pc) =	sbr.rel @p0 .LBB2_11-.Ltmp5, $4  }
0x17c: {  	[sflag:s11] =	ssyncadd.s32 $0xFFFFFC00  }
0x17d: {  	_ =	swait.ge [sflag:s11], $0x400  }
0x17e: {  	[sflag:s11] =	ssyncset.done $0x0  }
0x17f: {  	[sflag:s11] =	ssyncadd.s32 $0xFFFFFC00  }
0x180: {  	s0 =	simm.s32 $0x0  }
0x181: {  	[tilespmem:s0], [sflag:$0x5] =	stream.linear.gather [hbm4b:s12+s0], $0x20, $0x38;
	[tilespmem:$0x15420] =	vst v63  }
0x182: {  	s1 =	sadd.s32 $0x30D4, s12  }
0x183: {  	[tilespmem:s20], [sflag:$0x5] =	stream.linear.gather [hbm4b:s1+s0], $0x20, $0x38;
	[tilespmem:$0x15420] =	vst v63  }
0x184: {  	s18 =	sadd.s32 $0x61A8, s12;
	s3 =	simm.s32 $0x100  }
0x185: {  	[tilespmem:s3], [sflag:$0x5] =	stream.linear.gather [hbm4b:s18+s0], $0x20, $0x38;
	[tilespmem:$0x15420] =	vst v63  }
0x186: {  	s23 =	sadd.s32 $0x927C, s12;
	s24 =	simm.s32 $0x180  }
0x187: {  	[tilespmem:s24], [sflag:$0x5] =	stream.linear.gather [hbm4b:s23+s0], $0x20, $0x38;
	[tilespmem:$0x15420] =	vst v63  }
0x188: {  	s26 =	sadd.s32 $0xC350, s12;
	s31 =	simm.s32 $0x200  }
0x189: {  	[tilespmem:s31], [sflag:$0x5] =	stream.linear.gather [hbm4b:s26+s0], $0x20, $0x38;
	[tilespmem:$0x15420] =	vst v63  }
0x18a: {  	s3 =	sadd.s32 $0xF424, s12;
	s18 =	simm.s32 $0x280  }
0x18b: {  	[tilespmem:s18], [sflag:$0x5] =	stream.linear.gather [hbm4b:s3+s0], $0x20, $0x38;
	[tilespmem:$0x15420] =	vst v63  }
0x18c: {  	s23 =	sadd.s32 $0x124F8, s12;
	s24 =	simm.s32 $0x300  }
0x18d: {  	[tilespmem:s24], [sflag:$0x5] =	stream.linear.gather [hbm4b:s23+s0], $0x20, $0x38;
	[tilespmem:$0x15420] =	vst v63  }
0x18e: {  	s26 =	sadd.s32 $0x155CC, s12;
	s31 =	simm.s32 $0x380  }
0x18f: {  	[tilespmem:s31], [sflag:$0x5] =	stream.linear.gather [hbm4b:s26+s0], $0x20, $0x38;
	[tilespmem:$0x15420] =	vst v63  }
0x190: {  	s18 =	sadd.s32 $0x186A0, s12;
	s23 =	simm.s32 $0x400  }
0x191: {  	[tilespmem:s23], [sflag:$0x5] =	stream.linear.gather [hbm4b:s18+s0], $0x20, $0x38;
	[tilespmem:$0x15420] =	vst v63  }
0x192: {  	_ =	swait.ge [sflag:s19], $0x120  }
0x193: {  	[sflag:s19] =	ssyncset.done $0x0  }
0x194: {  	[sflag:s19] =	ssyncadd.s32 $0xFFFFFEE0  }
0x195: {  	v4 =	vld [tilespmem:$0x0]  }
0x196: {  	v5 =	vld [tilespmem:$0x10]  }
0x197: {  	v6 =	vld [tilespmem:$0x80]  }
0x198: {  	v7 =	vld [tilespmem:$0x90]  }
0x199: {  	v8 =	vld [tilespmem:$0x100]  }
0x19a: {  	v9 =	vld [tilespmem:$0x110]  }
0x19b: {  	v10 =	vld [tilespmem:$0x180];
	v4 =	vshll.u32 v4, $0x2  }
0x19c: {  	[tilespmem:$0x900] =	vst v4;
	v4 =	vshll.u32 v5, $0x2;
	v5 =	vshll.u32 v6, $0x2;
	v6 =	vld [tilespmem:$0x190]  }
0x19d: {  	[tilespmem:$0x910] =	vst v4;
	v4 =	vor.u32 $0x1, v5;
	v5 =	vshll.u32 v7, $0x2;
	v7 =	vld [tilespmem:$0x200]  }
0x19e: {  	v48 =	vld [tilespmem:$0x210];
	[tilespmem:$0x920] =	vst v4;
	v4 =	vor.u32 $0x1, v5;
	v5 =	vshll.u32 v8, $0x2  }
0x19f: {  	v49 =	vld [tilespmem:$0x280];
	[tilespmem:$0x930] =	vst v4;
	v4 =	vor.u32 $0x2, v5;
	v5 =	vshll.u32 v9, $0x2  }
0x1a0: {  	v50 =	vld [tilespmem:$0x290];
	[tilespmem:$0x940] =	vst v4;
	v4 =	vor.u32 $0x2, v5;
	v5 =	vshll.u32 v10, $0x2  }
0x1a1: {  	[tilespmem:$0x950] =	vst v4;
	v4 =	vor.u32 $0x3, v5;
	v5 =	vshll.u32 v6, $0x2;
	v6 =	vld [tilespmem:$0x300]  }
0x1a2: {  	[tilespmem:$0x960] =	vst v4;
	v4 =	vor.u32 $0x3, v5;
	v5 =	vshll.u32 v7, $0x2;
	v7 =	vld [tilespmem:$0x310]  }
0x1a3: {  	v51 =	vld [tilespmem:$0x380];
	[tilespmem:$0x970] =	vst v4;
	v4 =	vadd.s32 $0x61A80, v5;
	v5 =	vshll.u32 v48, $0x2  }
0x1a4: {  	v52 =	vld [tilespmem:$0x390];
	[tilespmem:$0x980] =	vst v4;
	v4 =	vadd.s32 $0x61A80, v5;
	v5 =	vshll.u32 v49, $0x2  }
0x1a5: {  	v53 =	vld [tilespmem:$0x400];
	[tilespmem:$0x990] =	vst v4;
	v4 =	vadd.s32 $0x61A81, v5;
	v5 =	vshll.u32 v50, $0x2  }
0x1a6: {  	[tilespmem:$0x9A0] =	vst v4;
	v4 =	vadd.s32 $0x61A81, v5;
	v5 =	vshll.u32 v6, $0x2;
	v6 =	vld [tilespmem:$0x410]  }
0x1a7: {  	[tilespmem:$0x9B0] =	vst v4;
	v4 =	vadd.s32 $0x61A82, v5;
	v5 =	vshll.u32 v7, $0x2  }
0x1a8: {  	[tilespmem:$0x9C0] =	vst v4;
	v4 =	vadd.s32 $0x61A82, v5;
	v5 =	vshll.u32 v51, $0x2  }
0x1a9: {  	[tilespmem:$0x9D0] =	vst v4;
	v4 =	vadd.s32 $0x61A83, v5;
	v5 =	vshll.u32 v52, $0x2  }
0x1aa: {  	[tilespmem:$0x9E0] =	vst v4;
	v4 =	vadd.s32 $0x61A83, v5;
	v5 =	vshll.u32 v53, $0x2  }
0x1ab: {  	[tilespmem:$0x9F0] =	vst v4;
	v4 =	vadd.s32 $0xC3500, v5;
	v5 =	vshll.u32 v6, $0x2  }
0x1ac: {  	[tilespmem:$0xA00] =	vst v4;
	v4 =	vadd.s32 $0xC3500, v5  }
0x1ad: {  	s24 =	simm.s32 $0x900;
	s26 =	simm.s32 $0x1200;
	s18 =	simm.s32 $0x120;
	[tilespmem:$0xA10] =	vst v4  }
0x1ae: {  	[tilespmem:s26], [sflag:$0x1] =	stream.indirect.gather [hbm4b:s5+s18], $0x20, s24, s18, $0xb8;
	[tilespmem:$0x15420] =	vst v63  }
0x1af: {  	_ =	swait.ge [sflag:s25], $0x2400  }
0x1b0: {  	[sflag:s25] =	ssyncset.done $0x0  }
0x1b1: {  	s31 =	simm.s32 $0x0;
	[sflag:s25] =	ssyncadd.s32 $0xFFFFDC00  }
0x1b2: {  	v4 =	vld [tilespmem:s31+$0x1200]  }
0x1b3: {  	v5 =	vld [tilespmem:s31+$0x1210]  }
0x1b4: {  	v6 =	vld [tilespmem:s31+$0x1600]  }
0x1b5: {  	v7 =	vld [tilespmem:s31+$0x1610]  }
0x1b6: {  	v54 =	vld [tilespmem:s31+$0x1A00]  }
0x1b7: {  	v55 =	vld [tilespmem:s31+$0x1A10];
	v4 =	vadd.f32 v4, v3  }
0x1b8: {  	v56 =	vld [tilespmem:s31+$0x1E00];
	v5 =	vadd.f32 v5, v2  }
0x1b9: {  	v4 =	vadd.f32 v6, v4;
	v6 =	vld [tilespmem:s31+$0x1E10]  }
0x1ba: {  	v5 =	vadd.f32 v7, v5;
	v7 =	vld [tilespmem:s31+$0x2200]  }
0x1bb: {  	v57 =	vld [tilespmem:s31+$0x2210];
	v4 =	vadd.f32 v54, v4  }
0x1bc: {  	v58 =	vld [tilespmem:s31+$0x2600];
	v5 =	vadd.f32 v55, v5  }
0x1bd: {  	v59 =	vld [tilespmem:s31+$0x2610];
	v4 =	vadd.f32 v56, v4  }
0x1be: {  	v5 =	vadd.f32 v6, v5;
	v6 =	vld [tilespmem:s31+$0x2A00]  }
0x1bf: {  	v4 =	vadd.f32 v7, v4;
	v7 =	vld [tilespmem:s31+$0x2A10]  }
0x1c0: {  	v60 =	vld [tilespmem:s31+$0x2E00];
	v5 =	vadd.f32 v57, v5  }
0x1c1: {  	v61 =	vld [tilespmem:s31+$0x2E10];
	v4 =	vadd.f32 v58, v4  }
0x1c2: {  	v11 =	vmov s0;
	v62 =	vld [tilespmem:s31+$0x3200];
	v5 =	vadd.f32 v59, v5  }
0x1c3: {  	v11 =	vand.u32 $0x1F, v11;
	v4 =	vadd.f32 v6, v4;
	v6 =	vld [tilespmem:s31+$0x3210]  }
0x1c4: {  	v5 =	vadd.f32 v7, v5;
	v7 =	vadd.s32 v0, v11  }
0x1c5: {  	v63 =	vadd.s32 v1, v11;
	v4 =	vadd.f32 v60, v4  }
0x1c6: {  	v5 =	vadd.f32 v61, v5  }
0x1c7: {  	v4 =	vadd.f32 v62, v4  }
0x1c8: {  	v5 =	vadd.f32 v6, v5  }
0x1c9: {  	[tilespmem:v7+s28+$0x0] =	vst.idx.msk $0xffff, v4  }
0x1ca: {  	s1 =	simm.s32 $0x20;
	[tilespmem:v63+s28+$0x0] =	vst.idx.msk $0xffff, v5  }
0x1cb: {  	s3 =	simm.s32 $0x100;
	v4 =	vld [tilespmem:s1+$0x1200]  }
.LBB2_9:
0x1cc: {  	p1 =	sne.s32 s3, $0xF80;
	v5 =	vld [tilespmem:s1+$0x1210]  }
0x1cd: {  	v6 =	vld [tilespmem:s1+$0x1600]  }
0x1ce: {  	v7 =	vld [tilespmem:s1+$0x1610]  }
0x1cf: {  	v8 =	vld [tilespmem:s1+$0x1A00]  }
0x1d0: {  	v4 =	vadd.f32 v4, v3;
	v9 =	vld [tilespmem:s1+$0x1A10]  }
0x1d1: {  	v5 =	vadd.f32 v5, v2;
	v10 =	vld [tilespmem:s1+$0x1E00]  }
0x1d2: {  	v4 =	vadd.f32 v6, v4;
	v6 =	vld [tilespmem:s1+$0x1E10]  }
0x1d3: {  	v5 =	vadd.f32 v7, v5;
	v7 =	vld [tilespmem:s1+$0x2200]  }
0x1d4: {  	v4 =	vadd.f32 v8, v4;
	v8 =	vld [tilespmem:s1+$0x2210]  }
0x1d5: {  	v5 =	vadd.f32 v9, v5;
	v9 =	vld [tilespmem:s1+$0x2600]  }
0x1d6: {  	v4 =	vadd.f32 v10, v4;
	v10 =	vld [tilespmem:s1+$0x2610]  }
0x1d7: {  	v5 =	vadd.f32 v6, v5;
	v6 =	vld [tilespmem:s1+$0x2A00]  }
0x1d8: {  	v4 =	vadd.f32 v7, v4;
	v7 =	vld [tilespmem:s1+$0x2A10]  }
0x1d9: {  	v5 =	vadd.f32 v8, v5;
	v8 =	vld [tilespmem:s1+$0x2E00]  }
0x1da: {  	s0 =	sadd.s32 $0x1, s0;
	v4 =	vadd.f32 v9, v4;
	v9 =	vld [tilespmem:s1+$0x2E10]  }
0x1db: {  	v11 =	vmov s0;
	v5 =	vadd.f32 v10, v5;
	v10 =	vld [tilespmem:s1+$0x3200]  }
0x1dc: {  	v11 =	vand.u32 $0x1F, v11;
	v4 =	vadd.f32 v6, v4;
	v6 =	vld [tilespmem:s1+$0x3210]  }
0x1dd: {  	v5 =	vadd.f32 v7, v5;
	v7 =	vadd.s32 v0, v11  }
0x1de: {  	v4 =	vadd.f32 v8, v4;
	v8 =	vadd.s32 v1, v11  }
0x1df: {  	v5 =	vadd.f32 v9, v5  }
.Ltmp6:
0x1e0: {  	v4 =	vadd.f32 v10, v4;
	(pc) =	sbr.rel @p1 .LBB2_9-.Ltmp6, $4  }
0x1e1: {  	v5 =	vadd.f32 v6, v5  }
0x1e2: {  	[tilespmem:v7+s28+$0x0] =	vst.idx.msk $0xffff, v4  }
0x1e3: {  	s1 =	sshra.s32 s3, $0x2;
	[tilespmem:v8+s28+$0x0] =	vst.idx.msk $0xffff, v5  }
0x1e4: {  	s3 =	sadd.s32 $0x80, s3;
	v4 =	vld [tilespmem:s1+$0x1200]  }
0x1e5: {  	v5 =	vld [tilespmem:s1+$0x1210]  }
0x1e6: {  	v6 =	vld [tilespmem:s1+$0x1600]  }
0x1e7: {  	v7 =	vld [tilespmem:s1+$0x1610]  }
0x1e8: {  	v8 =	vld [tilespmem:s1+$0x1A00]  }
0x1e9: {  	v49 =	vld [tilespmem:s1+$0x1A10];
	v3 =	vadd.f32 v4, v3  }
0x1ea: {  	v50 =	vld [tilespmem:s1+$0x1E00];
	v2 =	vadd.f32 v5, v2  }
0x1eb: {  	v51 =	vld [tilespmem:s1+$0x1E10];
	v3 =	vadd.f32 v6, v3  }
0x1ec: {  	v52 =	vld [tilespmem:s1+$0x2200];
	v2 =	vadd.f32 v7, v2  }
0x1ed: {  	v53 =	vld [tilespmem:s1+$0x2210];
	v3 =	vadd.f32 v8, v3  }
0x1ee: {  	v54 =	vld [tilespmem:s1+$0x2600];
	v2 =	vadd.f32 v49, v2  }
0x1ef: {  	v55 =	vld [tilespmem:s1+$0x2610];
	v3 =	vadd.f32 v50, v3  }
0x1f0: {  	v56 =	vld [tilespmem:s1+$0x2A00];
	v2 =	vadd.f32 v51, v2  }
0x1f1: {  	v57 =	vld [tilespmem:s1+$0x2A10];
	v3 =	vadd.f32 v52, v3  }
0x1f2: {  	v58 =	vld [tilespmem:s1+$0x2E00];
	v2 =	vadd.f32 v53, v2  }
0x1f3: {  	v59 =	vld [tilespmem:s1+$0x2E10];
	s0 =	sadd.s32 $0x1, s0;
	v3 =	vadd.f32 v54, v3  }
0x1f4: {  	v60 =	vld [tilespmem:s1+$0x3200];
	v9 =	vmov s0;
	v2 =	vadd.f32 v55, v2  }
0x1f5: {  	v61 =	vld [tilespmem:s1+$0x3210];
	v9 =	vand.u32 $0x1F, v9;
	v3 =	vadd.f32 v56, v3  }
0x1f6: {  	v62 =	vadd.s32 v0, v9;
	v2 =	vadd.f32 v57, v2  }
0x1f7: {  	v63 =	vadd.s32 v1, v9;
	v3 =	vadd.f32 v58, v3  }
0x1f8: {  	v2 =	vadd.f32 v59, v2  }
0x1f9: {  	v3 =	vadd.f32 v60, v3  }
0x1fa: {  	v2 =	vadd.f32 v61, v2  }
0x1fb: {  	[tilespmem:v62+s28+$0x0] =	vst.idx.msk $0xffff, v3  }
0x1fc: {  	[tilespmem:v63+s28+$0x0] =	vst.idx.msk $0xffff, v2  }
0x1fd: {  	[hbm4b:s13+s4] =	stream.linear.scatter [tilespmem:s28], [sflag:$0x3], $0x20, $0x38;
	[tilespmem:$0x15420] =	vst v63  }
0x1fe: {  	s26 =	sadd.s32 $0x10, s13;
	s31 =	simm.s32 $0x13288  }
0x1ff: {  	[hbm4b:s26+s4] =	stream.linear.scatter [tilespmem:s31], [sflag:$0x3], $0x20, $0x38;
	[tilespmem:$0x15420] =	vst v63  }
0x200: {  	s3 =	sadd.s32 $0x20, s13;
	s18 =	simm.s32 $0x13310  }
0x201: {  	[hbm4b:s3+s4] =	stream.linear.scatter [tilespmem:s18], [sflag:$0x3], $0x20, $0x38;
	[tilespmem:$0x15420] =	vst v63  }
0x202: {  	s23 =	sadd.s32 $0x30, s13;
	s24 =	simm.s32 $0x13398  }
0x203: {  	[hbm4b:s23+s4] =	stream.linear.scatter [tilespmem:s24], [sflag:$0x3], $0x20, $0x38;
	[tilespmem:$0x15420] =	vst v63  }
0x204: {  	s26 =	sadd.s32 $0x40, s13;
	s31 =	simm.s32 $0x13420  }
0x205: {  	[hbm4b:s26+s4] =	stream.linear.scatter [tilespmem:s31], [sflag:$0x3], $0x20, $0x38;
	[tilespmem:$0x15420] =	vst v63  }
0x206: {  	s3 =	sadd.s32 $0x50, s13;
	s18 =	simm.s32 $0x134A8  }
0x207: {  	[hbm4b:s3+s4] =	stream.linear.scatter [tilespmem:s18], [sflag:$0x3], $0x20, $0x38;
	[tilespmem:$0x15420] =	vst v63  }
0x208: {  	s23 =	sadd.s32 $0x60, s13;
	s24 =	simm.s32 $0x13530  }
0x209: {  	[hbm4b:s23+s4] =	stream.linear.scatter [tilespmem:s24], [sflag:$0x3], $0x20, $0x38;
	[tilespmem:$0x15420] =	vst v63  }
0x20a: {  	s26 =	sadd.s32 $0x70, s13;
	s31 =	simm.s32 $0x135B8  }
0x20b: {  	[hbm4b:s26+s4] =	stream.linear.scatter [tilespmem:s31], [sflag:$0x3], $0x20, $0x38;
	[tilespmem:$0x15420] =	vst v63  }
0x20c: {  	_ =	swait.ge [sflag:s30], $0x100  }
0x20d: {  	[sflag:s30] =	ssyncset.done $0x0  }
0x20e: {  	s1 =	simm.s32 $0x13640;
	[sflag:s30] =	ssyncadd.s32 $0xFFFFFF00  }
0x20f: {  	[hbm4b:s14+s4] =	stream.linear.scatter [tilespmem:s1], [sflag:$0x3], $0x20, $0x38;
	[tilespmem:$0x15420] =	vst v63  }
0x210: {  	s3 =	sadd.s32 $0x10, s14;
	s18 =	simm.s32 $0x136C8  }
0x211: {  	[hbm4b:s3+s4] =	stream.linear.scatter [tilespmem:s18], [sflag:$0x3], $0x20, $0x38;
	[tilespmem:$0x15420] =	vst v63  }
0x212: {  	s23 =	sadd.s32 $0x20, s14;
	s24 =	simm.s32 $0x13750  }
0x213: {  	[hbm4b:s23+s4] =	stream.linear.scatter [tilespmem:s24], [sflag:$0x3], $0x20, $0x38;
	[tilespmem:$0x15420] =	vst v63  }
0x214: {  	s26 =	sadd.s32 $0x30, s14;
	s31 =	simm.s32 $0x137D8  }
0x215: {  	[hbm4b:s26+s4] =	stream.linear.scatter [tilespmem:s31], [sflag:$0x3], $0x20, $0x38;
	[tilespmem:$0x15420] =	vst v63  }
0x216: {  	s3 =	sadd.s32 $0x40, s14;
	s18 =	simm.s32 $0x13860  }
0x217: {  	[hbm4b:s3+s4] =	stream.linear.scatter [tilespmem:s18], [sflag:$0x3], $0x20, $0x38;
	[tilespmem:$0x15420] =	vst v63  }
0x218: {  	s23 =	sadd.s32 $0x50, s14;
	s24 =	simm.s32 $0x138E8  }
0x219: {  	[hbm4b:s23+s4] =	stream.linear.scatter [tilespmem:s24], [sflag:$0x3], $0x20, $0x38;
	[tilespmem:$0x15420] =	vst v63  }
0x21a: {  	s26 =	sadd.s32 $0x60, s14;
	s31 =	simm.s32 $0x13970  }
0x21b: {  	[hbm4b:s26+s4] =	stream.linear.scatter [tilespmem:s31], [sflag:$0x3], $0x20, $0x38;
	[tilespmem:$0x15420] =	vst v63  }
0x21c: {  	s1 =	sadd.s32 $0x70, s14;
	s3 =	simm.s32 $0x139F8  }
0x21d: {  	[hbm4b:s1+s4] =	stream.linear.scatter [tilespmem:s3], [sflag:$0x3], $0x20, $0x38;
	[tilespmem:$0x15420] =	vst v63  }
0x21e: {  	_ =	swait.ge [sflag:s30], $0x100  }
0x21f: {  	[sflag:s30] =	ssyncset.done $0x0  }
0x220: {  	s18 =	simm.s32 $0x13A80;
	[sflag:s30] =	ssyncadd.s32 $0xFFFFFF00  }
0x221: {  	[hbm4b:s15+s4] =	stream.linear.scatter [tilespmem:s18], [sflag:$0x3], $0x20, $0x38;
	[tilespmem:$0x15420] =	vst v63  }
0x222: {  	s23 =	sadd.s32 $0x10, s15;
	s24 =	simm.s32 $0x13B08  }
0x223: {  	[hbm4b:s23+s4] =	stream.linear.scatter [tilespmem:s24], [sflag:$0x3], $0x20, $0x38;
	[tilespmem:$0x15420] =	vst v63  }
0x224: {  	s26 =	sadd.s32 $0x20, s15;
	s31 =	simm.s32 $0x13B90  }
0x225: {  	[hbm4b:s26+s4] =	stream.linear.scatter [tilespmem:s31], [sflag:$0x3], $0x20, $0x38;
	[tilespmem:$0x15420] =	vst v63  }
0x226: {  	s3 =	sadd.s32 $0x30, s15;
	s18 =	simm.s32 $0x13C18  }
0x227: {  	[hbm4b:s3+s4] =	stream.linear.scatter [tilespmem:s18], [sflag:$0x3], $0x20, $0x38;
	[tilespmem:$0x15420] =	vst v63  }
0x228: {  	s23 =	sadd.s32 $0x40, s15;
	s24 =	simm.s32 $0x13CA0  }
0x229: {  	[hbm4b:s23+s4] =	stream.linear.scatter [tilespmem:s24], [sflag:$0x3], $0x20, $0x38;
	[tilespmem:$0x15420] =	vst v63  }
0x22a: {  	s26 =	sadd.s32 $0x50, s15;
	s31 =	simm.s32 $0x13D28  }
0x22b: {  	[hbm4b:s26+s4] =	stream.linear.scatter [tilespmem:s31], [sflag:$0x3], $0x20, $0x38;
	[tilespmem:$0x15420] =	vst v63  }
0x22c: {  	s1 =	sadd.s32 $0x60, s15;
	s3 =	simm.s32 $0x13DB0  }
0x22d: {  	[hbm4b:s1+s4] =	stream.linear.scatter [tilespmem:s3], [sflag:$0x3], $0x20, $0x38;
	[tilespmem:$0x15420] =	vst v63  }
0x22e: {  	s18 =	sadd.s32 $0x70, s15;
	s23 =	simm.s32 $0x13E38  }
0x22f: {  	[hbm4b:s18+s4] =	stream.linear.scatter [tilespmem:s23], [sflag:$0x3], $0x20, $0x38;
	[tilespmem:$0x15420] =	vst v63  }
0x230: {  	_ =	swait.ge [sflag:s30], $0x100  }
0x231: {  	[sflag:s30] =	ssyncset.done $0x0  }
0x232: {  	s24 =	simm.s32 $0x13EC0;
	[sflag:s30] =	ssyncadd.s32 $0xFFFFFF00  }
0x233: {  	[hbm4b:s16+s4] =	stream.linear.scatter [tilespmem:s24], [sflag:$0x3], $0x20, $0x38;
	[tilespmem:$0x15420] =	vst v63  }
0x234: {  	s26 =	sadd.s32 $0x10, s16;
	s31 =	simm.s32 $0x13F48  }
0x235: {  	[hbm4b:s26+s4] =	stream.linear.scatter [tilespmem:s31], [sflag:$0x3], $0x20, $0x38;
	[tilespmem:$0x15420] =	vst v63  }
0x236: {  	s3 =	sadd.s32 $0x20, s16;
	s18 =	simm.s32 $0x13FD0  }
0x237: {  	[hbm4b:s3+s4] =	stream.linear.scatter [tilespmem:s18], [sflag:$0x3], $0x20, $0x38;
	[tilespmem:$0x15420] =	vst v63  }
0x238: {  	s23 =	sadd.s32 $0x30, s16;
	s24 =	simm.s32 $0x14058  }
0x239: {  	[hbm4b:s23+s4] =	stream.linear.scatter [tilespmem:s24], [sflag:$0x3], $0x20, $0x38;
	[tilespmem:$0x15420] =	vst v63  }
0x23a: {  	s26 =	sadd.s32 $0x40, s16;
	s31 =	simm.s32 $0x140E0  }
0x23b: {  	[hbm4b:s26+s4] =	stream.linear.scatter [tilespmem:s31], [sflag:$0x3], $0x20, $0x38;
	[tilespmem:$0x15420] =	vst v63  }
0x23c: {  	s3 =	sadd.s32 $0x50, s16;
	s18 =	simm.s32 $0x14168  }
0x23d: {  	[hbm4b:s3+s4] =	stream.linear.scatter [tilespmem:s18], [sflag:$0x3], $0x20, $0x38;
	[tilespmem:$0x15420] =	vst v63  }
0x23e: {  	s23 =	sadd.s32 $0x60, s16;
	s24 =	simm.s32 $0x141F0  }
0x23f: {  	[hbm4b:s23+s4] =	stream.linear.scatter [tilespmem:s24], [sflag:$0x3], $0x20, $0x38;
	[tilespmem:$0x15420] =	vst v63  }
.Ltmp7:
0x240: {  	s26 =	sadd.s32 $0x70, s16;
	s31 =	simm.s32 $0x14278;
	(pc) =	sbr.rel .LBB2_11-.Ltmp7, $4  }
0x241: {  	[hbm4b:s26+s4] =	stream.linear.scatter [tilespmem:s31], [sflag:$0x3], $0x20, $0x38;
	[tilespmem:$0x15420] =	vst v63  }
0x242: {  	_ =	swait.ge [sflag:s30], $0x100  }
0x243: {  	[sflag:s30] =	ssyncset.done $0x0  }
0x244: {  	[sflag:s30] =	ssyncadd.s32 $0xFFFFFF00  }
.LBB2_12:
0x245: {  	_ =	sfence.sel $0x180000  }
0x246: {  	[bflag:$0x0] =	sbarrier.arrive $0xFFFF  }
0x247: {  	_ =	strace $0x90000047  }
0x248: {  	s0 =	stileid.u32;
	[bflag:$0x2] =	sbarrier.arrive $0xFFFF  }
0x249: {  	p0 =	sne.s32 s0, $0x0;
	s0 =	rddreg [dreg:$0x3]  }
0x24a: {  	s0 =	sadd.s32 @!p0 $0x100000, s0  }
0x24b: {  	[sflag:s0] =	ssyncadd.tile.s32 @!p0 $0x1;
	_ =	shalt  }
.Lfunc_end2:
_tile_overlayer_lowered:
.L_overlay_start_2:
0x24c: {  	(tag) =	ssettag $0x2  }
0x24d: {  	s0 =	rddreg [dreg:$0x0];
	s2 =	stileid.u32  }
0x24e: {  	s1 =	rddreg [dreg:$0x1];
	p0 =	sne.s32 s2, $0x0  }
0x24f: {  	s3 =	rddreg [dreg:$0x2];
	[bflag:$0x3] =	sbarrier.arrive $0xFFFF;
	s2 =	simm.s32 @!p0 $0x1C05  }
0x250: {  	[timem:s3], [sflag:s2] =	dma.local @!p0 [hbm:s0], s1  }
0x251: {  	s0 =	simm.s32 @!p0 $0x5  }
0x252: {  	_ =	swait.ge @!p0 [sflag:s0], s1  }
0x253: {  	s1 =	ssub.s32 @!p0 $0x0, s1;
	[sflag:s0] =	ssyncset.done @!p0 $0x0  }
0x254: {  	[sflag:s0] =	ssyncadd.s32 @!p0 s1  }
0x255: {  	[bflag:$0x3] =	sbarrier.arrive $0xFFFF  }
0x256: {  	_ =	shalt  }

</sc_bundles>
